<compile_context>
chip_gen: v7x
topology: tpu7x:2x2x1
jax: 0.10.2.dev20260603
libtpu: 0.0.44.dev20260713+nightly
codegen_flags: <defaults>
</compile_context>

<pallas_src>
import functools

import jax
import jax.numpy as jnp
from jax import lax
from jax.experimental import pallas as pl
from jax.experimental.pallas import tpu as pltpu
from jax.experimental.pallas import tpu_sc as plsc

N = 10000
E = 320000
D = 128
NPAD = 10240
NC = 2
NS = 16
NW = NC * NS
EPW = E // NW
K = 128
NFULL = EPW // K
KT = EPW - NFULL * K
CHUNKS = E // K
BCH = CHUNKS // NW
XCH = CHUNKS - BCH * NW
RPT = NPAD // NS
BLK = 1024
NBLK = NPAD // BLK

_MESH = plsc.VectorSubcoreMesh(core_axis_name="c", subcore_axis_name="s")
_F32 = jnp.float32


def _worker_id():
    return lax.axis_index("s") * NC + lax.axis_index("c")


def _reg_fill(dst_ref, src_ref, src_off, n):
    for t in range(n // 16):
        dst_ref[pl.ds(t * 16, 16)] = src_ref[pl.ds(src_off + t * 16, 16)]


@functools.partial(
    pl.kernel,
    out_type=jax.ShapeDtypeStruct((2 * NPAD, 16), _F32),
    mesh=_MESH,
    scratch_types=[
        pltpu.VMEM((K, 16), _F32),
        pltpu.VMEM((64, 16), _F32),
        pltpu.VMEM((K,), jnp.int32),
        pltpu.VMEM((K,), jnp.int32),
        pltpu.VMEM((KT,), jnp.int32),
        pltpu.VMEM_SHARED((NPAD, 16), _F32),
        pltpu.SemaphoreType.DMA,
        pltpu.SemaphoreType.DMA,
    ],
)
def _deg_kernel(dst_hbm, out_hbm, ones_v, zb_v, didx_a, didx_b, didx_t,
                deg_sh, sem_a, sem_b):
    cid = lax.axis_index("c")
    sid = lax.axis_index("s")
    wid = _worker_id()

    def fill(i, _):
        ones_v[i, :] = jnp.ones((16,), _F32)
        return 0

    lax.fori_loop(0, K, fill, 0)

    def zfill(i, _):
        zb_v[i, :] = jnp.zeros((16,), _F32)
        return 0

    lax.fori_loop(0, 64, zfill, 0)

    def zcp(i, _):
        pltpu.sync_copy(zb_v, deg_sh.at[pl.ds(sid * RPT + i * 64, 64)])
        return 0

    lax.fori_loop(0, RPT // 64, zcp, 0)
    plsc.subcore_barrier()

    base = wid * EPW

    def d_start(j, buf, sem):
        pltpu.async_copy(dst_hbm.at[pl.ds(base + j * K, K)], buf, sem)

    def d_wait(j, buf, sem):
        pltpu.make_async_copy(dst_hbm.at[pl.ds(base + j * K, K)],
                              buf, sem).wait()

    d_start(0, didx_a, sem_a)

    def pair(p, _):
        j = 2 * p
        d_start(j + 1, didx_b, sem_b)
        d_wait(j, didx_a, sem_a)
        pltpu.sync_copy(ones_v, deg_sh.at[didx_a], add=True)

        @pl.when(j + 2 < NFULL)
        def _():
            d_start(j + 2, didx_a, sem_a)

        d_wait(j + 1, didx_b, sem_b)
        pltpu.sync_copy(ones_v, deg_sh.at[didx_b], add=True)
        return 0

    lax.fori_loop(0, NFULL // 2, pair, 0)
    pltpu.sync_copy(dst_hbm.at[pl.ds(base + NFULL * K, KT)], didx_t)
    pltpu.sync_copy(ones_v.at[pl.ds(0, KT)], deg_sh.at[didx_t], add=True)

    plsc.subcore_barrier()
    pltpu.sync_copy(
        deg_sh.at[pl.ds(sid * RPT, RPT)],
        out_hbm.at[pl.ds(cid * NPAD + sid * RPT, RPT)],
    )


KS = 100
SCH = E // KS
SPW = SCH // NW


@functools.partial(
    pl.kernel,
    out_type=jax.ShapeDtypeStruct((2 * NPAD, D), _F32),
    mesh=_MESH,
    scratch_types=[
        pltpu.VMEM((KS,), jnp.int32),
        pltpu.VMEM((KS,), jnp.int32),
        pltpu.VMEM((KS,), jnp.int32),
        pltpu.VMEM((KS,), jnp.int32),
        pltpu.VMEM((KS,), jnp.int32),
        pltpu.VMEM((KS,), jnp.int32),
        pltpu.VMEM((KS,), jnp.int32),
        pltpu.VMEM((KS,), jnp.int32),
        pltpu.VMEM((KS, D), _F32),
        pltpu.VMEM((KS, D), _F32),
        pltpu.VMEM((16, D), _F32),
        pltpu.VMEM_SHARED((NPAD, D), _F32),
        pltpu.SemaphoreType.DMA,
        pltpu.SemaphoreType.DMA,
        pltpu.SemaphoreType.DMA,
        pltpu.SemaphoreType.DMA,
        pltpu.SemaphoreType.DMA,
        pltpu.SemaphoreType.DMA,
    ],
)
def _scatter_kernel(g_hbm, src_hbm, dst_hbm, out_hbm,
                    si0, si1, si2, si3, di0, di1, di2, di3,
                    rb0, rb1, zb_v, acc_sh,
                    sg0, sg1, sx0, sx1, sx2, sx3):
    cid = lax.axis_index("c")
    sid = lax.axis_index("s")
    wid = _worker_id()
    ch0 = wid * SPW
    sidx = [si0, si1, si2, si3]
    didx = [di0, di1, di2, di3]
    isem = [sx0, sx1, sx2, sx3]
    rb = [rb0, rb1]
    gsem = [sg0, sg1]

    def zfill(i, _):
        for j in range(D // 16):
            zb_v[i, pl.ds(j * 16, 16)] = jnp.zeros((16,), _F32)
        return 0

    lax.fori_loop(0, 16, zfill, 0)

    def zcp(i, _):
        pltpu.sync_copy(zb_v, acc_sh.at[pl.ds(sid * RPT + i * 16, 16)])
        return 0

    lax.fori_loop(0, RPT // 16, zcp, 0)
    plsc.subcore_barrier()

    def i_start(j, q4):
        pltpu.async_copy(src_hbm.at[ch0 + j, 0], sidx[q4], isem[q4])
        pltpu.async_copy(dst_hbm.at[ch0 + j, 0], didx[q4], isem[q4])

    def i_wait(j, q4):
        pltpu.make_async_copy(src_hbm.at[ch0 + j, 0], sidx[q4],
                              isem[q4]).wait()
        pltpu.make_async_copy(dst_hbm.at[ch0 + j, 0], didx[q4],
                              isem[q4]).wait()

    def g_start(q4, q2):
        pltpu.async_copy(g_hbm.at[sidx[q4]], rb[q2], gsem[q2])

    def g_wait(q4, q2):
        pltpu.make_async_copy(g_hbm.at[sidx[q4]], rb[q2], gsem[q2]).wait()

    def s_add(q4, q2):
        pltpu.sync_copy(rb[q2], acc_sh.at[didx[q4]], add=True)

    i_start(0, 0)
    i_start(1, 1)
    i_wait(0, 0)
    g_start(0, 0)
    i_wait(1, 1)
    g_start(1, 1)

    def body(j, q4, q2, has_next):
        if has_next:
            i_start(j + 2, (q4 + 2) % 4)
        g_wait(q4, q2)
        if has_next:
            i_wait(j + 2, (q4 + 2) % 4)
        s_add(q4, q2)
        if has_next:
            g_start((q4 + 2) % 4, q2)

    def quad(p, _):
        jb = 4 * p
        for r in range(4):
            body(jb + r, r, r % 2, True)
        return 0

    lax.fori_loop(0, (SPW - 4) // 4, quad, 0)
    for j in range(SPW - 4, SPW):
        body(j, j % 4, j % 2, j + 2 < SPW)

    plsc.subcore_barrier()
    pltpu.sync_copy(
        acc_sh.at[pl.ds(sid * RPT, RPT)],
        out_hbm.at[pl.ds(cid * NPAD + sid * RPT, RPT)],
    )


def _dinv_of(d0, d1):
    deg = d0[:, :1] + d1[:, :1] + 1.0
    return lax.rsqrt(deg)


def _p_body(x_ref, w_ref, d0_ref, d1_ref, g_ref):
    dinv = _dinv_of(d0_ref[...], d1_ref[...])
    g_ref[...] = dinv * jnp.dot(x_ref[...], w_ref[...],
                                preferred_element_type=_F32)


def _c_body(s0_ref, s1_ref, g_ref, d0_ref, d1_ref, b_ref, w_ref, out_ref):
    dinv = _dinv_of(d0_ref[...], d1_ref[...])
    t = dinv * (s0_ref[...] + s1_ref[...] + g_ref[...]) + b_ref[...]
    h = jnp.where(t >= 0.0, t, 0.01 * t)
    out_ref[...] = dinv * jnp.dot(h, w_ref[...], preferred_element_type=_F32)


def _c3_body(s0_ref, s1_ref, g_ref, d0_ref, d1_ref, b_ref, out_ref):
    dinv = _dinv_of(d0_ref[...], d1_ref[...])
    t = dinv * (s0_ref[...] + s1_ref[...] + g_ref[...]) + b_ref[...]
    out_ref[...] = jnp.where(t >= 0.0, t, 0.01 * t)


def _row_spec(width):
    return pl.BlockSpec((BLK, width), lambda i: (i, 0))


def _row_spec_hi(width):
    return pl.BlockSpec((BLK, width), lambda i: (i + NBLK, 0))


_FULL_W = pl.BlockSpec((D, D), lambda i: (0, 0))
_FULL_B = pl.BlockSpec((1, D), lambda i: (0, 0))

_p_call = pl.pallas_call(
    _p_body,
    grid=(NBLK,),
    in_specs=[_row_spec(D), _FULL_W, _row_spec(16), _row_spec_hi(16)],
    out_specs=_row_spec(D),
    out_shape=jax.ShapeDtypeStruct((NPAD, D), _F32),
)

_c_call = pl.pallas_call(
    _c_body,
    grid=(NBLK,),
    in_specs=[_row_spec(D), _row_spec_hi(D), _row_spec(D),
              _row_spec(16), _row_spec_hi(16), _FULL_B, _FULL_W],
    out_specs=_row_spec(D),
    out_shape=jax.ShapeDtypeStruct((NPAD, D), _F32),
)

_c3_call = pl.pallas_call(
    _c3_body,
    grid=(NBLK,),
    in_specs=[_row_spec(D), _row_spec_hi(D), _row_spec(D),
              _row_spec(16), _row_spec_hi(16), _FULL_B],
    out_specs=_row_spec(D),
    out_shape=jax.ShapeDtypeStruct((NPAD, D), _F32),
)


def kernel(x, edge_index, W1, b1, W2, b2, W3, b3):
    src = edge_index[0]
    dst = edge_index[1]
    src3 = src.reshape(SCH, 1, KS)
    dst3 = dst.reshape(SCH, 1, KS)
    xp = jnp.zeros((NPAD, D), _F32).at[:N].set(x)
    b1r = b1.reshape(1, D)
    b2r = b2.reshape(1, D)
    b3r = b3.reshape(1, D)

    dpart = _deg_kernel(dst)
    g1 = _p_call(xp, W1, dpart, dpart)
    s1 = _scatter_kernel(g1, src3, dst3)
    g2 = _c_call(s1, s1, g1, dpart, dpart, b1r, W2)
    s2 = _scatter_kernel(g2, src3, dst3)
    g3 = _c_call(s2, s2, g2, dpart, dpart, b2r, W3)
    s3 = _scatter_kernel(g3, src3, dst3)
    out = _c3_call(s3, s3, g3, dpart, dpart, b3r)
    return out[:N]

# --- scband reference (transcript-rebuilt; emitter-appended) ---
"""Pipeline reference for scband-gcnbaseline-16982300688514 (READ-ONLY COPY).

The authoritative reference and input builder live on the scoring server;
editing this copy changes nothing except your own understanding.
"""

import jax, jax.numpy as jnp
import numpy as np

N = 10000
E = 320000
D = 128

def setup_inputs(seed: int = 0) -> dict:
    key = jax.random.key(seed)
    ks = jax.random.split(key, 9)
    x = jax.random.normal(ks[0], (N, D), dtype=jnp.float32)
    edge_index = jax.random.randint(ks[1], (2, E), 0, N)
    scale = 1.0 / np.sqrt(D)
    W1 = jax.random.normal(ks[2], (D, D), dtype=jnp.float32) * scale
    b1 = jnp.zeros((D,), dtype=jnp.float32)
    W2 = jax.random.normal(ks[3], (D, D), dtype=jnp.float32) * scale
    b2 = jnp.zeros((D,), dtype=jnp.float32)
    W3 = jax.random.normal(ks[4], (D, D), dtype=jnp.float32) * scale
    b3 = jnp.zeros((D,), dtype=jnp.float32)
    return {"x": x, "edge_index": edge_index, "W1": W1, "b1": b1, "W2": W2, "b2": b2, "W3": W3, "b3": b3}

def reference(x, edge_index, W1, b1, W2, b2, W3, b3):
    n = x.shape[0]
    loop = jnp.arange(n, dtype=edge_index.dtype)
    src = jnp.concatenate([edge_index[0], loop])
    dst = jnp.concatenate([edge_index[1], loop])
    # symmetric GCN normalization with self-loops (PyG gcn_norm)
    deg = jax.ops.segment_sum(jnp.ones(src.shape[0], dtype=jnp.float32), dst, num_segments=n)
    dinv = jnp.where(deg > 0, jax.lax.rsqrt(jnp.maximum(deg, 1e-12)), 0.0)
    norm = (dinv[src] * dinv[dst])[:, None]
    h = x
    for W, b in ((W1, b1), (W2, b2), (W3, b3)):
        h = h @ W
        msg = h[src] * norm
        h = jax.ops.segment_sum(msg, dst, num_segments=n) + b
        h = jax.nn.leaky_relu(h, negative_slope=0.01)
    return h

if __name__ == "__main__":
    import jax
    _d = setup_inputs()
    print(jax.jit(kernel)(*tuple(_d.values())))

</pallas_src>

<mosaic_0001>
#map = affine_map<(d0, d1) -> (0)>
#map1 = affine_map<(d0, d1) -> (0, 0)>
module attributes {stable_mosaic.version = 14 : i64} {
  func.func @_deg_kernel(%arg0: i32, %arg1: i32, %arg2: memref<320000xi32, #tpu.memory_space<hbm>>, %arg3: memref<20480x16xf32, #tpu.memory_space<hbm>>, %arg4: memref<128x16xf32, #tpu.memory_space<vmem>>, %arg5: memref<64x16xf32, #tpu.memory_space<vmem>>, %arg6: memref<128xi32, #tpu.memory_space<vmem>>, %arg7: memref<128xi32, #tpu.memory_space<vmem>>, %arg8: memref<16xi32, #tpu.memory_space<vmem>>, %arg9: memref<10240x16xf32, #tpu.memory_space<vmem_shared>>, %arg10: memref<!tpu.dma_semaphore, #tpu.memory_space<semaphore_mem>>, %arg11: memref<!tpu.dma_semaphore, #tpu.memory_space<semaphore_mem>>) attributes {dimension_semantics = [#tpu.dimension_semantics<core_parallel>, #tpu.dimension_semantics<subcore_parallel>], iteration_bounds = array<i64: 2, 16>, scalar_prefetch = 0 : i64, scratch_operands = 8 : i64, tpu.core_type = #tpu.core_type<sc_vector_subcore>, window_params = [{transform_indices = #map}, {transform_indices = #map1}]} {
    %mul3A = arith.constant 2 : i32
    %mul3A_0 = arith.muli %arg1, %mul3A : i32
    %add3A = arith.addi %mul3A_0, %arg0 : i32
    %scan3A = arith.constant 0 : i32
    %scan3A_1 = arith.constant 0 : i32
    %scan3A_2 = arith.constant 128 : i32
    %scan3A_3 = arith.addi %scan3A_1, %scan3A_2 : i32
    %scan3A_4 = arith.constant 1 : i32
    %scan3A_5 = scf.for %scan3A_43 = %scan3A_1 to %scan3A_3 step %scan3A_4 iter_args(%scan3A_44 = %scan3A) -> (i32)  : i32 {
      %broadcast_in_dim3A = arith.constant 1.000000e+00 : f32
      %broadcast_in_dim3A_45 = vector.broadcast %broadcast_in_dim3A : f32 to vector<16xf32>
      %swap3A = arith.index_cast %scan3A_43 : i32 to index
      %swap3A_46 = arith.constant 0 : index
      %swap3A_47 = tpu.vector_load %arg4[%swap3A, %swap3A_46] {strides = array<i32>} : memref<128x16xf32, #tpu.memory_space<vmem>>, vector<1x16xf32>,
      %swap3A_48 = vector.shape_cast %swap3A_47 : vector<1x16xf32> to vector<16xf32>
      %swap3A_49 = vector.shape_cast %broadcast_in_dim3A_45 : vector<16xf32> to vector<1x16xf32>
      tpu.vector_store %arg4[%swap3A, %swap3A_46], %swap3A_49 {strides = array<i32>} : memref<128x16xf32, #tpu.memory_space<vmem>>, vector<1x16xf32>,
      %scan3A_50 = arith.constant 0 : i32
      scf.yield %scan3A_50 : i32
    }
    %scan3A_6 = arith.constant 128 : i32
    %scan3A_7 = arith.constant 0 : i32
    %scan3A_8 = arith.constant 0 : i32
    %scan3A_9 = arith.constant 64 : i32
    %scan3A_10 = arith.addi %scan3A_8, %scan3A_9 : i32
    %scan3A_11 = arith.constant 1 : i32
    %scan3A_12 = scf.for %scan3A_43 = %scan3A_8 to %scan3A_10 step %scan3A_11 iter_args(%scan3A_44 = %scan3A_7) -> (i32)  : i32 {
      %broadcast_in_dim3A = arith.constant 0.000000e+00 : f32
      %broadcast_in_dim3A_45 = vector.broadcast %broadcast_in_dim3A : f32 to vector<16xf32>
      %swap3A = arith.index_cast %scan3A_43 : i32 to index
      %swap3A_46 = arith.constant 0 : index
      %swap3A_47 = tpu.vector_load %arg5[%swap3A, %swap3A_46] {strides = array<i32>} : memref<64x16xf32, #tpu.memory_space<vmem>>, vector<1x16xf32>,
      %swap3A_48 = vector.shape_cast %swap3A_47 : vector<1x16xf32> to vector<16xf32>
      %swap3A_49 = vector.shape_cast %broadcast_in_dim3A_45 : vector<16xf32> to vector<1x16xf32>
      tpu.vector_store %arg5[%swap3A, %swap3A_46], %swap3A_49 {strides = array<i32>} : memref<64x16xf32, #tpu.memory_space<vmem>>, vector<1x16xf32>,
      %scan3A_50 = arith.constant 0 : i32
      scf.yield %scan3A_50 : i32
    }
    %scan3A_13 = arith.constant 64 : i32
    %scan3A_14 = arith.constant 0 : i32
    %scan3A_15 = arith.constant 0 : i32
    %scan3A_16 = arith.constant 10 : i32
    %scan3A_17 = arith.addi %scan3A_15, %scan3A_16 : i32
    %scan3A_18 = arith.constant 1 : i32
    %scan3A_19 = scf.for %scan3A_43 = %scan3A_15 to %scan3A_17 step %scan3A_18 iter_args(%scan3A_44 = %scan3A_14) -> (i32)  : i32 {
      %mul3A_45 = arith.constant 640 : i32
      %mul3A_46 = arith.muli %arg1, %mul3A_45 : i32
      %mul3A_47 = arith.constant 64 : i32
      %mul3A_48 = arith.muli %scan3A_43, %mul3A_47 : i32
      %add3A_49 = arith.addi %mul3A_46, %mul3A_48 : i32
      "tpu.region"() ({
        %run_scoped3A = tpu.sem_alloc : memref<!tpu.dma_semaphore, #tpu.memory_space<semaphore_mem>>
        %dma_start3A_51 = arith.constant 0 : i32
        %dma_start3A_52 = tpu.memref_slice %arg9[%add3A_49, %dma_start3A_51] : memref<10240x16xf32, #tpu.memory_space<vmem_shared>> -> memref<64x16xf32, #tpu.memory_space<vmem_shared>>
        %dma_start3A_53 = arith.constant 0 : i32
        %dma_start3A_54 = tpu.memref_slice %arg9[%add3A_49, %dma_start3A_53] : memref<10240x16xf32, #tpu.memory_space<vmem_shared>> -> memref<64x16xf32, #tpu.memory_space<vmem_shared>>
        tpu.enqueue_dma source(%arg5 : memref<64x16xf32, #tpu.memory_space<vmem>>) target(%dma_start3A_54 : memref<64x16xf32, #tpu.memory_space<vmem_shared>>) target_semaphore(%run_scoped3A : memref<!tpu.dma_semaphore, #tpu.memory_space<semaphore_mem>>)
        %dma_wait3A = arith.constant 0 : i32
        %dma_wait3A_55 = tpu.memref_slice %arg9[%add3A_49, %dma_wait3A] : memref<10240x16xf32, #tpu.memory_space<vmem_shared>> -> memref<64x16xf32, #tpu.memory_space<vmem_shared>>
        %dma_wait3A_56 = arith.constant 0 : i32
        %dma_wait3A_57 = tpu.memref_slice %arg9[%add3A_49, %dma_wait3A_56] : memref<10240x16xf32, #tpu.memory_space<vmem_shared>> -> memref<64x16xf32, #tpu.memory_space<vmem_shared>>
        tpu.wait_dma2 semaphore(%run_scoped3A : memref<!tpu.dma_semaphore, #tpu.memory_space<semaphore_mem>>) src(%arg5 : memref<64x16xf32, #tpu.memory_space<vmem>>) dst(%dma_wait3A_57 : memref<64x16xf32, #tpu.memory_space<vmem_shared>>)
        tpu.yield
      }) : () -> ()
      %scan3A_50 = arith.constant 0 : i32
      scf.yield %scan3A_50 : i32
    }
    %scan3A_20 = arith.constant 10 : i32
    %barrier3A = arith.constant 0 : index
    tpu.barrier barrier_id(%barrier3A)
    %mul3A_21 = arith.constant 10000 : i32
    %mul3A_22 = arith.muli %add3A, %mul3A_21 : i32
    %add3A_23 = arith.constant 0 : i32
    %add3A_24 = arith.addi %mul3A_22, %add3A_23 : i32
    %dma_start3A = tpu.memref_slice %arg2[%add3A_24] : memref<320000xi32, #tpu.memory_space<hbm>> -> memref<128xi32, #tpu.memory_space<hbm>>
    %dma_start3A_25 = tpu.memref_slice %arg2[%add3A_24] : memref<320000xi32, #tpu.memory_space<hbm>> -> memref<128xi32, #tpu.memory_space<hbm>>
    tpu.enqueue_dma source(%dma_start3A_25 : memref<128xi32, #tpu.memory_space<hbm>>) target(%arg6 : memref<128xi32, #tpu.memory_space<vmem>>) target_semaphore(%arg10 : memref<!tpu.dma_semaphore, #tpu.memory_space<semaphore_mem>>)
    %scan3A_26 = arith.constant 0 : i32
    %scan3A_27 = arith.constant 0 : i32
    %scan3A_28 = arith.constant 39 : i32
    %scan3A_29 = arith.addi %scan3A_27, %scan3A_28 : i32
    %scan3A_30 = arith.constant 1 : i32
    %scan3A_31 = scf.for %scan3A_43 = %scan3A_27 to %scan3A_29 step %scan3A_30 iter_args(%scan3A_44 = %scan3A_26) -> (i32)  : i32 {
      %mul3A_45 = arith.constant 2 : i32
      %mul3A_46 = arith.muli %mul3A_45, %scan3A_43 : i32
      %add3A_47 = arith.constant 1 : i32
      %add3A_48 = arith.addi %mul3A_46, %add3A_47 : i32
      %mul3A_49 = arith.constant 128 : i32
      %mul3A_50 = arith.muli %add3A_48, %mul3A_49 : i32
      %add3A_51 = arith.addi %mul3A_22, %mul3A_50 : i32
      %dma_start3A_52 = tpu.memref_slice %arg2[%add3A_51] : memref<320000xi32, #tpu.memory_space<hbm>> -> memref<128xi32, #tpu.memory_space<hbm>>
      %dma_start3A_53 = tpu.memref_slice %arg2[%add3A_51] : memref<320000xi32, #tpu.memory_space<hbm>> -> memref<128xi32, #tpu.memory_space<hbm>>
      tpu.enqueue_dma source(%dma_start3A_53 : memref<128xi32, #tpu.memory_space<hbm>>) target(%arg7 : memref<128xi32, #tpu.memory_space<vmem>>) target_semaphore(%arg11 : memref<!tpu.dma_semaphore, #tpu.memory_space<semaphore_mem>>)
      %mul3A_54 = arith.constant 128 : i32
      %mul3A_55 = arith.muli %mul3A_46, %mul3A_54 : i32
      %add3A_56 = arith.addi %mul3A_22, %mul3A_55 : i32
      %dma_wait3A = tpu.memref_slice %arg2[%add3A_56] : memref<320000xi32, #tpu.memory_space<hbm>> -> memref<128xi32, #tpu.memory_space<hbm>>
      %dma_wait3A_57 = tpu.memref_slice %arg2[%add3A_56] : memref<320000xi32, #tpu.memory_space<hbm>> -> memref<128xi32, #tpu.memory_space<hbm>>
      tpu.wait_dma2 semaphore(%arg10 : memref<!tpu.dma_semaphore, #tpu.memory_space<semaphore_mem>>) src(%dma_wait3A_57 : memref<128xi32, #tpu.memory_space<hbm>>) dst(%arg6 : memref<128xi32, #tpu.memory_space<vmem>>)
      "tpu.region"() ({
        %run_scoped3A = tpu.sem_alloc : memref<!tpu.dma_semaphore, #tpu.memory_space<semaphore_mem>>
        %dma_start3A_70 = arith.constant 0 : i32
        %dma_start3A_71 = arith.constant 0 : i32
        %dma_start3A_72 = tpu.memref_slice %arg9[%dma_start3A_70, %dma_start3A_71] : memref<10240x16xf32, #tpu.memory_space<vmem_shared>> -> memref<10240x16xf32, #tpu.memory_space<vmem_shared>>
        tpu.enqueue_indirect_dma source(%arg4 : memref<128x16xf32, #tpu.memory_space<vmem>>) target(%dma_start3A_72 : memref<10240x16xf32, #tpu.memory_space<vmem_shared>>) offsets(%arg6 : memref<128xi32, #tpu.memory_space<vmem>>) semaphore(%run_scoped3A : memref<!tpu.dma_semaphore, #tpu.memory_space<semaphore_mem>>) {add = true}
        %dma_wait3A_73 = arith.constant 0 : i32
        %dma_wait3A_74 = arith.constant 0 : i32
        %dma_wait3A_75 = tpu.memref_slice %arg9[%dma_wait3A_73, %dma_wait3A_74] : memref<10240x16xf32, #tpu.memory_space<vmem_shared>> -> memref<10240x16xf32, #tpu.memory_space<vmem_shared>>
        tpu.wait_indirect_dma semaphore(%run_scoped3A : memref<!tpu.dma_semaphore, #tpu.memory_space<semaphore_mem>>) src(%arg4 : memref<128x16xf32, #tpu.memory_space<vmem>>) dst(%dma_wait3A_75 : memref<10240x16xf32, #tpu.memory_space<vmem_shared>>)
        tpu.yield
      }) : () -> ()
      %add3A_58 = arith.constant 2 : i32
      %add3A_59 = arith.addi %mul3A_46, %add3A_58 : i32
      %lt3A = arith.constant 78 : i32
      %lt3A_60 = arith.cmpi slt, %add3A_59, %lt3A : i32
      %convert_element_type3A = arith.extui %lt3A_60 : i1 to i32
      %cond3A = arith.constant 0 : i32
      %cond3A_61 = arith.cmpi ne, %convert_element_type3A, %cond3A : i32
      scf.if %cond3A_61 {
        %add3A_70 = arith.constant 2 : i32
        %add3A_71 = arith.addi %mul3A_46, %add3A_70 : i32
        %mul3A_72 = arith.constant 128 : i32
        %mul3A_73 = arith.muli %add3A_71, %mul3A_72 : i32
        %add3A_74 = arith.addi %mul3A_22, %mul3A_73 : i32
        %dma_start3A_75 = tpu.memref_slice %arg2[%add3A_74] : memref<320000xi32, #tpu.memory_space<hbm>> -> memref<128xi32, #tpu.memory_space<hbm>>
        %dma_start3A_76 = tpu.memref_slice %arg2[%add3A_74] : memref<320000xi32, #tpu.memory_space<hbm>> -> memref<128xi32, #tpu.memory_space<hbm>>
        tpu.enqueue_dma source(%dma_start3A_76 : memref<128xi32, #tpu.memory_space<hbm>>) target(%arg6 : memref<128xi32, #tpu.memory_space<vmem>>) target_semaphore(%arg10 : memref<!tpu.dma_semaphore, #tpu.memory_space<semaphore_mem>>)
      } else {
      }
      %add3A_62 = arith.constant 1 : i32
      %add3A_63 = arith.addi %mul3A_46, %add3A_62 : i32
      %mul3A_64 = arith.constant 128 : i32
      %mul3A_65 = arith.muli %add3A_63, %mul3A_64 : i32
      %add3A_66 = arith.addi %mul3A_22, %mul3A_65 : i32
      %dma_wait3A_67 = tpu.memref_slice %arg2[%add3A_66] : memref<320000xi32, #tpu.memory_space<hbm>> -> memref<128xi32, #tpu.memory_space<hbm>>
      %dma_wait3A_68 = tpu.memref_slice %arg2[%add3A_66] : memref<320000xi32, #tpu.memory_space<hbm>> -> memref<128xi32, #tpu.memory_space<hbm>>
      tpu.wait_dma2 semaphore(%arg11 : memref<!tpu.dma_semaphore, #tpu.memory_space<semaphore_mem>>) src(%dma_wait3A_68 : memref<128xi32, #tpu.memory_space<hbm>>) dst(%arg7 : memref<128xi32, #tpu.memory_space<vmem>>)
      "tpu.region"() ({
        %run_scoped3A = tpu.sem_alloc : memref<!tpu.dma_semaphore, #tpu.memory_space<semaphore_mem>>
        %dma_start3A_70 = arith.constant 0 : i32
        %dma_start3A_71 = arith.constant 0 : i32
        %dma_start3A_72 = tpu.memref_slice %arg9[%dma_start3A_70, %dma_start3A_71] : memref<10240x16xf32, #tpu.memory_space<vmem_shared>> -> memref<10240x16xf32, #tpu.memory_space<vmem_shared>>
        tpu.enqueue_indirect_dma source(%arg4 : memref<128x16xf32, #tpu.memory_space<vmem>>) target(%dma_start3A_72 : memref<10240x16xf32, #tpu.memory_space<vmem_shared>>) offsets(%arg7 : memref<128xi32, #tpu.memory_space<vmem>>) semaphore(%run_scoped3A : memref<!tpu.dma_semaphore, #tpu.memory_space<semaphore_mem>>) {add = true}
        %dma_wait3A_73 = arith.constant 0 : i32
        %dma_wait3A_74 = arith.constant 0 : i32
        %dma_wait3A_75 = tpu.memref_slice %arg9[%dma_wait3A_73, %dma_wait3A_74] : memref<10240x16xf32, #tpu.memory_space<vmem_shared>> -> memref<10240x16xf32, #tpu.memory_space<vmem_shared>>
        tpu.wait_indirect_dma semaphore(%run_scoped3A : memref<!tpu.dma_semaphore, #tpu.memory_space<semaphore_mem>>) src(%arg4 : memref<128x16xf32, #tpu.memory_space<vmem>>) dst(%dma_wait3A_75 : memref<10240x16xf32, #tpu.memory_space<vmem_shared>>)
        tpu.yield
      }) : () -> ()
      %scan3A_69 = arith.constant 0 : i32
      scf.yield %scan3A_69 : i32
    }
    %scan3A_32 = arith.constant 39 : i32
    %add3A_33 = arith.constant 9984 : i32
    %add3A_34 = arith.addi %mul3A_22, %add3A_33 : i32
    "tpu.region"() ({
      %run_scoped3A = tpu.sem_alloc : memref<!tpu.dma_semaphore, #tpu.memory_space<semaphore_mem>>
      %dma_start3A_43 = tpu.memref_slice %arg2[%add3A_34] : memref<320000xi32, #tpu.memory_space<hbm>> -> memref<16xi32, #tpu.memory_space<hbm>>
      %dma_start3A_44 = tpu.memref_slice %arg2[%add3A_34] : memref<320000xi32, #tpu.memory_space<hbm>> -> memref<16xi32, #tpu.memory_space<hbm>>
      tpu.enqueue_dma source(%dma_start3A_44 : memref<16xi32, #tpu.memory_space<hbm>>) target(%arg8 : memref<16xi32, #tpu.memory_space<vmem>>) target_semaphore(%run_scoped3A : memref<!tpu.dma_semaphore, #tpu.memory_space<semaphore_mem>>)
      %dma_wait3A = tpu.memref_slice %arg2[%add3A_34] : memref<320000xi32, #tpu.memory_space<hbm>> -> memref<16xi32, #tpu.memory_space<hbm>>
      %dma_wait3A_45 = tpu.memref_slice %arg2[%add3A_34] : memref<320000xi32, #tpu.memory_space<hbm>> -> memref<16xi32, #tpu.memory_space<hbm>>
      tpu.wait_dma2 semaphore(%run_scoped3A : memref<!tpu.dma_semaphore, #tpu.memory_space<semaphore_mem>>) src(%dma_wait3A_45 : memref<16xi32, #tpu.memory_space<hbm>>) dst(%arg8 : memref<16xi32, #tpu.memory_space<vmem>>)
      tpu.yield
    }) : () -> ()
    "tpu.region"() ({
      %run_scoped3A = tpu.sem_alloc : memref<!tpu.dma_semaphore, #tpu.memory_space<semaphore_mem>>
      %dma_start3A_43 = arith.constant 0 : i32
      %dma_start3A_44 = arith.constant 0 : i32
      %dma_start3A_45 = tpu.memref_slice %arg4[%dma_start3A_43, %dma_start3A_44] : memref<128x16xf32, #tpu.memory_space<vmem>> -> memref<16x16xf32, #tpu.memory_space<vmem>>
      %dma_start3A_46 = arith.constant 0 : i32
      %dma_start3A_47 = arith.constant 0 : i32
      %dma_start3A_48 = tpu.memref_slice %arg9[%dma_start3A_46, %dma_start3A_47] : memref<10240x16xf32, #tpu.memory_space<vmem_shared>> -> memref<10240x16xf32, #tpu.memory_space<vmem_shared>>
      tpu.enqueue_indirect_dma source(%dma_start3A_45 : memref<16x16xf32, #tpu.memory_space<vmem>>) target(%dma_start3A_48 : memref<10240x16xf32, #tpu.memory_space<vmem_shared>>) offsets(%arg8 : memref<16xi32, #tpu.memory_space<vmem>>) semaphore(%run_scoped3A : memref<!tpu.dma_semaphore, #tpu.memory_space<semaphore_mem>>) {add = true}
      %dma_wait3A = arith.constant 0 : i32
      %dma_wait3A_49 = arith.constant 0 : i32
      %dma_wait3A_50 = tpu.memref_slice %arg4[%dma_wait3A, %dma_wait3A_49] : memref<128x16xf32, #tpu.memory_space<vmem>> -> memref<16x16xf32, #tpu.memory_space<vmem>>
      %dma_wait3A_51 = arith.constant 0 : i32
      %dma_wait3A_52 = arith.constant 0 : i32
      %dma_wait3A_53 = tpu.memref_slice %arg9[%dma_wait3A_51, %dma_wait3A_52] : memref<10240x16xf32, #tpu.memory_space<vmem_shared>> -> memref<10240x16xf32, #tpu.memory_space<vmem_shared>>
      tpu.wait_indirect_dma semaphore(%run_scoped3A : memref<!tpu.dma_semaphore, #tpu.memory_space<semaphore_mem>>) src(%dma_wait3A_50 : memref<16x16xf32, #tpu.memory_space<vmem>>) dst(%dma_wait3A_53 : memref<10240x16xf32, #tpu.memory_space<vmem_shared>>)
      tpu.yield
    }) : () -> ()
    %barrier3A_35 = arith.constant 0 : index
    tpu.barrier barrier_id(%barrier3A_35)
    %mul3A_36 = arith.constant 640 : i32
    %mul3A_37 = arith.muli %arg1, %mul3A_36 : i32
    %mul3A_38 = arith.constant 10240 : i32
    %mul3A_39 = arith.muli %arg0, %mul3A_38 : i32
    %mul3A_40 = arith.constant 640 : i32
    %mul3A_41 = arith.muli %arg1, %mul3A_40 : i32
    %add3A_42 = arith.addi %mul3A_39, %mul3A_41 : i32
    "tpu.region"() ({
      %run_scoped3A = tpu.sem_alloc : memref<!tpu.dma_semaphore, #tpu.memory_space<semaphore_mem>>
      %dma_start3A_43 = arith.constant 0 : i32
      %dma_start3A_44 = tpu.memref_slice %arg3[%add3A_42, %dma_start3A_43] : memref<20480x16xf32, #tpu.memory_space<hbm>> -> memref<640x16xf32, #tpu.memory_space<hbm>>
      %dma_start3A_45 = arith.constant 0 : i32
      %dma_start3A_46 = tpu.memref_slice %arg9[%mul3A_37, %dma_start3A_45] : memref<10240x16xf32, #tpu.memory_space<vmem_shared>> -> memref<640x16xf32, #tpu.memory_space<vmem_shared>>
      tpu.enqueue_dma source(%dma_start3A_46 : memref<640x16xf32, #tpu.memory_space<vmem_shared>>) target(%dma_start3A_44 : memref<640x16xf32, #tpu.memory_space<hbm>>) target_semaphore(%run_scoped3A : memref<!tpu.dma_semaphore, #tpu.memory_space<semaphore_mem>>)
      %dma_wait3A = arith.constant 0 : i32
      %dma_wait3A_47 = tpu.memref_slice %arg3[%add3A_42, %dma_wait3A] : memref<20480x16xf32, #tpu.memory_space<hbm>> -> memref<640x16xf32, #tpu.memory_space<hbm>>
      %dma_wait3A_48 = arith.constant 0 : i32
      %dma_wait3A_49 = tpu.memref_slice %arg9[%mul3A_37, %dma_wait3A_48] : memref<10240x16xf32, #tpu.memory_space<vmem_shared>> -> memref<640x16xf32, #tpu.memory_space<vmem_shared>>
      tpu.wait_dma2 semaphore(%run_scoped3A : memref<!tpu.dma_semaphore, #tpu.memory_space<semaphore_mem>>) src(%dma_wait3A_49 : memref<640x16xf32, #tpu.memory_space<vmem_shared>>) dst(%dma_wait3A_47 : memref<640x16xf32, #tpu.memory_space<hbm>>)
      tpu.yield
    }) : () -> ()
    return
  }
}

#map = affine_map<(d0, d1) -> (0, 0)>
#map1 = affine_map<(d0, d1) -> (0, 0, 0)>
module attributes {stable_mosaic.version = 14 : i64} {
  func.func @_scatter_kernel(%arg0: i32, %arg1: i32, %arg2: memref<10240x128xf32, #tpu.memory_space<hbm>>, %arg3: memref<3200x1x100xi32, #tpu.memory_space<hbm>>, %arg4: memref<3200x1x100xi32, #tpu.memory_space<hbm>>, %arg5: memref<20480x128xf32, #tpu.memory_space<hbm>>, %arg6: memref<100xi32, #tpu.memory_space<vmem>>, %arg7: memref<100xi32, #tpu.memory_space<vmem>>, %arg8: memref<100xi32, #tpu.memory_space<vmem>>, %arg9: memref<100xi32, #tpu.memory_space<vmem>>, %arg10: memref<100xi32, #tpu.memory_space<vmem>>, %arg11: memref<100xi32, #tpu.memory_space<vmem>>, %arg12: memref<100xi32, #tpu.memory_space<vmem>>, %arg13: memref<100xi32, #tpu.memory_space<vmem>>, %arg14: memref<100x128xf32, #tpu.memory_space<vmem>>, %arg15: memref<100x128xf32, #tpu.memory_space<vmem>>, %arg16: memref<16x128xf32, #tpu.memory_space<vmem>>, %arg17: memref<10240x128xf32, #tpu.memory_space<vmem_shared>>, %arg18: memref<!tpu.dma_semaphore, #tpu.memory_space<semaphore_mem>>, %arg19: memref<!tpu.dma_semaphore, #tpu.memory_space<semaphore_mem>>, %arg20: memref<!tpu.dma_semaphore, #tpu.memory_space<semaphore_mem>>, %arg21: memref<!tpu.dma_semaphore, #tpu.memory_space<semaphore_mem>>, %arg22: memref<!tpu.dma_semaphore, #tpu.memory_space<semaphore_mem>>, %arg23: memref<!tpu.dma_semaphore, #tpu.memory_space<semaphore_mem>>) attributes {dimension_semantics = [#tpu.dimension_semantics<core_parallel>, #tpu.dimension_semantics<subcore_parallel>], iteration_bounds = array<i64: 2, 16>, scalar_prefetch = 0 : i64, scratch_operands = 18 : i64, tpu.core_type = #tpu.core_type<sc_vector_subcore>, window_params = [{transform_indices = #map}, {transform_indices = #map1}, {transform_indices = #map1}, {transform_indices = #map}]} {
    %mul3A = arith.constant 2 : i32
    %mul3A_0 = arith.muli %arg1, %mul3A : i32
    %add3A = arith.addi %mul3A_0, %arg0 : i32
    %mul3A_1 = arith.constant 100 : i32
    %mul3A_2 = arith.muli %add3A, %mul3A_1 : i32
    %scan3A = arith.constant 0 : i32
    %scan3A_3 = arith.constant 0 : i32
    %scan3A_4 = arith.constant 16 : i32
    %scan3A_5 = arith.addi %scan3A_3, %scan3A_4 : i32
    %scan3A_6 = arith.constant 1 : i32
    %scan3A_7 = scf.for %scan3A_197 = %scan3A_3 to %scan3A_5 step %scan3A_6 iter_args(%scan3A_198 = %scan3A) -> (i32)  : i32 {
      %broadcast_in_dim3A = arith.constant 0.000000e+00 : f32
      %broadcast_in_dim3A_199 = vector.broadcast %broadcast_in_dim3A : f32 to vector<16xf32>
      %swap3A = arith.index_cast %scan3A_197 : i32 to index
      %swap3A_200 = arith.constant 0 : index
      %swap3A_201 = tpu.vector_load %arg16[%swap3A, %swap3A_200] {strides = array<i32>} : memref<16x128xf32, #tpu.memory_space<vmem>>, vector<1x16xf32>,
      %swap3A_202 = vector.shape_cast %swap3A_201 : vector<1x16xf32> to vector<16xf32>
      %swap3A_203 = vector.shape_cast %broadcast_in_dim3A_199 : vector<16xf32> to vector<1x16xf32>
      tpu.vector_store %arg16[%swap3A, %swap3A_200], %swap3A_203 {strides = array<i32>} : memref<16x128xf32, #tpu.memory_space<vmem>>, vector<1x16xf32>,
      %broadcast_in_dim3A_204 = arith.constant 0.000000e+00 : f32
      %broadcast_in_dim3A_205 = vector.broadcast %broadcast_in_dim3A_204 : f32 to vector<16xf32>
      %swap3A_206 = arith.index_cast %scan3A_197 : i32 to index
      %swap3A_207 = arith.constant 16 : index
      %swap3A_208 = tpu.vector_load %arg16[%swap3A_206, %swap3A_207] {strides = array<i32>} : memref<16x128xf32, #tpu.memory_space<vmem>>, vector<1x16xf32>,
      %swap3A_209 = vector.shape_cast %swap3A_208 : vector<1x16xf32> to vector<16xf32>
      %swap3A_210 = vector.shape_cast %broadcast_in_dim3A_205 : vector<16xf32> to vector<1x16xf32>
      tpu.vector_store %arg16[%swap3A_206, %swap3A_207], %swap3A_210 {strides = array<i32>} : memref<16x128xf32, #tpu.memory_space<vmem>>, vector<1x16xf32>,
      %broadcast_in_dim3A_211 = arith.constant 0.000000e+00 : f32
      %broadcast_in_dim3A_212 = vector.broadcast %broadcast_in_dim3A_211 : f32 to vector<16xf32>
      %swap3A_213 = arith.index_cast %scan3A_197 : i32 to index
      %swap3A_214 = arith.constant 32 : index
      %swap3A_215 = tpu.vector_load %arg16[%swap3A_213, %swap3A_214] {strides = array<i32>} : memref<16x128xf32, #tpu.memory_space<vmem>>, vector<1x16xf32>,
      %swap3A_216 = vector.shape_cast %swap3A_215 : vector<1x16xf32> to vector<16xf32>
      %swap3A_217 = vector.shape_cast %broadcast_in_dim3A_212 : vector<16xf32> to vector<1x16xf32>
      tpu.vector_store %arg16[%swap3A_213, %swap3A_214], %swap3A_217 {strides = array<i32>} : memref<16x128xf32, #tpu.memory_space<vmem>>, vector<1x16xf32>,
      %broadcast_in_dim3A_218 = arith.constant 0.000000e+00 : f32
      %broadcast_in_dim3A_219 = vector.broadcast %broadcast_in_dim3A_218 : f32 to vector<16xf32>
      %swap3A_220 = arith.index_cast %scan3A_197 : i32 to index
      %swap3A_221 = arith.constant 48 : index
      %swap3A_222 = tpu.vector_load %arg16[%swap3A_220, %swap3A_221] {strides = array<i32>} : memref<16x128xf32, #tpu.memory_space<vmem>>, vector<1x16xf32>,
      %swap3A_223 = vector.shape_cast %swap3A_222 : vector<1x16xf32> to vector<16xf32>
      %swap3A_224 = vector.shape_cast %broadcast_in_dim3A_219 : vector<16xf32> to vector<1x16xf32>
      tpu.vector_store %arg16[%swap3A_220, %swap3A_221], %swap3A_224 {strides = array<i32>} : memref<16x128xf32, #tpu.memory_space<vmem>>, vector<1x16xf32>,
      %broadcast_in_dim3A_225 = arith.constant 0.000000e+00 : f32
      %broadcast_in_dim3A_226 = vector.broadcast %broadcast_in_dim3A_225 : f32 to vector<16xf32>
      %swap3A_227 = arith.index_cast %scan3A_197 : i32 to index
      %swap3A_228 = arith.constant 64 : index
      %swap3A_229 = tpu.vector_load %arg16[%swap3A_227, %swap3A_228] {strides = array<i32>} : memref<16x128xf32, #tpu.memory_space<vmem>>, vector<1x16xf32>,
      %swap3A_230 = vector.shape_cast %swap3A_229 : vector<1x16xf32> to vector<16xf32>
      %swap3A_231 = vector.shape_cast %broadcast_in_dim3A_226 : vector<16xf32> to vector<1x16xf32>
      tpu.vector_store %arg16[%swap3A_227, %swap3A_228], %swap3A_231 {strides = array<i32>} : memref<16x128xf32, #tpu.memory_space<vmem>>, vector<1x16xf32>,
      %broadcast_in_dim3A_232 = arith.constant 0.000000e+00 : f32
      %broadcast_in_dim3A_233 = vector.broadcast %broadcast_in_dim3A_232 : f32 to vector<16xf32>
      %swap3A_234 = arith.index_cast %scan3A_197 : i32 to index
      %swap3A_235 = arith.constant 80 : index
      %swap3A_236 = tpu.vector_load %arg16[%swap3A_234, %swap3A_235] {strides = array<i32>} : memref<16x128xf32, #tpu.memory_space<vmem>>, vector<1x16xf32>,
      %swap3A_237 = vector.shape_cast %swap3A_236 : vector<1x16xf32> to vector<16xf32>
      %swap3A_238 = vector.shape_cast %broadcast_in_dim3A_233 : vector<16xf32> to vector<1x16xf32>
      tpu.vector_store %arg16[%swap3A_234, %swap3A_235], %swap3A_238 {strides = array<i32>} : memref<16x128xf32, #tpu.memory_space<vmem>>, vector<1x16xf32>,
      %broadcast_in_dim3A_239 = arith.constant 0.000000e+00 : f32
      %broadcast_in_dim3A_240 = vector.broadcast %broadcast_in_dim3A_239 : f32 to vector<16xf32>
      %swap3A_241 = arith.index_cast %scan3A_197 : i32 to index
      %swap3A_242 = arith.constant 96 : index
      %swap3A_243 = tpu.vector_load %arg16[%swap3A_241, %swap3A_242] {strides = array<i32>} : memref<16x128xf32, #tpu.memory_space<vmem>>, vector<1x16xf32>,
      %swap3A_244 = vector.shape_cast %swap3A_243 : vector<1x16xf32> to vector<16xf32>
      %swap3A_245 = vector.shape_cast %broadcast_in_dim3A_240 : vector<16xf32> to vector<1x16xf32>
      tpu.vector_store %arg16[%swap3A_241, %swap3A_242], %swap3A_245 {strides = array<i32>} : memref<16x128xf32, #tpu.memory_space<vmem>>, vector<1x16xf32>,
      %broadcast_in_dim3A_246 = arith.constant 0.000000e+00 : f32
      %broadcast_in_dim3A_247 = vector.broadcast %broadcast_in_dim3A_246 : f32 to vector<16xf32>
      %swap3A_248 = arith.index_cast %scan3A_197 : i32 to index
      %swap3A_249 = arith.constant 112 : index
      %swap3A_250 = tpu.vector_load %arg16[%swap3A_248, %swap3A_249] {strides = array<i32>} : memref<16x128xf32, #tpu.memory_space<vmem>>, vector<1x16xf32>,
      %swap3A_251 = vector.shape_cast %swap3A_250 : vector<1x16xf32> to vector<16xf32>
      %swap3A_252 = vector.shape_cast %broadcast_in_dim3A_247 : vector<16xf32> to vector<1x16xf32>
      tpu.vector_store %arg16[%swap3A_248, %swap3A_249], %swap3A_252 {strides = array<i32>} : memref<16x128xf32, #tpu.memory_space<vmem>>, vector<1x16xf32>,
      %scan3A_253 = arith.constant 0 : i32
      scf.yield %scan3A_253 : i32
    }
    %scan3A_8 = arith.constant 16 : i32
    %scan3A_9 = arith.constant 0 : i32
    %scan3A_10 = arith.constant 0 : i32
    %scan3A_11 = arith.constant 40 : i32
    %scan3A_12 = arith.addi %scan3A_10, %scan3A_11 : i32
    %scan3A_13 = arith.constant 1 : i32
    %scan3A_14 = scf.for %scan3A_197 = %scan3A_10 to %scan3A_12 step %scan3A_13 iter_args(%scan3A_198 = %scan3A_9) -> (i32)  : i32 {
      %mul3A_199 = arith.constant 640 : i32
      %mul3A_200 = arith.muli %arg1, %mul3A_199 : i32
      %mul3A_201 = arith.constant 16 : i32
      %mul3A_202 = arith.muli %scan3A_197, %mul3A_201 : i32
      %add3A_203 = arith.addi %mul3A_200, %mul3A_202 : i32
      "tpu.region"() ({
        %run_scoped3A = tpu.sem_alloc : memref<!tpu.dma_semaphore, #tpu.memory_space<semaphore_mem>>
        %dma_start3A_205 = arith.constant 0 : i32
        %dma_start3A_206 = tpu.memref_slice %arg17[%add3A_203, %dma_start3A_205] : memref<10240x128xf32, #tpu.memory_space<vmem_shared>> -> memref<16x128xf32, #tpu.memory_space<vmem_shared>>
        %dma_start3A_207 = arith.constant 0 : i32
        %dma_start3A_208 = tpu.memref_slice %arg17[%add3A_203, %dma_start3A_207] : memref<10240x128xf32, #tpu.memory_space<vmem_shared>> -> memref<16x128xf32, #tpu.memory_space<vmem_shared>>
        tpu.enqueue_dma source(%arg16 : memref<16x128xf32, #tpu.memory_space<vmem>>) target(%dma_start3A_208 : memref<16x128xf32, #tpu.memory_space<vmem_shared>>) target_semaphore(%run_scoped3A : memref<!tpu.dma_semaphore, #tpu.memory_space<semaphore_mem>>)
        %dma_wait3A_209 = arith.constant 0 : i32
        %dma_wait3A_210 = tpu.memref_slice %arg17[%add3A_203, %dma_wait3A_209] : memref<10240x128xf32, #tpu.memory_space<vmem_shared>> -> memref<16x128xf32, #tpu.memory_space<vmem_shared>>
        %dma_wait3A_211 = arith.constant 0 : i32
        %dma_wait3A_212 = tpu.memref_slice %arg17[%add3A_203, %dma_wait3A_211] : memref<10240x128xf32, #tpu.memory_space<vmem_shared>> -> memref<16x128xf32, #tpu.memory_space<vmem_shared>>
        tpu.wait_dma2 semaphore(%run_scoped3A : memref<!tpu.dma_semaphore, #tpu.memory_space<semaphore_mem>>) src(%arg16 : memref<16x128xf32, #tpu.memory_space<vmem>>) dst(%dma_wait3A_212 : memref<16x128xf32, #tpu.memory_space<vmem_shared>>)
        tpu.yield
      }) : () -> ()
      %scan3A_204 = arith.constant 0 : i32
      scf.yield %scan3A_204 : i32
    }
    %scan3A_15 = arith.constant 40 : i32
    %barrier3A = arith.constant 0 : index
    tpu.barrier barrier_id(%barrier3A)
    %add3A_16 = arith.constant 0 : i32
    %add3A_17 = arith.addi %mul3A_2, %add3A_16 : i32
    %dma_start3A = arith.constant 0 : i32
    %dma_start3A_18 = arith.constant 0 : i32
    %dma_start3A_19 = tpu.memref_slice %arg3[%add3A_17, %dma_start3A, %dma_start3A_18] : memref<3200x1x100xi32, #tpu.memory_space<hbm>> -> memref<1x1x100xi32, #tpu.memory_space<hbm>>
    %dma_start3A_20 = tpu.memref_squeeze %dma_start3A_19 : memref<1x1x100xi32, #tpu.memory_space<hbm>> -> memref<100xi32, #tpu.memory_space<hbm>>
    %dma_start3A_21 = arith.constant 0 : i32
    %dma_start3A_22 = tpu.memref_slice %arg3[%add3A_17, %dma_start3A, %dma_start3A_21] : memref<3200x1x100xi32, #tpu.memory_space<hbm>> -> memref<1x1x100xi32, #tpu.memory_space<hbm>>
    %dma_start3A_23 = tpu.memref_squeeze %dma_start3A_22 : memref<1x1x100xi32, #tpu.memory_space<hbm>> -> memref<100xi32, #tpu.memory_space<hbm>>
    tpu.enqueue_dma source(%dma_start3A_23 : memref<100xi32, #tpu.memory_space<hbm>>) target(%arg6 : memref<100xi32, #tpu.memory_space<vmem>>) target_semaphore(%arg20 : memref<!tpu.dma_semaphore, #tpu.memory_space<semaphore_mem>>)
    %add3A_24 = arith.constant 0 : i32
    %add3A_25 = arith.addi %mul3A_2, %add3A_24 : i32
    %dma_start3A_26 = arith.constant 0 : i32
    %dma_start3A_27 = arith.constant 0 : i32
    %dma_start3A_28 = tpu.memref_slice %arg4[%add3A_25, %dma_start3A_26, %dma_start3A_27] : memref<3200x1x100xi32, #tpu.memory_space<hbm>> -> memref<1x1x100xi32, #tpu.memory_space<hbm>>
    %dma_start3A_29 = tpu.memref_squeeze %dma_start3A_28 : memref<1x1x100xi32, #tpu.memory_space<hbm>> -> memref<100xi32, #tpu.memory_space<hbm>>
    %dma_start3A_30 = arith.constant 0 : i32
    %dma_start3A_31 = tpu.memref_slice %arg4[%add3A_25, %dma_start3A_26, %dma_start3A_30] : memref<3200x1x100xi32, #tpu.memory_space<hbm>> -> memref<1x1x100xi32, #tpu.memory_space<hbm>>
    %dma_start3A_32 = tpu.memref_squeeze %dma_start3A_31 : memref<1x1x100xi32, #tpu.memory_space<hbm>> -> memref<100xi32, #tpu.memory_space<hbm>>
    tpu.enqueue_dma source(%dma_start3A_32 : memref<100xi32, #tpu.memory_space<hbm>>) target(%arg10 : memref<100xi32, #tpu.memory_space<vmem>>) target_semaphore(%arg20 : memref<!tpu.dma_semaphore, #tpu.memory_space<semaphore_mem>>)
    %add3A_33 = arith.constant 1 : i32
    %add3A_34 = arith.addi %mul3A_2, %add3A_33 : i32
    %dma_start3A_35 = arith.constant 0 : i32
    %dma_start3A_36 = arith.constant 0 : i32
    %dma_start3A_37 = tpu.memref_slice %arg3[%add3A_34, %dma_start3A_35, %dma_start3A_36] : memref<3200x1x100xi32, #tpu.memory_space<hbm>> -> memref<1x1x100xi32, #tpu.memory_space<hbm>>
    %dma_start3A_38 = tpu.memref_squeeze %dma_start3A_37 : memref<1x1x100xi32, #tpu.memory_space<hbm>> -> memref<100xi32, #tpu.memory_space<hbm>>
    %dma_start3A_39 = arith.constant 0 : i32
    %dma_start3A_40 = tpu.memref_slice %arg3[%add3A_34, %dma_start3A_35, %dma_start3A_39] : memref<3200x1x100xi32, #tpu.memory_space<hbm>> -> memref<1x1x100xi32, #tpu.memory_space<hbm>>
    %dma_start3A_41 = tpu.memref_squeeze %dma_start3A_40 : memref<1x1x100xi32, #tpu.memory_space<hbm>> -> memref<100xi32, #tpu.memory_space<hbm>>
    tpu.enqueue_dma source(%dma_start3A_41 : memref<100xi32, #tpu.memory_space<hbm>>) target(%arg7 : memref<100xi32, #tpu.memory_space<vmem>>) target_semaphore(%arg21 : memref<!tpu.dma_semaphore, #tpu.memory_space<semaphore_mem>>)
    %add3A_42 = arith.constant 1 : i32
    %add3A_43 = arith.addi %mul3A_2, %add3A_42 : i32
    %dma_start3A_44 = arith.constant 0 : i32
    %dma_start3A_45 = arith.constant 0 : i32
    %dma_start3A_46 = tpu.memref_slice %arg4[%add3A_43, %dma_start3A_44, %dma_start3A_45] : memref<3200x1x100xi32, #tpu.memory_space<hbm>> -> memref<1x1x100xi32, #tpu.memory_space<hbm>>
    %dma_start3A_47 = tpu.memref_squeeze %dma_start3A_46 : memref<1x1x100xi32, #tpu.memory_space<hbm>> -> memref<100xi32, #tpu.memory_space<hbm>>
    %dma_start3A_48 = arith.constant 0 : i32
    %dma_start3A_49 = tpu.memref_slice %arg4[%add3A_43, %dma_start3A_44, %dma_start3A_48] : memref<3200x1x100xi32, #tpu.memory_space<hbm>> -> memref<1x1x100xi32, #tpu.memory_space<hbm>>
    %dma_start3A_50 = tpu.memref_squeeze %dma_start3A_49 : memref<1x1x100xi32, #tpu.memory_space<hbm>> -> memref<100xi32, #tpu.memory_space<hbm>>
    tpu.enqueue_dma source(%dma_start3A_50 : memref<100xi32, #tpu.memory_space<hbm>>) target(%arg11 : memref<100xi32, #tpu.memory_space<vmem>>) target_semaphore(%arg21 : memref<!tpu.dma_semaphore, #tpu.memory_space<semaphore_mem>>)
    %add3A_51 = arith.constant 0 : i32
    %add3A_52 = arith.addi %mul3A_2, %add3A_51 : i32
    %dma_wait3A = arith.constant 0 : i32
    %dma_wait3A_53 = arith.constant 0 : i32
    %dma_wait3A_54 = tpu.memref_slice %arg3[%add3A_52, %dma_wait3A, %dma_wait3A_53] : memref<3200x1x100xi32, #tpu.memory_space<hbm>> -> memref<1x1x100xi32, #tpu.memory_space<hbm>>
    %dma_wait3A_55 = tpu.memref_squeeze %dma_wait3A_54 : memref<1x1x100xi32, #tpu.memory_space<hbm>> -> memref<100xi32, #tpu.memory_space<hbm>>
    %dma_wait3A_56 = arith.constant 0 : i32
    %dma_wait3A_57 = tpu.memref_slice %arg3[%add3A_52, %dma_wait3A, %dma_wait3A_56] : memref<3200x1x100xi32, #tpu.memory_space<hbm>> -> memref<1x1x100xi32, #tpu.memory_space<hbm>>
    %dma_wait3A_58 = tpu.memref_squeeze %dma_wait3A_57 : memref<1x1x100xi32, #tpu.memory_space<hbm>> -> memref<100xi32, #tpu.memory_space<hbm>>
    tpu.wait_dma2 semaphore(%arg20 : memref<!tpu.dma_semaphore, #tpu.memory_space<semaphore_mem>>) src(%dma_wait3A_58 : memref<100xi32, #tpu.memory_space<hbm>>) dst(%arg6 : memref<100xi32, #tpu.memory_space<vmem>>)
    %add3A_59 = arith.constant 0 : i32
    %add3A_60 = arith.addi %mul3A_2, %add3A_59 : i32
    %dma_wait3A_61 = arith.constant 0 : i32
    %dma_wait3A_62 = arith.constant 0 : i32
    %dma_wait3A_63 = tpu.memref_slice %arg4[%add3A_60, %dma_wait3A_61, %dma_wait3A_62] : memref<3200x1x100xi32, #tpu.memory_space<hbm>> -> memref<1x1x100xi32, #tpu.memory_space<hbm>>
    %dma_wait3A_64 = tpu.memref_squeeze %dma_wait3A_63 : memref<1x1x100xi32, #tpu.memory_space<hbm>> -> memref<100xi32, #tpu.memory_space<hbm>>
    %dma_wait3A_65 = arith.constant 0 : i32
    %dma_wait3A_66 = tpu.memref_slice %arg4[%add3A_60, %dma_wait3A_61, %dma_wait3A_65] : memref<3200x1x100xi32, #tpu.memory_space<hbm>> -> memref<1x1x100xi32, #tpu.memory_space<hbm>>
    %dma_wait3A_67 = tpu.memref_squeeze %dma_wait3A_66 : memref<1x1x100xi32, #tpu.memory_space<hbm>> -> memref<100xi32, #tpu.memory_space<hbm>>
    tpu.wait_dma2 semaphore(%arg20 : memref<!tpu.dma_semaphore, #tpu.memory_space<semaphore_mem>>) src(%dma_wait3A_67 : memref<100xi32, #tpu.memory_space<hbm>>) dst(%arg10 : memref<100xi32, #tpu.memory_space<vmem>>)
    %dma_start3A_68 = arith.constant 0 : i32
    %dma_start3A_69 = arith.constant 0 : i32
    %dma_start3A_70 = tpu.memref_slice %arg2[%dma_start3A_68, %dma_start3A_69] : memref<10240x128xf32, #tpu.memory_space<hbm>> -> memref<10240x128xf32, #tpu.memory_space<hbm>>
    tpu.enqueue_indirect_dma source(%dma_start3A_70 : memref<10240x128xf32, #tpu.memory_space<hbm>>) target(%arg14 : memref<100x128xf32, #tpu.memory_space<vmem>>) offsets(%arg6 : memref<100xi32, #tpu.memory_space<vmem>>) semaphore(%arg18 : memref<!tpu.dma_semaphore, #tpu.memory_space<semaphore_mem>>)
    %add3A_71 = arith.constant 1 : i32
    %add3A_72 = arith.addi %mul3A_2, %add3A_71 : i32
    %dma_wait3A_73 = arith.constant 0 : i32
    %dma_wait3A_74 = arith.constant 0 : i32
    %dma_wait3A_75 = tpu.memref_slice %arg3[%add3A_72, %dma_wait3A_73, %dma_wait3A_74] : memref<3200x1x100xi32, #tpu.memory_space<hbm>> -> memref<1x1x100xi32, #tpu.memory_space<hbm>>
    %dma_wait3A_76 = tpu.memref_squeeze %dma_wait3A_75 : memref<1x1x100xi32, #tpu.memory_space<hbm>> -> memref<100xi32, #tpu.memory_space<hbm>>
    %dma_wait3A_77 = arith.constant 0 : i32
    %dma_wait3A_78 = tpu.memref_slice %arg3[%add3A_72, %dma_wait3A_73, %dma_wait3A_77] : memref<3200x1x100xi32, #tpu.memory_space<hbm>> -> memref<1x1x100xi32, #tpu.memory_space<hbm>>
    %dma_wait3A_79 = tpu.memref_squeeze %dma_wait3A_78 : memref<1x1x100xi32, #tpu.memory_space<hbm>> -> memref<100xi32, #tpu.memory_space<hbm>>
    tpu.wait_dma2 semaphore(%arg21 : memref<!tpu.dma_semaphore, #tpu.memory_space<semaphore_mem>>) src(%dma_wait3A_79 : memref<100xi32, #tpu.memory_space<hbm>>) dst(%arg7 : memref<100xi32, #tpu.memory_space<vmem>>)
    %add3A_80 = arith.constant 1 : i32
    %add3A_81 = arith.addi %mul3A_2, %add3A_80 : i32
    %dma_wait3A_82 = arith.constant 0 : i32
    %dma_wait3A_83 = arith.constant 0 : i32
    %dma_wait3A_84 = tpu.memref_slice %arg4[%add3A_81, %dma_wait3A_82, %dma_wait3A_83] : memref<3200x1x100xi32, #tpu.memory_space<hbm>> -> memref<1x1x100xi32, #tpu.memory_space<hbm>>
    %dma_wait3A_85 = tpu.memref_squeeze %dma_wait3A_84 : memref<1x1x100xi32, #tpu.memory_space<hbm>> -> memref<100xi32, #tpu.memory_space<hbm>>
    %dma_wait3A_86 = arith.constant 0 : i32
    %dma_wait3A_87 = tpu.memref_slice %arg4[%add3A_81, %dma_wait3A_82, %dma_wait3A_86] : memref<3200x1x100xi32, #tpu.memory_space<hbm>> -> memref<1x1x100xi32, #tpu.memory_space<hbm>>
    %dma_wait3A_88 = tpu.memref_squeeze %dma_wait3A_87 : memref<1x1x100xi32, #tpu.memory_space<hbm>> -> memref<100xi32, #tpu.memory_space<hbm>>
    tpu.wait_dma2 semaphore(%arg21 : memref<!tpu.dma_semaphore, #tpu.memory_space<semaphore_mem>>) src(%dma_wait3A_88 : memref<100xi32, #tpu.memory_space<hbm>>) dst(%arg11 : memref<100xi32, #tpu.memory_space<vmem>>)
    %dma_start3A_89 = arith.constant 0 : i32
    %dma_start3A_90 = arith.constant 0 : i32
    %dma_start3A_91 = tpu.memref_slice %arg2[%dma_start3A_89, %dma_start3A_90] : memref<10240x128xf32, #tpu.memory_space<hbm>> -> memref<10240x128xf32, #tpu.memory_space<hbm>>
    tpu.enqueue_indirect_dma source(%dma_start3A_91 : memref<10240x128xf32, #tpu.memory_space<hbm>>) target(%arg15 : memref<100x128xf32, #tpu.memory_space<vmem>>) offsets(%arg7 : memref<100xi32, #tpu.memory_space<vmem>>) semaphore(%arg19 : memref<!tpu.dma_semaphore, #tpu.memory_space<semaphore_mem>>)
    %scan3A_92 = arith.constant 0 : i32
    %scan3A_93 = arith.constant 0 : i32
    %scan3A_94 = arith.constant 24 : i32
    %scan3A_95 = arith.addi %scan3A_93, %scan3A_94 : i32
    %scan3A_96 = arith.constant 1 : i32
    %scan3A_97 = scf.for %scan3A_197 = %scan3A_93 to %scan3A_95 step %scan3A_96 iter_args(%scan3A_198 = %scan3A_92) -> (i32)  : i32 {
      %mul3A_199 = arith.constant 4 : i32
      %mul3A_200 = arith.muli %mul3A_199, %scan3A_197 : i32
      %add3A_201 = arith.constant 0 : i32
      %add3A_202 = arith.addi %mul3A_200, %add3A_201 : i32
      %add3A_203 = arith.constant 2 : i32
      %add3A_204 = arith.addi %add3A_202, %add3A_203 : i32
      %add3A_205 = arith.addi %mul3A_2, %add3A_204 : i32
      %dma_start3A_206 = arith.constant 0 : i32
      %dma_start3A_207 = arith.constant 0 : i32
      %dma_start3A_208 = tpu.memref_slice %arg3[%add3A_205, %dma_start3A_206, %dma_start3A_207] : memref<3200x1x100xi32, #tpu.memory_space<hbm>> -> memref<1x1x100xi32, #tpu.memory_space<hbm>>
      %dma_start3A_209 = tpu.memref_squeeze %dma_start3A_208 : memref<1x1x100xi32, #tpu.memory_space<hbm>> -> memref<100xi32, #tpu.memory_space<hbm>>
      %dma_start3A_210 = arith.constant 0 : i32
      %dma_start3A_211 = tpu.memref_slice %arg3[%add3A_205, %dma_start3A_206, %dma_start3A_210] : memref<3200x1x100xi32, #tpu.memory_space<hbm>> -> memref<1x1x100xi32, #tpu.memory_space<hbm>>
      %dma_start3A_212 = tpu.memref_squeeze %dma_start3A_211 : memref<1x1x100xi32, #tpu.memory_space<hbm>> -> memref<100xi32, #tpu.memory_space<hbm>>
      tpu.enqueue_dma source(%dma_start3A_212 : memref<100xi32, #tpu.memory_space<hbm>>) target(%arg8 : memref<100xi32, #tpu.memory_space<vmem>>) target_semaphore(%arg22 : memref<!tpu.dma_semaphore, #tpu.memory_space<semaphore_mem>>)
      %add3A_213 = arith.addi %mul3A_2, %add3A_204 : i32
      %dma_start3A_214 = arith.constant 0 : i32
      %dma_start3A_215 = arith.constant 0 : i32
      %dma_start3A_216 = tpu.memref_slice %arg4[%add3A_213, %dma_start3A_214, %dma_start3A_215] : memref<3200x1x100xi32, #tpu.memory_space<hbm>> -> memref<1x1x100xi32, #tpu.memory_space<hbm>>
      %dma_start3A_217 = tpu.memref_squeeze %dma_start3A_216 : memref<1x1x100xi32, #tpu.memory_space<hbm>> -> memref<100xi32, #tpu.memory_space<hbm>>
      %dma_start3A_218 = arith.constant 0 : i32
      %dma_start3A_219 = tpu.memref_slice %arg4[%add3A_213, %dma_start3A_214, %dma_start3A_218] : memref<3200x1x100xi32, #tpu.memory_space<hbm>> -> memref<1x1x100xi32, #tpu.memory_space<hbm>>
      %dma_start3A_220 = tpu.memref_squeeze %dma_start3A_219 : memref<1x1x100xi32, #tpu.memory_space<hbm>> -> memref<100xi32, #tpu.memory_space<hbm>>
      tpu.enqueue_dma source(%dma_start3A_220 : memref<100xi32, #tpu.memory_space<hbm>>) target(%arg12 : memref<100xi32, #tpu.memory_space<vmem>>) target_semaphore(%arg22 : memref<!tpu.dma_semaphore, #tpu.memory_space<semaphore_mem>>)
      %dma_wait3A_221 = arith.constant 0 : i32
      %dma_wait3A_222 = arith.constant 0 : i32
      %dma_wait3A_223 = tpu.memref_slice %arg2[%dma_wait3A_221, %dma_wait3A_222] : memref<10240x128xf32, #tpu.memory_space<hbm>> -> memref<10240x128xf32, #tpu.memory_space<hbm>>
      tpu.wait_indirect_dma semaphore(%arg18 : memref<!tpu.dma_semaphore, #tpu.memory_space<semaphore_mem>>) src(%dma_wait3A_223 : memref<10240x128xf32, #tpu.memory_space<hbm>>) dst(%arg14 : memref<100x128xf32, #tpu.memory_space<vmem>>)
      %add3A_224 = arith.constant 2 : i32
      %add3A_225 = arith.addi %add3A_202, %add3A_224 : i32
      %add3A_226 = arith.addi %mul3A_2, %add3A_225 : i32
      %dma_wait3A_227 = arith.constant 0 : i32
      %dma_wait3A_228 = arith.constant 0 : i32
      %dma_wait3A_229 = tpu.memref_slice %arg3[%add3A_226, %dma_wait3A_227, %dma_wait3A_228] : memref<3200x1x100xi32, #tpu.memory_space<hbm>> -> memref<1x1x100xi32, #tpu.memory_space<hbm>>
      %dma_wait3A_230 = tpu.memref_squeeze %dma_wait3A_229 : memref<1x1x100xi32, #tpu.memory_space<hbm>> -> memref<100xi32, #tpu.memory_space<hbm>>
      %dma_wait3A_231 = arith.constant 0 : i32
      %dma_wait3A_232 = tpu.memref_slice %arg3[%add3A_226, %dma_wait3A_227, %dma_wait3A_231] : memref<3200x1x100xi32, #tpu.memory_space<hbm>> -> memref<1x1x100xi32, #tpu.memory_space<hbm>>
      %dma_wait3A_233 = tpu.memref_squeeze %dma_wait3A_232 : memref<1x1x100xi32, #tpu.memory_space<hbm>> -> memref<100xi32, #tpu.memory_space<hbm>>
      tpu.wait_dma2 semaphore(%arg22 : memref<!tpu.dma_semaphore, #tpu.memory_space<semaphore_mem>>) src(%dma_wait3A_233 : memref<100xi32, #tpu.memory_space<hbm>>) dst(%arg8 : memref<100xi32, #tpu.memory_space<vmem>>)
      %add3A_234 = arith.addi %mul3A_2, %add3A_225 : i32
      %dma_wait3A_235 = arith.constant 0 : i32
      %dma_wait3A_236 = arith.constant 0 : i32
      %dma_wait3A_237 = tpu.memref_slice %arg4[%add3A_234, %dma_wait3A_235, %dma_wait3A_236] : memref<3200x1x100xi32, #tpu.memory_space<hbm>> -> memref<1x1x100xi32, #tpu.memory_space<hbm>>
      %dma_wait3A_238 = tpu.memref_squeeze %dma_wait3A_237 : memref<1x1x100xi32, #tpu.memory_space<hbm>> -> memref<100xi32, #tpu.memory_space<hbm>>
      %dma_wait3A_239 = arith.constant 0 : i32
      %dma_wait3A_240 = tpu.memref_slice %arg4[%add3A_234, %dma_wait3A_235, %dma_wait3A_239] : memref<3200x1x100xi32, #tpu.memory_space<hbm>> -> memref<1x1x100xi32, #tpu.memory_space<hbm>>
      %dma_wait3A_241 = tpu.memref_squeeze %dma_wait3A_240 : memref<1x1x100xi32, #tpu.memory_space<hbm>> -> memref<100xi32, #tpu.memory_space<hbm>>
      tpu.wait_dma2 semaphore(%arg22 : memref<!tpu.dma_semaphore, #tpu.memory_space<semaphore_mem>>) src(%dma_wait3A_241 : memref<100xi32, #tpu.memory_space<hbm>>) dst(%arg12 : memref<100xi32, #tpu.memory_space<vmem>>)
      "tpu.region"() ({
        %run_scoped3A = tpu.sem_alloc : memref<!tpu.dma_semaphore, #tpu.memory_space<semaphore_mem>>
        %dma_start3A_378 = arith.constant 0 : i32
        %dma_start3A_379 = arith.constant 0 : i32
        %dma_start3A_380 = tpu.memref_slice %arg17[%dma_start3A_378, %dma_start3A_379] : memref<10240x128xf32, #tpu.memory_space<vmem_shared>> -> memref<10240x128xf32, #tpu.memory_space<vmem_shared>>
        tpu.enqueue_indirect_dma source(%arg14 : memref<100x128xf32, #tpu.memory_space<vmem>>) target(%dma_start3A_380 : memref<10240x128xf32, #tpu.memory_space<vmem_shared>>) offsets(%arg10 : memref<100xi32, #tpu.memory_space<vmem>>) semaphore(%run_scoped3A : memref<!tpu.dma_semaphore, #tpu.memory_space<semaphore_mem>>) {add = true}
        %dma_wait3A_381 = arith.constant 0 : i32
        %dma_wait3A_382 = arith.constant 0 : i32
        %dma_wait3A_383 = tpu.memref_slice %arg17[%dma_wait3A_381, %dma_wait3A_382] : memref<10240x128xf32, #tpu.memory_space<vmem_shared>> -> memref<10240x128xf32, #tpu.memory_space<vmem_shared>>
        tpu.wait_indirect_dma semaphore(%run_scoped3A : memref<!tpu.dma_semaphore, #tpu.memory_space<semaphore_mem>>) src(%arg14 : memref<100x128xf32, #tpu.memory_space<vmem>>) dst(%dma_wait3A_383 : memref<10240x128xf32, #tpu.memory_space<vmem_shared>>)
        tpu.yield
      }) : () -> ()
      %dma_start3A_242 = arith.constant 0 : i32
      %dma_start3A_243 = arith.constant 0 : i32
      %dma_start3A_244 = tpu.memref_slice %arg2[%dma_start3A_242, %dma_start3A_243] : memref<10240x128xf32, #tpu.memory_space<hbm>> -> memref<10240x128xf32, #tpu.memory_space<hbm>>
      tpu.enqueue_indirect_dma source(%dma_start3A_244 : memref<10240x128xf32, #tpu.memory_space<hbm>>) target(%arg14 : memref<100x128xf32, #tpu.memory_space<vmem>>) offsets(%arg8 : memref<100xi32, #tpu.memory_space<vmem>>) semaphore(%arg18 : memref<!tpu.dma_semaphore, #tpu.memory_space<semaphore_mem>>)
      %add3A_245 = arith.constant 1 : i32
      %add3A_246 = arith.addi %mul3A_200, %add3A_245 : i32
      %add3A_247 = arith.constant 2 : i32
      %add3A_248 = arith.addi %add3A_246, %add3A_247 : i32
      %add3A_249 = arith.addi %mul3A_2, %add3A_248 : i32
      %dma_start3A_250 = arith.constant 0 : i32
      %dma_start3A_251 = arith.constant 0 : i32
      %dma_start3A_252 = tpu.memref_slice %arg3[%add3A_249, %dma_start3A_250, %dma_start3A_251] : memref<3200x1x100xi32, #tpu.memory_space<hbm>> -> memref<1x1x100xi32, #tpu.memory_space<hbm>>
      %dma_start3A_253 = tpu.memref_squeeze %dma_start3A_252 : memref<1x1x100xi32, #tpu.memory_space<hbm>> -> memref<100xi32, #tpu.memory_space<hbm>>
      %dma_start3A_254 = arith.constant 0 : i32
      %dma_start3A_255 = tpu.memref_slice %arg3[%add3A_249, %dma_start3A_250, %dma_start3A_254] : memref<3200x1x100xi32, #tpu.memory_space<hbm>> -> memref<1x1x100xi32, #tpu.memory_space<hbm>>
      %dma_start3A_256 = tpu.memref_squeeze %dma_start3A_255 : memref<1x1x100xi32, #tpu.memory_space<hbm>> -> memref<100xi32, #tpu.memory_space<hbm>>
      tpu.enqueue_dma source(%dma_start3A_256 : memref<100xi32, #tpu.memory_space<hbm>>) target(%arg9 : memref<100xi32, #tpu.memory_space<vmem>>) target_semaphore(%arg23 : memref<!tpu.dma_semaphore, #tpu.memory_space<semaphore_mem>>)
      %add3A_257 = arith.addi %mul3A_2, %add3A_248 : i32
      %dma_start3A_258 = arith.constant 0 : i32
      %dma_start3A_259 = arith.constant 0 : i32
      %dma_start3A_260 = tpu.memref_slice %arg4[%add3A_257, %dma_start3A_258, %dma_start3A_259] : memref<3200x1x100xi32, #tpu.memory_space<hbm>> -> memref<1x1x100xi32, #tpu.memory_space<hbm>>
      %dma_start3A_261 = tpu.memref_squeeze %dma_start3A_260 : memref<1x1x100xi32, #tpu.memory_space<hbm>> -> memref<100xi32, #tpu.memory_space<hbm>>
      %dma_start3A_262 = arith.constant 0 : i32
      %dma_start3A_263 = tpu.memref_slice %arg4[%add3A_257, %dma_start3A_258, %dma_start3A_262] : memref<3200x1x100xi32, #tpu.memory_space<hbm>> -> memref<1x1x100xi32, #tpu.memory_space<hbm>>
      %dma_start3A_264 = tpu.memref_squeeze %dma_start3A_263 : memref<1x1x100xi32, #tpu.memory_space<hbm>> -> memref<100xi32, #tpu.memory_space<hbm>>
      tpu.enqueue_dma source(%dma_start3A_264 : memref<100xi32, #tpu.memory_space<hbm>>) target(%arg13 : memref<100xi32, #tpu.memory_space<vmem>>) target_semaphore(%arg23 : memref<!tpu.dma_semaphore, #tpu.memory_space<semaphore_mem>>)
      %dma_wait3A_265 = arith.constant 0 : i32
      %dma_wait3A_266 = arith.constant 0 : i32
      %dma_wait3A_267 = tpu.memref_slice %arg2[%dma_wait3A_265, %dma_wait3A_266] : memref<10240x128xf32, #tpu.memory_space<hbm>> -> memref<10240x128xf32, #tpu.memory_space<hbm>>
      tpu.wait_indirect_dma semaphore(%arg19 : memref<!tpu.dma_semaphore, #tpu.memory_space<semaphore_mem>>) src(%dma_wait3A_267 : memref<10240x128xf32, #tpu.memory_space<hbm>>) dst(%arg15 : memref<100x128xf32, #tpu.memory_space<vmem>>)
      %add3A_268 = arith.constant 2 : i32
      %add3A_269 = arith.addi %add3A_246, %add3A_268 : i32
      %add3A_270 = arith.addi %mul3A_2, %add3A_269 : i32
      %dma_wait3A_271 = arith.constant 0 : i32
      %dma_wait3A_272 = arith.constant 0 : i32
      %dma_wait3A_273 = tpu.memref_slice %arg3[%add3A_270, %dma_wait3A_271, %dma_wait3A_272] : memref<3200x1x100xi32, #tpu.memory_space<hbm>> -> memref<1x1x100xi32, #tpu.memory_space<hbm>>
      %dma_wait3A_274 = tpu.memref_squeeze %dma_wait3A_273 : memref<1x1x100xi32, #tpu.memory_space<hbm>> -> memref<100xi32, #tpu.memory_space<hbm>>
      %dma_wait3A_275 = arith.constant 0 : i32
      %dma_wait3A_276 = tpu.memref_slice %arg3[%add3A_270, %dma_wait3A_271, %dma_wait3A_275] : memref<3200x1x100xi32, #tpu.memory_space<hbm>> -> memref<1x1x100xi32, #tpu.memory_space<hbm>>
      %dma_wait3A_277 = tpu.memref_squeeze %dma_wait3A_276 : memref<1x1x100xi32, #tpu.memory_space<hbm>> -> memref<100xi32, #tpu.memory_space<hbm>>
      tpu.wait_dma2 semaphore(%arg23 : memref<!tpu.dma_semaphore, #tpu.memory_space<semaphore_mem>>) src(%dma_wait3A_277 : memref<100xi32, #tpu.memory_space<hbm>>) dst(%arg9 : memref<100xi32, #tpu.memory_space<vmem>>)
      %add3A_278 = arith.addi %mul3A_2, %add3A_269 : i32
      %dma_wait3A_279 = arith.constant 0 : i32
      %dma_wait3A_280 = arith.constant 0 : i32
      %dma_wait3A_281 = tpu.memref_slice %arg4[%add3A_278, %dma_wait3A_279, %dma_wait3A_280] : memref<3200x1x100xi32, #tpu.memory_space<hbm>> -> memref<1x1x100xi32, #tpu.memory_space<hbm>>
      %dma_wait3A_282 = tpu.memref_squeeze %dma_wait3A_281 : memref<1x1x100xi32, #tpu.memory_space<hbm>> -> memref<100xi32, #tpu.memory_space<hbm>>
      %dma_wait3A_283 = arith.constant 0 : i32
      %dma_wait3A_284 = tpu.memref_slice %arg4[%add3A_278, %dma_wait3A_279, %dma_wait3A_283] : memref<3200x1x100xi32, #tpu.memory_space<hbm>> -> memref<1x1x100xi32, #tpu.memory_space<hbm>>
      %dma_wait3A_285 = tpu.memref_squeeze %dma_wait3A_284 : memref<1x1x100xi32, #tpu.memory_space<hbm>> -> memref<100xi32, #tpu.memory_space<hbm>>
      tpu.wait_dma2 semaphore(%arg23 : memref<!tpu.dma_semaphore, #tpu.memory_space<semaphore_mem>>) src(%dma_wait3A_285 : memref<100xi32, #tpu.memory_space<hbm>>) dst(%arg13 : memref<100xi32, #tpu.memory_space<vmem>>)
      "tpu.region"() ({
        %run_scoped3A = tpu.sem_alloc : memref<!tpu.dma_semaphore, #tpu.memory_space<semaphore_mem>>
        %dma_start3A_378 = arith.constant 0 : i32
        %dma_start3A_379 = arith.constant 0 : i32
        %dma_start3A_380 = tpu.memref_slice %arg17[%dma_start3A_378, %dma_start3A_379] : memref<10240x128xf32, #tpu.memory_space<vmem_shared>> -> memref<10240x128xf32, #tpu.memory_space<vmem_shared>>
        tpu.enqueue_indirect_dma source(%arg15 : memref<100x128xf32, #tpu.memory_space<vmem>>) target(%dma_start3A_380 : memref<10240x128xf32, #tpu.memory_space<vmem_shared>>) offsets(%arg11 : memref<100xi32, #tpu.memory_space<vmem>>) semaphore(%run_scoped3A : memref<!tpu.dma_semaphore, #tpu.memory_space<semaphore_mem>>) {add = true}
        %dma_wait3A_381 = arith.constant 0 : i32
        %dma_wait3A_382 = arith.constant 0 : i32
        %dma_wait3A_383 = tpu.memref_slice %arg17[%dma_wait3A_381, %dma_wait3A_382] : memref<10240x128xf32, #tpu.memory_space<vmem_shared>> -> memref<10240x128xf32, #tpu.memory_space<vmem_shared>>
        tpu.wait_indirect_dma semaphore(%run_scoped3A : memref<!tpu.dma_semaphore, #tpu.memory_space<semaphore_mem>>) src(%arg15 : memref<100x128xf32, #tpu.memory_space<vmem>>) dst(%dma_wait3A_383 : memref<10240x128xf32, #tpu.memory_space<vmem_shared>>)
        tpu.yield
      }) : () -> ()
      %dma_start3A_286 = arith.constant 0 : i32
      %dma_start3A_287 = arith.constant 0 : i32
      %dma_start3A_288 = tpu.memref_slice %arg2[%dma_start3A_286, %dma_start3A_287] : memref<10240x128xf32, #tpu.memory_space<hbm>> -> memref<10240x128xf32, #tpu.memory_space<hbm>>
      tpu.enqueue_indirect_dma source(%dma_start3A_288 : memref<10240x128xf32, #tpu.memory_space<hbm>>) target(%arg15 : memref<100x128xf32, #tpu.memory_space<vmem>>) offsets(%arg9 : memref<100xi32, #tpu.memory_space<vmem>>) semaphore(%arg19 : memref<!tpu.dma_semaphore, #tpu.memory_space<semaphore_mem>>)
      %add3A_289 = arith.constant 2 : i32
      %add3A_290 = arith.addi %mul3A_200, %add3A_289 : i32
      %add3A_291 = arith.constant 2 : i32
      %add3A_292 = arith.addi %add3A_290, %add3A_291 : i32
      %add3A_293 = arith.addi %mul3A_2, %add3A_292 : i32
      %dma_start3A_294 = arith.constant 0 : i32
      %dma_start3A_295 = arith.constant 0 : i32
      %dma_start3A_296 = tpu.memref_slice %arg3[%add3A_293, %dma_start3A_294, %dma_start3A_295] : memref<3200x1x100xi32, #tpu.memory_space<hbm>> -> memref<1x1x100xi32, #tpu.memory_space<hbm>>
      %dma_start3A_297 = tpu.memref_squeeze %dma_start3A_296 : memref<1x1x100xi32, #tpu.memory_space<hbm>> -> memref<100xi32, #tpu.memory_space<hbm>>
      %dma_start3A_298 = arith.constant 0 : i32
      %dma_start3A_299 = tpu.memref_slice %arg3[%add3A_293, %dma_start3A_294, %dma_start3A_298] : memref<3200x1x100xi32, #tpu.memory_space<hbm>> -> memref<1x1x100xi32, #tpu.memory_space<hbm>>
      %dma_start3A_300 = tpu.memref_squeeze %dma_start3A_299 : memref<1x1x100xi32, #tpu.memory_space<hbm>> -> memref<100xi32, #tpu.memory_space<hbm>>
      tpu.enqueue_dma source(%dma_start3A_300 : memref<100xi32, #tpu.memory_space<hbm>>) target(%arg6 : memref<100xi32, #tpu.memory_space<vmem>>) target_semaphore(%arg20 : memref<!tpu.dma_semaphore, #tpu.memory_space<semaphore_mem>>)
      %add3A_301 = arith.addi %mul3A_2, %add3A_292 : i32
      %dma_start3A_302 = arith.constant 0 : i32
      %dma_start3A_303 = arith.constant 0 : i32
      %dma_start3A_304 = tpu.memref_slice %arg4[%add3A_301, %dma_start3A_302, %dma_start3A_303] : memref<3200x1x100xi32, #tpu.memory_space<hbm>> -> memref<1x1x100xi32, #tpu.memory_space<hbm>>
      %dma_start3A_305 = tpu.memref_squeeze %dma_start3A_304 : memref<1x1x100xi32, #tpu.memory_space<hbm>> -> memref<100xi32, #tpu.memory_space<hbm>>
      %dma_start3A_306 = arith.constant 0 : i32
      %dma_start3A_307 = tpu.memref_slice %arg4[%add3A_301, %dma_start3A_302, %dma_start3A_306] : memref<3200x1x100xi32, #tpu.memory_space<hbm>> -> memref<1x1x100xi32, #tpu.memory_space<hbm>>
      %dma_start3A_308 = tpu.memref_squeeze %dma_start3A_307 : memref<1x1x100xi32, #tpu.memory_space<hbm>> -> memref<100xi32, #tpu.memory_space<hbm>>
      tpu.enqueue_dma source(%dma_start3A_308 : memref<100xi32, #tpu.memory_space<hbm>>) target(%arg10 : memref<100xi32, #tpu.memory_space<vmem>>) target_semaphore(%arg20 : memref<!tpu.dma_semaphore, #tpu.memory_space<semaphore_mem>>)
      %dma_wait3A_309 = arith.constant 0 : i32
      %dma_wait3A_310 = arith.constant 0 : i32
      %dma_wait3A_311 = tpu.memref_slice %arg2[%dma_wait3A_309, %dma_wait3A_310] : memref<10240x128xf32, #tpu.memory_space<hbm>> -> memref<10240x128xf32, #tpu.memory_space<hbm>>
      tpu.wait_indirect_dma semaphore(%arg18 : memref<!tpu.dma_semaphore, #tpu.memory_space<semaphore_mem>>) src(%dma_wait3A_311 : memref<10240x128xf32, #tpu.memory_space<hbm>>) dst(%arg14 : memref<100x128xf32, #tpu.memory_space<vmem>>)
      %add3A_312 = arith.constant 2 : i32
      %add3A_313 = arith.addi %add3A_290, %add3A_312 : i32
      %add3A_314 = arith.addi %mul3A_2, %add3A_313 : i32
      %dma_wait3A_315 = arith.constant 0 : i32
      %dma_wait3A_316 = arith.constant 0 : i32
      %dma_wait3A_317 = tpu.memref_slice %arg3[%add3A_314, %dma_wait3A_315, %dma_wait3A_316] : memref<3200x1x100xi32, #tpu.memory_space<hbm>> -> memref<1x1x100xi32, #tpu.memory_space<hbm>>
      %dma_wait3A_318 = tpu.memref_squeeze %dma_wait3A_317 : memref<1x1x100xi32, #tpu.memory_space<hbm>> -> memref<100xi32, #tpu.memory_space<hbm>>
      %dma_wait3A_319 = arith.constant 0 : i32
      %dma_wait3A_320 = tpu.memref_slice %arg3[%add3A_314, %dma_wait3A_315, %dma_wait3A_319] : memref<3200x1x100xi32, #tpu.memory_space<hbm>> -> memref<1x1x100xi32, #tpu.memory_space<hbm>>
      %dma_wait3A_321 = tpu.memref_squeeze %dma_wait3A_320 : memref<1x1x100xi32, #tpu.memory_space<hbm>> -> memref<100xi32, #tpu.memory_space<hbm>>
      tpu.wait_dma2 semaphore(%arg20 : memref<!tpu.dma_semaphore, #tpu.memory_space<semaphore_mem>>) src(%dma_wait3A_321 : memref<100xi32, #tpu.memory_space<hbm>>) dst(%arg6 : memref<100xi32, #tpu.memory_space<vmem>>)
      %add3A_322 = arith.addi %mul3A_2, %add3A_313 : i32
      %dma_wait3A_323 = arith.constant 0 : i32
      %dma_wait3A_324 = arith.constant 0 : i32
      %dma_wait3A_325 = tpu.memref_slice %arg4[%add3A_322, %dma_wait3A_323, %dma_wait3A_324] : memref<3200x1x100xi32, #tpu.memory_space<hbm>> -> memref<1x1x100xi32, #tpu.memory_space<hbm>>
      %dma_wait3A_326 = tpu.memref_squeeze %dma_wait3A_325 : memref<1x1x100xi32, #tpu.memory_space<hbm>> -> memref<100xi32, #tpu.memory_space<hbm>>
      %dma_wait3A_327 = arith.constant 0 : i32
      %dma_wait3A_328 = tpu.memref_slice %arg4[%add3A_322, %dma_wait3A_323, %dma_wait3A_327] : memref<3200x1x100xi32, #tpu.memory_space<hbm>> -> memref<1x1x100xi32, #tpu.memory_space<hbm>>
      %dma_wait3A_329 = tpu.memref_squeeze %dma_wait3A_328 : memref<1x1x100xi32, #tpu.memory_space<hbm>> -> memref<100xi32, #tpu.memory_space<hbm>>
      tpu.wait_dma2 semaphore(%arg20 : memref<!tpu.dma_semaphore, #tpu.memory_space<semaphore_mem>>) src(%dma_wait3A_329 : memref<100xi32, #tpu.memory_space<hbm>>) dst(%arg10 : memref<100xi32, #tpu.memory_space<vmem>>)
      "tpu.region"() ({
        %run_scoped3A = tpu.sem_alloc : memref<!tpu.dma_semaphore, #tpu.memory_space<semaphore_mem>>
        %dma_start3A_378 = arith.constant 0 : i32
        %dma_start3A_379 = arith.constant 0 : i32
        %dma_start3A_380 = tpu.memref_slice %arg17[%dma_start3A_378, %dma_start3A_379] : memref<10240x128xf32, #tpu.memory_space<vmem_shared>> -> memref<10240x128xf32, #tpu.memory_space<vmem_shared>>
        tpu.enqueue_indirect_dma source(%arg14 : memref<100x128xf32, #tpu.memory_space<vmem>>) target(%dma_start3A_380 : memref<10240x128xf32, #tpu.memory_space<vmem_shared>>) offsets(%arg12 : memref<100xi32, #tpu.memory_space<vmem>>) semaphore(%run_scoped3A : memref<!tpu.dma_semaphore, #tpu.memory_space<semaphore_mem>>) {add = true}
        %dma_wait3A_381 = arith.constant 0 : i32
        %dma_wait3A_382 = arith.constant 0 : i32
        %dma_wait3A_383 = tpu.memref_slice %arg17[%dma_wait3A_381, %dma_wait3A_382] : memref<10240x128xf32, #tpu.memory_space<vmem_shared>> -> memref<10240x128xf32, #tpu.memory_space<vmem_shared>>
        tpu.wait_indirect_dma semaphore(%run_scoped3A : memref<!tpu.dma_semaphore, #tpu.memory_space<semaphore_mem>>) src(%arg14 : memref<100x128xf32, #tpu.memory_space<vmem>>) dst(%dma_wait3A_383 : memref<10240x128xf32, #tpu.memory_space<vmem_shared>>)
        tpu.yield
      }) : () -> ()
      %dma_start3A_330 = arith.constant 0 : i32
      %dma_start3A_331 = arith.constant 0 : i32
      %dma_start3A_332 = tpu.memref_slice %arg2[%dma_start3A_330, %dma_start3A_331] : memref<10240x128xf32, #tpu.memory_space<hbm>> -> memref<10240x128xf32, #tpu.memory_space<hbm>>
      tpu.enqueue_indirect_dma source(%dma_start3A_332 : memref<10240x128xf32, #tpu.memory_space<hbm>>) target(%arg14 : memref<100x128xf32, #tpu.memory_space<vmem>>) offsets(%arg6 : memref<100xi32, #tpu.memory_space<vmem>>) semaphore(%arg18 : memref<!tpu.dma_semaphore, #tpu.memory_space<semaphore_mem>>)
      %add3A_333 = arith.constant 3 : i32
      %add3A_334 = arith.addi %mul3A_200, %add3A_333 : i32
      %add3A_335 = arith.constant 2 : i32
      %add3A_336 = arith.addi %add3A_334, %add3A_335 : i32
      %add3A_337 = arith.addi %mul3A_2, %add3A_336 : i32
      %dma_start3A_338 = arith.constant 0 : i32
      %dma_start3A_339 = arith.constant 0 : i32
      %dma_start3A_340 = tpu.memref_slice %arg3[%add3A_337, %dma_start3A_338, %dma_start3A_339] : memref<3200x1x100xi32, #tpu.memory_space<hbm>> -> memref<1x1x100xi32, #tpu.memory_space<hbm>>
      %dma_start3A_341 = tpu.memref_squeeze %dma_start3A_340 : memref<1x1x100xi32, #tpu.memory_space<hbm>> -> memref<100xi32, #tpu.memory_space<hbm>>
      %dma_start3A_342 = arith.constant 0 : i32
      %dma_start3A_343 = tpu.memref_slice %arg3[%add3A_337, %dma_start3A_338, %dma_start3A_342] : memref<3200x1x100xi32, #tpu.memory_space<hbm>> -> memref<1x1x100xi32, #tpu.memory_space<hbm>>
      %dma_start3A_344 = tpu.memref_squeeze %dma_start3A_343 : memref<1x1x100xi32, #tpu.memory_space<hbm>> -> memref<100xi32, #tpu.memory_space<hbm>>
      tpu.enqueue_dma source(%dma_start3A_344 : memref<100xi32, #tpu.memory_space<hbm>>) target(%arg7 : memref<100xi32, #tpu.memory_space<vmem>>) target_semaphore(%arg21 : memref<!tpu.dma_semaphore, #tpu.memory_space<semaphore_mem>>)
      %add3A_345 = arith.addi %mul3A_2, %add3A_336 : i32
      %dma_start3A_346 = arith.constant 0 : i32
      %dma_start3A_347 = arith.constant 0 : i32
      %dma_start3A_348 = tpu.memref_slice %arg4[%add3A_345, %dma_start3A_346, %dma_start3A_347] : memref<3200x1x100xi32, #tpu.memory_space<hbm>> -> memref<1x1x100xi32, #tpu.memory_space<hbm>>
      %dma_start3A_349 = tpu.memref_squeeze %dma_start3A_348 : memref<1x1x100xi32, #tpu.memory_space<hbm>> -> memref<100xi32, #tpu.memory_space<hbm>>
      %dma_start3A_350 = arith.constant 0 : i32
      %dma_start3A_351 = tpu.memref_slice %arg4[%add3A_345, %dma_start3A_346, %dma_start3A_350] : memref<3200x1x100xi32, #tpu.memory_space<hbm>> -> memref<1x1x100xi32, #tpu.memory_space<hbm>>
      %dma_start3A_352 = tpu.memref_squeeze %dma_start3A_351 : memref<1x1x100xi32, #tpu.memory_space<hbm>> -> memref<100xi32, #tpu.memory_space<hbm>>
      tpu.enqueue_dma source(%dma_start3A_352 : memref<100xi32, #tpu.memory_space<hbm>>) target(%arg11 : memref<100xi32, #tpu.memory_space<vmem>>) target_semaphore(%arg21 : memref<!tpu.dma_semaphore, #tpu.memory_space<semaphore_mem>>)
      %dma_wait3A_353 = arith.constant 0 : i32
      %dma_wait3A_354 = arith.constant 0 : i32
      %dma_wait3A_355 = tpu.memref_slice %arg2[%dma_wait3A_353, %dma_wait3A_354] : memref<10240x128xf32, #tpu.memory_space<hbm>> -> memref<10240x128xf32, #tpu.memory_space<hbm>>
      tpu.wait_indirect_dma semaphore(%arg19 : memref<!tpu.dma_semaphore, #tpu.memory_space<semaphore_mem>>) src(%dma_wait3A_355 : memref<10240x128xf32, #tpu.memory_space<hbm>>) dst(%arg15 : memref<100x128xf32, #tpu.memory_space<vmem>>)
      %add3A_356 = arith.constant 2 : i32
      %add3A_357 = arith.addi %add3A_334, %add3A_356 : i32
      %add3A_358 = arith.addi %mul3A_2, %add3A_357 : i32
      %dma_wait3A_359 = arith.constant 0 : i32
      %dma_wait3A_360 = arith.constant 0 : i32
      %dma_wait3A_361 = tpu.memref_slice %arg3[%add3A_358, %dma_wait3A_359, %dma_wait3A_360] : memref<3200x1x100xi32, #tpu.memory_space<hbm>> -> memref<1x1x100xi32, #tpu.memory_space<hbm>>
      %dma_wait3A_362 = tpu.memref_squeeze %dma_wait3A_361 : memref<1x1x100xi32, #tpu.memory_space<hbm>> -> memref<100xi32, #tpu.memory_space<hbm>>
      %dma_wait3A_363 = arith.constant 0 : i32
      %dma_wait3A_364 = tpu.memref_slice %arg3[%add3A_358, %dma_wait3A_359, %dma_wait3A_363] : memref<3200x1x100xi32, #tpu.memory_space<hbm>> -> memref<1x1x100xi32, #tpu.memory_space<hbm>>
      %dma_wait3A_365 = tpu.memref_squeeze %dma_wait3A_364 : memref<1x1x100xi32, #tpu.memory_space<hbm>> -> memref<100xi32, #tpu.memory_space<hbm>>
      tpu.wait_dma2 semaphore(%arg21 : memref<!tpu.dma_semaphore, #tpu.memory_space<semaphore_mem>>) src(%dma_wait3A_365 : memref<100xi32, #tpu.memory_space<hbm>>) dst(%arg7 : memref<100xi32, #tpu.memory_space<vmem>>)
      %add3A_366 = arith.addi %mul3A_2, %add3A_357 : i32
      %dma_wait3A_367 = arith.constant 0 : i32
      %dma_wait3A_368 = arith.constant 0 : i32
      %dma_wait3A_369 = tpu.memref_slice %arg4[%add3A_366, %dma_wait3A_367, %dma_wait3A_368] : memref<3200x1x100xi32, #tpu.memory_space<hbm>> -> memref<1x1x100xi32, #tpu.memory_space<hbm>>
      %dma_wait3A_370 = tpu.memref_squeeze %dma_wait3A_369 : memref<1x1x100xi32, #tpu.memory_space<hbm>> -> memref<100xi32, #tpu.memory_space<hbm>>
      %dma_wait3A_371 = arith.constant 0 : i32
      %dma_wait3A_372 = tpu.memref_slice %arg4[%add3A_366, %dma_wait3A_367, %dma_wait3A_371] : memref<3200x1x100xi32, #tpu.memory_space<hbm>> -> memref<1x1x100xi32, #tpu.memory_space<hbm>>
      %dma_wait3A_373 = tpu.memref_squeeze %dma_wait3A_372 : memref<1x1x100xi32, #tpu.memory_space<hbm>> -> memref<100xi32, #tpu.memory_space<hbm>>
      tpu.wait_dma2 semaphore(%arg21 : memref<!tpu.dma_semaphore, #tpu.memory_space<semaphore_mem>>) src(%dma_wait3A_373 : memref<100xi32, #tpu.memory_space<hbm>>) dst(%arg11 : memref<100xi32, #tpu.memory_space<vmem>>)
      "tpu.region"() ({
        %run_scoped3A = tpu.sem_alloc : memref<!tpu.dma_semaphore, #tpu.memory_space<semaphore_mem>>
        %dma_start3A_378 = arith.constant 0 : i32
        %dma_start3A_379 = arith.constant 0 : i32
        %dma_start3A_380 = tpu.memref_slice %arg17[%dma_start3A_378, %dma_start3A_379] : memref<10240x128xf32, #tpu.memory_space<vmem_shared>> -> memref<10240x128xf32, #tpu.memory_space<vmem_shared>>
        tpu.enqueue_indirect_dma source(%arg15 : memref<100x128xf32, #tpu.memory_space<vmem>>) target(%dma_start3A_380 : memref<10240x128xf32, #tpu.memory_space<vmem_shared>>) offsets(%arg13 : memref<100xi32, #tpu.memory_space<vmem>>) semaphore(%run_scoped3A : memref<!tpu.dma_semaphore, #tpu.memory_space<semaphore_mem>>) {add = true}
        %dma_wait3A_381 = arith.constant 0 : i32
        %dma_wait3A_382 = arith.constant 0 : i32
        %dma_wait3A_383 = tpu.memref_slice %arg17[%dma_wait3A_381, %dma_wait3A_382] : memref<10240x128xf32, #tpu.memory_space<vmem_shared>> -> memref<10240x128xf32, #tpu.memory_space<vmem_shared>>
        tpu.wait_indirect_dma semaphore(%run_scoped3A : memref<!tpu.dma_semaphore, #tpu.memory_space<semaphore_mem>>) src(%arg15 : memref<100x128xf32, #tpu.memory_space<vmem>>) dst(%dma_wait3A_383 : memref<10240x128xf32, #tpu.memory_space<vmem_shared>>)
        tpu.yield
      }) : () -> ()
      %dma_start3A_374 = arith.constant 0 : i32
      %dma_start3A_375 = arith.constant 0 : i32
      %dma_start3A_376 = tpu.memref_slice %arg2[%dma_start3A_374, %dma_start3A_375] : memref<10240x128xf32, #tpu.memory_space<hbm>> -> memref<10240x128xf32, #tpu.memory_space<hbm>>
      tpu.enqueue_indirect_dma source(%dma_start3A_376 : memref<10240x128xf32, #tpu.memory_space<hbm>>) target(%arg15 : memref<100x128xf32, #tpu.memory_space<vmem>>) offsets(%arg7 : memref<100xi32, #tpu.memory_space<vmem>>) semaphore(%arg19 : memref<!tpu.dma_semaphore, #tpu.memory_space<semaphore_mem>>)
      %scan3A_377 = arith.constant 0 : i32
      scf.yield %scan3A_377 : i32
    }
    %scan3A_98 = arith.constant 24 : i32
    %add3A_99 = arith.constant 98 : i32
    %add3A_100 = arith.addi %mul3A_2, %add3A_99 : i32
    %dma_start3A_101 = arith.constant 0 : i32
    %dma_start3A_102 = arith.constant 0 : i32
    %dma_start3A_103 = tpu.memref_slice %arg3[%add3A_100, %dma_start3A_101, %dma_start3A_102] : memref<3200x1x100xi32, #tpu.memory_space<hbm>> -> memref<1x1x100xi32, #tpu.memory_space<hbm>>
    %dma_start3A_104 = tpu.memref_squeeze %dma_start3A_103 : memref<1x1x100xi32, #tpu.memory_space<hbm>> -> memref<100xi32, #tpu.memory_space<hbm>>
    %dma_start3A_105 = arith.constant 0 : i32
    %dma_start3A_106 = tpu.memref_slice %arg3[%add3A_100, %dma_start3A_101, %dma_start3A_105] : memref<3200x1x100xi32, #tpu.memory_space<hbm>> -> memref<1x1x100xi32, #tpu.memory_space<hbm>>
    %dma_start3A_107 = tpu.memref_squeeze %dma_start3A_106 : memref<1x1x100xi32, #tpu.memory_space<hbm>> -> memref<100xi32, #tpu.memory_space<hbm>>
    tpu.enqueue_dma source(%dma_start3A_107 : memref<100xi32, #tpu.memory_space<hbm>>) target(%arg8 : memref<100xi32, #tpu.memory_space<vmem>>) target_semaphore(%arg22 : memref<!tpu.dma_semaphore, #tpu.memory_space<semaphore_mem>>)
    %add3A_108 = arith.constant 98 : i32
    %add3A_109 = arith.addi %mul3A_2, %add3A_108 : i32
    %dma_start3A_110 = arith.constant 0 : i32
    %dma_start3A_111 = arith.constant 0 : i32
    %dma_start3A_112 = tpu.memref_slice %arg4[%add3A_109, %dma_start3A_110, %dma_start3A_111] : memref<3200x1x100xi32, #tpu.memory_space<hbm>> -> memref<1x1x100xi32, #tpu.memory_space<hbm>>
    %dma_start3A_113 = tpu.memref_squeeze %dma_start3A_112 : memref<1x1x100xi32, #tpu.memory_space<hbm>> -> memref<100xi32, #tpu.memory_space<hbm>>
    %dma_start3A_114 = arith.constant 0 : i32
    %dma_start3A_115 = tpu.memref_slice %arg4[%add3A_109, %dma_start3A_110, %dma_start3A_114] : memref<3200x1x100xi32, #tpu.memory_space<hbm>> -> memref<1x1x100xi32, #tpu.memory_space<hbm>>
    %dma_start3A_116 = tpu.memref_squeeze %dma_start3A_115 : memref<1x1x100xi32, #tpu.memory_space<hbm>> -> memref<100xi32, #tpu.memory_space<hbm>>
    tpu.enqueue_dma source(%dma_start3A_116 : memref<100xi32, #tpu.memory_space<hbm>>) target(%arg12 : memref<100xi32, #tpu.memory_space<vmem>>) target_semaphore(%arg22 : memref<!tpu.dma_semaphore, #tpu.memory_space<semaphore_mem>>)
    %dma_wait3A_117 = arith.constant 0 : i32
    %dma_wait3A_118 = arith.constant 0 : i32
    %dma_wait3A_119 = tpu.memref_slice %arg2[%dma_wait3A_117, %dma_wait3A_118] : memref<10240x128xf32, #tpu.memory_space<hbm>> -> memref<10240x128xf32, #tpu.memory_space<hbm>>
    tpu.wait_indirect_dma semaphore(%arg18 : memref<!tpu.dma_semaphore, #tpu.memory_space<semaphore_mem>>) src(%dma_wait3A_119 : memref<10240x128xf32, #tpu.memory_space<hbm>>) dst(%arg14 : memref<100x128xf32, #tpu.memory_space<vmem>>)
    %add3A_120 = arith.constant 98 : i32
    %add3A_121 = arith.addi %mul3A_2, %add3A_120 : i32
    %dma_wait3A_122 = arith.constant 0 : i32
    %dma_wait3A_123 = arith.constant 0 : i32
    %dma_wait3A_124 = tpu.memref_slice %arg3[%add3A_121, %dma_wait3A_122, %dma_wait3A_123] : memref<3200x1x100xi32, #tpu.memory_space<hbm>> -> memref<1x1x100xi32, #tpu.memory_space<hbm>>
    %dma_wait3A_125 = tpu.memref_squeeze %dma_wait3A_124 : memref<1x1x100xi32, #tpu.memory_space<hbm>> -> memref<100xi32, #tpu.memory_space<hbm>>
    %dma_wait3A_126 = arith.constant 0 : i32
    %dma_wait3A_127 = tpu.memref_slice %arg3[%add3A_121, %dma_wait3A_122, %dma_wait3A_126] : memref<3200x1x100xi32, #tpu.memory_space<hbm>> -> memref<1x1x100xi32, #tpu.memory_space<hbm>>
    %dma_wait3A_128 = tpu.memref_squeeze %dma_wait3A_127 : memref<1x1x100xi32, #tpu.memory_space<hbm>> -> memref<100xi32, #tpu.memory_space<hbm>>
    tpu.wait_dma2 semaphore(%arg22 : memref<!tpu.dma_semaphore, #tpu.memory_space<semaphore_mem>>) src(%dma_wait3A_128 : memref<100xi32, #tpu.memory_space<hbm>>) dst(%arg8 : memref<100xi32, #tpu.memory_space<vmem>>)
    %add3A_129 = arith.constant 98 : i32
    %add3A_130 = arith.addi %mul3A_2, %add3A_129 : i32
    %dma_wait3A_131 = arith.constant 0 : i32
    %dma_wait3A_132 = arith.constant 0 : i32
    %dma_wait3A_133 = tpu.memref_slice %arg4[%add3A_130, %dma_wait3A_131, %dma_wait3A_132] : memref<3200x1x100xi32, #tpu.memory_space<hbm>> -> memref<1x1x100xi32, #tpu.memory_space<hbm>>
    %dma_wait3A_134 = tpu.memref_squeeze %dma_wait3A_133 : memref<1x1x100xi32, #tpu.memory_space<hbm>> -> memref<100xi32, #tpu.memory_space<hbm>>
    %dma_wait3A_135 = arith.constant 0 : i32
    %dma_wait3A_136 = tpu.memref_slice %arg4[%add3A_130, %dma_wait3A_131, %dma_wait3A_135] : memref<3200x1x100xi32, #tpu.memory_space<hbm>> -> memref<1x1x100xi32, #tpu.memory_space<hbm>>
    %dma_wait3A_137 = tpu.memref_squeeze %dma_wait3A_136 : memref<1x1x100xi32, #tpu.memory_space<hbm>> -> memref<100xi32, #tpu.memory_space<hbm>>
    tpu.wait_dma2 semaphore(%arg22 : memref<!tpu.dma_semaphore, #tpu.memory_space<semaphore_mem>>) src(%dma_wait3A_137 : memref<100xi32, #tpu.memory_space<hbm>>) dst(%arg12 : memref<100xi32, #tpu.memory_space<vmem>>)
    "tpu.region"() ({
      %run_scoped3A = tpu.sem_alloc : memref<!tpu.dma_semaphore, #tpu.memory_space<semaphore_mem>>
      %dma_start3A_197 = arith.constant 0 : i32
      %dma_start3A_198 = arith.constant 0 : i32
      %dma_start3A_199 = tpu.memref_slice %arg17[%dma_start3A_197, %dma_start3A_198] : memref<10240x128xf32, #tpu.memory_space<vmem_shared>> -> memref<10240x128xf32, #tpu.memory_space<vmem_shared>>
      tpu.enqueue_indirect_dma source(%arg14 : memref<100x128xf32, #tpu.memory_space<vmem>>) target(%dma_start3A_199 : memref<10240x128xf32, #tpu.memory_space<vmem_shared>>) offsets(%arg10 : memref<100xi32, #tpu.memory_space<vmem>>) semaphore(%run_scoped3A : memref<!tpu.dma_semaphore, #tpu.memory_space<semaphore_mem>>) {add = true}
      %dma_wait3A_200 = arith.constant 0 : i32
      %dma_wait3A_201 = arith.constant 0 : i32
      %dma_wait3A_202 = tpu.memref_slice %arg17[%dma_wait3A_200, %dma_wait3A_201] : memref<10240x128xf32, #tpu.memory_space<vmem_shared>> -> memref<10240x128xf32, #tpu.memory_space<vmem_shared>>
      tpu.wait_indirect_dma semaphore(%run_scoped3A : memref<!tpu.dma_semaphore, #tpu.memory_space<semaphore_mem>>) src(%arg14 : memref<100x128xf32, #tpu.memory_space<vmem>>) dst(%dma_wait3A_202 : memref<10240x128xf32, #tpu.memory_space<vmem_shared>>)
      tpu.yield
    }) : () -> ()
    %dma_start3A_138 = arith.constant 0 : i32
    %dma_start3A_139 = arith.constant 0 : i32
    %dma_start3A_140 = tpu.memref_slice %arg2[%dma_start3A_138, %dma_start3A_139] : memref<10240x128xf32, #tpu.memory_space<hbm>> -> memref<10240x128xf32, #tpu.memory_space<hbm>>
    tpu.enqueue_indirect_dma source(%dma_start3A_140 : memref<10240x128xf32, #tpu.memory_space<hbm>>) target(%arg14 : memref<100x128xf32, #tpu.memory_space<vmem>>) offsets(%arg8 : memref<100xi32, #tpu.memory_space<vmem>>) semaphore(%arg18 : memref<!tpu.dma_semaphore, #tpu.memory_space<semaphore_mem>>)
    %add3A_141 = arith.constant 99 : i32
    %add3A_142 = arith.addi %mul3A_2, %add3A_141 : i32
    %dma_start3A_143 = arith.constant 0 : i32
    %dma_start3A_144 = arith.constant 0 : i32
    %dma_start3A_145 = tpu.memref_slice %arg3[%add3A_142, %dma_start3A_143, %dma_start3A_144] : memref<3200x1x100xi32, #tpu.memory_space<hbm>> -> memref<1x1x100xi32, #tpu.memory_space<hbm>>
    %dma_start3A_146 = tpu.memref_squeeze %dma_start3A_145 : memref<1x1x100xi32, #tpu.memory_space<hbm>> -> memref<100xi32, #tpu.memory_space<hbm>>
    %dma_start3A_147 = arith.constant 0 : i32
    %dma_start3A_148 = tpu.memref_slice %arg3[%add3A_142, %dma_start3A_143, %dma_start3A_147] : memref<3200x1x100xi32, #tpu.memory_space<hbm>> -> memref<1x1x100xi32, #tpu.memory_space<hbm>>
    %dma_start3A_149 = tpu.memref_squeeze %dma_start3A_148 : memref<1x1x100xi32, #tpu.memory_space<hbm>> -> memref<100xi32, #tpu.memory_space<hbm>>
    tpu.enqueue_dma source(%dma_start3A_149 : memref<100xi32, #tpu.memory_space<hbm>>) target(%arg9 : memref<100xi32, #tpu.memory_space<vmem>>) target_semaphore(%arg23 : memref<!tpu.dma_semaphore, #tpu.memory_space<semaphore_mem>>)
    %add3A_150 = arith.constant 99 : i32
    %add3A_151 = arith.addi %mul3A_2, %add3A_150 : i32
    %dma_start3A_152 = arith.constant 0 : i32
    %dma_start3A_153 = arith.constant 0 : i32
    %dma_start3A_154 = tpu.memref_slice %arg4[%add3A_151, %dma_start3A_152, %dma_start3A_153] : memref<3200x1x100xi32, #tpu.memory_space<hbm>> -> memref<1x1x100xi32, #tpu.memory_space<hbm>>
    %dma_start3A_155 = tpu.memref_squeeze %dma_start3A_154 : memref<1x1x100xi32, #tpu.memory_space<hbm>> -> memref<100xi32, #tpu.memory_space<hbm>>
    %dma_start3A_156 = arith.constant 0 : i32
    %dma_start3A_157 = tpu.memref_slice %arg4[%add3A_151, %dma_start3A_152, %dma_start3A_156] : memref<3200x1x100xi32, #tpu.memory_space<hbm>> -> memref<1x1x100xi32, #tpu.memory_space<hbm>>
    %dma_start3A_158 = tpu.memref_squeeze %dma_start3A_157 : memref<1x1x100xi32, #tpu.memory_space<hbm>> -> memref<100xi32, #tpu.memory_space<hbm>>
    tpu.enqueue_dma source(%dma_start3A_158 : memref<100xi32, #tpu.memory_space<hbm>>) target(%arg13 : memref<100xi32, #tpu.memory_space<vmem>>) target_semaphore(%arg23 : memref<!tpu.dma_semaphore, #tpu.memory_space<semaphore_mem>>)
    %dma_wait3A_159 = arith.constant 0 : i32
    %dma_wait3A_160 = arith.constant 0 : i32
    %dma_wait3A_161 = tpu.memref_slice %arg2[%dma_wait3A_159, %dma_wait3A_160] : memref<10240x128xf32, #tpu.memory_space<hbm>> -> memref<10240x128xf32, #tpu.memory_space<hbm>>
    tpu.wait_indirect_dma semaphore(%arg19 : memref<!tpu.dma_semaphore, #tpu.memory_space<semaphore_mem>>) src(%dma_wait3A_161 : memref<10240x128xf32, #tpu.memory_space<hbm>>) dst(%arg15 : memref<100x128xf32, #tpu.memory_space<vmem>>)
    %add3A_162 = arith.constant 99 : i32
    %add3A_163 = arith.addi %mul3A_2, %add3A_162 : i32
    %dma_wait3A_164 = arith.constant 0 : i32
    %dma_wait3A_165 = arith.constant 0 : i32
    %dma_wait3A_166 = tpu.memref_slice %arg3[%add3A_163, %dma_wait3A_164, %dma_wait3A_165] : memref<3200x1x100xi32, #tpu.memory_space<hbm>> -> memref<1x1x100xi32, #tpu.memory_space<hbm>>
    %dma_wait3A_167 = tpu.memref_squeeze %dma_wait3A_166 : memref<1x1x100xi32, #tpu.memory_space<hbm>> -> memref<100xi32, #tpu.memory_space<hbm>>
    %dma_wait3A_168 = arith.constant 0 : i32
    %dma_wait3A_169 = tpu.memref_slice %arg3[%add3A_163, %dma_wait3A_164, %dma_wait3A_168] : memref<3200x1x100xi32, #tpu.memory_space<hbm>> -> memref<1x1x100xi32, #tpu.memory_space<hbm>>
    %dma_wait3A_170 = tpu.memref_squeeze %dma_wait3A_169 : memref<1x1x100xi32, #tpu.memory_space<hbm>> -> memref<100xi32, #tpu.memory_space<hbm>>
    tpu.wait_dma2 semaphore(%arg23 : memref<!tpu.dma_semaphore, #tpu.memory_space<semaphore_mem>>) src(%dma_wait3A_170 : memref<100xi32, #tpu.memory_space<hbm>>) dst(%arg9 : memref<100xi32, #tpu.memory_space<vmem>>)
    %add3A_171 = arith.constant 99 : i32
    %add3A_172 = arith.addi %mul3A_2, %add3A_171 : i32
    %dma_wait3A_173 = arith.constant 0 : i32
    %dma_wait3A_174 = arith.constant 0 : i32
    %dma_wait3A_175 = tpu.memref_slice %arg4[%add3A_172, %dma_wait3A_173, %dma_wait3A_174] : memref<3200x1x100xi32, #tpu.memory_space<hbm>> -> memref<1x1x100xi32, #tpu.memory_space<hbm>>
    %dma_wait3A_176 = tpu.memref_squeeze %dma_wait3A_175 : memref<1x1x100xi32, #tpu.memory_space<hbm>> -> memref<100xi32, #tpu.memory_space<hbm>>
    %dma_wait3A_177 = arith.constant 0 : i32
    %dma_wait3A_178 = tpu.memref_slice %arg4[%add3A_172, %dma_wait3A_173, %dma_wait3A_177] : memref<3200x1x100xi32, #tpu.memory_space<hbm>> -> memref<1x1x100xi32, #tpu.memory_space<hbm>>
    %dma_wait3A_179 = tpu.memref_squeeze %dma_wait3A_178 : memref<1x1x100xi32, #tpu.memory_space<hbm>> -> memref<100xi32, #tpu.memory_space<hbm>>
    tpu.wait_dma2 semaphore(%arg23 : memref<!tpu.dma_semaphore, #tpu.memory_space<semaphore_mem>>) src(%dma_wait3A_179 : memref<100xi32, #tpu.memory_space<hbm>>) dst(%arg13 : memref<100xi32, #tpu.memory_space<vmem>>)
    "tpu.region"() ({
      %run_scoped3A = tpu.sem_alloc : memref<!tpu.dma_semaphore, #tpu.memory_space<semaphore_mem>>
      %dma_start3A_197 = arith.constant 0 : i32
      %dma_start3A_198 = arith.constant 0 : i32
      %dma_start3A_199 = tpu.memref_slice %arg17[%dma_start3A_197, %dma_start3A_198] : memref<10240x128xf32, #tpu.memory_space<vmem_shared>> -> memref<10240x128xf32, #tpu.memory_space<vmem_shared>>
      tpu.enqueue_indirect_dma source(%arg15 : memref<100x128xf32, #tpu.memory_space<vmem>>) target(%dma_start3A_199 : memref<10240x128xf32, #tpu.memory_space<vmem_shared>>) offsets(%arg11 : memref<100xi32, #tpu.memory_space<vmem>>) semaphore(%run_scoped3A : memref<!tpu.dma_semaphore, #tpu.memory_space<semaphore_mem>>) {add = true}
      %dma_wait3A_200 = arith.constant 0 : i32
      %dma_wait3A_201 = arith.constant 0 : i32
      %dma_wait3A_202 = tpu.memref_slice %arg17[%dma_wait3A_200, %dma_wait3A_201] : memref<10240x128xf32, #tpu.memory_space<vmem_shared>> -> memref<10240x128xf32, #tpu.memory_space<vmem_shared>>
      tpu.wait_indirect_dma semaphore(%run_scoped3A : memref<!tpu.dma_semaphore, #tpu.memory_space<semaphore_mem>>) src(%arg15 : memref<100x128xf32, #tpu.memory_space<vmem>>) dst(%dma_wait3A_202 : memref<10240x128xf32, #tpu.memory_space<vmem_shared>>)
      tpu.yield
    }) : () -> ()
    %dma_start3A_180 = arith.constant 0 : i32
    %dma_start3A_181 = arith.constant 0 : i32
    %dma_start3A_182 = tpu.memref_slice %arg2[%dma_start3A_180, %dma_start3A_181] : memref<10240x128xf32, #tpu.memory_space<hbm>> -> memref<10240x128xf32, #tpu.memory_space<hbm>>
    tpu.enqueue_indirect_dma source(%dma_start3A_182 : memref<10240x128xf32, #tpu.memory_space<hbm>>) target(%arg15 : memref<100x128xf32, #tpu.memory_space<vmem>>) offsets(%arg9 : memref<100xi32, #tpu.memory_space<vmem>>) semaphore(%arg19 : memref<!tpu.dma_semaphore, #tpu.memory_space<semaphore_mem>>)
    %dma_wait3A_183 = arith.constant 0 : i32
    %dma_wait3A_184 = arith.constant 0 : i32
    %dma_wait3A_185 = tpu.memref_slice %arg2[%dma_wait3A_183, %dma_wait3A_184] : memref<10240x128xf32, #tpu.memory_space<hbm>> -> memref<10240x128xf32, #tpu.memory_space<hbm>>
    tpu.wait_indirect_dma semaphore(%arg18 : memref<!tpu.dma_semaphore, #tpu.memory_space<semaphore_mem>>) src(%dma_wait3A_185 : memref<10240x128xf32, #tpu.memory_space<hbm>>) dst(%arg14 : memref<100x128xf32, #tpu.memory_space<vmem>>)
    "tpu.region"() ({
      %run_scoped3A = tpu.sem_alloc : memref<!tpu.dma_semaphore, #tpu.memory_space<semaphore_mem>>
      %dma_start3A_197 = arith.constant 0 : i32
      %dma_start3A_198 = arith.constant 0 : i32
      %dma_start3A_199 = tpu.memref_slice %arg17[%dma_start3A_197, %dma_start3A_198] : memref<10240x128xf32, #tpu.memory_space<vmem_shared>> -> memref<10240x128xf32, #tpu.memory_space<vmem_shared>>
      tpu.enqueue_indirect_dma source(%arg14 : memref<100x128xf32, #tpu.memory_space<vmem>>) target(%dma_start3A_199 : memref<10240x128xf32, #tpu.memory_space<vmem_shared>>) offsets(%arg12 : memref<100xi32, #tpu.memory_space<vmem>>) semaphore(%run_scoped3A : memref<!tpu.dma_semaphore, #tpu.memory_space<semaphore_mem>>) {add = true}
      %dma_wait3A_200 = arith.constant 0 : i32
      %dma_wait3A_201 = arith.constant 0 : i32
      %dma_wait3A_202 = tpu.memref_slice %arg17[%dma_wait3A_200, %dma_wait3A_201] : memref<10240x128xf32, #tpu.memory_space<vmem_shared>> -> memref<10240x128xf32, #tpu.memory_space<vmem_shared>>
      tpu.wait_indirect_dma semaphore(%run_scoped3A : memref<!tpu.dma_semaphore, #tpu.memory_space<semaphore_mem>>) src(%arg14 : memref<100x128xf32, #tpu.memory_space<vmem>>) dst(%dma_wait3A_202 : memref<10240x128xf32, #tpu.memory_space<vmem_shared>>)
      tpu.yield
    }) : () -> ()
    %dma_wait3A_186 = arith.constant 0 : i32
    %dma_wait3A_187 = arith.constant 0 : i32
    %dma_wait3A_188 = tpu.memref_slice %arg2[%dma_wait3A_186, %dma_wait3A_187] : memref<10240x128xf32, #tpu.memory_space<hbm>> -> memref<10240x128xf32, #tpu.memory_space<hbm>>
    tpu.wait_indirect_dma semaphore(%arg19 : memref<!tpu.dma_semaphore, #tpu.memory_space<semaphore_mem>>) src(%dma_wait3A_188 : memref<10240x128xf32, #tpu.memory_space<hbm>>) dst(%arg15 : memref<100x128xf32, #tpu.memory_space<vmem>>)
    "tpu.region"() ({
      %run_scoped3A = tpu.sem_alloc : memref<!tpu.dma_semaphore, #tpu.memory_space<semaphore_mem>>
      %dma_start3A_197 = arith.constant 0 : i32
      %dma_start3A_198 = arith.constant 0 : i32
      %dma_start3A_199 = tpu.memref_slice %arg17[%dma_start3A_197, %dma_start3A_198] : memref<10240x128xf32, #tpu.memory_space<vmem_shared>> -> memref<10240x128xf32, #tpu.memory_space<vmem_shared>>
      tpu.enqueue_indirect_dma source(%arg15 : memref<100x128xf32, #tpu.memory_space<vmem>>) target(%dma_start3A_199 : memref<10240x128xf32, #tpu.memory_space<vmem_shared>>) offsets(%arg13 : memref<100xi32, #tpu.memory_space<vmem>>) semaphore(%run_scoped3A : memref<!tpu.dma_semaphore, #tpu.memory_space<semaphore_mem>>) {add = true}
      %dma_wait3A_200 = arith.constant 0 : i32
      %dma_wait3A_201 = arith.constant 0 : i32
      %dma_wait3A_202 = tpu.memref_slice %arg17[%dma_wait3A_200, %dma_wait3A_201] : memref<10240x128xf32, #tpu.memory_space<vmem_shared>> -> memref<10240x128xf32, #tpu.memory_space<vmem_shared>>
      tpu.wait_indirect_dma semaphore(%run_scoped3A : memref<!tpu.dma_semaphore, #tpu.memory_space<semaphore_mem>>) src(%arg15 : memref<100x128xf32, #tpu.memory_space<vmem>>) dst(%dma_wait3A_202 : memref<10240x128xf32, #tpu.memory_space<vmem_shared>>)
      tpu.yield
    }) : () -> ()
    %barrier3A_189 = arith.constant 0 : index
    tpu.barrier barrier_id(%barrier3A_189)
    %mul3A_190 = arith.constant 640 : i32
    %mul3A_191 = arith.muli %arg1, %mul3A_190 : i32
    %mul3A_192 = arith.constant 10240 : i32
    %mul3A_193 = arith.muli %arg0, %mul3A_192 : i32
    %mul3A_194 = arith.constant 640 : i32
    %mul3A_195 = arith.muli %arg1, %mul3A_194 : i32
    %add3A_196 = arith.addi %mul3A_193, %mul3A_195 : i32
    "tpu.region"() ({
      %run_scoped3A = tpu.sem_alloc : memref<!tpu.dma_semaphore, #tpu.memory_space<semaphore_mem>>
      %dma_start3A_197 = arith.constant 0 : i32
      %dma_start3A_198 = tpu.memref_slice %arg5[%add3A_196, %dma_start3A_197] : memref<20480x128xf32, #tpu.memory_space<hbm>> -> memref<640x128xf32, #tpu.memory_space<hbm>>
      %dma_start3A_199 = arith.constant 0 : i32
      %dma_start3A_200 = tpu.memref_slice %arg17[%mul3A_191, %dma_start3A_199] : memref<10240x128xf32, #tpu.memory_space<vmem_shared>> -> memref<640x128xf32, #tpu.memory_space<vmem_shared>>
      tpu.enqueue_dma source(%dma_start3A_200 : memref<640x128xf32, #tpu.memory_space<vmem_shared>>) target(%dma_start3A_198 : memref<640x128xf32, #tpu.memory_space<hbm>>) target_semaphore(%run_scoped3A : memref<!tpu.dma_semaphore, #tpu.memory_space<semaphore_mem>>)
      %dma_wait3A_201 = arith.constant 0 : i32
      %dma_wait3A_202 = tpu.memref_slice %arg5[%add3A_196, %dma_wait3A_201] : memref<20480x128xf32, #tpu.memory_space<hbm>> -> memref<640x128xf32, #tpu.memory_space<hbm>>
      %dma_wait3A_203 = arith.constant 0 : i32
      %dma_wait3A_204 = tpu.memref_slice %arg17[%mul3A_191, %dma_wait3A_203] : memref<10240x128xf32, #tpu.memory_space<vmem_shared>> -> memref<640x128xf32, #tpu.memory_space<vmem_shared>>
      tpu.wait_dma2 semaphore(%run_scoped3A : memref<!tpu.dma_semaphore, #tpu.memory_space<semaphore_mem>>) src(%dma_wait3A_204 : memref<640x128xf32, #tpu.memory_space<vmem_shared>>) dst(%dma_wait3A_202 : memref<640x128xf32, #tpu.memory_space<hbm>>)
      tpu.yield
    }) : () -> ()
    return
  }
}

#map = affine_map<(d0, d1) -> (0, 0)>
#map1 = affine_map<(d0, d1) -> (0, 0, 0)>
module attributes {stable_mosaic.version = 14 : i64} {
  func.func @_scatter_kernel(%arg0: i32, %arg1: i32, %arg2: memref<10240x128xf32, #tpu.memory_space<hbm>>, %arg3: memref<3200x1x100xi32, #tpu.memory_space<hbm>>, %arg4: memref<3200x1x100xi32, #tpu.memory_space<hbm>>, %arg5: memref<20480x128xf32, #tpu.memory_space<hbm>>, %arg6: memref<100xi32, #tpu.memory_space<vmem>>, %arg7: memref<100xi32, #tpu.memory_space<vmem>>, %arg8: memref<100xi32, #tpu.memory_space<vmem>>, %arg9: memref<100xi32, #tpu.memory_space<vmem>>, %arg10: memref<100xi32, #tpu.memory_space<vmem>>, %arg11: memref<100xi32, #tpu.memory_space<vmem>>, %arg12: memref<100xi32, #tpu.memory_space<vmem>>, %arg13: memref<100xi32, #tpu.memory_space<vmem>>, %arg14: memref<100x128xf32, #tpu.memory_space<vmem>>, %arg15: memref<100x128xf32, #tpu.memory_space<vmem>>, %arg16: memref<16x128xf32, #tpu.memory_space<vmem>>, %arg17: memref<10240x128xf32, #tpu.memory_space<vmem_shared>>, %arg18: memref<!tpu.dma_semaphore, #tpu.memory_space<semaphore_mem>>, %arg19: memref<!tpu.dma_semaphore, #tpu.memory_space<semaphore_mem>>, %arg20: memref<!tpu.dma_semaphore, #tpu.memory_space<semaphore_mem>>, %arg21: memref<!tpu.dma_semaphore, #tpu.memory_space<semaphore_mem>>, %arg22: memref<!tpu.dma_semaphore, #tpu.memory_space<semaphore_mem>>, %arg23: memref<!tpu.dma_semaphore, #tpu.memory_space<semaphore_mem>>) attributes {dimension_semantics = [#tpu.dimension_semantics<core_parallel>, #tpu.dimension_semantics<subcore_parallel>], iteration_bounds = array<i64: 2, 16>, scalar_prefetch = 0 : i64, scratch_operands = 18 : i64, tpu.core_type = #tpu.core_type<sc_vector_subcore>, window_params = [{transform_indices = #map}, {transform_indices = #map1}, {transform_indices = #map1}, {transform_indices = #map}]} {
    %mul3A = arith.constant 2 : i32
    %mul3A_0 = arith.muli %arg1, %mul3A : i32
    %add3A = arith.addi %mul3A_0, %arg0 : i32
    %mul3A_1 = arith.constant 100 : i32
    %mul3A_2 = arith.muli %add3A, %mul3A_1 : i32
    %scan3A = arith.constant 0 : i32
    %scan3A_3 = arith.constant 0 : i32
    %scan3A_4 = arith.constant 16 : i32
    %scan3A_5 = arith.addi %scan3A_3, %scan3A_4 : i32
    %scan3A_6 = arith.constant 1 : i32
    %scan3A_7 = scf.for %scan3A_197 = %scan3A_3 to %scan3A_5 step %scan3A_6 iter_args(%scan3A_198 = %scan3A) -> (i32)  : i32 {
      %broadcast_in_dim3A = arith.constant 0.000000e+00 : f32
      %broadcast_in_dim3A_199 = vector.broadcast %broadcast_in_dim3A : f32 to vector<16xf32>
      %swap3A = arith.index_cast %scan3A_197 : i32 to index
      %swap3A_200 = arith.constant 0 : index
      %swap3A_201 = tpu.vector_load %arg16[%swap3A, %swap3A_200] {strides = array<i32>} : memref<16x128xf32, #tpu.memory_space<vmem>>, vector<1x16xf32>,
      %swap3A_202 = vector.shape_cast %swap3A_201 : vector<1x16xf32> to vector<16xf32>
      %swap3A_203 = vector.shape_cast %broadcast_in_dim3A_199 : vector<16xf32> to vector<1x16xf32>
      tpu.vector_store %arg16[%swap3A, %swap3A_200], %swap3A_203 {strides = array<i32>} : memref<16x128xf32, #tpu.memory_space<vmem>>, vector<1x16xf32>,
      %broadcast_in_dim3A_204 = arith.constant 0.000000e+00 : f32
      %broadcast_in_dim3A_205 = vector.broadcast %broadcast_in_dim3A_204 : f32 to vector<16xf32>
      %swap3A_206 = arith.index_cast %scan3A_197 : i32 to index
      %swap3A_207 = arith.constant 16 : index
      %swap3A_208 = tpu.vector_load %arg16[%swap3A_206, %swap3A_207] {strides = array<i32>} : memref<16x128xf32, #tpu.memory_space<vmem>>, vector<1x16xf32>,
      %swap3A_209 = vector.shape_cast %swap3A_208 : vector<1x16xf32> to vector<16xf32>
      %swap3A_210 = vector.shape_cast %broadcast_in_dim3A_205 : vector<16xf32> to vector<1x16xf32>
      tpu.vector_store %arg16[%swap3A_206, %swap3A_207], %swap3A_210 {strides = array<i32>} : memref<16x128xf32, #tpu.memory_space<vmem>>, vector<1x16xf32>,
      %broadcast_in_dim3A_211 = arith.constant 0.000000e+00 : f32
      %broadcast_in_dim3A_212 = vector.broadcast %broadcast_in_dim3A_211 : f32 to vector<16xf32>
      %swap3A_213 = arith.index_cast %scan3A_197 : i32 to index
      %swap3A_214 = arith.constant 32 : index
      %swap3A_215 = tpu.vector_load %arg16[%swap3A_213, %swap3A_214] {strides = array<i32>} : memref<16x128xf32, #tpu.memory_space<vmem>>, vector<1x16xf32>,
      %swap3A_216 = vector.shape_cast %swap3A_215 : vector<1x16xf32> to vector<16xf32>
      %swap3A_217 = vector.shape_cast %broadcast_in_dim3A_212 : vector<16xf32> to vector<1x16xf32>
      tpu.vector_store %arg16[%swap3A_213, %swap3A_214], %swap3A_217 {strides = array<i32>} : memref<16x128xf32, #tpu.memory_space<vmem>>, vector<1x16xf32>,
      %broadcast_in_dim3A_218 = arith.constant 0.000000e+00 : f32
      %broadcast_in_dim3A_219 = vector.broadcast %broadcast_in_dim3A_218 : f32 to vector<16xf32>
      %swap3A_220 = arith.index_cast %scan3A_197 : i32 to index
      %swap3A_221 = arith.constant 48 : index
      %swap3A_222 = tpu.vector_load %arg16[%swap3A_220, %swap3A_221] {strides = array<i32>} : memref<16x128xf32, #tpu.memory_space<vmem>>, vector<1x16xf32>,
      %swap3A_223 = vector.shape_cast %swap3A_222 : vector<1x16xf32> to vector<16xf32>
      %swap3A_224 = vector.shape_cast %broadcast_in_dim3A_219 : vector<16xf32> to vector<1x16xf32>
      tpu.vector_store %arg16[%swap3A_220, %swap3A_221], %swap3A_224 {strides = array<i32>} : memref<16x128xf32, #tpu.memory_space<vmem>>, vector<1x16xf32>,
      %broadcast_in_dim3A_225 = arith.constant 0.000000e+00 : f32
      %broadcast_in_dim3A_226 = vector.broadcast %broadcast_in_dim3A_225 : f32 to vector<16xf32>
      %swap3A_227 = arith.index_cast %scan3A_197 : i32 to index
      %swap3A_228 = arith.constant 64 : index
      %swap3A_229 = tpu.vector_load %arg16[%swap3A_227, %swap3A_228] {strides = array<i32>} : memref<16x128xf32, #tpu.memory_space<vmem>>, vector<1x16xf32>,
      %swap3A_230 = vector.shape_cast %swap3A_229 : vector<1x16xf32> to vector<16xf32>
      %swap3A_231 = vector.shape_cast %broadcast_in_dim3A_226 : vector<16xf32> to vector<1x16xf32>
      tpu.vector_store %arg16[%swap3A_227, %swap3A_228], %swap3A_231 {strides = array<i32>} : memref<16x128xf32, #tpu.memory_space<vmem>>, vector<1x16xf32>,
      %broadcast_in_dim3A_232 = arith.constant 0.000000e+00 : f32
      %broadcast_in_dim3A_233 = vector.broadcast %broadcast_in_dim3A_232 : f32 to vector<16xf32>
      %swap3A_234 = arith.index_cast %scan3A_197 : i32 to index
      %swap3A_235 = arith.constant 80 : index
      %swap3A_236 = tpu.vector_load %arg16[%swap3A_234, %swap3A_235] {strides = array<i32>} : memref<16x128xf32, #tpu.memory_space<vmem>>, vector<1x16xf32>,
      %swap3A_237 = vector.shape_cast %swap3A_236 : vector<1x16xf32> to vector<16xf32>
      %swap3A_238 = vector.shape_cast %broadcast_in_dim3A_233 : vector<16xf32> to vector<1x16xf32>
      tpu.vector_store %arg16[%swap3A_234, %swap3A_235], %swap3A_238 {strides = array<i32>} : memref<16x128xf32, #tpu.memory_space<vmem>>, vector<1x16xf32>,
      %broadcast_in_dim3A_239 = arith.constant 0.000000e+00 : f32
      %broadcast_in_dim3A_240 = vector.broadcast %broadcast_in_dim3A_239 : f32 to vector<16xf32>
      %swap3A_241 = arith.index_cast %scan3A_197 : i32 to index
      %swap3A_242 = arith.constant 96 : index
      %swap3A_243 = tpu.vector_load %arg16[%swap3A_241, %swap3A_242] {strides = array<i32>} : memref<16x128xf32, #tpu.memory_space<vmem>>, vector<1x16xf32>,
      %swap3A_244 = vector.shape_cast %swap3A_243 : vector<1x16xf32> to vector<16xf32>
      %swap3A_245 = vector.shape_cast %broadcast_in_dim3A_240 : vector<16xf32> to vector<1x16xf32>
      tpu.vector_store %arg16[%swap3A_241, %swap3A_242], %swap3A_245 {strides = array<i32>} : memref<16x128xf32, #tpu.memory_space<vmem>>, vector<1x16xf32>,
      %broadcast_in_dim3A_246 = arith.constant 0.000000e+00 : f32
      %broadcast_in_dim3A_247 = vector.broadcast %broadcast_in_dim3A_246 : f32 to vector<16xf32>
      %swap3A_248 = arith.index_cast %scan3A_197 : i32 to index
      %swap3A_249 = arith.constant 112 : index
      %swap3A_250 = tpu.vector_load %arg16[%swap3A_248, %swap3A_249] {strides = array<i32>} : memref<16x128xf32, #tpu.memory_space<vmem>>, vector<1x16xf32>,
      %swap3A_251 = vector.shape_cast %swap3A_250 : vector<1x16xf32> to vector<16xf32>
      %swap3A_252 = vector.shape_cast %broadcast_in_dim3A_247 : vector<16xf32> to vector<1x16xf32>
      tpu.vector_store %arg16[%swap3A_248, %swap3A_249], %swap3A_252 {strides = array<i32>} : memref<16x128xf32, #tpu.memory_space<vmem>>, vector<1x16xf32>,
      %scan3A_253 = arith.constant 0 : i32
      scf.yield %scan3A_253 : i32
    }
    %scan3A_8 = arith.constant 16 : i32
    %scan3A_9 = arith.constant 0 : i32
    %scan3A_10 = arith.constant 0 : i32
    %scan3A_11 = arith.constant 40 : i32
    %scan3A_12 = arith.addi %scan3A_10, %scan3A_11 : i32
    %scan3A_13 = arith.constant 1 : i32
    %scan3A_14 = scf.for %scan3A_197 = %scan3A_10 to %scan3A_12 step %scan3A_13 iter_args(%scan3A_198 = %scan3A_9) -> (i32)  : i32 {
      %mul3A_199 = arith.constant 640 : i32
      %mul3A_200 = arith.muli %arg1, %mul3A_199 : i32
      %mul3A_201 = arith.constant 16 : i32
      %mul3A_202 = arith.muli %scan3A_197, %mul3A_201 : i32
      %add3A_203 = arith.addi %mul3A_200, %mul3A_202 : i32
      "tpu.region"() ({
        %run_scoped3A = tpu.sem_alloc : memref<!tpu.dma_semaphore, #tpu.memory_space<semaphore_mem>>
        %dma_start3A_205 = arith.constant 0 : i32
        %dma_start3A_206 = tpu.memref_slice %arg17[%add3A_203, %dma_start3A_205] : memref<10240x128xf32, #tpu.memory_space<vmem_shared>> -> memref<16x128xf32, #tpu.memory_space<vmem_shared>>
        %dma_start3A_207 = arith.constant 0 : i32
        %dma_start3A_208 = tpu.memref_slice %arg17[%add3A_203, %dma_start3A_207] : memref<10240x128xf32, #tpu.memory_space<vmem_shared>> -> memref<16x128xf32, #tpu.memory_space<vmem_shared>>
        tpu.enqueue_dma source(%arg16 : memref<16x128xf32, #tpu.memory_space<vmem>>) target(%dma_start3A_208 : memref<16x128xf32, #tpu.memory_space<vmem_shared>>) target_semaphore(%run_scoped3A : memref<!tpu.dma_semaphore, #tpu.memory_space<semaphore_mem>>)
        %dma_wait3A_209 = arith.constant 0 : i32
        %dma_wait3A_210 = tpu.memref_slice %arg17[%add3A_203, %dma_wait3A_209] : memref<10240x128xf32, #tpu.memory_space<vmem_shared>> -> memref<16x128xf32, #tpu.memory_space<vmem_shared>>
        %dma_wait3A_211 = arith.constant 0 : i32
        %dma_wait3A_212 = tpu.memref_slice %arg17[%add3A_203, %dma_wait3A_211] : memref<10240x128xf32, #tpu.memory_space<vmem_shared>> -> memref<16x128xf32, #tpu.memory_space<vmem_shared>>
        tpu.wait_dma2 semaphore(%run_scoped3A : memref<!tpu.dma_semaphore, #tpu.memory_space<semaphore_mem>>) src(%arg16 : memref<16x128xf32, #tpu.memory_space<vmem>>) dst(%dma_wait3A_212 : memref<16x128xf32, #tpu.memory_space<vmem_shared>>)
        tpu.yield
      }) : () -> ()
      %scan3A_204 = arith.constant 0 : i32
      scf.yield %scan3A_204 : i32
    }
    %scan3A_15 = arith.constant 40 : i32
    %barrier3A = arith.constant 0 : index
    tpu.barrier barrier_id(%barrier3A)
    %add3A_16 = arith.constant 0 : i32
    %add3A_17 = arith.addi %mul3A_2, %add3A_16 : i32
    %dma_start3A = arith.constant 0 : i32
    %dma_start3A_18 = arith.constant 0 : i32
    %dma_start3A_19 = tpu.memref_slice %arg3[%add3A_17, %dma_start3A, %dma_start3A_18] : memref<3200x1x100xi32, #tpu.memory_space<hbm>> -> memref<1x1x100xi32, #tpu.memory_space<hbm>>
    %dma_start3A_20 = tpu.memref_squeeze %dma_start3A_19 : memref<1x1x100xi32, #tpu.memory_space<hbm>> -> memref<100xi32, #tpu.memory_space<hbm>>
    %dma_start3A_21 = arith.constant 0 : i32
    %dma_start3A_22 = tpu.memref_slice %arg3[%add3A_17, %dma_start3A, %dma_start3A_21] : memref<3200x1x100xi32, #tpu.memory_space<hbm>> -> memref<1x1x100xi32, #tpu.memory_space<hbm>>
    %dma_start3A_23 = tpu.memref_squeeze %dma_start3A_22 : memref<1x1x100xi32, #tpu.memory_space<hbm>> -> memref<100xi32, #tpu.memory_space<hbm>>
    tpu.enqueue_dma source(%dma_start3A_23 : memref<100xi32, #tpu.memory_space<hbm>>) target(%arg6 : memref<100xi32, #tpu.memory_space<vmem>>) target_semaphore(%arg20 : memref<!tpu.dma_semaphore, #tpu.memory_space<semaphore_mem>>)
    %add3A_24 = arith.constant 0 : i32
    %add3A_25 = arith.addi %mul3A_2, %add3A_24 : i32
    %dma_start3A_26 = arith.constant 0 : i32
    %dma_start3A_27 = arith.constant 0 : i32
    %dma_start3A_28 = tpu.memref_slice %arg4[%add3A_25, %dma_start3A_26, %dma_start3A_27] : memref<3200x1x100xi32, #tpu.memory_space<hbm>> -> memref<1x1x100xi32, #tpu.memory_space<hbm>>
    %dma_start3A_29 = tpu.memref_squeeze %dma_start3A_28 : memref<1x1x100xi32, #tpu.memory_space<hbm>> -> memref<100xi32, #tpu.memory_space<hbm>>
    %dma_start3A_30 = arith.constant 0 : i32
    %dma_start3A_31 = tpu.memref_slice %arg4[%add3A_25, %dma_start3A_26, %dma_start3A_30] : memref<3200x1x100xi32, #tpu.memory_space<hbm>> -> memref<1x1x100xi32, #tpu.memory_space<hbm>>
    %dma_start3A_32 = tpu.memref_squeeze %dma_start3A_31 : memref<1x1x100xi32, #tpu.memory_space<hbm>> -> memref<100xi32, #tpu.memory_space<hbm>>
    tpu.enqueue_dma source(%dma_start3A_32 : memref<100xi32, #tpu.memory_space<hbm>>) target(%arg10 : memref<100xi32, #tpu.memory_space<vmem>>) target_semaphore(%arg20 : memref<!tpu.dma_semaphore, #tpu.memory_space<semaphore_mem>>)
    %add3A_33 = arith.constant 1 : i32
    %add3A_34 = arith.addi %mul3A_2, %add3A_33 : i32
    %dma_start3A_35 = arith.constant 0 : i32
    %dma_start3A_36 = arith.constant 0 : i32
    %dma_start3A_37 = tpu.memref_slice %arg3[%add3A_34, %dma_start3A_35, %dma_start3A_36] : memref<3200x1x100xi32, #tpu.memory_space<hbm>> -> memref<1x1x100xi32, #tpu.memory_space<hbm>>
    %dma_start3A_38 = tpu.memref_squeeze %dma_start3A_37 : memref<1x1x100xi32, #tpu.memory_space<hbm>> -> memref<100xi32, #tpu.memory_space<hbm>>
    %dma_start3A_39 = arith.constant 0 : i32
    %dma_start3A_40 = tpu.memref_slice %arg3[%add3A_34, %dma_start3A_35, %dma_start3A_39] : memref<3200x1x100xi32, #tpu.memory_space<hbm>> -> memref<1x1x100xi32, #tpu.memory_space<hbm>>
    %dma_start3A_41 = tpu.memref_squeeze %dma_start3A_40 : memref<1x1x100xi32, #tpu.memory_space<hbm>> -> memref<100xi32, #tpu.memory_space<hbm>>
    tpu.enqueue_dma source(%dma_start3A_41 : memref<100xi32, #tpu.memory_space<hbm>>) target(%arg7 : memref<100xi32, #tpu.memory_space<vmem>>) target_semaphore(%arg21 : memref<!tpu.dma_semaphore, #tpu.memory_space<semaphore_mem>>)
    %add3A_42 = arith.constant 1 : i32
    %add3A_43 = arith.addi %mul3A_2, %add3A_42 : i32
    %dma_start3A_44 = arith.constant 0 : i32
    %dma_start3A_45 = arith.constant 0 : i32
    %dma_start3A_46 = tpu.memref_slice %arg4[%add3A_43, %dma_start3A_44, %dma_start3A_45] : memref<3200x1x100xi32, #tpu.memory_space<hbm>> -> memref<1x1x100xi32, #tpu.memory_space<hbm>>
    %dma_start3A_47 = tpu.memref_squeeze %dma_start3A_46 : memref<1x1x100xi32, #tpu.memory_space<hbm>> -> memref<100xi32, #tpu.memory_space<hbm>>
    %dma_start3A_48 = arith.constant 0 : i32
    %dma_start3A_49 = tpu.memref_slice %arg4[%add3A_43, %dma_start3A_44, %dma_start3A_48] : memref<3200x1x100xi32, #tpu.memory_space<hbm>> -> memref<1x1x100xi32, #tpu.memory_space<hbm>>
    %dma_start3A_50 = tpu.memref_squeeze %dma_start3A_49 : memref<1x1x100xi32, #tpu.memory_space<hbm>> -> memref<100xi32, #tpu.memory_space<hbm>>
    tpu.enqueue_dma source(%dma_start3A_50 : memref<100xi32, #tpu.memory_space<hbm>>) target(%arg11 : memref<100xi32, #tpu.memory_space<vmem>>) target_semaphore(%arg21 : memref<!tpu.dma_semaphore, #tpu.memory_space<semaphore_mem>>)
    %add3A_51 = arith.constant 0 : i32
    %add3A_52 = arith.addi %mul3A_2, %add3A_51 : i32
    %dma_wait3A = arith.constant 0 : i32
    %dma_wait3A_53 = arith.constant 0 : i32
    %dma_wait3A_54 = tpu.memref_slice %arg3[%add3A_52, %dma_wait3A, %dma_wait3A_53] : memref<3200x1x100xi32, #tpu.memory_space<hbm>> -> memref<1x1x100xi32, #tpu.memory_space<hbm>>
    %dma_wait3A_55 = tpu.memref_squeeze %dma_wait3A_54 : memref<1x1x100xi32, #tpu.memory_space<hbm>> -> memref<100xi32, #tpu.memory_space<hbm>>
    %dma_wait3A_56 = arith.constant 0 : i32
    %dma_wait3A_57 = tpu.memref_slice %arg3[%add3A_52, %dma_wait3A, %dma_wait3A_56] : memref<3200x1x100xi32, #tpu.memory_space<hbm>> -> memref<1x1x100xi32, #tpu.memory_space<hbm>>
    %dma_wait3A_58 = tpu.memref_squeeze %dma_wait3A_57 : memref<1x1x100xi32, #tpu.memory_space<hbm>> -> memref<100xi32, #tpu.memory_space<hbm>>
    tpu.wait_dma2 semaphore(%arg20 : memref<!tpu.dma_semaphore, #tpu.memory_space<semaphore_mem>>) src(%dma_wait3A_58 : memref<100xi32, #tpu.memory_space<hbm>>) dst(%arg6 : memref<100xi32, #tpu.memory_space<vmem>>)
    %add3A_59 = arith.constant 0 : i32
    %add3A_60 = arith.addi %mul3A_2, %add3A_59 : i32
    %dma_wait3A_61 = arith.constant 0 : i32
    %dma_wait3A_62 = arith.constant 0 : i32
    %dma_wait3A_63 = tpu.memref_slice %arg4[%add3A_60, %dma_wait3A_61, %dma_wait3A_62] : memref<3200x1x100xi32, #tpu.memory_space<hbm>> -> memref<1x1x100xi32, #tpu.memory_space<hbm>>
    %dma_wait3A_64 = tpu.memref_squeeze %dma_wait3A_63 : memref<1x1x100xi32, #tpu.memory_space<hbm>> -> memref<100xi32, #tpu.memory_space<hbm>>
    %dma_wait3A_65 = arith.constant 0 : i32
    %dma_wait3A_66 = tpu.memref_slice %arg4[%add3A_60, %dma_wait3A_61, %dma_wait3A_65] : memref<3200x1x100xi32, #tpu.memory_space<hbm>> -> memref<1x1x100xi32, #tpu.memory_space<hbm>>
    %dma_wait3A_67 = tpu.memref_squeeze %dma_wait3A_66 : memref<1x1x100xi32, #tpu.memory_space<hbm>> -> memref<100xi32, #tpu.memory_space<hbm>>
    tpu.wait_dma2 semaphore(%arg20 : memref<!tpu.dma_semaphore, #tpu.memory_space<semaphore_mem>>) src(%dma_wait3A_67 : memref<100xi32, #tpu.memory_space<hbm>>) dst(%arg10 : memref<100xi32, #tpu.memory_space<vmem>>)
    %dma_start3A_68 = arith.constant 0 : i32
    %dma_start3A_69 = arith.constant 0 : i32
    %dma_start3A_70 = tpu.memref_slice %arg2[%dma_start3A_68, %dma_start3A_69] : memref<10240x128xf32, #tpu.memory_space<hbm>> -> memref<10240x128xf32, #tpu.memory_space<hbm>>
    tpu.enqueue_indirect_dma source(%dma_start3A_70 : memref<10240x128xf32, #tpu.memory_space<hbm>>) target(%arg14 : memref<100x128xf32, #tpu.memory_space<vmem>>) offsets(%arg6 : memref<100xi32, #tpu.memory_space<vmem>>) semaphore(%arg18 : memref<!tpu.dma_semaphore, #tpu.memory_space<semaphore_mem>>)
    %add3A_71 = arith.constant 1 : i32
    %add3A_72 = arith.addi %mul3A_2, %add3A_71 : i32
    %dma_wait3A_73 = arith.constant 0 : i32
    %dma_wait3A_74 = arith.constant 0 : i32
    %dma_wait3A_75 = tpu.memref_slice %arg3[%add3A_72, %dma_wait3A_73, %dma_wait3A_74] : memref<3200x1x100xi32, #tpu.memory_space<hbm>> -> memref<1x1x100xi32, #tpu.memory_space<hbm>>
    %dma_wait3A_76 = tpu.memref_squeeze %dma_wait3A_75 : memref<1x1x100xi32, #tpu.memory_space<hbm>> -> memref<100xi32, #tpu.memory_space<hbm>>
    %dma_wait3A_77 = arith.constant 0 : i32
    %dma_wait3A_78 = tpu.memref_slice %arg3[%add3A_72, %dma_wait3A_73, %dma_wait3A_77] : memref<3200x1x100xi32, #tpu.memory_space<hbm>> -> memref<1x1x100xi32, #tpu.memory_space<hbm>>
    %dma_wait3A_79 = tpu.memref_squeeze %dma_wait3A_78 : memref<1x1x100xi32, #tpu.memory_space<hbm>> -> memref<100xi32, #tpu.memory_space<hbm>>
    tpu.wait_dma2 semaphore(%arg21 : memref<!tpu.dma_semaphore, #tpu.memory_space<semaphore_mem>>) src(%dma_wait3A_79 : memref<100xi32, #tpu.memory_space<hbm>>) dst(%arg7 : memref<100xi32, #tpu.memory_space<vmem>>)
    %add3A_80 = arith.constant 1 : i32
    %add3A_81 = arith.addi %mul3A_2, %add3A_80 : i32
    %dma_wait3A_82 = arith.constant 0 : i32
    %dma_wait3A_83 = arith.constant 0 : i32
    %dma_wait3A_84 = tpu.memref_slice %arg4[%add3A_81, %dma_wait3A_82, %dma_wait3A_83] : memref<3200x1x100xi32, #tpu.memory_space<hbm>> -> memref<1x1x100xi32, #tpu.memory_space<hbm>>
    %dma_wait3A_85 = tpu.memref_squeeze %dma_wait3A_84 : memref<1x1x100xi32, #tpu.memory_space<hbm>> -> memref<100xi32, #tpu.memory_space<hbm>>
    %dma_wait3A_86 = arith.constant 0 : i32
    %dma_wait3A_87 = tpu.memref_slice %arg4[%add3A_81, %dma_wait3A_82, %dma_wait3A_86] : memref<3200x1x100xi32, #tpu.memory_space<hbm>> -> memref<1x1x100xi32, #tpu.memory_space<hbm>>
    %dma_wait3A_88 = tpu.memref_squeeze %dma_wait3A_87 : memref<1x1x100xi32, #tpu.memory_space<hbm>> -> memref<100xi32, #tpu.memory_space<hbm>>
    tpu.wait_dma2 semaphore(%arg21 : memref<!tpu.dma_semaphore, #tpu.memory_space<semaphore_mem>>) src(%dma_wait3A_88 : memref<100xi32, #tpu.memory_space<hbm>>) dst(%arg11 : memref<100xi32, #tpu.memory_space<vmem>>)
    %dma_start3A_89 = arith.constant 0 : i32
    %dma_start3A_90 = arith.constant 0 : i32
    %dma_start3A_91 = tpu.memref_slice %arg2[%dma_start3A_89, %dma_start3A_90] : memref<10240x128xf32, #tpu.memory_space<hbm>> -> memref<10240x128xf32, #tpu.memory_space<hbm>>
    tpu.enqueue_indirect_dma source(%dma_start3A_91 : memref<10240x128xf32, #tpu.memory_space<hbm>>) target(%arg15 : memref<100x128xf32, #tpu.memory_space<vmem>>) offsets(%arg7 : memref<100xi32, #tpu.memory_space<vmem>>) semaphore(%arg19 : memref<!tpu.dma_semaphore, #tpu.memory_space<semaphore_mem>>)
    %scan3A_92 = arith.constant 0 : i32
    %scan3A_93 = arith.constant 0 : i32
    %scan3A_94 = arith.constant 24 : i32
    %scan3A_95 = arith.addi %scan3A_93, %scan3A_94 : i32
    %scan3A_96 = arith.constant 1 : i32
    %scan3A_97 = scf.for %scan3A_197 = %scan3A_93 to %scan3A_95 step %scan3A_96 iter_args(%scan3A_198 = %scan3A_92) -> (i32)  : i32 {
      %mul3A_199 = arith.constant 4 : i32
      %mul3A_200 = arith.muli %mul3A_199, %scan3A_197 : i32
      %add3A_201 = arith.constant 0 : i32
      %add3A_202 = arith.addi %mul3A_200, %add3A_201 : i32
      %add3A_203 = arith.constant 2 : i32
      %add3A_204 = arith.addi %add3A_202, %add3A_203 : i32
      %add3A_205 = arith.addi %mul3A_2, %add3A_204 : i32
      %dma_start3A_206 = arith.constant 0 : i32
      %dma_start3A_207 = arith.constant 0 : i32
      %dma_start3A_208 = tpu.memref_slice %arg3[%add3A_205, %dma_start3A_206, %dma_start3A_207] : memref<3200x1x100xi32, #tpu.memory_space<hbm>> -> memref<1x1x100xi32, #tpu.memory_space<hbm>>
      %dma_start3A_209 = tpu.memref_squeeze %dma_start3A_208 : memref<1x1x100xi32, #tpu.memory_space<hbm>> -> memref<100xi32, #tpu.memory_space<hbm>>
      %dma_start3A_210 = arith.constant 0 : i32
      %dma_start3A_211 = tpu.memref_slice %arg3[%add3A_205, %dma_start3A_206, %dma_start3A_210] : memref<3200x1x100xi32, #tpu.memory_space<hbm>> -> memref<1x1x100xi32, #tpu.memory_space<hbm>>
      %dma_start3A_212 = tpu.memref_squeeze %dma_start3A_211 : memref<1x1x100xi32, #tpu.memory_space<hbm>> -> memref<100xi32, #tpu.memory_space<hbm>>
      tpu.enqueue_dma source(%dma_start3A_212 : memref<100xi32, #tpu.memory_space<hbm>>) target(%arg8 : memref<100xi32, #tpu.memory_space<vmem>>) target_semaphore(%arg22 : memref<!tpu.dma_semaphore, #tpu.memory_space<semaphore_mem>>)
      %add3A_213 = arith.addi %mul3A_2, %add3A_204 : i32
      %dma_start3A_214 = arith.constant 0 : i32
      %dma_start3A_215 = arith.constant 0 : i32
      %dma_start3A_216 = tpu.memref_slice %arg4[%add3A_213, %dma_start3A_214, %dma_start3A_215] : memref<3200x1x100xi32, #tpu.memory_space<hbm>> -> memref<1x1x100xi32, #tpu.memory_space<hbm>>
      %dma_start3A_217 = tpu.memref_squeeze %dma_start3A_216 : memref<1x1x100xi32, #tpu.memory_space<hbm>> -> memref<100xi32, #tpu.memory_space<hbm>>
      %dma_start3A_218 = arith.constant 0 : i32
      %dma_start3A_219 = tpu.memref_slice %arg4[%add3A_213, %dma_start3A_214, %dma_start3A_218] : memref<3200x1x100xi32, #tpu.memory_space<hbm>> -> memref<1x1x100xi32, #tpu.memory_space<hbm>>
      %dma_start3A_220 = tpu.memref_squeeze %dma_start3A_219 : memref<1x1x100xi32, #tpu.memory_space<hbm>> -> memref<100xi32, #tpu.memory_space<hbm>>
      tpu.enqueue_dma source(%dma_start3A_220 : memref<100xi32, #tpu.memory_space<hbm>>) target(%arg12 : memref<100xi32, #tpu.memory_space<vmem>>) target_semaphore(%arg22 : memref<!tpu.dma_semaphore, #tpu.memory_space<semaphore_mem>>)
      %dma_wait3A_221 = arith.constant 0 : i32
      %dma_wait3A_222 = arith.constant 0 : i32
      %dma_wait3A_223 = tpu.memref_slice %arg2[%dma_wait3A_221, %dma_wait3A_222] : memref<10240x128xf32, #tpu.memory_space<hbm>> -> memref<10240x128xf32, #tpu.memory_space<hbm>>
      tpu.wait_indirect_dma semaphore(%arg18 : memref<!tpu.dma_semaphore, #tpu.memory_space<semaphore_mem>>) src(%dma_wait3A_223 : memref<10240x128xf32, #tpu.memory_space<hbm>>) dst(%arg14 : memref<100x128xf32, #tpu.memory_space<vmem>>)
      %add3A_224 = arith.constant 2 : i32
      %add3A_225 = arith.addi %add3A_202, %add3A_224 : i32
      %add3A_226 = arith.addi %mul3A_2, %add3A_225 : i32
      %dma_wait3A_227 = arith.constant 0 : i32
      %dma_wait3A_228 = arith.constant 0 : i32
      %dma_wait3A_229 = tpu.memref_slice %arg3[%add3A_226, %dma_wait3A_227, %dma_wait3A_228] : memref<3200x1x100xi32, #tpu.memory_space<hbm>> -> memref<1x1x100xi32, #tpu.memory_space<hbm>>
      %dma_wait3A_230 = tpu.memref_squeeze %dma_wait3A_229 : memref<1x1x100xi32, #tpu.memory_space<hbm>> -> memref<100xi32, #tpu.memory_space<hbm>>
      %dma_wait3A_231 = arith.constant 0 : i32
      %dma_wait3A_232 = tpu.memref_slice %arg3[%add3A_226, %dma_wait3A_227, %dma_wait3A_231] : memref<3200x1x100xi32, #tpu.memory_space<hbm>> -> memref<1x1x100xi32, #tpu.memory_space<hbm>>
      %dma_wait3A_233 = tpu.memref_squeeze %dma_wait3A_232 : memref<1x1x100xi32, #tpu.memory_space<hbm>> -> memref<100xi32, #tpu.memory_space<hbm>>
      tpu.wait_dma2 semaphore(%arg22 : memref<!tpu.dma_semaphore, #tpu.memory_space<semaphore_mem>>) src(%dma_wait3A_233 : memref<100xi32, #tpu.memory_space<hbm>>) dst(%arg8 : memref<100xi32, #tpu.memory_space<vmem>>)
      %add3A_234 = arith.addi %mul3A_2, %add3A_225 : i32
      %dma_wait3A_235 = arith.constant 0 : i32
      %dma_wait3A_236 = arith.constant 0 : i32
      %dma_wait3A_237 = tpu.memref_slice %arg4[%add3A_234, %dma_wait3A_235, %dma_wait3A_236] : memref<3200x1x100xi32, #tpu.memory_space<hbm>> -> memref<1x1x100xi32, #tpu.memory_space<hbm>>
      %dma_wait3A_238 = tpu.memref_squeeze %dma_wait3A_237 : memref<1x1x100xi32, #tpu.memory_space<hbm>> -> memref<100xi32, #tpu.memory_space<hbm>>
      %dma_wait3A_239 = arith.constant 0 : i32
      %dma_wait3A_240 = tpu.memref_slice %arg4[%add3A_234, %dma_wait3A_235, %dma_wait3A_239] : memref<3200x1x100xi32, #tpu.memory_space<hbm>> -> memref<1x1x100xi32, #tpu.memory_space<hbm>>
      %dma_wait3A_241 = tpu.memref_squeeze %dma_wait3A_240 : memref<1x1x100xi32, #tpu.memory_space<hbm>> -> memref<100xi32, #tpu.memory_space<hbm>>
      tpu.wait_dma2 semaphore(%arg22 : memref<!tpu.dma_semaphore, #tpu.memory_space<semaphore_mem>>) src(%dma_wait3A_241 : memref<100xi32, #tpu.memory_space<hbm>>) dst(%arg12 : memref<100xi32, #tpu.memory_space<vmem>>)
      "tpu.region"() ({
        %run_scoped3A = tpu.sem_alloc : memref<!tpu.dma_semaphore, #tpu.memory_space<semaphore_mem>>
        %dma_start3A_378 = arith.constant 0 : i32
        %dma_start3A_379 = arith.constant 0 : i32
        %dma_start3A_380 = tpu.memref_slice %arg17[%dma_start3A_378, %dma_start3A_379] : memref<10240x128xf32, #tpu.memory_space<vmem_shared>> -> memref<10240x128xf32, #tpu.memory_space<vmem_shared>>
        tpu.enqueue_indirect_dma source(%arg14 : memref<100x128xf32, #tpu.memory_space<vmem>>) target(%dma_start3A_380 : memref<10240x128xf32, #tpu.memory_space<vmem_shared>>) offsets(%arg10 : memref<100xi32, #tpu.memory_space<vmem>>) semaphore(%run_scoped3A : memref<!tpu.dma_semaphore, #tpu.memory_space<semaphore_mem>>) {add = true}
        %dma_wait3A_381 = arith.constant 0 : i32
        %dma_wait3A_382 = arith.constant 0 : i32
        %dma_wait3A_383 = tpu.memref_slice %arg17[%dma_wait3A_381, %dma_wait3A_382] : memref<10240x128xf32, #tpu.memory_space<vmem_shared>> -> memref<10240x128xf32, #tpu.memory_space<vmem_shared>>
        tpu.wait_indirect_dma semaphore(%run_scoped3A : memref<!tpu.dma_semaphore, #tpu.memory_space<semaphore_mem>>) src(%arg14 : memref<100x128xf32, #tpu.memory_space<vmem>>) dst(%dma_wait3A_383 : memref<10240x128xf32, #tpu.memory_space<vmem_shared>>)
        tpu.yield
      }) : () -> ()
      %dma_start3A_242 = arith.constant 0 : i32
      %dma_start3A_243 = arith.constant 0 : i32
      %dma_start3A_244 = tpu.memref_slice %arg2[%dma_start3A_242, %dma_start3A_243] : memref<10240x128xf32, #tpu.memory_space<hbm>> -> memref<10240x128xf32, #tpu.memory_space<hbm>>
      tpu.enqueue_indirect_dma source(%dma_start3A_244 : memref<10240x128xf32, #tpu.memory_space<hbm>>) target(%arg14 : memref<100x128xf32, #tpu.memory_space<vmem>>) offsets(%arg8 : memref<100xi32, #tpu.memory_space<vmem>>) semaphore(%arg18 : memref<!tpu.dma_semaphore, #tpu.memory_space<semaphore_mem>>)
      %add3A_245 = arith.constant 1 : i32
      %add3A_246 = arith.addi %mul3A_200, %add3A_245 : i32
      %add3A_247 = arith.constant 2 : i32
      %add3A_248 = arith.addi %add3A_246, %add3A_247 : i32
      %add3A_249 = arith.addi %mul3A_2, %add3A_248 : i32
      %dma_start3A_250 = arith.constant 0 : i32
      %dma_start3A_251 = arith.constant 0 : i32
      %dma_start3A_252 = tpu.memref_slice %arg3[%add3A_249, %dma_start3A_250, %dma_start3A_251] : memref<3200x1x100xi32, #tpu.memory_space<hbm>> -> memref<1x1x100xi32, #tpu.memory_space<hbm>>
      %dma_start3A_253 = tpu.memref_squeeze %dma_start3A_252 : memref<1x1x100xi32, #tpu.memory_space<hbm>> -> memref<100xi32, #tpu.memory_space<hbm>>
      %dma_start3A_254 = arith.constant 0 : i32
      %dma_start3A_255 = tpu.memref_slice %arg3[%add3A_249, %dma_start3A_250, %dma_start3A_254] : memref<3200x1x100xi32, #tpu.memory_space<hbm>> -> memref<1x1x100xi32, #tpu.memory_space<hbm>>
      %dma_start3A_256 = tpu.memref_squeeze %dma_start3A_255 : memref<1x1x100xi32, #tpu.memory_space<hbm>> -> memref<100xi32, #tpu.memory_space<hbm>>
      tpu.enqueue_dma source(%dma_start3A_256 : memref<100xi32, #tpu.memory_space<hbm>>) target(%arg9 : memref<100xi32, #tpu.memory_space<vmem>>) target_semaphore(%arg23 : memref<!tpu.dma_semaphore, #tpu.memory_space<semaphore_mem>>)
      %add3A_257 = arith.addi %mul3A_2, %add3A_248 : i32
      %dma_start3A_258 = arith.constant 0 : i32
      %dma_start3A_259 = arith.constant 0 : i32
      %dma_start3A_260 = tpu.memref_slice %arg4[%add3A_257, %dma_start3A_258, %dma_start3A_259] : memref<3200x1x100xi32, #tpu.memory_space<hbm>> -> memref<1x1x100xi32, #tpu.memory_space<hbm>>
      %dma_start3A_261 = tpu.memref_squeeze %dma_start3A_260 : memref<1x1x100xi32, #tpu.memory_space<hbm>> -> memref<100xi32, #tpu.memory_space<hbm>>
      %dma_start3A_262 = arith.constant 0 : i32
      %dma_start3A_263 = tpu.memref_slice %arg4[%add3A_257, %dma_start3A_258, %dma_start3A_262] : memref<3200x1x100xi32, #tpu.memory_space<hbm>> -> memref<1x1x100xi32, #tpu.memory_space<hbm>>
      %dma_start3A_264 = tpu.memref_squeeze %dma_start3A_263 : memref<1x1x100xi32, #tpu.memory_space<hbm>> -> memref<100xi32, #tpu.memory_space<hbm>>
      tpu.enqueue_dma source(%dma_start3A_264 : memref<100xi32, #tpu.memory_space<hbm>>) target(%arg13 : memref<100xi32, #tpu.memory_space<vmem>>) target_semaphore(%arg23 : memref<!tpu.dma_semaphore, #tpu.memory_space<semaphore_mem>>)
      %dma_wait3A_265 = arith.constant 0 : i32
      %dma_wait3A_266 = arith.constant 0 : i32
      %dma_wait3A_267 = tpu.memref_slice %arg2[%dma_wait3A_265, %dma_wait3A_266] : memref<10240x128xf32, #tpu.memory_space<hbm>> -> memref<10240x128xf32, #tpu.memory_space<hbm>>
      tpu.wait_indirect_dma semaphore(%arg19 : memref<!tpu.dma_semaphore, #tpu.memory_space<semaphore_mem>>) src(%dma_wait3A_267 : memref<10240x128xf32, #tpu.memory_space<hbm>>) dst(%arg15 : memref<100x128xf32, #tpu.memory_space<vmem>>)
      %add3A_268 = arith.constant 2 : i32
      %add3A_269 = arith.addi %add3A_246, %add3A_268 : i32
      %add3A_270 = arith.addi %mul3A_2, %add3A_269 : i32
      %dma_wait3A_271 = arith.constant 0 : i32
      %dma_wait3A_272 = arith.constant 0 : i32
      %dma_wait3A_273 = tpu.memref_slice %arg3[%add3A_270, %dma_wait3A_271, %dma_wait3A_272] : memref<3200x1x100xi32, #tpu.memory_space<hbm>> -> memref<1x1x100xi32, #tpu.memory_space<hbm>>
      %dma_wait3A_274 = tpu.memref_squeeze %dma_wait3A_273 : memref<1x1x100xi32, #tpu.memory_space<hbm>> -> memref<100xi32, #tpu.memory_space<hbm>>
      %dma_wait3A_275 = arith.constant 0 : i32
      %dma_wait3A_276 = tpu.memref_slice %arg3[%add3A_270, %dma_wait3A_271, %dma_wait3A_275] : memref<3200x1x100xi32, #tpu.memory_space<hbm>> -> memref<1x1x100xi32, #tpu.memory_space<hbm>>
      %dma_wait3A_277 = tpu.memref_squeeze %dma_wait3A_276 : memref<1x1x100xi32, #tpu.memory_space<hbm>> -> memref<100xi32, #tpu.memory_space<hbm>>
      tpu.wait_dma2 semaphore(%arg23 : memref<!tpu.dma_semaphore, #tpu.memory_space<semaphore_mem>>) src(%dma_wait3A_277 : memref<100xi32, #tpu.memory_space<hbm>>) dst(%arg9 : memref<100xi32, #tpu.memory_space<vmem>>)
      %add3A_278 = arith.addi %mul3A_2, %add3A_269 : i32
      %dma_wait3A_279 = arith.constant 0 : i32
      %dma_wait3A_280 = arith.constant 0 : i32
      %dma_wait3A_281 = tpu.memref_slice %arg4[%add3A_278, %dma_wait3A_279, %dma_wait3A_280] : memref<3200x1x100xi32, #tpu.memory_space<hbm>> -> memref<1x1x100xi32, #tpu.memory_space<hbm>>
      %dma_wait3A_282 = tpu.memref_squeeze %dma_wait3A_281 : memref<1x1x100xi32, #tpu.memory_space<hbm>> -> memref<100xi32, #tpu.memory_space<hbm>>
      %dma_wait3A_283 = arith.constant 0 : i32
      %dma_wait3A_284 = tpu.memref_slice %arg4[%add3A_278, %dma_wait3A_279, %dma_wait3A_283] : memref<3200x1x100xi32, #tpu.memory_space<hbm>> -> memref<1x1x100xi32, #tpu.memory_space<hbm>>
      %dma_wait3A_285 = tpu.memref_squeeze %dma_wait3A_284 : memref<1x1x100xi32, #tpu.memory_space<hbm>> -> memref<100xi32, #tpu.memory_space<hbm>>
      tpu.wait_dma2 semaphore(%arg23 : memref<!tpu.dma_semaphore, #tpu.memory_space<semaphore_mem>>) src(%dma_wait3A_285 : memref<100xi32, #tpu.memory_space<hbm>>) dst(%arg13 : memref<100xi32, #tpu.memory_space<vmem>>)
      "tpu.region"() ({
        %run_scoped3A = tpu.sem_alloc : memref<!tpu.dma_semaphore, #tpu.memory_space<semaphore_mem>>
        %dma_start3A_378 = arith.constant 0 : i32
        %dma_start3A_379 = arith.constant 0 : i32
        %dma_start3A_380 = tpu.memref_slice %arg17[%dma_start3A_378, %dma_start3A_379] : memref<10240x128xf32, #tpu.memory_space<vmem_shared>> -> memref<10240x128xf32, #tpu.memory_space<vmem_shared>>
        tpu.enqueue_indirect_dma source(%arg15 : memref<100x128xf32, #tpu.memory_space<vmem>>) target(%dma_start3A_380 : memref<10240x128xf32, #tpu.memory_space<vmem_shared>>) offsets(%arg11 : memref<100xi32, #tpu.memory_space<vmem>>) semaphore(%run_scoped3A : memref<!tpu.dma_semaphore, #tpu.memory_space<semaphore_mem>>) {add = true}
        %dma_wait3A_381 = arith.constant 0 : i32
        %dma_wait3A_382 = arith.constant 0 : i32
        %dma_wait3A_383 = tpu.memref_slice %arg17[%dma_wait3A_381, %dma_wait3A_382] : memref<10240x128xf32, #tpu.memory_space<vmem_shared>> -> memref<10240x128xf32, #tpu.memory_space<vmem_shared>>
        tpu.wait_indirect_dma semaphore(%run_scoped3A : memref<!tpu.dma_semaphore, #tpu.memory_space<semaphore_mem>>) src(%arg15 : memref<100x128xf32, #tpu.memory_space<vmem>>) dst(%dma_wait3A_383 : memref<10240x128xf32, #tpu.memory_space<vmem_shared>>)
        tpu.yield
      }) : () -> ()
      %dma_start3A_286 = arith.constant 0 : i32
      %dma_start3A_287 = arith.constant 0 : i32
      %dma_start3A_288 = tpu.memref_slice %arg2[%dma_start3A_286, %dma_start3A_287] : memref<10240x128xf32, #tpu.memory_space<hbm>> -> memref<10240x128xf32, #tpu.memory_space<hbm>>
      tpu.enqueue_indirect_dma source(%dma_start3A_288 : memref<10240x128xf32, #tpu.memory_space<hbm>>) target(%arg15 : memref<100x128xf32, #tpu.memory_space<vmem>>) offsets(%arg9 : memref<100xi32, #tpu.memory_space<vmem>>) semaphore(%arg19 : memref<!tpu.dma_semaphore, #tpu.memory_space<semaphore_mem>>)
      %add3A_289 = arith.constant 2 : i32
      %add3A_290 = arith.addi %mul3A_200, %add3A_289 : i32
      %add3A_291 = arith.constant 2 : i32
      %add3A_292 = arith.addi %add3A_290, %add3A_291 : i32
      %add3A_293 = arith.addi %mul3A_2, %add3A_292 : i32
      %dma_start3A_294 = arith.constant 0 : i32
      %dma_start3A_295 = arith.constant 0 : i32
      %dma_start3A_296 = tpu.memref_slice %arg3[%add3A_293, %dma_start3A_294, %dma_start3A_295] : memref<3200x1x100xi32, #tpu.memory_space<hbm>> -> memref<1x1x100xi32, #tpu.memory_space<hbm>>
      %dma_start3A_297 = tpu.memref_squeeze %dma_start3A_296 : memref<1x1x100xi32, #tpu.memory_space<hbm>> -> memref<100xi32, #tpu.memory_space<hbm>>
      %dma_start3A_298 = arith.constant 0 : i32
      %dma_start3A_299 = tpu.memref_slice %arg3[%add3A_293, %dma_start3A_294, %dma_start3A_298] : memref<3200x1x100xi32, #tpu.memory_space<hbm>> -> memref<1x1x100xi32, #tpu.memory_space<hbm>>
      %dma_start3A_300 = tpu.memref_squeeze %dma_start3A_299 : memref<1x1x100xi32, #tpu.memory_space<hbm>> -> memref<100xi32, #tpu.memory_space<hbm>>
      tpu.enqueue_dma source(%dma_start3A_300 : memref<100xi32, #tpu.memory_space<hbm>>) target(%arg6 : memref<100xi32, #tpu.memory_space<vmem>>) target_semaphore(%arg20 : memref<!tpu.dma_semaphore, #tpu.memory_space<semaphore_mem>>)
      %add3A_301 = arith.addi %mul3A_2, %add3A_292 : i32
      %dma_start3A_302 = arith.constant 0 : i32
      %dma_start3A_303 = arith.constant 0 : i32
      %dma_start3A_304 = tpu.memref_slice %arg4[%add3A_301, %dma_start3A_302, %dma_start3A_303] : memref<3200x1x100xi32, #tpu.memory_space<hbm>> -> memref<1x1x100xi32, #tpu.memory_space<hbm>>
      %dma_start3A_305 = tpu.memref_squeeze %dma_start3A_304 : memref<1x1x100xi32, #tpu.memory_space<hbm>> -> memref<100xi32, #tpu.memory_space<hbm>>
      %dma_start3A_306 = arith.constant 0 : i32
      %dma_start3A_307 = tpu.memref_slice %arg4[%add3A_301, %dma_start3A_302, %dma_start3A_306] : memref<3200x1x100xi32, #tpu.memory_space<hbm>> -> memref<1x1x100xi32, #tpu.memory_space<hbm>>
      %dma_start3A_308 = tpu.memref_squeeze %dma_start3A_307 : memref<1x1x100xi32, #tpu.memory_space<hbm>> -> memref<100xi32, #tpu.memory_space<hbm>>
      tpu.enqueue_dma source(%dma_start3A_308 : memref<100xi32, #tpu.memory_space<hbm>>) target(%arg10 : memref<100xi32, #tpu.memory_space<vmem>>) target_semaphore(%arg20 : memref<!tpu.dma_semaphore, #tpu.memory_space<semaphore_mem>>)
      %dma_wait3A_309 = arith.constant 0 : i32
      %dma_wait3A_310 = arith.constant 0 : i32
      %dma_wait3A_311 = tpu.memref_slice %arg2[%dma_wait3A_309, %dma_wait3A_310] : memref<10240x128xf32, #tpu.memory_space<hbm>> -> memref<10240x128xf32, #tpu.memory_space<hbm>>
      tpu.wait_indirect_dma semaphore(%arg18 : memref<!tpu.dma_semaphore, #tpu.memory_space<semaphore_mem>>) src(%dma_wait3A_311 : memref<10240x128xf32, #tpu.memory_space<hbm>>) dst(%arg14 : memref<100x128xf32, #tpu.memory_space<vmem>>)
      %add3A_312 = arith.constant 2 : i32
      %add3A_313 = arith.addi %add3A_290, %add3A_312 : i32
      %add3A_314 = arith.addi %mul3A_2, %add3A_313 : i32
      %dma_wait3A_315 = arith.constant 0 : i32
      %dma_wait3A_316 = arith.constant 0 : i32
      %dma_wait3A_317 = tpu.memref_slice %arg3[%add3A_314, %dma_wait3A_315, %dma_wait3A_316] : memref<3200x1x100xi32, #tpu.memory_space<hbm>> -> memref<1x1x100xi32, #tpu.memory_space<hbm>>
      %dma_wait3A_318 = tpu.memref_squeeze %dma_wait3A_317 : memref<1x1x100xi32, #tpu.memory_space<hbm>> -> memref<100xi32, #tpu.memory_space<hbm>>
      %dma_wait3A_319 = arith.constant 0 : i32
      %dma_wait3A_320 = tpu.memref_slice %arg3[%add3A_314, %dma_wait3A_315, %dma_wait3A_319] : memref<3200x1x100xi32, #tpu.memory_space<hbm>> -> memref<1x1x100xi32, #tpu.memory_space<hbm>>
      %dma_wait3A_321 = tpu.memref_squeeze %dma_wait3A_320 : memref<1x1x100xi32, #tpu.memory_space<hbm>> -> memref<100xi32, #tpu.memory_space<hbm>>
      tpu.wait_dma2 semaphore(%arg20 : memref<!tpu.dma_semaphore, #tpu.memory_space<semaphore_mem>>) src(%dma_wait3A_321 : memref<100xi32, #tpu.memory_space<hbm>>) dst(%arg6 : memref<100xi32, #tpu.memory_space<vmem>>)
      %add3A_322 = arith.addi %mul3A_2, %add3A_313 : i32
      %dma_wait3A_323 = arith.constant 0 : i32
      %dma_wait3A_324 = arith.constant 0 : i32
      %dma_wait3A_325 = tpu.memref_slice %arg4[%add3A_322, %dma_wait3A_323, %dma_wait3A_324] : memref<3200x1x100xi32, #tpu.memory_space<hbm>> -> memref<1x1x100xi32, #tpu.memory_space<hbm>>
      %dma_wait3A_326 = tpu.memref_squeeze %dma_wait3A_325 : memref<1x1x100xi32, #tpu.memory_space<hbm>> -> memref<100xi32, #tpu.memory_space<hbm>>
      %dma_wait3A_327 = arith.constant 0 : i32
      %dma_wait3A_328 = tpu.memref_slice %arg4[%add3A_322, %dma_wait3A_323, %dma_wait3A_327] : memref<3200x1x100xi32, #tpu.memory_space<hbm>> -> memref<1x1x100xi32, #tpu.memory_space<hbm>>
      %dma_wait3A_329 = tpu.memref_squeeze %dma_wait3A_328 : memref<1x1x100xi32, #tpu.memory_space<hbm>> -> memref<100xi32, #tpu.memory_space<hbm>>
      tpu.wait_dma2 semaphore(%arg20 : memref<!tpu.dma_semaphore, #tpu.memory_space<semaphore_mem>>) src(%dma_wait3A_329 : memref<100xi32, #tpu.memory_space<hbm>>) dst(%arg10 : memref<100xi32, #tpu.memory_space<vmem>>)
      "tpu.region"() ({
        %run_scoped3A = tpu.sem_alloc : memref<!tpu.dma_semaphore, #tpu.memory_space<semaphore_mem>>
        %dma_start3A_378 = arith.constant 0 : i32
        %dma_start3A_379 = arith.constant 0 : i32
        %dma_start3A_380 = tpu.memref_slice %arg17[%dma_start3A_378, %dma_start3A_379] : memref<10240x128xf32, #tpu.memory_space<vmem_shared>> -> memref<10240x128xf32, #tpu.memory_space<vmem_shared>>
        tpu.enqueue_indirect_dma source(%arg14 : memref<100x128xf32, #tpu.memory_space<vmem>>) target(%dma_start3A_380 : memref<10240x128xf32, #tpu.memory_space<vmem_shared>>) offsets(%arg12 : memref<100xi32, #tpu.memory_space<vmem>>) semaphore(%run_scoped3A : memref<!tpu.dma_semaphore, #tpu.memory_space<semaphore_mem>>) {add = true}
        %dma_wait3A_381 = arith.constant 0 : i32
        %dma_wait3A_382 = arith.constant 0 : i32
        %dma_wait3A_383 = tpu.memref_slice %arg17[%dma_wait3A_381, %dma_wait3A_382] : memref<10240x128xf32, #tpu.memory_space<vmem_shared>> -> memref<10240x128xf32, #tpu.memory_space<vmem_shared>>
        tpu.wait_indirect_dma semaphore(%run_scoped3A : memref<!tpu.dma_semaphore, #tpu.memory_space<semaphore_mem>>) src(%arg14 : memref<100x128xf32, #tpu.memory_space<vmem>>) dst(%dma_wait3A_383 : memref<10240x128xf32, #tpu.memory_space<vmem_shared>>)
        tpu.yield
      }) : () -> ()
      %dma_start3A_330 = arith.constant 0 : i32
      %dma_start3A_331 = arith.constant 0 : i32
      %dma_start3A_332 = tpu.memref_slice %arg2[%dma_start3A_330, %dma_start3A_331] : memref<10240x128xf32, #tpu.memory_space<hbm>> -> memref<10240x128xf32, #tpu.memory_space<hbm>>
      tpu.enqueue_indirect_dma source(%dma_start3A_332 : memref<10240x128xf32, #tpu.memory_space<hbm>>) target(%arg14 : memref<100x128xf32, #tpu.memory_space<vmem>>) offsets(%arg6 : memref<100xi32, #tpu.memory_space<vmem>>) semaphore(%arg18 : memref<!tpu.dma_semaphore, #tpu.memory_space<semaphore_mem>>)
      %add3A_333 = arith.constant 3 : i32
      %add3A_334 = arith.addi %mul3A_200, %add3A_333 : i32
      %add3A_335 = arith.constant 2 : i32
      %add3A_336 = arith.addi %add3A_334, %add3A_335 : i32
      %add3A_337 = arith.addi %mul3A_2, %add3A_336 : i32
      %dma_start3A_338 = arith.constant 0 : i32
      %dma_start3A_339 = arith.constant 0 : i32
      %dma_start3A_340 = tpu.memref_slice %arg3[%add3A_337, %dma_start3A_338, %dma_start3A_339] : memref<3200x1x100xi32, #tpu.memory_space<hbm>> -> memref<1x1x100xi32, #tpu.memory_space<hbm>>
      %dma_start3A_341 = tpu.memref_squeeze %dma_start3A_340 : memref<1x1x100xi32, #tpu.memory_space<hbm>> -> memref<100xi32, #tpu.memory_space<hbm>>
      %dma_start3A_342 = arith.constant 0 : i32
      %dma_start3A_343 = tpu.memref_slice %arg3[%add3A_337, %dma_start3A_338, %dma_start3A_342] : memref<3200x1x100xi32, #tpu.memory_space<hbm>> -> memref<1x1x100xi32, #tpu.memory_space<hbm>>
      %dma_start3A_344 = tpu.memref_squeeze %dma_start3A_343 : memref<1x1x100xi32, #tpu.memory_space<hbm>> -> memref<100xi32, #tpu.memory_space<hbm>>
      tpu.enqueue_dma source(%dma_start3A_344 : memref<100xi32, #tpu.memory_space<hbm>>) target(%arg7 : memref<100xi32, #tpu.memory_space<vmem>>) target_semaphore(%arg21 : memref<!tpu.dma_semaphore, #tpu.memory_space<semaphore_mem>>)
      %add3A_345 = arith.addi %mul3A_2, %add3A_336 : i32
      %dma_start3A_346 = arith.constant 0 : i32
      %dma_start3A_347 = arith.constant 0 : i32
      %dma_start3A_348 = tpu.memref_slice %arg4[%add3A_345, %dma_start3A_346, %dma_start3A_347] : memref<3200x1x100xi32, #tpu.memory_space<hbm>> -> memref<1x1x100xi32, #tpu.memory_space<hbm>>
      %dma_start3A_349 = tpu.memref_squeeze %dma_start3A_348 : memref<1x1x100xi32, #tpu.memory_space<hbm>> -> memref<100xi32, #tpu.memory_space<hbm>>
      %dma_start3A_350 = arith.constant 0 : i32
      %dma_start3A_351 = tpu.memref_slice %arg4[%add3A_345, %dma_start3A_346, %dma_start3A_350] : memref<3200x1x100xi32, #tpu.memory_space<hbm>> -> memref<1x1x100xi32, #tpu.memory_space<hbm>>
      %dma_start3A_352 = tpu.memref_squeeze %dma_start3A_351 : memref<1x1x100xi32, #tpu.memory_space<hbm>> -> memref<100xi32, #tpu.memory_space<hbm>>
      tpu.enqueue_dma source(%dma_start3A_352 : memref<100xi32, #tpu.memory_space<hbm>>) target(%arg11 : memref<100xi32, #tpu.memory_space<vmem>>) target_semaphore(%arg21 : memref<!tpu.dma_semaphore, #tpu.memory_space<semaphore_mem>>)
      %dma_wait3A_353 = arith.constant 0 : i32
      %dma_wait3A_354 = arith.constant 0 : i32
      %dma_wait3A_355 = tpu.memref_slice %arg2[%dma_wait3A_353, %dma_wait3A_354] : memref<10240x128xf32, #tpu.memory_space<hbm>> -> memref<10240x128xf32, #tpu.memory_space<hbm>>
      tpu.wait_indirect_dma semaphore(%arg19 : memref<!tpu.dma_semaphore, #tpu.memory_space<semaphore_mem>>) src(%dma_wait3A_355 : memref<10240x128xf32, #tpu.memory_space<hbm>>) dst(%arg15 : memref<100x128xf32, #tpu.memory_space<vmem>>)
      %add3A_356 = arith.constant 2 : i32
      %add3A_357 = arith.addi %add3A_334, %add3A_356 : i32
      %add3A_358 = arith.addi %mul3A_2, %add3A_357 : i32
      %dma_wait3A_359 = arith.constant 0 : i32
      %dma_wait3A_360 = arith.constant 0 : i32
      %dma_wait3A_361 = tpu.memref_slice %arg3[%add3A_358, %dma_wait3A_359, %dma_wait3A_360] : memref<3200x1x100xi32, #tpu.memory_space<hbm>> -> memref<1x1x100xi32, #tpu.memory_space<hbm>>
      %dma_wait3A_362 = tpu.memref_squeeze %dma_wait3A_361 : memref<1x1x100xi32, #tpu.memory_space<hbm>> -> memref<100xi32, #tpu.memory_space<hbm>>
      %dma_wait3A_363 = arith.constant 0 : i32
      %dma_wait3A_364 = tpu.memref_slice %arg3[%add3A_358, %dma_wait3A_359, %dma_wait3A_363] : memref<3200x1x100xi32, #tpu.memory_space<hbm>> -> memref<1x1x100xi32, #tpu.memory_space<hbm>>
      %dma_wait3A_365 = tpu.memref_squeeze %dma_wait3A_364 : memref<1x1x100xi32, #tpu.memory_space<hbm>> -> memref<100xi32, #tpu.memory_space<hbm>>
      tpu.wait_dma2 semaphore(%arg21 : memref<!tpu.dma_semaphore, #tpu.memory_space<semaphore_mem>>) src(%dma_wait3A_365 : memref<100xi32, #tpu.memory_space<hbm>>) dst(%arg7 : memref<100xi32, #tpu.memory_space<vmem>>)
      %add3A_366 = arith.addi %mul3A_2, %add3A_357 : i32
      %dma_wait3A_367 = arith.constant 0 : i32
      %dma_wait3A_368 = arith.constant 0 : i32
      %dma_wait3A_369 = tpu.memref_slice %arg4[%add3A_366, %dma_wait3A_367, %dma_wait3A_368] : memref<3200x1x100xi32, #tpu.memory_space<hbm>> -> memref<1x1x100xi32, #tpu.memory_space<hbm>>
      %dma_wait3A_370 = tpu.memref_squeeze %dma_wait3A_369 : memref<1x1x100xi32, #tpu.memory_space<hbm>> -> memref<100xi32, #tpu.memory_space<hbm>>
      %dma_wait3A_371 = arith.constant 0 : i32
      %dma_wait3A_372 = tpu.memref_slice %arg4[%add3A_366, %dma_wait3A_367, %dma_wait3A_371] : memref<3200x1x100xi32, #tpu.memory_space<hbm>> -> memref<1x1x100xi32, #tpu.memory_space<hbm>>
      %dma_wait3A_373 = tpu.memref_squeeze %dma_wait3A_372 : memref<1x1x100xi32, #tpu.memory_space<hbm>> -> memref<100xi32, #tpu.memory_space<hbm>>
      tpu.wait_dma2 semaphore(%arg21 : memref<!tpu.dma_semaphore, #tpu.memory_space<semaphore_mem>>) src(%dma_wait3A_373 : memref<100xi32, #tpu.memory_space<hbm>>) dst(%arg11 : memref<100xi32, #tpu.memory_space<vmem>>)
      "tpu.region"() ({
        %run_scoped3A = tpu.sem_alloc : memref<!tpu.dma_semaphore, #tpu.memory_space<semaphore_mem>>
        %dma_start3A_378 = arith.constant 0 : i32
        %dma_start3A_379 = arith.constant 0 : i32
        %dma_start3A_380 = tpu.memref_slice %arg17[%dma_start3A_378, %dma_start3A_379] : memref<10240x128xf32, #tpu.memory_space<vmem_shared>> -> memref<10240x128xf32, #tpu.memory_space<vmem_shared>>
        tpu.enqueue_indirect_dma source(%arg15 : memref<100x128xf32, #tpu.memory_space<vmem>>) target(%dma_start3A_380 : memref<10240x128xf32, #tpu.memory_space<vmem_shared>>) offsets(%arg13 : memref<100xi32, #tpu.memory_space<vmem>>) semaphore(%run_scoped3A : memref<!tpu.dma_semaphore, #tpu.memory_space<semaphore_mem>>) {add = true}
        %dma_wait3A_381 = arith.constant 0 : i32
        %dma_wait3A_382 = arith.constant 0 : i32
        %dma_wait3A_383 = tpu.memref_slice %arg17[%dma_wait3A_381, %dma_wait3A_382] : memref<10240x128xf32, #tpu.memory_space<vmem_shared>> -> memref<10240x128xf32, #tpu.memory_space<vmem_shared>>
        tpu.wait_indirect_dma semaphore(%run_scoped3A : memref<!tpu.dma_semaphore, #tpu.memory_space<semaphore_mem>>) src(%arg15 : memref<100x128xf32, #tpu.memory_space<vmem>>) dst(%dma_wait3A_383 : memref<10240x128xf32, #tpu.memory_space<vmem_shared>>)
        tpu.yield
      }) : () -> ()
      %dma_start3A_374 = arith.constant 0 : i32
      %dma_start3A_375 = arith.constant 0 : i32
      %dma_start3A_376 = tpu.memref_slice %arg2[%dma_start3A_374, %dma_start3A_375] : memref<10240x128xf32, #tpu.memory_space<hbm>> -> memref<10240x128xf32, #tpu.memory_space<hbm>>
      tpu.enqueue_indirect_dma source(%dma_start3A_376 : memref<10240x128xf32, #tpu.memory_space<hbm>>) target(%arg15 : memref<100x128xf32, #tpu.memory_space<vmem>>) offsets(%arg7 : memref<100xi32, #tpu.memory_space<vmem>>) semaphore(%arg19 : memref<!tpu.dma_semaphore, #tpu.memory_space<semaphore_mem>>)
      %scan3A_377 = arith.constant 0 : i32
      scf.yield %scan3A_377 : i32
    }
    %scan3A_98 = arith.constant 24 : i32
    %add3A_99 = arith.constant 98 : i32
    %add3A_100 = arith.addi %mul3A_2, %add3A_99 : i32
    %dma_start3A_101 = arith.constant 0 : i32
    %dma_start3A_102 = arith.constant 0 : i32
    %dma_start3A_103 = tpu.memref_slice %arg3[%add3A_100, %dma_start3A_101, %dma_start3A_102] : memref<3200x1x100xi32, #tpu.memory_space<hbm>> -> memref<1x1x100xi32, #tpu.memory_space<hbm>>
    %dma_start3A_104 = tpu.memref_squeeze %dma_start3A_103 : memref<1x1x100xi32, #tpu.memory_space<hbm>> -> memref<100xi32, #tpu.memory_space<hbm>>
    %dma_start3A_105 = arith.constant 0 : i32
    %dma_start3A_106 = tpu.memref_slice %arg3[%add3A_100, %dma_start3A_101, %dma_start3A_105] : memref<3200x1x100xi32, #tpu.memory_space<hbm>> -> memref<1x1x100xi32, #tpu.memory_space<hbm>>
    %dma_start3A_107 = tpu.memref_squeeze %dma_start3A_106 : memref<1x1x100xi32, #tpu.memory_space<hbm>> -> memref<100xi32, #tpu.memory_space<hbm>>
    tpu.enqueue_dma source(%dma_start3A_107 : memref<100xi32, #tpu.memory_space<hbm>>) target(%arg8 : memref<100xi32, #tpu.memory_space<vmem>>) target_semaphore(%arg22 : memref<!tpu.dma_semaphore, #tpu.memory_space<semaphore_mem>>)
    %add3A_108 = arith.constant 98 : i32
    %add3A_109 = arith.addi %mul3A_2, %add3A_108 : i32
    %dma_start3A_110 = arith.constant 0 : i32
    %dma_start3A_111 = arith.constant 0 : i32
    %dma_start3A_112 = tpu.memref_slice %arg4[%add3A_109, %dma_start3A_110, %dma_start3A_111] : memref<3200x1x100xi32, #tpu.memory_space<hbm>> -> memref<1x1x100xi32, #tpu.memory_space<hbm>>
    %dma_start3A_113 = tpu.memref_squeeze %dma_start3A_112 : memref<1x1x100xi32, #tpu.memory_space<hbm>> -> memref<100xi32, #tpu.memory_space<hbm>>
    %dma_start3A_114 = arith.constant 0 : i32
    %dma_start3A_115 = tpu.memref_slice %arg4[%add3A_109, %dma_start3A_110, %dma_start3A_114] : memref<3200x1x100xi32, #tpu.memory_space<hbm>> -> memref<1x1x100xi32, #tpu.memory_space<hbm>>
    %dma_start3A_116 = tpu.memref_squeeze %dma_start3A_115 : memref<1x1x100xi32, #tpu.memory_space<hbm>> -> memref<100xi32, #tpu.memory_space<hbm>>
    tpu.enqueue_dma source(%dma_start3A_116 : memref<100xi32, #tpu.memory_space<hbm>>) target(%arg12 : memref<100xi32, #tpu.memory_space<vmem>>) target_semaphore(%arg22 : memref<!tpu.dma_semaphore, #tpu.memory_space<semaphore_mem>>)
    %dma_wait3A_117 = arith.constant 0 : i32
    %dma_wait3A_118 = arith.constant 0 : i32
    %dma_wait3A_119 = tpu.memref_slice %arg2[%dma_wait3A_117, %dma_wait3A_118] : memref<10240x128xf32, #tpu.memory_space<hbm>> -> memref<10240x128xf32, #tpu.memory_space<hbm>>
    tpu.wait_indirect_dma semaphore(%arg18 : memref<!tpu.dma_semaphore, #tpu.memory_space<semaphore_mem>>) src(%dma_wait3A_119 : memref<10240x128xf32, #tpu.memory_space<hbm>>) dst(%arg14 : memref<100x128xf32, #tpu.memory_space<vmem>>)
    %add3A_120 = arith.constant 98 : i32
    %add3A_121 = arith.addi %mul3A_2, %add3A_120 : i32
    %dma_wait3A_122 = arith.constant 0 : i32
    %dma_wait3A_123 = arith.constant 0 : i32
    %dma_wait3A_124 = tpu.memref_slice %arg3[%add3A_121, %dma_wait3A_122, %dma_wait3A_123] : memref<3200x1x100xi32, #tpu.memory_space<hbm>> -> memref<1x1x100xi32, #tpu.memory_space<hbm>>
    %dma_wait3A_125 = tpu.memref_squeeze %dma_wait3A_124 : memref<1x1x100xi32, #tpu.memory_space<hbm>> -> memref<100xi32, #tpu.memory_space<hbm>>
    %dma_wait3A_126 = arith.constant 0 : i32
    %dma_wait3A_127 = tpu.memref_slice %arg3[%add3A_121, %dma_wait3A_122, %dma_wait3A_126] : memref<3200x1x100xi32, #tpu.memory_space<hbm>> -> memref<1x1x100xi32, #tpu.memory_space<hbm>>
    %dma_wait3A_128 = tpu.memref_squeeze %dma_wait3A_127 : memref<1x1x100xi32, #tpu.memory_space<hbm>> -> memref<100xi32, #tpu.memory_space<hbm>>
    tpu.wait_dma2 semaphore(%arg22 : memref<!tpu.dma_semaphore, #tpu.memory_space<semaphore_mem>>) src(%dma_wait3A_128 : memref<100xi32, #tpu.memory_space<hbm>>) dst(%arg8 : memref<100xi32, #tpu.memory_space<vmem>>)
    %add3A_129 = arith.constant 98 : i32
    %add3A_130 = arith.addi %mul3A_2, %add3A_129 : i32
    %dma_wait3A_131 = arith.constant 0 : i32
    %dma_wait3A_132 = arith.constant 0 : i32
    %dma_wait3A_133 = tpu.memref_slice %arg4[%add3A_130, %dma_wait3A_131, %dma_wait3A_132] : memref<3200x1x100xi32, #tpu.memory_space<hbm>> -> memref<1x1x100xi32, #tpu.memory_space<hbm>>
    %dma_wait3A_134 = tpu.memref_squeeze %dma_wait3A_133 : memref<1x1x100xi32, #tpu.memory_space<hbm>> -> memref<100xi32, #tpu.memory_space<hbm>>
    %dma_wait3A_135 = arith.constant 0 : i32
    %dma_wait3A_136 = tpu.memref_slice %arg4[%add3A_130, %dma_wait3A_131, %dma_wait3A_135] : memref<3200x1x100xi32, #tpu.memory_space<hbm>> -> memref<1x1x100xi32, #tpu.memory_space<hbm>>
    %dma_wait3A_137 = tpu.memref_squeeze %dma_wait3A_136 : memref<1x1x100xi32, #tpu.memory_space<hbm>> -> memref<100xi32, #tpu.memory_space<hbm>>
    tpu.wait_dma2 semaphore(%arg22 : memref<!tpu.dma_semaphore, #tpu.memory_space<semaphore_mem>>) src(%dma_wait3A_137 : memref<100xi32, #tpu.memory_space<hbm>>) dst(%arg12 : memref<100xi32, #tpu.memory_space<vmem>>)
    "tpu.region"() ({
      %run_scoped3A = tpu.sem_alloc : memref<!tpu.dma_semaphore, #tpu.memory_space<semaphore_mem>>
      %dma_start3A_197 = arith.constant 0 : i32
      %dma_start3A_198 = arith.constant 0 : i32
      %dma_start3A_199 = tpu.memref_slice %arg17[%dma_start3A_197, %dma_start3A_198] : memref<10240x128xf32, #tpu.memory_space<vmem_shared>> -> memref<10240x128xf32, #tpu.memory_space<vmem_shared>>
      tpu.enqueue_indirect_dma source(%arg14 : memref<100x128xf32, #tpu.memory_space<vmem>>) target(%dma_start3A_199 : memref<10240x128xf32, #tpu.memory_space<vmem_shared>>) offsets(%arg10 : memref<100xi32, #tpu.memory_space<vmem>>) semaphore(%run_scoped3A : memref<!tpu.dma_semaphore, #tpu.memory_space<semaphore_mem>>) {add = true}
      %dma_wait3A_200 = arith.constant 0 : i32
      %dma_wait3A_201 = arith.constant 0 : i32
      %dma_wait3A_202 = tpu.memref_slice %arg17[%dma_wait3A_200, %dma_wait3A_201] : memref<10240x128xf32, #tpu.memory_space<vmem_shared>> -> memref<10240x128xf32, #tpu.memory_space<vmem_shared>>
      tpu.wait_indirect_dma semaphore(%run_scoped3A : memref<!tpu.dma_semaphore, #tpu.memory_space<semaphore_mem>>) src(%arg14 : memref<100x128xf32, #tpu.memory_space<vmem>>) dst(%dma_wait3A_202 : memref<10240x128xf32, #tpu.memory_space<vmem_shared>>)
      tpu.yield
    }) : () -> ()
    %dma_start3A_138 = arith.constant 0 : i32
    %dma_start3A_139 = arith.constant 0 : i32
    %dma_start3A_140 = tpu.memref_slice %arg2[%dma_start3A_138, %dma_start3A_139] : memref<10240x128xf32, #tpu.memory_space<hbm>> -> memref<10240x128xf32, #tpu.memory_space<hbm>>
    tpu.enqueue_indirect_dma source(%dma_start3A_140 : memref<10240x128xf32, #tpu.memory_space<hbm>>) target(%arg14 : memref<100x128xf32, #tpu.memory_space<vmem>>) offsets(%arg8 : memref<100xi32, #tpu.memory_space<vmem>>) semaphore(%arg18 : memref<!tpu.dma_semaphore, #tpu.memory_space<semaphore_mem>>)
    %add3A_141 = arith.constant 99 : i32
    %add3A_142 = arith.addi %mul3A_2, %add3A_141 : i32
    %dma_start3A_143 = arith.constant 0 : i32
    %dma_start3A_144 = arith.constant 0 : i32
    %dma_start3A_145 = tpu.memref_slice %arg3[%add3A_142, %dma_start3A_143, %dma_start3A_144] : memref<3200x1x100xi32, #tpu.memory_space<hbm>> -> memref<1x1x100xi32, #tpu.memory_space<hbm>>
    %dma_start3A_146 = tpu.memref_squeeze %dma_start3A_145 : memref<1x1x100xi32, #tpu.memory_space<hbm>> -> memref<100xi32, #tpu.memory_space<hbm>>
    %dma_start3A_147 = arith.constant 0 : i32
    %dma_start3A_148 = tpu.memref_slice %arg3[%add3A_142, %dma_start3A_143, %dma_start3A_147] : memref<3200x1x100xi32, #tpu.memory_space<hbm>> -> memref<1x1x100xi32, #tpu.memory_space<hbm>>
    %dma_start3A_149 = tpu.memref_squeeze %dma_start3A_148 : memref<1x1x100xi32, #tpu.memory_space<hbm>> -> memref<100xi32, #tpu.memory_space<hbm>>
    tpu.enqueue_dma source(%dma_start3A_149 : memref<100xi32, #tpu.memory_space<hbm>>) target(%arg9 : memref<100xi32, #tpu.memory_space<vmem>>) target_semaphore(%arg23 : memref<!tpu.dma_semaphore, #tpu.memory_space<semaphore_mem>>)
    %add3A_150 = arith.constant 99 : i32
    %add3A_151 = arith.addi %mul3A_2, %add3A_150 : i32
    %dma_start3A_152 = arith.constant 0 : i32
    %dma_start3A_153 = arith.constant 0 : i32
    %dma_start3A_154 = tpu.memref_slice %arg4[%add3A_151, %dma_start3A_152, %dma_start3A_153] : memref<3200x1x100xi32, #tpu.memory_space<hbm>> -> memref<1x1x100xi32, #tpu.memory_space<hbm>>
    %dma_start3A_155 = tpu.memref_squeeze %dma_start3A_154 : memref<1x1x100xi32, #tpu.memory_space<hbm>> -> memref<100xi32, #tpu.memory_space<hbm>>
    %dma_start3A_156 = arith.constant 0 : i32
    %dma_start3A_157 = tpu.memref_slice %arg4[%add3A_151, %dma_start3A_152, %dma_start3A_156] : memref<3200x1x100xi32, #tpu.memory_space<hbm>> -> memref<1x1x100xi32, #tpu.memory_space<hbm>>
    %dma_start3A_158 = tpu.memref_squeeze %dma_start3A_157 : memref<1x1x100xi32, #tpu.memory_space<hbm>> -> memref<100xi32, #tpu.memory_space<hbm>>
    tpu.enqueue_dma source(%dma_start3A_158 : memref<100xi32, #tpu.memory_space<hbm>>) target(%arg13 : memref<100xi32, #tpu.memory_space<vmem>>) target_semaphore(%arg23 : memref<!tpu.dma_semaphore, #tpu.memory_space<semaphore_mem>>)
    %dma_wait3A_159 = arith.constant 0 : i32
    %dma_wait3A_160 = arith.constant 0 : i32
    %dma_wait3A_161 = tpu.memref_slice %arg2[%dma_wait3A_159, %dma_wait3A_160] : memref<10240x128xf32, #tpu.memory_space<hbm>> -> memref<10240x128xf32, #tpu.memory_space<hbm>>
    tpu.wait_indirect_dma semaphore(%arg19 : memref<!tpu.dma_semaphore, #tpu.memory_space<semaphore_mem>>) src(%dma_wait3A_161 : memref<10240x128xf32, #tpu.memory_space<hbm>>) dst(%arg15 : memref<100x128xf32, #tpu.memory_space<vmem>>)
    %add3A_162 = arith.constant 99 : i32
    %add3A_163 = arith.addi %mul3A_2, %add3A_162 : i32
    %dma_wait3A_164 = arith.constant 0 : i32
    %dma_wait3A_165 = arith.constant 0 : i32
    %dma_wait3A_166 = tpu.memref_slice %arg3[%add3A_163, %dma_wait3A_164, %dma_wait3A_165] : memref<3200x1x100xi32, #tpu.memory_space<hbm>> -> memref<1x1x100xi32, #tpu.memory_space<hbm>>
    %dma_wait3A_167 = tpu.memref_squeeze %dma_wait3A_166 : memref<1x1x100xi32, #tpu.memory_space<hbm>> -> memref<100xi32, #tpu.memory_space<hbm>>
    %dma_wait3A_168 = arith.constant 0 : i32
    %dma_wait3A_169 = tpu.memref_slice %arg3[%add3A_163, %dma_wait3A_164, %dma_wait3A_168] : memref<3200x1x100xi32, #tpu.memory_space<hbm>> -> memref<1x1x100xi32, #tpu.memory_space<hbm>>
    %dma_wait3A_170 = tpu.memref_squeeze %dma_wait3A_169 : memref<1x1x100xi32, #tpu.memory_space<hbm>> -> memref<100xi32, #tpu.memory_space<hbm>>
    tpu.wait_dma2 semaphore(%arg23 : memref<!tpu.dma_semaphore, #tpu.memory_space<semaphore_mem>>) src(%dma_wait3A_170 : memref<100xi32, #tpu.memory_space<hbm>>) dst(%arg9 : memref<100xi32, #tpu.memory_space<vmem>>)
    %add3A_171 = arith.constant 99 : i32
    %add3A_172 = arith.addi %mul3A_2, %add3A_171 : i32
    %dma_wait3A_173 = arith.constant 0 : i32
    %dma_wait3A_174 = arith.constant 0 : i32
    %dma_wait3A_175 = tpu.memref_slice %arg4[%add3A_172, %dma_wait3A_173, %dma_wait3A_174] : memref<3200x1x100xi32, #tpu.memory_space<hbm>> -> memref<1x1x100xi32, #tpu.memory_space<hbm>>
    %dma_wait3A_176 = tpu.memref_squeeze %dma_wait3A_175 : memref<1x1x100xi32, #tpu.memory_space<hbm>> -> memref<100xi32, #tpu.memory_space<hbm>>
    %dma_wait3A_177 = arith.constant 0 : i32
    %dma_wait3A_178 = tpu.memref_slice %arg4[%add3A_172, %dma_wait3A_173, %dma_wait3A_177] : memref<3200x1x100xi32, #tpu.memory_space<hbm>> -> memref<1x1x100xi32, #tpu.memory_space<hbm>>
    %dma_wait3A_179 = tpu.memref_squeeze %dma_wait3A_178 : memref<1x1x100xi32, #tpu.memory_space<hbm>> -> memref<100xi32, #tpu.memory_space<hbm>>
    tpu.wait_dma2 semaphore(%arg23 : memref<!tpu.dma_semaphore, #tpu.memory_space<semaphore_mem>>) src(%dma_wait3A_179 : memref<100xi32, #tpu.memory_space<hbm>>) dst(%arg13 : memref<100xi32, #tpu.memory_space<vmem>>)
    "tpu.region"() ({
      %run_scoped3A = tpu.sem_alloc : memref<!tpu.dma_semaphore, #tpu.memory_space<semaphore_mem>>
      %dma_start3A_197 = arith.constant 0 : i32
      %dma_start3A_198 = arith.constant 0 : i32
      %dma_start3A_199 = tpu.memref_slice %arg17[%dma_start3A_197, %dma_start3A_198] : memref<10240x128xf32, #tpu.memory_space<vmem_shared>> -> memref<10240x128xf32, #tpu.memory_space<vmem_shared>>
      tpu.enqueue_indirect_dma source(%arg15 : memref<100x128xf32, #tpu.memory_space<vmem>>) target(%dma_start3A_199 : memref<10240x128xf32, #tpu.memory_space<vmem_shared>>) offsets(%arg11 : memref<100xi32, #tpu.memory_space<vmem>>) semaphore(%run_scoped3A : memref<!tpu.dma_semaphore, #tpu.memory_space<semaphore_mem>>) {add = true}
      %dma_wait3A_200 = arith.constant 0 : i32
      %dma_wait3A_201 = arith.constant 0 : i32
      %dma_wait3A_202 = tpu.memref_slice %arg17[%dma_wait3A_200, %dma_wait3A_201] : memref<10240x128xf32, #tpu.memory_space<vmem_shared>> -> memref<10240x128xf32, #tpu.memory_space<vmem_shared>>
      tpu.wait_indirect_dma semaphore(%run_scoped3A : memref<!tpu.dma_semaphore, #tpu.memory_space<semaphore_mem>>) src(%arg15 : memref<100x128xf32, #tpu.memory_space<vmem>>) dst(%dma_wait3A_202 : memref<10240x128xf32, #tpu.memory_space<vmem_shared>>)
      tpu.yield
    }) : () -> ()
    %dma_start3A_180 = arith.constant 0 : i32
    %dma_start3A_181 = arith.constant 0 : i32
    %dma_start3A_182 = tpu.memref_slice %arg2[%dma_start3A_180, %dma_start3A_181] : memref<10240x128xf32, #tpu.memory_space<hbm>> -> memref<10240x128xf32, #tpu.memory_space<hbm>>
    tpu.enqueue_indirect_dma source(%dma_start3A_182 : memref<10240x128xf32, #tpu.memory_space<hbm>>) target(%arg15 : memref<100x128xf32, #tpu.memory_space<vmem>>) offsets(%arg9 : memref<100xi32, #tpu.memory_space<vmem>>) semaphore(%arg19 : memref<!tpu.dma_semaphore, #tpu.memory_space<semaphore_mem>>)
    %dma_wait3A_183 = arith.constant 0 : i32
    %dma_wait3A_184 = arith.constant 0 : i32
    %dma_wait3A_185 = tpu.memref_slice %arg2[%dma_wait3A_183, %dma_wait3A_184] : memref<10240x128xf32, #tpu.memory_space<hbm>> -> memref<10240x128xf32, #tpu.memory_space<hbm>>
    tpu.wait_indirect_dma semaphore(%arg18 : memref<!tpu.dma_semaphore, #tpu.memory_space<semaphore_mem>>) src(%dma_wait3A_185 : memref<10240x128xf32, #tpu.memory_space<hbm>>) dst(%arg14 : memref<100x128xf32, #tpu.memory_space<vmem>>)
    "tpu.region"() ({
      %run_scoped3A = tpu.sem_alloc : memref<!tpu.dma_semaphore, #tpu.memory_space<semaphore_mem>>
      %dma_start3A_197 = arith.constant 0 : i32
      %dma_start3A_198 = arith.constant 0 : i32
      %dma_start3A_199 = tpu.memref_slice %arg17[%dma_start3A_197, %dma_start3A_198] : memref<10240x128xf32, #tpu.memory_space<vmem_shared>> -> memref<10240x128xf32, #tpu.memory_space<vmem_shared>>
      tpu.enqueue_indirect_dma source(%arg14 : memref<100x128xf32, #tpu.memory_space<vmem>>) target(%dma_start3A_199 : memref<10240x128xf32, #tpu.memory_space<vmem_shared>>) offsets(%arg12 : memref<100xi32, #tpu.memory_space<vmem>>) semaphore(%run_scoped3A : memref<!tpu.dma_semaphore, #tpu.memory_space<semaphore_mem>>) {add = true}
      %dma_wait3A_200 = arith.constant 0 : i32
      %dma_wait3A_201 = arith.constant 0 : i32
      %dma_wait3A_202 = tpu.memref_slice %arg17[%dma_wait3A_200, %dma_wait3A_201] : memref<10240x128xf32, #tpu.memory_space<vmem_shared>> -> memref<10240x128xf32, #tpu.memory_space<vmem_shared>>
      tpu.wait_indirect_dma semaphore(%run_scoped3A : memref<!tpu.dma_semaphore, #tpu.memory_space<semaphore_mem>>) src(%arg14 : memref<100x128xf32, #tpu.memory_space<vmem>>) dst(%dma_wait3A_202 : memref<10240x128xf32, #tpu.memory_space<vmem_shared>>)
      tpu.yield
    }) : () -> ()
    %dma_wait3A_186 = arith.constant 0 : i32
    %dma_wait3A_187 = arith.constant 0 : i32
    %dma_wait3A_188 = tpu.memref_slice %arg2[%dma_wait3A_186, %dma_wait3A_187] : memref<10240x128xf32, #tpu.memory_space<hbm>> -> memref<10240x128xf32, #tpu.memory_space<hbm>>
    tpu.wait_indirect_dma semaphore(%arg19 : memref<!tpu.dma_semaphore, #tpu.memory_space<semaphore_mem>>) src(%dma_wait3A_188 : memref<10240x128xf32, #tpu.memory_space<hbm>>) dst(%arg15 : memref<100x128xf32, #tpu.memory_space<vmem>>)
    "tpu.region"() ({
      %run_scoped3A = tpu.sem_alloc : memref<!tpu.dma_semaphore, #tpu.memory_space<semaphore_mem>>
      %dma_start3A_197 = arith.constant 0 : i32
      %dma_start3A_198 = arith.constant 0 : i32
      %dma_start3A_199 = tpu.memref_slice %arg17[%dma_start3A_197, %dma_start3A_198] : memref<10240x128xf32, #tpu.memory_space<vmem_shared>> -> memref<10240x128xf32, #tpu.memory_space<vmem_shared>>
      tpu.enqueue_indirect_dma source(%arg15 : memref<100x128xf32, #tpu.memory_space<vmem>>) target(%dma_start3A_199 : memref<10240x128xf32, #tpu.memory_space<vmem_shared>>) offsets(%arg13 : memref<100xi32, #tpu.memory_space<vmem>>) semaphore(%run_scoped3A : memref<!tpu.dma_semaphore, #tpu.memory_space<semaphore_mem>>) {add = true}
      %dma_wait3A_200 = arith.constant 0 : i32
      %dma_wait3A_201 = arith.constant 0 : i32
      %dma_wait3A_202 = tpu.memref_slice %arg17[%dma_wait3A_200, %dma_wait3A_201] : memref<10240x128xf32, #tpu.memory_space<vmem_shared>> -> memref<10240x128xf32, #tpu.memory_space<vmem_shared>>
      tpu.wait_indirect_dma semaphore(%run_scoped3A : memref<!tpu.dma_semaphore, #tpu.memory_space<semaphore_mem>>) src(%arg15 : memref<100x128xf32, #tpu.memory_space<vmem>>) dst(%dma_wait3A_202 : memref<10240x128xf32, #tpu.memory_space<vmem_shared>>)
      tpu.yield
    }) : () -> ()
    %barrier3A_189 = arith.constant 0 : index
    tpu.barrier barrier_id(%barrier3A_189)
    %mul3A_190 = arith.constant 640 : i32
    %mul3A_191 = arith.muli %arg1, %mul3A_190 : i32
    %mul3A_192 = arith.constant 10240 : i32
    %mul3A_193 = arith.muli %arg0, %mul3A_192 : i32
    %mul3A_194 = arith.constant 640 : i32
    %mul3A_195 = arith.muli %arg1, %mul3A_194 : i32
    %add3A_196 = arith.addi %mul3A_193, %mul3A_195 : i32
    "tpu.region"() ({
      %run_scoped3A = tpu.sem_alloc : memref<!tpu.dma_semaphore, #tpu.memory_space<semaphore_mem>>
      %dma_start3A_197 = arith.constant 0 : i32
      %dma_start3A_198 = tpu.memref_slice %arg5[%add3A_196, %dma_start3A_197] : memref<20480x128xf32, #tpu.memory_space<hbm>> -> memref<640x128xf32, #tpu.memory_space<hbm>>
      %dma_start3A_199 = arith.constant 0 : i32
      %dma_start3A_200 = tpu.memref_slice %arg17[%mul3A_191, %dma_start3A_199] : memref<10240x128xf32, #tpu.memory_space<vmem_shared>> -> memref<640x128xf32, #tpu.memory_space<vmem_shared>>
      tpu.enqueue_dma source(%dma_start3A_200 : memref<640x128xf32, #tpu.memory_space<vmem_shared>>) target(%dma_start3A_198 : memref<640x128xf32, #tpu.memory_space<hbm>>) target_semaphore(%run_scoped3A : memref<!tpu.dma_semaphore, #tpu.memory_space<semaphore_mem>>)
      %dma_wait3A_201 = arith.constant 0 : i32
      %dma_wait3A_202 = tpu.memref_slice %arg5[%add3A_196, %dma_wait3A_201] : memref<20480x128xf32, #tpu.memory_space<hbm>> -> memref<640x128xf32, #tpu.memory_space<hbm>>
      %dma_wait3A_203 = arith.constant 0 : i32
      %dma_wait3A_204 = tpu.memref_slice %arg17[%mul3A_191, %dma_wait3A_203] : memref<10240x128xf32, #tpu.memory_space<vmem_shared>> -> memref<640x128xf32, #tpu.memory_space<vmem_shared>>
      tpu.wait_dma2 semaphore(%run_scoped3A : memref<!tpu.dma_semaphore, #tpu.memory_space<semaphore_mem>>) src(%dma_wait3A_204 : memref<640x128xf32, #tpu.memory_space<vmem_shared>>) dst(%dma_wait3A_202 : memref<640x128xf32, #tpu.memory_space<hbm>>)
      tpu.yield
    }) : () -> ()
    return
  }
}

#map = affine_map<(d0, d1) -> (0, 0)>
#map1 = affine_map<(d0, d1) -> (0, 0, 0)>
module attributes {stable_mosaic.version = 14 : i64} {
  func.func @_scatter_kernel(%arg0: i32, %arg1: i32, %arg2: memref<10240x128xf32, #tpu.memory_space<hbm>>, %arg3: memref<3200x1x100xi32, #tpu.memory_space<hbm>>, %arg4: memref<3200x1x100xi32, #tpu.memory_space<hbm>>, %arg5: memref<20480x128xf32, #tpu.memory_space<hbm>>, %arg6: memref<100xi32, #tpu.memory_space<vmem>>, %arg7: memref<100xi32, #tpu.memory_space<vmem>>, %arg8: memref<100xi32, #tpu.memory_space<vmem>>, %arg9: memref<100xi32, #tpu.memory_space<vmem>>, %arg10: memref<100xi32, #tpu.memory_space<vmem>>, %arg11: memref<100xi32, #tpu.memory_space<vmem>>, %arg12: memref<100xi32, #tpu.memory_space<vmem>>, %arg13: memref<100xi32, #tpu.memory_space<vmem>>, %arg14: memref<100x128xf32, #tpu.memory_space<vmem>>, %arg15: memref<100x128xf32, #tpu.memory_space<vmem>>, %arg16: memref<16x128xf32, #tpu.memory_space<vmem>>, %arg17: memref<10240x128xf32, #tpu.memory_space<vmem_shared>>, %arg18: memref<!tpu.dma_semaphore, #tpu.memory_space<semaphore_mem>>, %arg19: memref<!tpu.dma_semaphore, #tpu.memory_space<semaphore_mem>>, %arg20: memref<!tpu.dma_semaphore, #tpu.memory_space<semaphore_mem>>, %arg21: memref<!tpu.dma_semaphore, #tpu.memory_space<semaphore_mem>>, %arg22: memref<!tpu.dma_semaphore, #tpu.memory_space<semaphore_mem>>, %arg23: memref<!tpu.dma_semaphore, #tpu.memory_space<semaphore_mem>>) attributes {dimension_semantics = [#tpu.dimension_semantics<core_parallel>, #tpu.dimension_semantics<subcore_parallel>], iteration_bounds = array<i64: 2, 16>, scalar_prefetch = 0 : i64, scratch_operands = 18 : i64, tpu.core_type = #tpu.core_type<sc_vector_subcore>, window_params = [{transform_indices = #map}, {transform_indices = #map1}, {transform_indices = #map1}, {transform_indices = #map}]} {
    %mul3A = arith.constant 2 : i32
    %mul3A_0 = arith.muli %arg1, %mul3A : i32
    %add3A = arith.addi %mul3A_0, %arg0 : i32
    %mul3A_1 = arith.constant 100 : i32
    %mul3A_2 = arith.muli %add3A, %mul3A_1 : i32
    %scan3A = arith.constant 0 : i32
    %scan3A_3 = arith.constant 0 : i32
    %scan3A_4 = arith.constant 16 : i32
    %scan3A_5 = arith.addi %scan3A_3, %scan3A_4 : i32
    %scan3A_6 = arith.constant 1 : i32
    %scan3A_7 = scf.for %scan3A_197 = %scan3A_3 to %scan3A_5 step %scan3A_6 iter_args(%scan3A_198 = %scan3A) -> (i32)  : i32 {
      %broadcast_in_dim3A = arith.constant 0.000000e+00 : f32
      %broadcast_in_dim3A_199 = vector.broadcast %broadcast_in_dim3A : f32 to vector<16xf32>
      %swap3A = arith.index_cast %scan3A_197 : i32 to index
      %swap3A_200 = arith.constant 0 : index
      %swap3A_201 = tpu.vector_load %arg16[%swap3A, %swap3A_200] {strides = array<i32>} : memref<16x128xf32, #tpu.memory_space<vmem>>, vector<1x16xf32>,
      %swap3A_202 = vector.shape_cast %swap3A_201 : vector<1x16xf32> to vector<16xf32>
      %swap3A_203 = vector.shape_cast %broadcast_in_dim3A_199 : vector<16xf32> to vector<1x16xf32>
      tpu.vector_store %arg16[%swap3A, %swap3A_200], %swap3A_203 {strides = array<i32>} : memref<16x128xf32, #tpu.memory_space<vmem>>, vector<1x16xf32>,
      %broadcast_in_dim3A_204 = arith.constant 0.000000e+00 : f32
      %broadcast_in_dim3A_205 = vector.broadcast %broadcast_in_dim3A_204 : f32 to vector<16xf32>
      %swap3A_206 = arith.index_cast %scan3A_197 : i32 to index
      %swap3A_207 = arith.constant 16 : index
      %swap3A_208 = tpu.vector_load %arg16[%swap3A_206, %swap3A_207] {strides = array<i32>} : memref<16x128xf32, #tpu.memory_space<vmem>>, vector<1x16xf32>,
      %swap3A_209 = vector.shape_cast %swap3A_208 : vector<1x16xf32> to vector<16xf32>
      %swap3A_210 = vector.shape_cast %broadcast_in_dim3A_205 : vector<16xf32> to vector<1x16xf32>
      tpu.vector_store %arg16[%swap3A_206, %swap3A_207], %swap3A_210 {strides = array<i32>} : memref<16x128xf32, #tpu.memory_space<vmem>>, vector<1x16xf32>,
      %broadcast_in_dim3A_211 = arith.constant 0.000000e+00 : f32
      %broadcast_in_dim3A_212 = vector.broadcast %broadcast_in_dim3A_211 : f32 to vector<16xf32>
      %swap3A_213 = arith.index_cast %scan3A_197 : i32 to index
      %swap3A_214 = arith.constant 32 : index
      %swap3A_215 = tpu.vector_load %arg16[%swap3A_213, %swap3A_214] {strides = array<i32>} : memref<16x128xf32, #tpu.memory_space<vmem>>, vector<1x16xf32>,
      %swap3A_216 = vector.shape_cast %swap3A_215 : vector<1x16xf32> to vector<16xf32>
      %swap3A_217 = vector.shape_cast %broadcast_in_dim3A_212 : vector<16xf32> to vector<1x16xf32>
      tpu.vector_store %arg16[%swap3A_213, %swap3A_214], %swap3A_217 {strides = array<i32>} : memref<16x128xf32, #tpu.memory_space<vmem>>, vector<1x16xf32>,
      %broadcast_in_dim3A_218 = arith.constant 0.000000e+00 : f32
      %broadcast_in_dim3A_219 = vector.broadcast %broadcast_in_dim3A_218 : f32 to vector<16xf32>
      %swap3A_220 = arith.index_cast %scan3A_197 : i32 to index
      %swap3A_221 = arith.constant 48 : index
      %swap3A_222 = tpu.vector_load %arg16[%swap3A_220, %swap3A_221] {strides = array<i32>} : memref<16x128xf32, #tpu.memory_space<vmem>>, vector<1x16xf32>,
      %swap3A_223 = vector.shape_cast %swap3A_222 : vector<1x16xf32> to vector<16xf32>
      %swap3A_224 = vector.shape_cast %broadcast_in_dim3A_219 : vector<16xf32> to vector<1x16xf32>
      tpu.vector_store %arg16[%swap3A_220, %swap3A_221], %swap3A_224 {strides = array<i32>} : memref<16x128xf32, #tpu.memory_space<vmem>>, vector<1x16xf32>,
      %broadcast_in_dim3A_225 = arith.constant 0.000000e+00 : f32
      %broadcast_in_dim3A_226 = vector.broadcast %broadcast_in_dim3A_225 : f32 to vector<16xf32>
      %swap3A_227 = arith.index_cast %scan3A_197 : i32 to index
      %swap3A_228 = arith.constant 64 : index
      %swap3A_229 = tpu.vector_load %arg16[%swap3A_227, %swap3A_228] {strides = array<i32>} : memref<16x128xf32, #tpu.memory_space<vmem>>, vector<1x16xf32>,
      %swap3A_230 = vector.shape_cast %swap3A_229 : vector<1x16xf32> to vector<16xf32>
      %swap3A_231 = vector.shape_cast %broadcast_in_dim3A_226 : vector<16xf32> to vector<1x16xf32>
      tpu.vector_store %arg16[%swap3A_227, %swap3A_228], %swap3A_231 {strides = array<i32>} : memref<16x128xf32, #tpu.memory_space<vmem>>, vector<1x16xf32>,
      %broadcast_in_dim3A_232 = arith.constant 0.000000e+00 : f32
      %broadcast_in_dim3A_233 = vector.broadcast %broadcast_in_dim3A_232 : f32 to vector<16xf32>
      %swap3A_234 = arith.index_cast %scan3A_197 : i32 to index
      %swap3A_235 = arith.constant 80 : index
      %swap3A_236 = tpu.vector_load %arg16[%swap3A_234, %swap3A_235] {strides = array<i32>} : memref<16x128xf32, #tpu.memory_space<vmem>>, vector<1x16xf32>,
      %swap3A_237 = vector.shape_cast %swap3A_236 : vector<1x16xf32> to vector<16xf32>
      %swap3A_238 = vector.shape_cast %broadcast_in_dim3A_233 : vector<16xf32> to vector<1x16xf32>
      tpu.vector_store %arg16[%swap3A_234, %swap3A_235], %swap3A_238 {strides = array<i32>} : memref<16x128xf32, #tpu.memory_space<vmem>>, vector<1x16xf32>,
      %broadcast_in_dim3A_239 = arith.constant 0.000000e+00 : f32
      %broadcast_in_dim3A_240 = vector.broadcast %broadcast_in_dim3A_239 : f32 to vector<16xf32>
      %swap3A_241 = arith.index_cast %scan3A_197 : i32 to index
      %swap3A_242 = arith.constant 96 : index
      %swap3A_243 = tpu.vector_load %arg16[%swap3A_241, %swap3A_242] {strides = array<i32>} : memref<16x128xf32, #tpu.memory_space<vmem>>, vector<1x16xf32>,
      %swap3A_244 = vector.shape_cast %swap3A_243 : vector<1x16xf32> to vector<16xf32>
      %swap3A_245 = vector.shape_cast %broadcast_in_dim3A_240 : vector<16xf32> to vector<1x16xf32>
      tpu.vector_store %arg16[%swap3A_241, %swap3A_242], %swap3A_245 {strides = array<i32>} : memref<16x128xf32, #tpu.memory_space<vmem>>, vector<1x16xf32>,
      %broadcast_in_dim3A_246 = arith.constant 0.000000e+00 : f32
      %broadcast_in_dim3A_247 = vector.broadcast %broadcast_in_dim3A_246 : f32 to vector<16xf32>
      %swap3A_248 = arith.index_cast %scan3A_197 : i32 to index
      %swap3A_249 = arith.constant 112 : index
      %swap3A_250 = tpu.vector_load %arg16[%swap3A_248, %swap3A_249] {strides = array<i32>} : memref<16x128xf32, #tpu.memory_space<vmem>>, vector<1x16xf32>,
      %swap3A_251 = vector.shape_cast %swap3A_250 : vector<1x16xf32> to vector<16xf32>
      %swap3A_252 = vector.shape_cast %broadcast_in_dim3A_247 : vector<16xf32> to vector<1x16xf32>
      tpu.vector_store %arg16[%swap3A_248, %swap3A_249], %swap3A_252 {strides = array<i32>} : memref<16x128xf32, #tpu.memory_space<vmem>>, vector<1x16xf32>,
      %scan3A_253 = arith.constant 0 : i32
      scf.yield %scan3A_253 : i32
    }
    %scan3A_8 = arith.constant 16 : i32
    %scan3A_9 = arith.constant 0 : i32
    %scan3A_10 = arith.constant 0 : i32
    %scan3A_11 = arith.constant 40 : i32
    %scan3A_12 = arith.addi %scan3A_10, %scan3A_11 : i32
    %scan3A_13 = arith.constant 1 : i32
    %scan3A_14 = scf.for %scan3A_197 = %scan3A_10 to %scan3A_12 step %scan3A_13 iter_args(%scan3A_198 = %scan3A_9) -> (i32)  : i32 {
      %mul3A_199 = arith.constant 640 : i32
      %mul3A_200 = arith.muli %arg1, %mul3A_199 : i32
      %mul3A_201 = arith.constant 16 : i32
      %mul3A_202 = arith.muli %scan3A_197, %mul3A_201 : i32
      %add3A_203 = arith.addi %mul3A_200, %mul3A_202 : i32
      "tpu.region"() ({
        %run_scoped3A = tpu.sem_alloc : memref<!tpu.dma_semaphore, #tpu.memory_space<semaphore_mem>>
        %dma_start3A_205 = arith.constant 0 : i32
        %dma_start3A_206 = tpu.memref_slice %arg17[%add3A_203, %dma_start3A_205] : memref<10240x128xf32, #tpu.memory_space<vmem_shared>> -> memref<16x128xf32, #tpu.memory_space<vmem_shared>>
        %dma_start3A_207 = arith.constant 0 : i32
        %dma_start3A_208 = tpu.memref_slice %arg17[%add3A_203, %dma_start3A_207] : memref<10240x128xf32, #tpu.memory_space<vmem_shared>> -> memref<16x128xf32, #tpu.memory_space<vmem_shared>>
        tpu.enqueue_dma source(%arg16 : memref<16x128xf32, #tpu.memory_space<vmem>>) target(%dma_start3A_208 : memref<16x128xf32, #tpu.memory_space<vmem_shared>>) target_semaphore(%run_scoped3A : memref<!tpu.dma_semaphore, #tpu.memory_space<semaphore_mem>>)
        %dma_wait3A_209 = arith.constant 0 : i32
        %dma_wait3A_210 = tpu.memref_slice %arg17[%add3A_203, %dma_wait3A_209] : memref<10240x128xf32, #tpu.memory_space<vmem_shared>> -> memref<16x128xf32, #tpu.memory_space<vmem_shared>>
        %dma_wait3A_211 = arith.constant 0 : i32
        %dma_wait3A_212 = tpu.memref_slice %arg17[%add3A_203, %dma_wait3A_211] : memref<10240x128xf32, #tpu.memory_space<vmem_shared>> -> memref<16x128xf32, #tpu.memory_space<vmem_shared>>
        tpu.wait_dma2 semaphore(%run_scoped3A : memref<!tpu.dma_semaphore, #tpu.memory_space<semaphore_mem>>) src(%arg16 : memref<16x128xf32, #tpu.memory_space<vmem>>) dst(%dma_wait3A_212 : memref<16x128xf32, #tpu.memory_space<vmem_shared>>)
        tpu.yield
      }) : () -> ()
      %scan3A_204 = arith.constant 0 : i32
      scf.yield %scan3A_204 : i32
    }
    %scan3A_15 = arith.constant 40 : i32
    %barrier3A = arith.constant 0 : index
    tpu.barrier barrier_id(%barrier3A)
    %add3A_16 = arith.constant 0 : i32
    %add3A_17 = arith.addi %mul3A_2, %add3A_16 : i32
    %dma_start3A = arith.constant 0 : i32
    %dma_start3A_18 = arith.constant 0 : i32
    %dma_start3A_19 = tpu.memref_slice %arg3[%add3A_17, %dma_start3A, %dma_start3A_18] : memref<3200x1x100xi32, #tpu.memory_space<hbm>> -> memref<1x1x100xi32, #tpu.memory_space<hbm>>
    %dma_start3A_20 = tpu.memref_squeeze %dma_start3A_19 : memref<1x1x100xi32, #tpu.memory_space<hbm>> -> memref<100xi32, #tpu.memory_space<hbm>>
    %dma_start3A_21 = arith.constant 0 : i32
    %dma_start3A_22 = tpu.memref_slice %arg3[%add3A_17, %dma_start3A, %dma_start3A_21] : memref<3200x1x100xi32, #tpu.memory_space<hbm>> -> memref<1x1x100xi32, #tpu.memory_space<hbm>>
    %dma_start3A_23 = tpu.memref_squeeze %dma_start3A_22 : memref<1x1x100xi32, #tpu.memory_space<hbm>> -> memref<100xi32, #tpu.memory_space<hbm>>
    tpu.enqueue_dma source(%dma_start3A_23 : memref<100xi32, #tpu.memory_space<hbm>>) target(%arg6 : memref<100xi32, #tpu.memory_space<vmem>>) target_semaphore(%arg20 : memref<!tpu.dma_semaphore, #tpu.memory_space<semaphore_mem>>)
    %add3A_24 = arith.constant 0 : i32
    %add3A_25 = arith.addi %mul3A_2, %add3A_24 : i32
    %dma_start3A_26 = arith.constant 0 : i32
    %dma_start3A_27 = arith.constant 0 : i32
    %dma_start3A_28 = tpu.memref_slice %arg4[%add3A_25, %dma_start3A_26, %dma_start3A_27] : memref<3200x1x100xi32, #tpu.memory_space<hbm>> -> memref<1x1x100xi32, #tpu.memory_space<hbm>>
    %dma_start3A_29 = tpu.memref_squeeze %dma_start3A_28 : memref<1x1x100xi32, #tpu.memory_space<hbm>> -> memref<100xi32, #tpu.memory_space<hbm>>
    %dma_start3A_30 = arith.constant 0 : i32
    %dma_start3A_31 = tpu.memref_slice %arg4[%add3A_25, %dma_start3A_26, %dma_start3A_30] : memref<3200x1x100xi32, #tpu.memory_space<hbm>> -> memref<1x1x100xi32, #tpu.memory_space<hbm>>
    %dma_start3A_32 = tpu.memref_squeeze %dma_start3A_31 : memref<1x1x100xi32, #tpu.memory_space<hbm>> -> memref<100xi32, #tpu.memory_space<hbm>>
    tpu.enqueue_dma source(%dma_start3A_32 : memref<100xi32, #tpu.memory_space<hbm>>) target(%arg10 : memref<100xi32, #tpu.memory_space<vmem>>) target_semaphore(%arg20 : memref<!tpu.dma_semaphore, #tpu.memory_space<semaphore_mem>>)
    %add3A_33 = arith.constant 1 : i32
    %add3A_34 = arith.addi %mul3A_2, %add3A_33 : i32
    %dma_start3A_35 = arith.constant 0 : i32
    %dma_start3A_36 = arith.constant 0 : i32
    %dma_start3A_37 = tpu.memref_slice %arg3[%add3A_34, %dma_start3A_35, %dma_start3A_36] : memref<3200x1x100xi32, #tpu.memory_space<hbm>> -> memref<1x1x100xi32, #tpu.memory_space<hbm>>
    %dma_start3A_38 = tpu.memref_squeeze %dma_start3A_37 : memref<1x1x100xi32, #tpu.memory_space<hbm>> -> memref<100xi32, #tpu.memory_space<hbm>>
    %dma_start3A_39 = arith.constant 0 : i32
    %dma_start3A_40 = tpu.memref_slice %arg3[%add3A_34, %dma_start3A_35, %dma_start3A_39] : memref<3200x1x100xi32, #tpu.memory_space<hbm>> -> memref<1x1x100xi32, #tpu.memory_space<hbm>>
    %dma_start3A_41 = tpu.memref_squeeze %dma_start3A_40 : memref<1x1x100xi32, #tpu.memory_space<hbm>> -> memref<100xi32, #tpu.memory_space<hbm>>
    tpu.enqueue_dma source(%dma_start3A_41 : memref<100xi32, #tpu.memory_space<hbm>>) target(%arg7 : memref<100xi32, #tpu.memory_space<vmem>>) target_semaphore(%arg21 : memref<!tpu.dma_semaphore, #tpu.memory_space<semaphore_mem>>)
    %add3A_42 = arith.constant 1 : i32
    %add3A_43 = arith.addi %mul3A_2, %add3A_42 : i32
    %dma_start3A_44 = arith.constant 0 : i32
    %dma_start3A_45 = arith.constant 0 : i32
    %dma_start3A_46 = tpu.memref_slice %arg4[%add3A_43, %dma_start3A_44, %dma_start3A_45] : memref<3200x1x100xi32, #tpu.memory_space<hbm>> -> memref<1x1x100xi32, #tpu.memory_space<hbm>>
    %dma_start3A_47 = tpu.memref_squeeze %dma_start3A_46 : memref<1x1x100xi32, #tpu.memory_space<hbm>> -> memref<100xi32, #tpu.memory_space<hbm>>
    %dma_start3A_48 = arith.constant 0 : i32
    %dma_start3A_49 = tpu.memref_slice %arg4[%add3A_43, %dma_start3A_44, %dma_start3A_48] : memref<3200x1x100xi32, #tpu.memory_space<hbm>> -> memref<1x1x100xi32, #tpu.memory_space<hbm>>
    %dma_start3A_50 = tpu.memref_squeeze %dma_start3A_49 : memref<1x1x100xi32, #tpu.memory_space<hbm>> -> memref<100xi32, #tpu.memory_space<hbm>>
    tpu.enqueue_dma source(%dma_start3A_50 : memref<100xi32, #tpu.memory_space<hbm>>) target(%arg11 : memref<100xi32, #tpu.memory_space<vmem>>) target_semaphore(%arg21 : memref<!tpu.dma_semaphore, #tpu.memory_space<semaphore_mem>>)
    %add3A_51 = arith.constant 0 : i32
    %add3A_52 = arith.addi %mul3A_2, %add3A_51 : i32
    %dma_wait3A = arith.constant 0 : i32
    %dma_wait3A_53 = arith.constant 0 : i32
    %dma_wait3A_54 = tpu.memref_slice %arg3[%add3A_52, %dma_wait3A, %dma_wait3A_53] : memref<3200x1x100xi32, #tpu.memory_space<hbm>> -> memref<1x1x100xi32, #tpu.memory_space<hbm>>
    %dma_wait3A_55 = tpu.memref_squeeze %dma_wait3A_54 : memref<1x1x100xi32, #tpu.memory_space<hbm>> -> memref<100xi32, #tpu.memory_space<hbm>>
    %dma_wait3A_56 = arith.constant 0 : i32
    %dma_wait3A_57 = tpu.memref_slice %arg3[%add3A_52, %dma_wait3A, %dma_wait3A_56] : memref<3200x1x100xi32, #tpu.memory_space<hbm>> -> memref<1x1x100xi32, #tpu.memory_space<hbm>>
    %dma_wait3A_58 = tpu.memref_squeeze %dma_wait3A_57 : memref<1x1x100xi32, #tpu.memory_space<hbm>> -> memref<100xi32, #tpu.memory_space<hbm>>
    tpu.wait_dma2 semaphore(%arg20 : memref<!tpu.dma_semaphore, #tpu.memory_space<semaphore_mem>>) src(%dma_wait3A_58 : memref<100xi32, #tpu.memory_space<hbm>>) dst(%arg6 : memref<100xi32, #tpu.memory_space<vmem>>)
    %add3A_59 = arith.constant 0 : i32
    %add3A_60 = arith.addi %mul3A_2, %add3A_59 : i32
    %dma_wait3A_61 = arith.constant 0 : i32
    %dma_wait3A_62 = arith.constant 0 : i32
    %dma_wait3A_63 = tpu.memref_slice %arg4[%add3A_60, %dma_wait3A_61, %dma_wait3A_62] : memref<3200x1x100xi32, #tpu.memory_space<hbm>> -> memref<1x1x100xi32, #tpu.memory_space<hbm>>
    %dma_wait3A_64 = tpu.memref_squeeze %dma_wait3A_63 : memref<1x1x100xi32, #tpu.memory_space<hbm>> -> memref<100xi32, #tpu.memory_space<hbm>>
    %dma_wait3A_65 = arith.constant 0 : i32
    %dma_wait3A_66 = tpu.memref_slice %arg4[%add3A_60, %dma_wait3A_61, %dma_wait3A_65] : memref<3200x1x100xi32, #tpu.memory_space<hbm>> -> memref<1x1x100xi32, #tpu.memory_space<hbm>>
    %dma_wait3A_67 = tpu.memref_squeeze %dma_wait3A_66 : memref<1x1x100xi32, #tpu.memory_space<hbm>> -> memref<100xi32, #tpu.memory_space<hbm>>
    tpu.wait_dma2 semaphore(%arg20 : memref<!tpu.dma_semaphore, #tpu.memory_space<semaphore_mem>>) src(%dma_wait3A_67 : memref<100xi32, #tpu.memory_space<hbm>>) dst(%arg10 : memref<100xi32, #tpu.memory_space<vmem>>)
    %dma_start3A_68 = arith.constant 0 : i32
    %dma_start3A_69 = arith.constant 0 : i32
    %dma_start3A_70 = tpu.memref_slice %arg2[%dma_start3A_68, %dma_start3A_69] : memref<10240x128xf32, #tpu.memory_space<hbm>> -> memref<10240x128xf32, #tpu.memory_space<hbm>>
    tpu.enqueue_indirect_dma source(%dma_start3A_70 : memref<10240x128xf32, #tpu.memory_space<hbm>>) target(%arg14 : memref<100x128xf32, #tpu.memory_space<vmem>>) offsets(%arg6 : memref<100xi32, #tpu.memory_space<vmem>>) semaphore(%arg18 : memref<!tpu.dma_semaphore, #tpu.memory_space<semaphore_mem>>)
    %add3A_71 = arith.constant 1 : i32
    %add3A_72 = arith.addi %mul3A_2, %add3A_71 : i32
    %dma_wait3A_73 = arith.constant 0 : i32
    %dma_wait3A_74 = arith.constant 0 : i32
    %dma_wait3A_75 = tpu.memref_slice %arg3[%add3A_72, %dma_wait3A_73, %dma_wait3A_74] : memref<3200x1x100xi32, #tpu.memory_space<hbm>> -> memref<1x1x100xi32, #tpu.memory_space<hbm>>
    %dma_wait3A_76 = tpu.memref_squeeze %dma_wait3A_75 : memref<1x1x100xi32, #tpu.memory_space<hbm>> -> memref<100xi32, #tpu.memory_space<hbm>>
    %dma_wait3A_77 = arith.constant 0 : i32
    %dma_wait3A_78 = tpu.memref_slice %arg3[%add3A_72, %dma_wait3A_73, %dma_wait3A_77] : memref<3200x1x100xi32, #tpu.memory_space<hbm>> -> memref<1x1x100xi32, #tpu.memory_space<hbm>>
    %dma_wait3A_79 = tpu.memref_squeeze %dma_wait3A_78 : memref<1x1x100xi32, #tpu.memory_space<hbm>> -> memref<100xi32, #tpu.memory_space<hbm>>
    tpu.wait_dma2 semaphore(%arg21 : memref<!tpu.dma_semaphore, #tpu.memory_space<semaphore_mem>>) src(%dma_wait3A_79 : memref<100xi32, #tpu.memory_space<hbm>>) dst(%arg7 : memref<100xi32, #tpu.memory_space<vmem>>)
    %add3A_80 = arith.constant 1 : i32
    %add3A_81 = arith.addi %mul3A_2, %add3A_80 : i32
    %dma_wait3A_82 = arith.constant 0 : i32
    %dma_wait3A_83 = arith.constant 0 : i32
    %dma_wait3A_84 = tpu.memref_slice %arg4[%add3A_81, %dma_wait3A_82, %dma_wait3A_83] : memref<3200x1x100xi32, #tpu.memory_space<hbm>> -> memref<1x1x100xi32, #tpu.memory_space<hbm>>
    %dma_wait3A_85 = tpu.memref_squeeze %dma_wait3A_84 : memref<1x1x100xi32, #tpu.memory_space<hbm>> -> memref<100xi32, #tpu.memory_space<hbm>>
    %dma_wait3A_86 = arith.constant 0 : i32
    %dma_wait3A_87 = tpu.memref_slice %arg4[%add3A_81, %dma_wait3A_82, %dma_wait3A_86] : memref<3200x1x100xi32, #tpu.memory_space<hbm>> -> memref<1x1x100xi32, #tpu.memory_space<hbm>>
    %dma_wait3A_88 = tpu.memref_squeeze %dma_wait3A_87 : memref<1x1x100xi32, #tpu.memory_space<hbm>> -> memref<100xi32, #tpu.memory_space<hbm>>
    tpu.wait_dma2 semaphore(%arg21 : memref<!tpu.dma_semaphore, #tpu.memory_space<semaphore_mem>>) src(%dma_wait3A_88 : memref<100xi32, #tpu.memory_space<hbm>>) dst(%arg11 : memref<100xi32, #tpu.memory_space<vmem>>)
    %dma_start3A_89 = arith.constant 0 : i32
    %dma_start3A_90 = arith.constant 0 : i32
    %dma_start3A_91 = tpu.memref_slice %arg2[%dma_start3A_89, %dma_start3A_90] : memref<10240x128xf32, #tpu.memory_space<hbm>> -> memref<10240x128xf32, #tpu.memory_space<hbm>>
    tpu.enqueue_indirect_dma source(%dma_start3A_91 : memref<10240x128xf32, #tpu.memory_space<hbm>>) target(%arg15 : memref<100x128xf32, #tpu.memory_space<vmem>>) offsets(%arg7 : memref<100xi32, #tpu.memory_space<vmem>>) semaphore(%arg19 : memref<!tpu.dma_semaphore, #tpu.memory_space<semaphore_mem>>)
    %scan3A_92 = arith.constant 0 : i32
    %scan3A_93 = arith.constant 0 : i32
    %scan3A_94 = arith.constant 24 : i32
    %scan3A_95 = arith.addi %scan3A_93, %scan3A_94 : i32
    %scan3A_96 = arith.constant 1 : i32
    %scan3A_97 = scf.for %scan3A_197 = %scan3A_93 to %scan3A_95 step %scan3A_96 iter_args(%scan3A_198 = %scan3A_92) -> (i32)  : i32 {
      %mul3A_199 = arith.constant 4 : i32
      %mul3A_200 = arith.muli %mul3A_199, %scan3A_197 : i32
      %add3A_201 = arith.constant 0 : i32
      %add3A_202 = arith.addi %mul3A_200, %add3A_201 : i32
      %add3A_203 = arith.constant 2 : i32
      %add3A_204 = arith.addi %add3A_202, %add3A_203 : i32
      %add3A_205 = arith.addi %mul3A_2, %add3A_204 : i32
      %dma_start3A_206 = arith.constant 0 : i32
      %dma_start3A_207 = arith.constant 0 : i32
      %dma_start3A_208 = tpu.memref_slice %arg3[%add3A_205, %dma_start3A_206, %dma_start3A_207] : memref<3200x1x100xi32, #tpu.memory_space<hbm>> -> memref<1x1x100xi32, #tpu.memory_space<hbm>>
      %dma_start3A_209 = tpu.memref_squeeze %dma_start3A_208 : memref<1x1x100xi32, #tpu.memory_space<hbm>> -> memref<100xi32, #tpu.memory_space<hbm>>
      %dma_start3A_210 = arith.constant 0 : i32
      %dma_start3A_211 = tpu.memref_slice %arg3[%add3A_205, %dma_start3A_206, %dma_start3A_210] : memref<3200x1x100xi32, #tpu.memory_space<hbm>> -> memref<1x1x100xi32, #tpu.memory_space<hbm>>
      %dma_start3A_212 = tpu.memref_squeeze %dma_start3A_211 : memref<1x1x100xi32, #tpu.memory_space<hbm>> -> memref<100xi32, #tpu.memory_space<hbm>>
      tpu.enqueue_dma source(%dma_start3A_212 : memref<100xi32, #tpu.memory_space<hbm>>) target(%arg8 : memref<100xi32, #tpu.memory_space<vmem>>) target_semaphore(%arg22 : memref<!tpu.dma_semaphore, #tpu.memory_space<semaphore_mem>>)
      %add3A_213 = arith.addi %mul3A_2, %add3A_204 : i32
      %dma_start3A_214 = arith.constant 0 : i32
      %dma_start3A_215 = arith.constant 0 : i32
      %dma_start3A_216 = tpu.memref_slice %arg4[%add3A_213, %dma_start3A_214, %dma_start3A_215] : memref<3200x1x100xi32, #tpu.memory_space<hbm>> -> memref<1x1x100xi32, #tpu.memory_space<hbm>>
      %dma_start3A_217 = tpu.memref_squeeze %dma_start3A_216 : memref<1x1x100xi32, #tpu.memory_space<hbm>> -> memref<100xi32, #tpu.memory_space<hbm>>
      %dma_start3A_218 = arith.constant 0 : i32
      %dma_start3A_219 = tpu.memref_slice %arg4[%add3A_213, %dma_start3A_214, %dma_start3A_218] : memref<3200x1x100xi32, #tpu.memory_space<hbm>> -> memref<1x1x100xi32, #tpu.memory_space<hbm>>
      %dma_start3A_220 = tpu.memref_squeeze %dma_start3A_219 : memref<1x1x100xi32, #tpu.memory_space<hbm>> -> memref<100xi32, #tpu.memory_space<hbm>>
      tpu.enqueue_dma source(%dma_start3A_220 : memref<100xi32, #tpu.memory_space<hbm>>) target(%arg12 : memref<100xi32, #tpu.memory_space<vmem>>) target_semaphore(%arg22 : memref<!tpu.dma_semaphore, #tpu.memory_space<semaphore_mem>>)
      %dma_wait3A_221 = arith.constant 0 : i32
      %dma_wait3A_222 = arith.constant 0 : i32
      %dma_wait3A_223 = tpu.memref_slice %arg2[%dma_wait3A_221, %dma_wait3A_222] : memref<10240x128xf32, #tpu.memory_space<hbm>> -> memref<10240x128xf32, #tpu.memory_space<hbm>>
      tpu.wait_indirect_dma semaphore(%arg18 : memref<!tpu.dma_semaphore, #tpu.memory_space<semaphore_mem>>) src(%dma_wait3A_223 : memref<10240x128xf32, #tpu.memory_space<hbm>>) dst(%arg14 : memref<100x128xf32, #tpu.memory_space<vmem>>)
      %add3A_224 = arith.constant 2 : i32
      %add3A_225 = arith.addi %add3A_202, %add3A_224 : i32
      %add3A_226 = arith.addi %mul3A_2, %add3A_225 : i32
      %dma_wait3A_227 = arith.constant 0 : i32
      %dma_wait3A_228 = arith.constant 0 : i32
      %dma_wait3A_229 = tpu.memref_slice %arg3[%add3A_226, %dma_wait3A_227, %dma_wait3A_228] : memref<3200x1x100xi32, #tpu.memory_space<hbm>> -> memref<1x1x100xi32, #tpu.memory_space<hbm>>
      %dma_wait3A_230 = tpu.memref_squeeze %dma_wait3A_229 : memref<1x1x100xi32, #tpu.memory_space<hbm>> -> memref<100xi32, #tpu.memory_space<hbm>>
      %dma_wait3A_231 = arith.constant 0 : i32
      %dma_wait3A_232 = tpu.memref_slice %arg3[%add3A_226, %dma_wait3A_227, %dma_wait3A_231] : memref<3200x1x100xi32, #tpu.memory_space<hbm>> -> memref<1x1x100xi32, #tpu.memory_space<hbm>>
      %dma_wait3A_233 = tpu.memref_squeeze %dma_wait3A_232 : memref<1x1x100xi32, #tpu.memory_space<hbm>> -> memref<100xi32, #tpu.memory_space<hbm>>
      tpu.wait_dma2 semaphore(%arg22 : memref<!tpu.dma_semaphore, #tpu.memory_space<semaphore_mem>>) src(%dma_wait3A_233 : memref<100xi32, #tpu.memory_space<hbm>>) dst(%arg8 : memref<100xi32, #tpu.memory_space<vmem>>)
      %add3A_234 = arith.addi %mul3A_2, %add3A_225 : i32
      %dma_wait3A_235 = arith.constant 0 : i32
      %dma_wait3A_236 = arith.constant 0 : i32
      %dma_wait3A_237 = tpu.memref_slice %arg4[%add3A_234, %dma_wait3A_235, %dma_wait3A_236] : memref<3200x1x100xi32, #tpu.memory_space<hbm>> -> memref<1x1x100xi32, #tpu.memory_space<hbm>>
      %dma_wait3A_238 = tpu.memref_squeeze %dma_wait3A_237 : memref<1x1x100xi32, #tpu.memory_space<hbm>> -> memref<100xi32, #tpu.memory_space<hbm>>
      %dma_wait3A_239 = arith.constant 0 : i32
      %dma_wait3A_240 = tpu.memref_slice %arg4[%add3A_234, %dma_wait3A_235, %dma_wait3A_239] : memref<3200x1x100xi32, #tpu.memory_space<hbm>> -> memref<1x1x100xi32, #tpu.memory_space<hbm>>
      %dma_wait3A_241 = tpu.memref_squeeze %dma_wait3A_240 : memref<1x1x100xi32, #tpu.memory_space<hbm>> -> memref<100xi32, #tpu.memory_space<hbm>>
      tpu.wait_dma2 semaphore(%arg22 : memref<!tpu.dma_semaphore, #tpu.memory_space<semaphore_mem>>) src(%dma_wait3A_241 : memref<100xi32, #tpu.memory_space<hbm>>) dst(%arg12 : memref<100xi32, #tpu.memory_space<vmem>>)
      "tpu.region"() ({
        %run_scoped3A = tpu.sem_alloc : memref<!tpu.dma_semaphore, #tpu.memory_space<semaphore_mem>>
        %dma_start3A_378 = arith.constant 0 : i32
        %dma_start3A_379 = arith.constant 0 : i32
        %dma_start3A_380 = tpu.memref_slice %arg17[%dma_start3A_378, %dma_start3A_379] : memref<10240x128xf32, #tpu.memory_space<vmem_shared>> -> memref<10240x128xf32, #tpu.memory_space<vmem_shared>>
        tpu.enqueue_indirect_dma source(%arg14 : memref<100x128xf32, #tpu.memory_space<vmem>>) target(%dma_start3A_380 : memref<10240x128xf32, #tpu.memory_space<vmem_shared>>) offsets(%arg10 : memref<100xi32, #tpu.memory_space<vmem>>) semaphore(%run_scoped3A : memref<!tpu.dma_semaphore, #tpu.memory_space<semaphore_mem>>) {add = true}
        %dma_wait3A_381 = arith.constant 0 : i32
        %dma_wait3A_382 = arith.constant 0 : i32
        %dma_wait3A_383 = tpu.memref_slice %arg17[%dma_wait3A_381, %dma_wait3A_382] : memref<10240x128xf32, #tpu.memory_space<vmem_shared>> -> memref<10240x128xf32, #tpu.memory_space<vmem_shared>>
        tpu.wait_indirect_dma semaphore(%run_scoped3A : memref<!tpu.dma_semaphore, #tpu.memory_space<semaphore_mem>>) src(%arg14 : memref<100x128xf32, #tpu.memory_space<vmem>>) dst(%dma_wait3A_383 : memref<10240x128xf32, #tpu.memory_space<vmem_shared>>)
        tpu.yield
      }) : () -> ()
      %dma_start3A_242 = arith.constant 0 : i32
      %dma_start3A_243 = arith.constant 0 : i32
      %dma_start3A_244 = tpu.memref_slice %arg2[%dma_start3A_242, %dma_start3A_243] : memref<10240x128xf32, #tpu.memory_space<hbm>> -> memref<10240x128xf32, #tpu.memory_space<hbm>>
      tpu.enqueue_indirect_dma source(%dma_start3A_244 : memref<10240x128xf32, #tpu.memory_space<hbm>>) target(%arg14 : memref<100x128xf32, #tpu.memory_space<vmem>>) offsets(%arg8 : memref<100xi32, #tpu.memory_space<vmem>>) semaphore(%arg18 : memref<!tpu.dma_semaphore, #tpu.memory_space<semaphore_mem>>)
      %add3A_245 = arith.constant 1 : i32
      %add3A_246 = arith.addi %mul3A_200, %add3A_245 : i32
      %add3A_247 = arith.constant 2 : i32
      %add3A_248 = arith.addi %add3A_246, %add3A_247 : i32
      %add3A_249 = arith.addi %mul3A_2, %add3A_248 : i32
      %dma_start3A_250 = arith.constant 0 : i32
      %dma_start3A_251 = arith.constant 0 : i32
      %dma_start3A_252 = tpu.memref_slice %arg3[%add3A_249, %dma_start3A_250, %dma_start3A_251] : memref<3200x1x100xi32, #tpu.memory_space<hbm>> -> memref<1x1x100xi32, #tpu.memory_space<hbm>>
      %dma_start3A_253 = tpu.memref_squeeze %dma_start3A_252 : memref<1x1x100xi32, #tpu.memory_space<hbm>> -> memref<100xi32, #tpu.memory_space<hbm>>
      %dma_start3A_254 = arith.constant 0 : i32
      %dma_start3A_255 = tpu.memref_slice %arg3[%add3A_249, %dma_start3A_250, %dma_start3A_254] : memref<3200x1x100xi32, #tpu.memory_space<hbm>> -> memref<1x1x100xi32, #tpu.memory_space<hbm>>
      %dma_start3A_256 = tpu.memref_squeeze %dma_start3A_255 : memref<1x1x100xi32, #tpu.memory_space<hbm>> -> memref<100xi32, #tpu.memory_space<hbm>>
      tpu.enqueue_dma source(%dma_start3A_256 : memref<100xi32, #tpu.memory_space<hbm>>) target(%arg9 : memref<100xi32, #tpu.memory_space<vmem>>) target_semaphore(%arg23 : memref<!tpu.dma_semaphore, #tpu.memory_space<semaphore_mem>>)
      %add3A_257 = arith.addi %mul3A_2, %add3A_248 : i32
      %dma_start3A_258 = arith.constant 0 : i32
      %dma_start3A_259 = arith.constant 0 : i32
      %dma_start3A_260 = tpu.memref_slice %arg4[%add3A_257, %dma_start3A_258, %dma_start3A_259] : memref<3200x1x100xi32, #tpu.memory_space<hbm>> -> memref<1x1x100xi32, #tpu.memory_space<hbm>>
      %dma_start3A_261 = tpu.memref_squeeze %dma_start3A_260 : memref<1x1x100xi32, #tpu.memory_space<hbm>> -> memref<100xi32, #tpu.memory_space<hbm>>
      %dma_start3A_262 = arith.constant 0 : i32
      %dma_start3A_263 = tpu.memref_slice %arg4[%add3A_257, %dma_start3A_258, %dma_start3A_262] : memref<3200x1x100xi32, #tpu.memory_space<hbm>> -> memref<1x1x100xi32, #tpu.memory_space<hbm>>
      %dma_start3A_264 = tpu.memref_squeeze %dma_start3A_263 : memref<1x1x100xi32, #tpu.memory_space<hbm>> -> memref<100xi32, #tpu.memory_space<hbm>>
      tpu.enqueue_dma source(%dma_start3A_264 : memref<100xi32, #tpu.memory_space<hbm>>) target(%arg13 : memref<100xi32, #tpu.memory_space<vmem>>) target_semaphore(%arg23 : memref<!tpu.dma_semaphore, #tpu.memory_space<semaphore_mem>>)
      %dma_wait3A_265 = arith.constant 0 : i32
      %dma_wait3A_266 = arith.constant 0 : i32
      %dma_wait3A_267 = tpu.memref_slice %arg2[%dma_wait3A_265, %dma_wait3A_266] : memref<10240x128xf32, #tpu.memory_space<hbm>> -> memref<10240x128xf32, #tpu.memory_space<hbm>>
      tpu.wait_indirect_dma semaphore(%arg19 : memref<!tpu.dma_semaphore, #tpu.memory_space<semaphore_mem>>) src(%dma_wait3A_267 : memref<10240x128xf32, #tpu.memory_space<hbm>>) dst(%arg15 : memref<100x128xf32, #tpu.memory_space<vmem>>)
      %add3A_268 = arith.constant 2 : i32
      %add3A_269 = arith.addi %add3A_246, %add3A_268 : i32
      %add3A_270 = arith.addi %mul3A_2, %add3A_269 : i32
      %dma_wait3A_271 = arith.constant 0 : i32
      %dma_wait3A_272 = arith.constant 0 : i32
      %dma_wait3A_273 = tpu.memref_slice %arg3[%add3A_270, %dma_wait3A_271, %dma_wait3A_272] : memref<3200x1x100xi32, #tpu.memory_space<hbm>> -> memref<1x1x100xi32, #tpu.memory_space<hbm>>
      %dma_wait3A_274 = tpu.memref_squeeze %dma_wait3A_273 : memref<1x1x100xi32, #tpu.memory_space<hbm>> -> memref<100xi32, #tpu.memory_space<hbm>>
      %dma_wait3A_275 = arith.constant 0 : i32
      %dma_wait3A_276 = tpu.memref_slice %arg3[%add3A_270, %dma_wait3A_271, %dma_wait3A_275] : memref<3200x1x100xi32, #tpu.memory_space<hbm>> -> memref<1x1x100xi32, #tpu.memory_space<hbm>>
      %dma_wait3A_277 = tpu.memref_squeeze %dma_wait3A_276 : memref<1x1x100xi32, #tpu.memory_space<hbm>> -> memref<100xi32, #tpu.memory_space<hbm>>
      tpu.wait_dma2 semaphore(%arg23 : memref<!tpu.dma_semaphore, #tpu.memory_space<semaphore_mem>>) src(%dma_wait3A_277 : memref<100xi32, #tpu.memory_space<hbm>>) dst(%arg9 : memref<100xi32, #tpu.memory_space<vmem>>)
      %add3A_278 = arith.addi %mul3A_2, %add3A_269 : i32
      %dma_wait3A_279 = arith.constant 0 : i32
      %dma_wait3A_280 = arith.constant 0 : i32
      %dma_wait3A_281 = tpu.memref_slice %arg4[%add3A_278, %dma_wait3A_279, %dma_wait3A_280] : memref<3200x1x100xi32, #tpu.memory_space<hbm>> -> memref<1x1x100xi32, #tpu.memory_space<hbm>>
      %dma_wait3A_282 = tpu.memref_squeeze %dma_wait3A_281 : memref<1x1x100xi32, #tpu.memory_space<hbm>> -> memref<100xi32, #tpu.memory_space<hbm>>
      %dma_wait3A_283 = arith.constant 0 : i32
      %dma_wait3A_284 = tpu.memref_slice %arg4[%add3A_278, %dma_wait3A_279, %dma_wait3A_283] : memref<3200x1x100xi32, #tpu.memory_space<hbm>> -> memref<1x1x100xi32, #tpu.memory_space<hbm>>
      %dma_wait3A_285 = tpu.memref_squeeze %dma_wait3A_284 : memref<1x1x100xi32, #tpu.memory_space<hbm>> -> memref<100xi32, #tpu.memory_space<hbm>>
      tpu.wait_dma2 semaphore(%arg23 : memref<!tpu.dma_semaphore, #tpu.memory_space<semaphore_mem>>) src(%dma_wait3A_285 : memref<100xi32, #tpu.memory_space<hbm>>) dst(%arg13 : memref<100xi32, #tpu.memory_space<vmem>>)
      "tpu.region"() ({
        %run_scoped3A = tpu.sem_alloc : memref<!tpu.dma_semaphore, #tpu.memory_space<semaphore_mem>>
        %dma_start3A_378 = arith.constant 0 : i32
        %dma_start3A_379 = arith.constant 0 : i32
        %dma_start3A_380 = tpu.memref_slice %arg17[%dma_start3A_378, %dma_start3A_379] : memref<10240x128xf32, #tpu.memory_space<vmem_shared>> -> memref<10240x128xf32, #tpu.memory_space<vmem_shared>>
        tpu.enqueue_indirect_dma source(%arg15 : memref<100x128xf32, #tpu.memory_space<vmem>>) target(%dma_start3A_380 : memref<10240x128xf32, #tpu.memory_space<vmem_shared>>) offsets(%arg11 : memref<100xi32, #tpu.memory_space<vmem>>) semaphore(%run_scoped3A : memref<!tpu.dma_semaphore, #tpu.memory_space<semaphore_mem>>) {add = true}
        %dma_wait3A_381 = arith.constant 0 : i32
        %dma_wait3A_382 = arith.constant 0 : i32
        %dma_wait3A_383 = tpu.memref_slice %arg17[%dma_wait3A_381, %dma_wait3A_382] : memref<10240x128xf32, #tpu.memory_space<vmem_shared>> -> memref<10240x128xf32, #tpu.memory_space<vmem_shared>>
        tpu.wait_indirect_dma semaphore(%run_scoped3A : memref<!tpu.dma_semaphore, #tpu.memory_space<semaphore_mem>>) src(%arg15 : memref<100x128xf32, #tpu.memory_space<vmem>>) dst(%dma_wait3A_383 : memref<10240x128xf32, #tpu.memory_space<vmem_shared>>)
        tpu.yield
      }) : () -> ()
      %dma_start3A_286 = arith.constant 0 : i32
      %dma_start3A_287 = arith.constant 0 : i32
      %dma_start3A_288 = tpu.memref_slice %arg2[%dma_start3A_286, %dma_start3A_287] : memref<10240x128xf32, #tpu.memory_space<hbm>> -> memref<10240x128xf32, #tpu.memory_space<hbm>>
      tpu.enqueue_indirect_dma source(%dma_start3A_288 : memref<10240x128xf32, #tpu.memory_space<hbm>>) target(%arg15 : memref<100x128xf32, #tpu.memory_space<vmem>>) offsets(%arg9 : memref<100xi32, #tpu.memory_space<vmem>>) semaphore(%arg19 : memref<!tpu.dma_semaphore, #tpu.memory_space<semaphore_mem>>)
      %add3A_289 = arith.constant 2 : i32
      %add3A_290 = arith.addi %mul3A_200, %add3A_289 : i32
      %add3A_291 = arith.constant 2 : i32
      %add3A_292 = arith.addi %add3A_290, %add3A_291 : i32
      %add3A_293 = arith.addi %mul3A_2, %add3A_292 : i32
      %dma_start3A_294 = arith.constant 0 : i32
      %dma_start3A_295 = arith.constant 0 : i32
      %dma_start3A_296 = tpu.memref_slice %arg3[%add3A_293, %dma_start3A_294, %dma_start3A_295] : memref<3200x1x100xi32, #tpu.memory_space<hbm>> -> memref<1x1x100xi32, #tpu.memory_space<hbm>>
      %dma_start3A_297 = tpu.memref_squeeze %dma_start3A_296 : memref<1x1x100xi32, #tpu.memory_space<hbm>> -> memref<100xi32, #tpu.memory_space<hbm>>
      %dma_start3A_298 = arith.constant 0 : i32
      %dma_start3A_299 = tpu.memref_slice %arg3[%add3A_293, %dma_start3A_294, %dma_start3A_298] : memref<3200x1x100xi32, #tpu.memory_space<hbm>> -> memref<1x1x100xi32, #tpu.memory_space<hbm>>
      %dma_start3A_300 = tpu.memref_squeeze %dma_start3A_299 : memref<1x1x100xi32, #tpu.memory_space<hbm>> -> memref<100xi32, #tpu.memory_space<hbm>>
      tpu.enqueue_dma source(%dma_start3A_300 : memref<100xi32, #tpu.memory_space<hbm>>) target(%arg6 : memref<100xi32, #tpu.memory_space<vmem>>) target_semaphore(%arg20 : memref<!tpu.dma_semaphore, #tpu.memory_space<semaphore_mem>>)
      %add3A_301 = arith.addi %mul3A_2, %add3A_292 : i32
      %dma_start3A_302 = arith.constant 0 : i32
      %dma_start3A_303 = arith.constant 0 : i32
      %dma_start3A_304 = tpu.memref_slice %arg4[%add3A_301, %dma_start3A_302, %dma_start3A_303] : memref<3200x1x100xi32, #tpu.memory_space<hbm>> -> memref<1x1x100xi32, #tpu.memory_space<hbm>>
      %dma_start3A_305 = tpu.memref_squeeze %dma_start3A_304 : memref<1x1x100xi32, #tpu.memory_space<hbm>> -> memref<100xi32, #tpu.memory_space<hbm>>
      %dma_start3A_306 = arith.constant 0 : i32
      %dma_start3A_307 = tpu.memref_slice %arg4[%add3A_301, %dma_start3A_302, %dma_start3A_306] : memref<3200x1x100xi32, #tpu.memory_space<hbm>> -> memref<1x1x100xi32, #tpu.memory_space<hbm>>
      %dma_start3A_308 = tpu.memref_squeeze %dma_start3A_307 : memref<1x1x100xi32, #tpu.memory_space<hbm>> -> memref<100xi32, #tpu.memory_space<hbm>>
      tpu.enqueue_dma source(%dma_start3A_308 : memref<100xi32, #tpu.memory_space<hbm>>) target(%arg10 : memref<100xi32, #tpu.memory_space<vmem>>) target_semaphore(%arg20 : memref<!tpu.dma_semaphore, #tpu.memory_space<semaphore_mem>>)
      %dma_wait3A_309 = arith.constant 0 : i32
      %dma_wait3A_310 = arith.constant 0 : i32
      %dma_wait3A_311 = tpu.memref_slice %arg2[%dma_wait3A_309, %dma_wait3A_310] : memref<10240x128xf32, #tpu.memory_space<hbm>> -> memref<10240x128xf32, #tpu.memory_space<hbm>>
      tpu.wait_indirect_dma semaphore(%arg18 : memref<!tpu.dma_semaphore, #tpu.memory_space<semaphore_mem>>) src(%dma_wait3A_311 : memref<10240x128xf32, #tpu.memory_space<hbm>>) dst(%arg14 : memref<100x128xf32, #tpu.memory_space<vmem>>)
      %add3A_312 = arith.constant 2 : i32
      %add3A_313 = arith.addi %add3A_290, %add3A_312 : i32
      %add3A_314 = arith.addi %mul3A_2, %add3A_313 : i32
      %dma_wait3A_315 = arith.constant 0 : i32
      %dma_wait3A_316 = arith.constant 0 : i32
      %dma_wait3A_317 = tpu.memref_slice %arg3[%add3A_314, %dma_wait3A_315, %dma_wait3A_316] : memref<3200x1x100xi32, #tpu.memory_space<hbm>> -> memref<1x1x100xi32, #tpu.memory_space<hbm>>
      %dma_wait3A_318 = tpu.memref_squeeze %dma_wait3A_317 : memref<1x1x100xi32, #tpu.memory_space<hbm>> -> memref<100xi32, #tpu.memory_space<hbm>>
      %dma_wait3A_319 = arith.constant 0 : i32
      %dma_wait3A_320 = tpu.memref_slice %arg3[%add3A_314, %dma_wait3A_315, %dma_wait3A_319] : memref<3200x1x100xi32, #tpu.memory_space<hbm>> -> memref<1x1x100xi32, #tpu.memory_space<hbm>>
      %dma_wait3A_321 = tpu.memref_squeeze %dma_wait3A_320 : memref<1x1x100xi32, #tpu.memory_space<hbm>> -> memref<100xi32, #tpu.memory_space<hbm>>
      tpu.wait_dma2 semaphore(%arg20 : memref<!tpu.dma_semaphore, #tpu.memory_space<semaphore_mem>>) src(%dma_wait3A_321 : memref<100xi32, #tpu.memory_space<hbm>>) dst(%arg6 : memref<100xi32, #tpu.memory_space<vmem>>)
      %add3A_322 = arith.addi %mul3A_2, %add3A_313 : i32
      %dma_wait3A_323 = arith.constant 0 : i32
      %dma_wait3A_324 = arith.constant 0 : i32
      %dma_wait3A_325 = tpu.memref_slice %arg4[%add3A_322, %dma_wait3A_323, %dma_wait3A_324] : memref<3200x1x100xi32, #tpu.memory_space<hbm>> -> memref<1x1x100xi32, #tpu.memory_space<hbm>>
      %dma_wait3A_326 = tpu.memref_squeeze %dma_wait3A_325 : memref<1x1x100xi32, #tpu.memory_space<hbm>> -> memref<100xi32, #tpu.memory_space<hbm>>
      %dma_wait3A_327 = arith.constant 0 : i32
      %dma_wait3A_328 = tpu.memref_slice %arg4[%add3A_322, %dma_wait3A_323, %dma_wait3A_327] : memref<3200x1x100xi32, #tpu.memory_space<hbm>> -> memref<1x1x100xi32, #tpu.memory_space<hbm>>
      %dma_wait3A_329 = tpu.memref_squeeze %dma_wait3A_328 : memref<1x1x100xi32, #tpu.memory_space<hbm>> -> memref<100xi32, #tpu.memory_space<hbm>>
      tpu.wait_dma2 semaphore(%arg20 : memref<!tpu.dma_semaphore, #tpu.memory_space<semaphore_mem>>) src(%dma_wait3A_329 : memref<100xi32, #tpu.memory_space<hbm>>) dst(%arg10 : memref<100xi32, #tpu.memory_space<vmem>>)
      "tpu.region"() ({
        %run_scoped3A = tpu.sem_alloc : memref<!tpu.dma_semaphore, #tpu.memory_space<semaphore_mem>>
        %dma_start3A_378 = arith.constant 0 : i32
        %dma_start3A_379 = arith.constant 0 : i32
        %dma_start3A_380 = tpu.memref_slice %arg17[%dma_start3A_378, %dma_start3A_379] : memref<10240x128xf32, #tpu.memory_space<vmem_shared>> -> memref<10240x128xf32, #tpu.memory_space<vmem_shared>>
        tpu.enqueue_indirect_dma source(%arg14 : memref<100x128xf32, #tpu.memory_space<vmem>>) target(%dma_start3A_380 : memref<10240x128xf32, #tpu.memory_space<vmem_shared>>) offsets(%arg12 : memref<100xi32, #tpu.memory_space<vmem>>) semaphore(%run_scoped3A : memref<!tpu.dma_semaphore, #tpu.memory_space<semaphore_mem>>) {add = true}
        %dma_wait3A_381 = arith.constant 0 : i32
        %dma_wait3A_382 = arith.constant 0 : i32
        %dma_wait3A_383 = tpu.memref_slice %arg17[%dma_wait3A_381, %dma_wait3A_382] : memref<10240x128xf32, #tpu.memory_space<vmem_shared>> -> memref<10240x128xf32, #tpu.memory_space<vmem_shared>>
        tpu.wait_indirect_dma semaphore(%run_scoped3A : memref<!tpu.dma_semaphore, #tpu.memory_space<semaphore_mem>>) src(%arg14 : memref<100x128xf32, #tpu.memory_space<vmem>>) dst(%dma_wait3A_383 : memref<10240x128xf32, #tpu.memory_space<vmem_shared>>)
        tpu.yield
      }) : () -> ()
      %dma_start3A_330 = arith.constant 0 : i32
      %dma_start3A_331 = arith.constant 0 : i32
      %dma_start3A_332 = tpu.memref_slice %arg2[%dma_start3A_330, %dma_start3A_331] : memref<10240x128xf32, #tpu.memory_space<hbm>> -> memref<10240x128xf32, #tpu.memory_space<hbm>>
      tpu.enqueue_indirect_dma source(%dma_start3A_332 : memref<10240x128xf32, #tpu.memory_space<hbm>>) target(%arg14 : memref<100x128xf32, #tpu.memory_space<vmem>>) offsets(%arg6 : memref<100xi32, #tpu.memory_space<vmem>>) semaphore(%arg18 : memref<!tpu.dma_semaphore, #tpu.memory_space<semaphore_mem>>)
      %add3A_333 = arith.constant 3 : i32
      %add3A_334 = arith.addi %mul3A_200, %add3A_333 : i32
      %add3A_335 = arith.constant 2 : i32
      %add3A_336 = arith.addi %add3A_334, %add3A_335 : i32
      %add3A_337 = arith.addi %mul3A_2, %add3A_336 : i32
      %dma_start3A_338 = arith.constant 0 : i32
      %dma_start3A_339 = arith.constant 0 : i32
      %dma_start3A_340 = tpu.memref_slice %arg3[%add3A_337, %dma_start3A_338, %dma_start3A_339] : memref<3200x1x100xi32, #tpu.memory_space<hbm>> -> memref<1x1x100xi32, #tpu.memory_space<hbm>>
      %dma_start3A_341 = tpu.memref_squeeze %dma_start3A_340 : memref<1x1x100xi32, #tpu.memory_space<hbm>> -> memref<100xi32, #tpu.memory_space<hbm>>
      %dma_start3A_342 = arith.constant 0 : i32
      %dma_start3A_343 = tpu.memref_slice %arg3[%add3A_337, %dma_start3A_338, %dma_start3A_342] : memref<3200x1x100xi32, #tpu.memory_space<hbm>> -> memref<1x1x100xi32, #tpu.memory_space<hbm>>
      %dma_start3A_344 = tpu.memref_squeeze %dma_start3A_343 : memref<1x1x100xi32, #tpu.memory_space<hbm>> -> memref<100xi32, #tpu.memory_space<hbm>>
      tpu.enqueue_dma source(%dma_start3A_344 : memref<100xi32, #tpu.memory_space<hbm>>) target(%arg7 : memref<100xi32, #tpu.memory_space<vmem>>) target_semaphore(%arg21 : memref<!tpu.dma_semaphore, #tpu.memory_space<semaphore_mem>>)
      %add3A_345 = arith.addi %mul3A_2, %add3A_336 : i32
      %dma_start3A_346 = arith.constant 0 : i32
      %dma_start3A_347 = arith.constant 0 : i32
      %dma_start3A_348 = tpu.memref_slice %arg4[%add3A_345, %dma_start3A_346, %dma_start3A_347] : memref<3200x1x100xi32, #tpu.memory_space<hbm>> -> memref<1x1x100xi32, #tpu.memory_space<hbm>>
      %dma_start3A_349 = tpu.memref_squeeze %dma_start3A_348 : memref<1x1x100xi32, #tpu.memory_space<hbm>> -> memref<100xi32, #tpu.memory_space<hbm>>
      %dma_start3A_350 = arith.constant 0 : i32
      %dma_start3A_351 = tpu.memref_slice %arg4[%add3A_345, %dma_start3A_346, %dma_start3A_350] : memref<3200x1x100xi32, #tpu.memory_space<hbm>> -> memref<1x1x100xi32, #tpu.memory_space<hbm>>
      %dma_start3A_352 = tpu.memref_squeeze %dma_start3A_351 : memref<1x1x100xi32, #tpu.memory_space<hbm>> -> memref<100xi32, #tpu.memory_space<hbm>>
      tpu.enqueue_dma source(%dma_start3A_352 : memref<100xi32, #tpu.memory_space<hbm>>) target(%arg11 : memref<100xi32, #tpu.memory_space<vmem>>) target_semaphore(%arg21 : memref<!tpu.dma_semaphore, #tpu.memory_space<semaphore_mem>>)
      %dma_wait3A_353 = arith.constant 0 : i32
      %dma_wait3A_354 = arith.constant 0 : i32
      %dma_wait3A_355 = tpu.memref_slice %arg2[%dma_wait3A_353, %dma_wait3A_354] : memref<10240x128xf32, #tpu.memory_space<hbm>> -> memref<10240x128xf32, #tpu.memory_space<hbm>>
      tpu.wait_indirect_dma semaphore(%arg19 : memref<!tpu.dma_semaphore, #tpu.memory_space<semaphore_mem>>) src(%dma_wait3A_355 : memref<10240x128xf32, #tpu.memory_space<hbm>>) dst(%arg15 : memref<100x128xf32, #tpu.memory_space<vmem>>)
      %add3A_356 = arith.constant 2 : i32
      %add3A_357 = arith.addi %add3A_334, %add3A_356 : i32
      %add3A_358 = arith.addi %mul3A_2, %add3A_357 : i32
      %dma_wait3A_359 = arith.constant 0 : i32
      %dma_wait3A_360 = arith.constant 0 : i32
      %dma_wait3A_361 = tpu.memref_slice %arg3[%add3A_358, %dma_wait3A_359, %dma_wait3A_360] : memref<3200x1x100xi32, #tpu.memory_space<hbm>> -> memref<1x1x100xi32, #tpu.memory_space<hbm>>
      %dma_wait3A_362 = tpu.memref_squeeze %dma_wait3A_361 : memref<1x1x100xi32, #tpu.memory_space<hbm>> -> memref<100xi32, #tpu.memory_space<hbm>>
      %dma_wait3A_363 = arith.constant 0 : i32
      %dma_wait3A_364 = tpu.memref_slice %arg3[%add3A_358, %dma_wait3A_359, %dma_wait3A_363] : memref<3200x1x100xi32, #tpu.memory_space<hbm>> -> memref<1x1x100xi32, #tpu.memory_space<hbm>>
      %dma_wait3A_365 = tpu.memref_squeeze %dma_wait3A_364 : memref<1x1x100xi32, #tpu.memory_space<hbm>> -> memref<100xi32, #tpu.memory_space<hbm>>
      tpu.wait_dma2 semaphore(%arg21 : memref<!tpu.dma_semaphore, #tpu.memory_space<semaphore_mem>>) src(%dma_wait3A_365 : memref<100xi32, #tpu.memory_space<hbm>>) dst(%arg7 : memref<100xi32, #tpu.memory_space<vmem>>)
      %add3A_366 = arith.addi %mul3A_2, %add3A_357 : i32
      %dma_wait3A_367 = arith.constant 0 : i32
      %dma_wait3A_368 = arith.constant 0 : i32
      %dma_wait3A_369 = tpu.memref_slice %arg4[%add3A_366, %dma_wait3A_367, %dma_wait3A_368] : memref<3200x1x100xi32, #tpu.memory_space<hbm>> -> memref<1x1x100xi32, #tpu.memory_space<hbm>>
      %dma_wait3A_370 = tpu.memref_squeeze %dma_wait3A_369 : memref<1x1x100xi32, #tpu.memory_space<hbm>> -> memref<100xi32, #tpu.memory_space<hbm>>
      %dma_wait3A_371 = arith.constant 0 : i32
      %dma_wait3A_372 = tpu.memref_slice %arg4[%add3A_366, %dma_wait3A_367, %dma_wait3A_371] : memref<3200x1x100xi32, #tpu.memory_space<hbm>> -> memref<1x1x100xi32, #tpu.memory_space<hbm>>
      %dma_wait3A_373 = tpu.memref_squeeze %dma_wait3A_372 : memref<1x1x100xi32, #tpu.memory_space<hbm>> -> memref<100xi32, #tpu.memory_space<hbm>>
      tpu.wait_dma2 semaphore(%arg21 : memref<!tpu.dma_semaphore, #tpu.memory_space<semaphore_mem>>) src(%dma_wait3A_373 : memref<100xi32, #tpu.memory_space<hbm>>) dst(%arg11 : memref<100xi32, #tpu.memory_space<vmem>>)
      "tpu.region"() ({
        %run_scoped3A = tpu.sem_alloc : memref<!tpu.dma_semaphore, #tpu.memory_space<semaphore_mem>>
        %dma_start3A_378 = arith.constant 0 : i32
        %dma_start3A_379 = arith.constant 0 : i32
        %dma_start3A_380 = tpu.memref_slice %arg17[%dma_start3A_378, %dma_start3A_379] : memref<10240x128xf32, #tpu.memory_space<vmem_shared>> -> memref<10240x128xf32, #tpu.memory_space<vmem_shared>>
        tpu.enqueue_indirect_dma source(%arg15 : memref<100x128xf32, #tpu.memory_space<vmem>>) target(%dma_start3A_380 : memref<10240x128xf32, #tpu.memory_space<vmem_shared>>) offsets(%arg13 : memref<100xi32, #tpu.memory_space<vmem>>) semaphore(%run_scoped3A : memref<!tpu.dma_semaphore, #tpu.memory_space<semaphore_mem>>) {add = true}
        %dma_wait3A_381 = arith.constant 0 : i32
        %dma_wait3A_382 = arith.constant 0 : i32
        %dma_wait3A_383 = tpu.memref_slice %arg17[%dma_wait3A_381, %dma_wait3A_382] : memref<10240x128xf32, #tpu.memory_space<vmem_shared>> -> memref<10240x128xf32, #tpu.memory_space<vmem_shared>>
        tpu.wait_indirect_dma semaphore(%run_scoped3A : memref<!tpu.dma_semaphore, #tpu.memory_space<semaphore_mem>>) src(%arg15 : memref<100x128xf32, #tpu.memory_space<vmem>>) dst(%dma_wait3A_383 : memref<10240x128xf32, #tpu.memory_space<vmem_shared>>)
        tpu.yield
      }) : () -> ()
      %dma_start3A_374 = arith.constant 0 : i32
      %dma_start3A_375 = arith.constant 0 : i32
      %dma_start3A_376 = tpu.memref_slice %arg2[%dma_start3A_374, %dma_start3A_375] : memref<10240x128xf32, #tpu.memory_space<hbm>> -> memref<10240x128xf32, #tpu.memory_space<hbm>>
      tpu.enqueue_indirect_dma source(%dma_start3A_376 : memref<10240x128xf32, #tpu.memory_space<hbm>>) target(%arg15 : memref<100x128xf32, #tpu.memory_space<vmem>>) offsets(%arg7 : memref<100xi32, #tpu.memory_space<vmem>>) semaphore(%arg19 : memref<!tpu.dma_semaphore, #tpu.memory_space<semaphore_mem>>)
      %scan3A_377 = arith.constant 0 : i32
      scf.yield %scan3A_377 : i32
    }
    %scan3A_98 = arith.constant 24 : i32
    %add3A_99 = arith.constant 98 : i32
    %add3A_100 = arith.addi %mul3A_2, %add3A_99 : i32
    %dma_start3A_101 = arith.constant 0 : i32
    %dma_start3A_102 = arith.constant 0 : i32
    %dma_start3A_103 = tpu.memref_slice %arg3[%add3A_100, %dma_start3A_101, %dma_start3A_102] : memref<3200x1x100xi32, #tpu.memory_space<hbm>> -> memref<1x1x100xi32, #tpu.memory_space<hbm>>
    %dma_start3A_104 = tpu.memref_squeeze %dma_start3A_103 : memref<1x1x100xi32, #tpu.memory_space<hbm>> -> memref<100xi32, #tpu.memory_space<hbm>>
    %dma_start3A_105 = arith.constant 0 : i32
    %dma_start3A_106 = tpu.memref_slice %arg3[%add3A_100, %dma_start3A_101, %dma_start3A_105] : memref<3200x1x100xi32, #tpu.memory_space<hbm>> -> memref<1x1x100xi32, #tpu.memory_space<hbm>>
    %dma_start3A_107 = tpu.memref_squeeze %dma_start3A_106 : memref<1x1x100xi32, #tpu.memory_space<hbm>> -> memref<100xi32, #tpu.memory_space<hbm>>
    tpu.enqueue_dma source(%dma_start3A_107 : memref<100xi32, #tpu.memory_space<hbm>>) target(%arg8 : memref<100xi32, #tpu.memory_space<vmem>>) target_semaphore(%arg22 : memref<!tpu.dma_semaphore, #tpu.memory_space<semaphore_mem>>)
    %add3A_108 = arith.constant 98 : i32
    %add3A_109 = arith.addi %mul3A_2, %add3A_108 : i32
    %dma_start3A_110 = arith.constant 0 : i32
    %dma_start3A_111 = arith.constant 0 : i32
    %dma_start3A_112 = tpu.memref_slice %arg4[%add3A_109, %dma_start3A_110, %dma_start3A_111] : memref<3200x1x100xi32, #tpu.memory_space<hbm>> -> memref<1x1x100xi32, #tpu.memory_space<hbm>>
    %dma_start3A_113 = tpu.memref_squeeze %dma_start3A_112 : memref<1x1x100xi32, #tpu.memory_space<hbm>> -> memref<100xi32, #tpu.memory_space<hbm>>
    %dma_start3A_114 = arith.constant 0 : i32
    %dma_start3A_115 = tpu.memref_slice %arg4[%add3A_109, %dma_start3A_110, %dma_start3A_114] : memref<3200x1x100xi32, #tpu.memory_space<hbm>> -> memref<1x1x100xi32, #tpu.memory_space<hbm>>
    %dma_start3A_116 = tpu.memref_squeeze %dma_start3A_115 : memref<1x1x100xi32, #tpu.memory_space<hbm>> -> memref<100xi32, #tpu.memory_space<hbm>>
    tpu.enqueue_dma source(%dma_start3A_116 : memref<100xi32, #tpu.memory_space<hbm>>) target(%arg12 : memref<100xi32, #tpu.memory_space<vmem>>) target_semaphore(%arg22 : memref<!tpu.dma_semaphore, #tpu.memory_space<semaphore_mem>>)
    %dma_wait3A_117 = arith.constant 0 : i32
    %dma_wait3A_118 = arith.constant 0 : i32
    %dma_wait3A_119 = tpu.memref_slice %arg2[%dma_wait3A_117, %dma_wait3A_118] : memref<10240x128xf32, #tpu.memory_space<hbm>> -> memref<10240x128xf32, #tpu.memory_space<hbm>>
    tpu.wait_indirect_dma semaphore(%arg18 : memref<!tpu.dma_semaphore, #tpu.memory_space<semaphore_mem>>) src(%dma_wait3A_119 : memref<10240x128xf32, #tpu.memory_space<hbm>>) dst(%arg14 : memref<100x128xf32, #tpu.memory_space<vmem>>)
    %add3A_120 = arith.constant 98 : i32
    %add3A_121 = arith.addi %mul3A_2, %add3A_120 : i32
    %dma_wait3A_122 = arith.constant 0 : i32
    %dma_wait3A_123 = arith.constant 0 : i32
    %dma_wait3A_124 = tpu.memref_slice %arg3[%add3A_121, %dma_wait3A_122, %dma_wait3A_123] : memref<3200x1x100xi32, #tpu.memory_space<hbm>> -> memref<1x1x100xi32, #tpu.memory_space<hbm>>
    %dma_wait3A_125 = tpu.memref_squeeze %dma_wait3A_124 : memref<1x1x100xi32, #tpu.memory_space<hbm>> -> memref<100xi32, #tpu.memory_space<hbm>>
    %dma_wait3A_126 = arith.constant 0 : i32
    %dma_wait3A_127 = tpu.memref_slice %arg3[%add3A_121, %dma_wait3A_122, %dma_wait3A_126] : memref<3200x1x100xi32, #tpu.memory_space<hbm>> -> memref<1x1x100xi32, #tpu.memory_space<hbm>>
    %dma_wait3A_128 = tpu.memref_squeeze %dma_wait3A_127 : memref<1x1x100xi32, #tpu.memory_space<hbm>> -> memref<100xi32, #tpu.memory_space<hbm>>
    tpu.wait_dma2 semaphore(%arg22 : memref<!tpu.dma_semaphore, #tpu.memory_space<semaphore_mem>>) src(%dma_wait3A_128 : memref<100xi32, #tpu.memory_space<hbm>>) dst(%arg8 : memref<100xi32, #tpu.memory_space<vmem>>)
    %add3A_129 = arith.constant 98 : i32
    %add3A_130 = arith.addi %mul3A_2, %add3A_129 : i32
    %dma_wait3A_131 = arith.constant 0 : i32
    %dma_wait3A_132 = arith.constant 0 : i32
    %dma_wait3A_133 = tpu.memref_slice %arg4[%add3A_130, %dma_wait3A_131, %dma_wait3A_132] : memref<3200x1x100xi32, #tpu.memory_space<hbm>> -> memref<1x1x100xi32, #tpu.memory_space<hbm>>
    %dma_wait3A_134 = tpu.memref_squeeze %dma_wait3A_133 : memref<1x1x100xi32, #tpu.memory_space<hbm>> -> memref<100xi32, #tpu.memory_space<hbm>>
    %dma_wait3A_135 = arith.constant 0 : i32
    %dma_wait3A_136 = tpu.memref_slice %arg4[%add3A_130, %dma_wait3A_131, %dma_wait3A_135] : memref<3200x1x100xi32, #tpu.memory_space<hbm>> -> memref<1x1x100xi32, #tpu.memory_space<hbm>>
    %dma_wait3A_137 = tpu.memref_squeeze %dma_wait3A_136 : memref<1x1x100xi32, #tpu.memory_space<hbm>> -> memref<100xi32, #tpu.memory_space<hbm>>
    tpu.wait_dma2 semaphore(%arg22 : memref<!tpu.dma_semaphore, #tpu.memory_space<semaphore_mem>>) src(%dma_wait3A_137 : memref<100xi32, #tpu.memory_space<hbm>>) dst(%arg12 : memref<100xi32, #tpu.memory_space<vmem>>)
    "tpu.region"() ({
      %run_scoped3A = tpu.sem_alloc : memref<!tpu.dma_semaphore, #tpu.memory_space<semaphore_mem>>
      %dma_start3A_197 = arith.constant 0 : i32
      %dma_start3A_198 = arith.constant 0 : i32
      %dma_start3A_199 = tpu.memref_slice %arg17[%dma_start3A_197, %dma_start3A_198] : memref<10240x128xf32, #tpu.memory_space<vmem_shared>> -> memref<10240x128xf32, #tpu.memory_space<vmem_shared>>
      tpu.enqueue_indirect_dma source(%arg14 : memref<100x128xf32, #tpu.memory_space<vmem>>) target(%dma_start3A_199 : memref<10240x128xf32, #tpu.memory_space<vmem_shared>>) offsets(%arg10 : memref<100xi32, #tpu.memory_space<vmem>>) semaphore(%run_scoped3A : memref<!tpu.dma_semaphore, #tpu.memory_space<semaphore_mem>>) {add = true}
      %dma_wait3A_200 = arith.constant 0 : i32
      %dma_wait3A_201 = arith.constant 0 : i32
      %dma_wait3A_202 = tpu.memref_slice %arg17[%dma_wait3A_200, %dma_wait3A_201] : memref<10240x128xf32, #tpu.memory_space<vmem_shared>> -> memref<10240x128xf32, #tpu.memory_space<vmem_shared>>
      tpu.wait_indirect_dma semaphore(%run_scoped3A : memref<!tpu.dma_semaphore, #tpu.memory_space<semaphore_mem>>) src(%arg14 : memref<100x128xf32, #tpu.memory_space<vmem>>) dst(%dma_wait3A_202 : memref<10240x128xf32, #tpu.memory_space<vmem_shared>>)
      tpu.yield
    }) : () -> ()
    %dma_start3A_138 = arith.constant 0 : i32
    %dma_start3A_139 = arith.constant 0 : i32
    %dma_start3A_140 = tpu.memref_slice %arg2[%dma_start3A_138, %dma_start3A_139] : memref<10240x128xf32, #tpu.memory_space<hbm>> -> memref<10240x128xf32, #tpu.memory_space<hbm>>
    tpu.enqueue_indirect_dma source(%dma_start3A_140 : memref<10240x128xf32, #tpu.memory_space<hbm>>) target(%arg14 : memref<100x128xf32, #tpu.memory_space<vmem>>) offsets(%arg8 : memref<100xi32, #tpu.memory_space<vmem>>) semaphore(%arg18 : memref<!tpu.dma_semaphore, #tpu.memory_space<semaphore_mem>>)
    %add3A_141 = arith.constant 99 : i32
    %add3A_142 = arith.addi %mul3A_2, %add3A_141 : i32
    %dma_start3A_143 = arith.constant 0 : i32
    %dma_start3A_144 = arith.constant 0 : i32
    %dma_start3A_145 = tpu.memref_slice %arg3[%add3A_142, %dma_start3A_143, %dma_start3A_144] : memref<3200x1x100xi32, #tpu.memory_space<hbm>> -> memref<1x1x100xi32, #tpu.memory_space<hbm>>
    %dma_start3A_146 = tpu.memref_squeeze %dma_start3A_145 : memref<1x1x100xi32, #tpu.memory_space<hbm>> -> memref<100xi32, #tpu.memory_space<hbm>>
    %dma_start3A_147 = arith.constant 0 : i32
    %dma_start3A_148 = tpu.memref_slice %arg3[%add3A_142, %dma_start3A_143, %dma_start3A_147] : memref<3200x1x100xi32, #tpu.memory_space<hbm>> -> memref<1x1x100xi32, #tpu.memory_space<hbm>>
    %dma_start3A_149 = tpu.memref_squeeze %dma_start3A_148 : memref<1x1x100xi32, #tpu.memory_space<hbm>> -> memref<100xi32, #tpu.memory_space<hbm>>
    tpu.enqueue_dma source(%dma_start3A_149 : memref<100xi32, #tpu.memory_space<hbm>>) target(%arg9 : memref<100xi32, #tpu.memory_space<vmem>>) target_semaphore(%arg23 : memref<!tpu.dma_semaphore, #tpu.memory_space<semaphore_mem>>)
    %add3A_150 = arith.constant 99 : i32
    %add3A_151 = arith.addi %mul3A_2, %add3A_150 : i32
    %dma_start3A_152 = arith.constant 0 : i32
    %dma_start3A_153 = arith.constant 0 : i32
    %dma_start3A_154 = tpu.memref_slice %arg4[%add3A_151, %dma_start3A_152, %dma_start3A_153] : memref<3200x1x100xi32, #tpu.memory_space<hbm>> -> memref<1x1x100xi32, #tpu.memory_space<hbm>>
    %dma_start3A_155 = tpu.memref_squeeze %dma_start3A_154 : memref<1x1x100xi32, #tpu.memory_space<hbm>> -> memref<100xi32, #tpu.memory_space<hbm>>
    %dma_start3A_156 = arith.constant 0 : i32
    %dma_start3A_157 = tpu.memref_slice %arg4[%add3A_151, %dma_start3A_152, %dma_start3A_156] : memref<3200x1x100xi32, #tpu.memory_space<hbm>> -> memref<1x1x100xi32, #tpu.memory_space<hbm>>
    %dma_start3A_158 = tpu.memref_squeeze %dma_start3A_157 : memref<1x1x100xi32, #tpu.memory_space<hbm>> -> memref<100xi32, #tpu.memory_space<hbm>>
    tpu.enqueue_dma source(%dma_start3A_158 : memref<100xi32, #tpu.memory_space<hbm>>) target(%arg13 : memref<100xi32, #tpu.memory_space<vmem>>) target_semaphore(%arg23 : memref<!tpu.dma_semaphore, #tpu.memory_space<semaphore_mem>>)
    %dma_wait3A_159 = arith.constant 0 : i32
    %dma_wait3A_160 = arith.constant 0 : i32
    %dma_wait3A_161 = tpu.memref_slice %arg2[%dma_wait3A_159, %dma_wait3A_160] : memref<10240x128xf32, #tpu.memory_space<hbm>> -> memref<10240x128xf32, #tpu.memory_space<hbm>>
    tpu.wait_indirect_dma semaphore(%arg19 : memref<!tpu.dma_semaphore, #tpu.memory_space<semaphore_mem>>) src(%dma_wait3A_161 : memref<10240x128xf32, #tpu.memory_space<hbm>>) dst(%arg15 : memref<100x128xf32, #tpu.memory_space<vmem>>)
    %add3A_162 = arith.constant 99 : i32
    %add3A_163 = arith.addi %mul3A_2, %add3A_162 : i32
    %dma_wait3A_164 = arith.constant 0 : i32
    %dma_wait3A_165 = arith.constant 0 : i32
    %dma_wait3A_166 = tpu.memref_slice %arg3[%add3A_163, %dma_wait3A_164, %dma_wait3A_165] : memref<3200x1x100xi32, #tpu.memory_space<hbm>> -> memref<1x1x100xi32, #tpu.memory_space<hbm>>
    %dma_wait3A_167 = tpu.memref_squeeze %dma_wait3A_166 : memref<1x1x100xi32, #tpu.memory_space<hbm>> -> memref<100xi32, #tpu.memory_space<hbm>>
    %dma_wait3A_168 = arith.constant 0 : i32
    %dma_wait3A_169 = tpu.memref_slice %arg3[%add3A_163, %dma_wait3A_164, %dma_wait3A_168] : memref<3200x1x100xi32, #tpu.memory_space<hbm>> -> memref<1x1x100xi32, #tpu.memory_space<hbm>>
    %dma_wait3A_170 = tpu.memref_squeeze %dma_wait3A_169 : memref<1x1x100xi32, #tpu.memory_space<hbm>> -> memref<100xi32, #tpu.memory_space<hbm>>
    tpu.wait_dma2 semaphore(%arg23 : memref<!tpu.dma_semaphore, #tpu.memory_space<semaphore_mem>>) src(%dma_wait3A_170 : memref<100xi32, #tpu.memory_space<hbm>>) dst(%arg9 : memref<100xi32, #tpu.memory_space<vmem>>)
    %add3A_171 = arith.constant 99 : i32
    %add3A_172 = arith.addi %mul3A_2, %add3A_171 : i32
    %dma_wait3A_173 = arith.constant 0 : i32
    %dma_wait3A_174 = arith.constant 0 : i32
    %dma_wait3A_175 = tpu.memref_slice %arg4[%add3A_172, %dma_wait3A_173, %dma_wait3A_174] : memref<3200x1x100xi32, #tpu.memory_space<hbm>> -> memref<1x1x100xi32, #tpu.memory_space<hbm>>
    %dma_wait3A_176 = tpu.memref_squeeze %dma_wait3A_175 : memref<1x1x100xi32, #tpu.memory_space<hbm>> -> memref<100xi32, #tpu.memory_space<hbm>>
    %dma_wait3A_177 = arith.constant 0 : i32
    %dma_wait3A_178 = tpu.memref_slice %arg4[%add3A_172, %dma_wait3A_173, %dma_wait3A_177] : memref<3200x1x100xi32, #tpu.memory_space<hbm>> -> memref<1x1x100xi32, #tpu.memory_space<hbm>>
    %dma_wait3A_179 = tpu.memref_squeeze %dma_wait3A_178 : memref<1x1x100xi32, #tpu.memory_space<hbm>> -> memref<100xi32, #tpu.memory_space<hbm>>
    tpu.wait_dma2 semaphore(%arg23 : memref<!tpu.dma_semaphore, #tpu.memory_space<semaphore_mem>>) src(%dma_wait3A_179 : memref<100xi32, #tpu.memory_space<hbm>>) dst(%arg13 : memref<100xi32, #tpu.memory_space<vmem>>)
    "tpu.region"() ({
      %run_scoped3A = tpu.sem_alloc : memref<!tpu.dma_semaphore, #tpu.memory_space<semaphore_mem>>
      %dma_start3A_197 = arith.constant 0 : i32
      %dma_start3A_198 = arith.constant 0 : i32
      %dma_start3A_199 = tpu.memref_slice %arg17[%dma_start3A_197, %dma_start3A_198] : memref<10240x128xf32, #tpu.memory_space<vmem_shared>> -> memref<10240x128xf32, #tpu.memory_space<vmem_shared>>
      tpu.enqueue_indirect_dma source(%arg15 : memref<100x128xf32, #tpu.memory_space<vmem>>) target(%dma_start3A_199 : memref<10240x128xf32, #tpu.memory_space<vmem_shared>>) offsets(%arg11 : memref<100xi32, #tpu.memory_space<vmem>>) semaphore(%run_scoped3A : memref<!tpu.dma_semaphore, #tpu.memory_space<semaphore_mem>>) {add = true}
      %dma_wait3A_200 = arith.constant 0 : i32
      %dma_wait3A_201 = arith.constant 0 : i32
      %dma_wait3A_202 = tpu.memref_slice %arg17[%dma_wait3A_200, %dma_wait3A_201] : memref<10240x128xf32, #tpu.memory_space<vmem_shared>> -> memref<10240x128xf32, #tpu.memory_space<vmem_shared>>
      tpu.wait_indirect_dma semaphore(%run_scoped3A : memref<!tpu.dma_semaphore, #tpu.memory_space<semaphore_mem>>) src(%arg15 : memref<100x128xf32, #tpu.memory_space<vmem>>) dst(%dma_wait3A_202 : memref<10240x128xf32, #tpu.memory_space<vmem_shared>>)
      tpu.yield
    }) : () -> ()
    %dma_start3A_180 = arith.constant 0 : i32
    %dma_start3A_181 = arith.constant 0 : i32
    %dma_start3A_182 = tpu.memref_slice %arg2[%dma_start3A_180, %dma_start3A_181] : memref<10240x128xf32, #tpu.memory_space<hbm>> -> memref<10240x128xf32, #tpu.memory_space<hbm>>
    tpu.enqueue_indirect_dma source(%dma_start3A_182 : memref<10240x128xf32, #tpu.memory_space<hbm>>) target(%arg15 : memref<100x128xf32, #tpu.memory_space<vmem>>) offsets(%arg9 : memref<100xi32, #tpu.memory_space<vmem>>) semaphore(%arg19 : memref<!tpu.dma_semaphore, #tpu.memory_space<semaphore_mem>>)
    %dma_wait3A_183 = arith.constant 0 : i32
    %dma_wait3A_184 = arith.constant 0 : i32
    %dma_wait3A_185 = tpu.memref_slice %arg2[%dma_wait3A_183, %dma_wait3A_184] : memref<10240x128xf32, #tpu.memory_space<hbm>> -> memref<10240x128xf32, #tpu.memory_space<hbm>>
    tpu.wait_indirect_dma semaphore(%arg18 : memref<!tpu.dma_semaphore, #tpu.memory_space<semaphore_mem>>) src(%dma_wait3A_185 : memref<10240x128xf32, #tpu.memory_space<hbm>>) dst(%arg14 : memref<100x128xf32, #tpu.memory_space<vmem>>)
    "tpu.region"() ({
      %run_scoped3A = tpu.sem_alloc : memref<!tpu.dma_semaphore, #tpu.memory_space<semaphore_mem>>
      %dma_start3A_197 = arith.constant 0 : i32
      %dma_start3A_198 = arith.constant 0 : i32
      %dma_start3A_199 = tpu.memref_slice %arg17[%dma_start3A_197, %dma_start3A_198] : memref<10240x128xf32, #tpu.memory_space<vmem_shared>> -> memref<10240x128xf32, #tpu.memory_space<vmem_shared>>
      tpu.enqueue_indirect_dma source(%arg14 : memref<100x128xf32, #tpu.memory_space<vmem>>) target(%dma_start3A_199 : memref<10240x128xf32, #tpu.memory_space<vmem_shared>>) offsets(%arg12 : memref<100xi32, #tpu.memory_space<vmem>>) semaphore(%run_scoped3A : memref<!tpu.dma_semaphore, #tpu.memory_space<semaphore_mem>>) {add = true}
      %dma_wait3A_200 = arith.constant 0 : i32
      %dma_wait3A_201 = arith.constant 0 : i32
      %dma_wait3A_202 = tpu.memref_slice %arg17[%dma_wait3A_200, %dma_wait3A_201] : memref<10240x128xf32, #tpu.memory_space<vmem_shared>> -> memref<10240x128xf32, #tpu.memory_space<vmem_shared>>
      tpu.wait_indirect_dma semaphore(%run_scoped3A : memref<!tpu.dma_semaphore, #tpu.memory_space<semaphore_mem>>) src(%arg14 : memref<100x128xf32, #tpu.memory_space<vmem>>) dst(%dma_wait3A_202 : memref<10240x128xf32, #tpu.memory_space<vmem_shared>>)
      tpu.yield
    }) : () -> ()
    %dma_wait3A_186 = arith.constant 0 : i32
    %dma_wait3A_187 = arith.constant 0 : i32
    %dma_wait3A_188 = tpu.memref_slice %arg2[%dma_wait3A_186, %dma_wait3A_187] : memref<10240x128xf32, #tpu.memory_space<hbm>> -> memref<10240x128xf32, #tpu.memory_space<hbm>>
    tpu.wait_indirect_dma semaphore(%arg19 : memref<!tpu.dma_semaphore, #tpu.memory_space<semaphore_mem>>) src(%dma_wait3A_188 : memref<10240x128xf32, #tpu.memory_space<hbm>>) dst(%arg15 : memref<100x128xf32, #tpu.memory_space<vmem>>)
    "tpu.region"() ({
      %run_scoped3A = tpu.sem_alloc : memref<!tpu.dma_semaphore, #tpu.memory_space<semaphore_mem>>
      %dma_start3A_197 = arith.constant 0 : i32
      %dma_start3A_198 = arith.constant 0 : i32
      %dma_start3A_199 = tpu.memref_slice %arg17[%dma_start3A_197, %dma_start3A_198] : memref<10240x128xf32, #tpu.memory_space<vmem_shared>> -> memref<10240x128xf32, #tpu.memory_space<vmem_shared>>
      tpu.enqueue_indirect_dma source(%arg15 : memref<100x128xf32, #tpu.memory_space<vmem>>) target(%dma_start3A_199 : memref<10240x128xf32, #tpu.memory_space<vmem_shared>>) offsets(%arg13 : memref<100xi32, #tpu.memory_space<vmem>>) semaphore(%run_scoped3A : memref<!tpu.dma_semaphore, #tpu.memory_space<semaphore_mem>>) {add = true}
      %dma_wait3A_200 = arith.constant 0 : i32
      %dma_wait3A_201 = arith.constant 0 : i32
      %dma_wait3A_202 = tpu.memref_slice %arg17[%dma_wait3A_200, %dma_wait3A_201] : memref<10240x128xf32, #tpu.memory_space<vmem_shared>> -> memref<10240x128xf32, #tpu.memory_space<vmem_shared>>
      tpu.wait_indirect_dma semaphore(%run_scoped3A : memref<!tpu.dma_semaphore, #tpu.memory_space<semaphore_mem>>) src(%arg15 : memref<100x128xf32, #tpu.memory_space<vmem>>) dst(%dma_wait3A_202 : memref<10240x128xf32, #tpu.memory_space<vmem_shared>>)
      tpu.yield
    }) : () -> ()
    %barrier3A_189 = arith.constant 0 : index
    tpu.barrier barrier_id(%barrier3A_189)
    %mul3A_190 = arith.constant 640 : i32
    %mul3A_191 = arith.muli %arg1, %mul3A_190 : i32
    %mul3A_192 = arith.constant 10240 : i32
    %mul3A_193 = arith.muli %arg0, %mul3A_192 : i32
    %mul3A_194 = arith.constant 640 : i32
    %mul3A_195 = arith.muli %arg1, %mul3A_194 : i32
    %add3A_196 = arith.addi %mul3A_193, %mul3A_195 : i32
    "tpu.region"() ({
      %run_scoped3A = tpu.sem_alloc : memref<!tpu.dma_semaphore, #tpu.memory_space<semaphore_mem>>
      %dma_start3A_197 = arith.constant 0 : i32
      %dma_start3A_198 = tpu.memref_slice %arg5[%add3A_196, %dma_start3A_197] : memref<20480x128xf32, #tpu.memory_space<hbm>> -> memref<640x128xf32, #tpu.memory_space<hbm>>
      %dma_start3A_199 = arith.constant 0 : i32
      %dma_start3A_200 = tpu.memref_slice %arg17[%mul3A_191, %dma_start3A_199] : memref<10240x128xf32, #tpu.memory_space<vmem_shared>> -> memref<640x128xf32, #tpu.memory_space<vmem_shared>>
      tpu.enqueue_dma source(%dma_start3A_200 : memref<640x128xf32, #tpu.memory_space<vmem_shared>>) target(%dma_start3A_198 : memref<640x128xf32, #tpu.memory_space<hbm>>) target_semaphore(%run_scoped3A : memref<!tpu.dma_semaphore, #tpu.memory_space<semaphore_mem>>)
      %dma_wait3A_201 = arith.constant 0 : i32
      %dma_wait3A_202 = tpu.memref_slice %arg5[%add3A_196, %dma_wait3A_201] : memref<20480x128xf32, #tpu.memory_space<hbm>> -> memref<640x128xf32, #tpu.memory_space<hbm>>
      %dma_wait3A_203 = arith.constant 0 : i32
      %dma_wait3A_204 = tpu.memref_slice %arg17[%mul3A_191, %dma_wait3A_203] : memref<10240x128xf32, #tpu.memory_space<vmem_shared>> -> memref<640x128xf32, #tpu.memory_space<vmem_shared>>
      tpu.wait_dma2 semaphore(%run_scoped3A : memref<!tpu.dma_semaphore, #tpu.memory_space<semaphore_mem>>) src(%dma_wait3A_204 : memref<640x128xf32, #tpu.memory_space<vmem_shared>>) dst(%dma_wait3A_202 : memref<640x128xf32, #tpu.memory_space<hbm>>)
      tpu.yield
    }) : () -> ()
    return
  }
}

module attributes {stable_mosaic.version = 14 : i64} {
  func.func @_p_body(%arg0: i32, %arg1: memref<1024x128xf32, #tpu.memory_space<vmem>>, %arg2: memref<128x128xf32, #tpu.memory_space<vmem>>, %arg3: memref<1024x16xf32, #tpu.memory_space<vmem>>, %arg4: memref<1024x16xf32, #tpu.memory_space<vmem>>, %arg5: memref<1024x128xf32, #tpu.memory_space<vmem>>) attributes {dimension_semantics = [#tpu.dimension_semantics<arbitrary>], iteration_bounds = array<i64: 10>, scalar_prefetch = 0 : i64, scratch_operands = 0 : i64, tpu.core_type = #tpu.core_type<tc>, window_params = [{transform_indices = @transform_0, window_bounds = array<i64: 1024, 128>}, {pipeline_mode = #tpu.pipeline_mode<synchronous>, transform_indices = @transform_1, window_bounds = array<i64: 128, 128>}, {transform_indices = @transform_2, window_bounds = array<i64: 1024, 16>}, {transform_indices = @transform_3, window_bounds = array<i64: 1024, 16>}, {transform_indices = @transform_4, window_bounds = array<i64: 1024, 128>}]} {
    %get3A = arith.constant 0 : index
    %get3A_0 = arith.constant 0 : index
    %get3A_1 = vector.load %arg3[%get3A, %get3A_0] : memref<1024x16xf32, #tpu.memory_space<vmem>>, vector<1024x16xf32>
    %get3A_2 = arith.constant 0 : index
    %get3A_3 = arith.constant 0 : index
    %get3A_4 = vector.load %arg4[%get3A_2, %get3A_3] : memref<1024x16xf32, #tpu.memory_space<vmem>>, vector<1024x16xf32>
    %slice3A = vector.extract_strided_slice %get3A_1 {offsets = [0, 0], sizes = [1024, 1], strides = [1, 1]} : vector<1024x16xf32> to vector<1024x1xf32>
    %slice3A_5 = vector.extract_strided_slice %get3A_4 {offsets = [0, 0], sizes = [1024, 1], strides = [1, 1]} : vector<1024x16xf32> to vector<1024x1xf32>
    %add3A = arith.addf %slice3A, %slice3A_5 : vector<1024x1xf32>
    %add3A_6 = arith.constant 1.000000e+00 : f32
    %add3A_7 = vector.broadcast %add3A_6 : f32 to vector<1024x1xf32>
    %add3A_8 = arith.addf %add3A, %add3A_7 : vector<1024x1xf32>
    %rsqrt3A = math.rsqrt %add3A_8 : vector<1024x1xf32>
    %get3A_9 = arith.constant 0 : index
    %get3A_10 = arith.constant 0 : index
    %get3A_11 = vector.load %arg1[%get3A_9, %get3A_10] : memref<1024x128xf32, #tpu.memory_space<vmem>>, vector<1024x128xf32>
    %get3A_12 = arith.constant 0 : index
    %get3A_13 = arith.constant 0 : index
    %get3A_14 = vector.load %arg2[%get3A_12, %get3A_13] : memref<128x128xf32, #tpu.memory_space<vmem>>, vector<128x128xf32>
    %dot_general3A = arith.constant dense<0.000000e+00> : vector<1024x128xf32>
    %dot_general3A_15 = tpu.matmul %get3A_11, %get3A_14, %dot_general3A {dimension_numbers = #tpu.dot_dimension_numbers<[1], [0], [0], [1], [0, 0, 1, 1], [], []>, transpose_lhs_hint = false} : vector<1024x128xf32>, vector<128x128xf32>, vector<1024x128xf32> -> vector<1024x128xf32>
    %mul3A = vector.broadcast %rsqrt3A : vector<1024x1xf32> to vector<1024x128xf32>
    %mul3A_16 = arith.mulf %mul3A, %dot_general3A_15 : vector<1024x128xf32>
    %swap3A = arith.constant 0 : index
    %swap3A_17 = arith.constant 0 : index
    %swap3A_18 = vector.load %arg5[%swap3A, %swap3A_17] : memref<1024x128xf32, #tpu.memory_space<vmem>>, vector<1024x128xf32>
    tpu.vector_store %arg5[%swap3A, %swap3A_17], %mul3A_16 {strides = array<i32>} : memref<1024x128xf32, #tpu.memory_space<vmem>>, vector<1024x128xf32>,
    return
  }
  func.func @transform_0(%arg0: i32) -> (i32, i32) {
    %c0_i32 = arith.constant 0 : i32
    %c0_i32_0 = arith.constant 0 : i32
    return %arg0, %c0_i32 : i32, i32
  }
  func.func @transform_1(%arg0: i32) -> (i32, i32) {
    %c0_i32 = arith.constant 0 : i32
    %c0_i32_0 = arith.constant 0 : i32
    %c0_i32_1 = arith.constant 0 : i32
    return %c0_i32, %c0_i32_0 : i32, i32
  }
  func.func @transform_2(%arg0: i32) -> (i32, i32) {
    %c0_i32 = arith.constant 0 : i32
    %c0_i32_0 = arith.constant 0 : i32
    return %arg0, %c0_i32 : i32, i32
  }
  func.func @transform_3(%arg0: i32) -> (i32, i32) {
    %add3A = arith.constant 10 : i32
    %add3A_0 = arith.addi %arg0, %add3A : i32
    %c0_i32 = arith.constant 0 : i32
    %c0_i32_1 = arith.constant 0 : i32
    return %add3A_0, %c0_i32 : i32, i32
  }
  func.func @transform_4(%arg0: i32) -> (i32, i32) {
    %c0_i32 = arith.constant 0 : i32
    %c0_i32_0 = arith.constant 0 : i32
    return %arg0, %c0_i32 : i32, i32
  }
}

module attributes {stable_mosaic.version = 14 : i64} {
  func.func @_c_body(%arg0: i32, %arg1: memref<1024x128xf32, #tpu.memory_space<vmem>>, %arg2: memref<1024x128xf32, #tpu.memory_space<vmem>>, %arg3: memref<1024x128xf32, #tpu.memory_space<vmem>>, %arg4: memref<1024x16xf32, #tpu.memory_space<vmem>>, %arg5: memref<1024x16xf32, #tpu.memory_space<vmem>>, %arg6: memref<1x128xf32, #tpu.memory_space<vmem>>, %arg7: memref<128x128xf32, #tpu.memory_space<vmem>>, %arg8: memref<1024x128xf32, #tpu.memory_space<vmem>>) attributes {dimension_semantics = [#tpu.dimension_semantics<arbitrary>], iteration_bounds = array<i64: 10>, scalar_prefetch = 0 : i64, scratch_operands = 0 : i64, tpu.core_type = #tpu.core_type<tc>, window_params = [{transform_indices = @transform_0, window_bounds = array<i64: 1024, 128>}, {transform_indices = @transform_1, window_bounds = array<i64: 1024, 128>}, {transform_indices = @transform_2, window_bounds = array<i64: 1024, 128>}, {transform_indices = @transform_3, window_bounds = array<i64: 1024, 16>}, {transform_indices = @transform_4, window_bounds = array<i64: 1024, 16>}, {pipeline_mode = #tpu.pipeline_mode<synchronous>, transform_indices = @transform_5, window_bounds = array<i64: 1, 128>}, {pipeline_mode = #tpu.pipeline_mode<synchronous>, transform_indices = @transform_6, window_bounds = array<i64: 128, 128>}, {transform_indices = @transform_7, window_bounds = array<i64: 1024, 128>}]} {
    %get3A = arith.constant 0 : index
    %get3A_0 = arith.constant 0 : index
    %get3A_1 = vector.load %arg4[%get3A, %get3A_0] : memref<1024x16xf32, #tpu.memory_space<vmem>>, vector<1024x16xf32>
    %get3A_2 = arith.constant 0 : index
    %get3A_3 = arith.constant 0 : index
    %get3A_4 = vector.load %arg5[%get3A_2, %get3A_3] : memref<1024x16xf32, #tpu.memory_space<vmem>>, vector<1024x16xf32>
    %slice3A = vector.extract_strided_slice %get3A_1 {offsets = [0, 0], sizes = [1024, 1], strides = [1, 1]} : vector<1024x16xf32> to vector<1024x1xf32>
    %slice3A_5 = vector.extract_strided_slice %get3A_4 {offsets = [0, 0], sizes = [1024, 1], strides = [1, 1]} : vector<1024x16xf32> to vector<1024x1xf32>
    %add3A = arith.addf %slice3A, %slice3A_5 : vector<1024x1xf32>
    %add3A_6 = arith.constant 1.000000e+00 : f32
    %add3A_7 = vector.broadcast %add3A_6 : f32 to vector<1024x1xf32>
    %add3A_8 = arith.addf %add3A, %add3A_7 : vector<1024x1xf32>
    %rsqrt3A = math.rsqrt %add3A_8 : vector<1024x1xf32>
    %get3A_9 = arith.constant 0 : index
    %get3A_10 = arith.constant 0 : index
    %get3A_11 = vector.load %arg1[%get3A_9, %get3A_10] : memref<1024x128xf32, #tpu.memory_space<vmem>>, vector<1024x128xf32>
    %get3A_12 = arith.constant 0 : index
    %get3A_13 = arith.constant 0 : index
    %get3A_14 = vector.load %arg2[%get3A_12, %get3A_13] : memref<1024x128xf32, #tpu.memory_space<vmem>>, vector<1024x128xf32>
    %add3A_15 = arith.addf %get3A_11, %get3A_14 : vector<1024x128xf32>
    %get3A_16 = arith.constant 0 : index
    %get3A_17 = arith.constant 0 : index
    %get3A_18 = vector.load %arg3[%get3A_16, %get3A_17] : memref<1024x128xf32, #tpu.memory_space<vmem>>, vector<1024x128xf32>
    %add3A_19 = arith.addf %add3A_15, %get3A_18 : vector<1024x128xf32>
    %mul3A = vector.broadcast %rsqrt3A : vector<1024x1xf32> to vector<1024x128xf32>
    %mul3A_20 = arith.mulf %mul3A, %add3A_19 : vector<1024x128xf32>
    %get3A_21 = arith.constant 0 : index
    %get3A_22 = arith.constant 0 : index
    %get3A_23 = vector.load %arg6[%get3A_21, %get3A_22] : memref<1x128xf32, #tpu.memory_space<vmem>>, vector<1x128xf32>
    %add3A_24 = vector.broadcast %get3A_23 : vector<1x128xf32> to vector<1024x128xf32>
    %add3A_25 = arith.addf %mul3A_20, %add3A_24 : vector<1024x128xf32>
    %ge3A = arith.constant 0.000000e+00 : f32
    %ge3A_26 = vector.broadcast %ge3A : f32 to vector<1024x128xf32>
    %ge3A_27 = arith.cmpf oge, %add3A_25, %ge3A_26 : vector<1024x128xf32>
    %mul3A_28 = arith.constant 0.00999999977 : f32
    %mul3A_29 = vector.broadcast %mul3A_28 : f32 to vector<1024x128xf32>
    %mul3A_30 = arith.mulf %mul3A_29, %add3A_25 : vector<1024x128xf32>
    %select_n3A = arith.select %ge3A_27, %add3A_25, %mul3A_30 : vector<1024x128xi1>, vector<1024x128xf32>
    %get3A_31 = arith.constant 0 : index
    %get3A_32 = arith.constant 0 : index
    %get3A_33 = vector.load %arg7[%get3A_31, %get3A_32] : memref<128x128xf32, #tpu.memory_space<vmem>>, vector<128x128xf32>
    %dot_general3A = arith.constant dense<0.000000e+00> : vector<1024x128xf32>
    %dot_general3A_34 = tpu.matmul %select_n3A, %get3A_33, %dot_general3A {dimension_numbers = #tpu.dot_dimension_numbers<[1], [0], [0], [1], [0, 0, 1, 1], [], []>, transpose_lhs_hint = false} : vector<1024x128xf32>, vector<128x128xf32>, vector<1024x128xf32> -> vector<1024x128xf32>
    %mul3A_35 = vector.broadcast %rsqrt3A : vector<1024x1xf32> to vector<1024x128xf32>
    %mul3A_36 = arith.mulf %mul3A_35, %dot_general3A_34 : vector<1024x128xf32>
    %swap3A = arith.constant 0 : index
    %swap3A_37 = arith.constant 0 : index
    %swap3A_38 = vector.load %arg8[%swap3A, %swap3A_37] : memref<1024x128xf32, #tpu.memory_space<vmem>>, vector<1024x128xf32>
    tpu.vector_store %arg8[%swap3A, %swap3A_37], %mul3A_36 {strides = array<i32>} : memref<1024x128xf32, #tpu.memory_space<vmem>>, vector<1024x128xf32>,
    return
  }
  func.func @transform_0(%arg0: i32) -> (i32, i32) {
    %c0_i32 = arith.constant 0 : i32
    %c0_i32_0 = arith.constant 0 : i32
    return %arg0, %c0_i32 : i32, i32
  }
  func.func @transform_1(%arg0: i32) -> (i32, i32) {
    %add3A = arith.constant 10 : i32
    %add3A_0 = arith.addi %arg0, %add3A : i32
    %c0_i32 = arith.constant 0 : i32
    %c0_i32_1 = arith.constant 0 : i32
    return %add3A_0, %c0_i32 : i32, i32
  }
  func.func @transform_2(%arg0: i32) -> (i32, i32) {
    %c0_i32 = arith.constant 0 : i32
    %c0_i32_0 = arith.constant 0 : i32
    return %arg0, %c0_i32 : i32, i32
  }
  func.func @transform_3(%arg0: i32) -> (i32, i32) {
    %c0_i32 = arith.constant 0 : i32
    %c0_i32_0 = arith.constant 0 : i32
    return %arg0, %c0_i32 : i32, i32
  }
  func.func @transform_4(%arg0: i32) -> (i32, i32) {
    %add3A = arith.constant 10 : i32
    %add3A_0 = arith.addi %arg0, %add3A : i32
    %c0_i32 = arith.constant 0 : i32
    %c0_i32_1 = arith.constant 0 : i32
    return %add3A_0, %c0_i32 : i32, i32
  }
  func.func @transform_5(%arg0: i32) -> (i32, i32) {
    %c0_i32 = arith.constant 0 : i32
    %c0_i32_0 = arith.constant 0 : i32
    %c0_i32_1 = arith.constant 0 : i32
    return %c0_i32, %c0_i32_0 : i32, i32
  }
  func.func @transform_6(%arg0: i32) -> (i32, i32) {
    %c0_i32 = arith.constant 0 : i32
    %c0_i32_0 = arith.constant 0 : i32
    %c0_i32_1 = arith.constant 0 : i32
    return %c0_i32, %c0_i32_0 : i32, i32
  }
  func.func @transform_7(%arg0: i32) -> (i32, i32) {
    %c0_i32 = arith.constant 0 : i32
    %c0_i32_0 = arith.constant 0 : i32
    return %arg0, %c0_i32 : i32, i32
  }
}

module attributes {stable_mosaic.version = 14 : i64} {
  func.func @_c3_body(%arg0: i32, %arg1: memref<1024x128xf32, #tpu.memory_space<vmem>>, %arg2: memref<1024x128xf32, #tpu.memory_space<vmem>>, %arg3: memref<1024x128xf32, #tpu.memory_space<vmem>>, %arg4: memref<1024x16xf32, #tpu.memory_space<vmem>>, %arg5: memref<1024x16xf32, #tpu.memory_space<vmem>>, %arg6: memref<1x128xf32, #tpu.memory_space<vmem>>, %arg7: memref<1024x128xf32, #tpu.memory_space<vmem>>) attributes {dimension_semantics = [#tpu.dimension_semantics<arbitrary>], iteration_bounds = array<i64: 10>, scalar_prefetch = 0 : i64, scratch_operands = 0 : i64, tpu.core_type = #tpu.core_type<tc>, window_params = [{transform_indices = @transform_0, window_bounds = array<i64: 1024, 128>}, {transform_indices = @transform_1, window_bounds = array<i64: 1024, 128>}, {transform_indices = @transform_2, window_bounds = array<i64: 1024, 128>}, {transform_indices = @transform_3, window_bounds = array<i64: 1024, 16>}, {transform_indices = @transform_4, window_bounds = array<i64: 1024, 16>}, {pipeline_mode = #tpu.pipeline_mode<synchronous>, transform_indices = @transform_5, window_bounds = array<i64: 1, 128>}, {transform_indices = @transform_6, window_bounds = array<i64: 1024, 128>}]} {
    %get3A = arith.constant 0 : index
    %get3A_0 = arith.constant 0 : index
    %get3A_1 = vector.load %arg4[%get3A, %get3A_0] : memref<1024x16xf32, #tpu.memory_space<vmem>>, vector<1024x16xf32>
    %get3A_2 = arith.constant 0 : index
    %get3A_3 = arith.constant 0 : index
    %get3A_4 = vector.load %arg5[%get3A_2, %get3A_3] : memref<1024x16xf32, #tpu.memory_space<vmem>>, vector<1024x16xf32>
    %slice3A = vector.extract_strided_slice %get3A_1 {offsets = [0, 0], sizes = [1024, 1], strides = [1, 1]} : vector<1024x16xf32> to vector<1024x1xf32>
    %slice3A_5 = vector.extract_strided_slice %get3A_4 {offsets = [0, 0], sizes = [1024, 1], strides = [1, 1]} : vector<1024x16xf32> to vector<1024x1xf32>
    %add3A = arith.addf %slice3A, %slice3A_5 : vector<1024x1xf32>
    %add3A_6 = arith.constant 1.000000e+00 : f32
    %add3A_7 = vector.broadcast %add3A_6 : f32 to vector<1024x1xf32>
    %add3A_8 = arith.addf %add3A, %add3A_7 : vector<1024x1xf32>
    %rsqrt3A = math.rsqrt %add3A_8 : vector<1024x1xf32>
    %get3A_9 = arith.constant 0 : index
    %get3A_10 = arith.constant 0 : index
    %get3A_11 = vector.load %arg1[%get3A_9, %get3A_10] : memref<1024x128xf32, #tpu.memory_space<vmem>>, vector<1024x128xf32>
    %get3A_12 = arith.constant 0 : index
    %get3A_13 = arith.constant 0 : index
    %get3A_14 = vector.load %arg2[%get3A_12, %get3A_13] : memref<1024x128xf32, #tpu.memory_space<vmem>>, vector<1024x128xf32>
    %add3A_15 = arith.addf %get3A_11, %get3A_14 : vector<1024x128xf32>
    %get3A_16 = arith.constant 0 : index
    %get3A_17 = arith.constant 0 : index
    %get3A_18 = vector.load %arg3[%get3A_16, %get3A_17] : memref<1024x128xf32, #tpu.memory_space<vmem>>, vector<1024x128xf32>
    %add3A_19 = arith.addf %add3A_15, %get3A_18 : vector<1024x128xf32>
    %mul3A = vector.broadcast %rsqrt3A : vector<1024x1xf32> to vector<1024x128xf32>
    %mul3A_20 = arith.mulf %mul3A, %add3A_19 : vector<1024x128xf32>
    %get3A_21 = arith.constant 0 : index
    %get3A_22 = arith.constant 0 : index
    %get3A_23 = vector.load %arg6[%get3A_21, %get3A_22] : memref<1x128xf32, #tpu.memory_space<vmem>>, vector<1x128xf32>
    %add3A_24 = vector.broadcast %get3A_23 : vector<1x128xf32> to vector<1024x128xf32>
    %add3A_25 = arith.addf %mul3A_20, %add3A_24 : vector<1024x128xf32>
    %ge3A = arith.constant 0.000000e+00 : f32
    %ge3A_26 = vector.broadcast %ge3A : f32 to vector<1024x128xf32>
    %ge3A_27 = arith.cmpf oge, %add3A_25, %ge3A_26 : vector<1024x128xf32>
    %mul3A_28 = arith.constant 0.00999999977 : f32
    %mul3A_29 = vector.broadcast %mul3A_28 : f32 to vector<1024x128xf32>
    %mul3A_30 = arith.mulf %mul3A_29, %add3A_25 : vector<1024x128xf32>
    %select_n3A = arith.select %ge3A_27, %add3A_25, %mul3A_30 : vector<1024x128xi1>, vector<1024x128xf32>
    %swap3A = arith.constant 0 : index
    %swap3A_31 = arith.constant 0 : index
    %swap3A_32 = vector.load %arg7[%swap3A, %swap3A_31] : memref<1024x128xf32, #tpu.memory_space<vmem>>, vector<1024x128xf32>
    tpu.vector_store %arg7[%swap3A, %swap3A_31], %select_n3A {strides = array<i32>} : memref<1024x128xf32, #tpu.memory_space<vmem>>, vector<1024x128xf32>,
    return
  }
  func.func @transform_0(%arg0: i32) -> (i32, i32) {
    %c0_i32 = arith.constant 0 : i32
    %c0_i32_0 = arith.constant 0 : i32
    return %arg0, %c0_i32 : i32, i32
  }
  func.func @transform_1(%arg0: i32) -> (i32, i32) {
    %add3A = arith.constant 10 : i32
    %add3A_0 = arith.addi %arg0, %add3A : i32
    %c0_i32 = arith.constant 0 : i32
    %c0_i32_1 = arith.constant 0 : i32
    return %add3A_0, %c0_i32 : i32, i32
  }
  func.func @transform_2(%arg0: i32) -> (i32, i32) {
    %c0_i32 = arith.constant 0 : i32
    %c0_i32_0 = arith.constant 0 : i32
    return %arg0, %c0_i32 : i32, i32
  }
  func.func @transform_3(%arg0: i32) -> (i32, i32) {
    %c0_i32 = arith.constant 0 : i32
    %c0_i32_0 = arith.constant 0 : i32
    return %arg0, %c0_i32 : i32, i32
  }
  func.func @transform_4(%arg0: i32) -> (i32, i32) {
    %add3A = arith.constant 10 : i32
    %add3A_0 = arith.addi %arg0, %add3A : i32
    %c0_i32 = arith.constant 0 : i32
    %c0_i32_1 = arith.constant 0 : i32
    return %add3A_0, %c0_i32 : i32, i32
  }
  func.func @transform_5(%arg0: i32) -> (i32, i32) {
    %c0_i32 = arith.constant 0 : i32
    %c0_i32_0 = arith.constant 0 : i32
    %c0_i32_1 = arith.constant 0 : i32
    return %c0_i32, %c0_i32_0 : i32, i32
  }
  func.func @transform_6(%arg0: i32) -> (i32, i32) {
    %c0_i32 = arith.constant 0 : i32
    %c0_i32_0 = arith.constant 0 : i32
    return %arg0, %c0_i32 : i32, i32
  }
}

</mosaic_0001>

<sc_bundles>
// kernel: kernel.10.cloned.1.call-start
scs
__scs_entry_jumppad:
0x0: {  	(pc) =	sbr.rel $0x88, $3  }
0x1: {  	(tag) =	ssettag $0x0;
	lr =	simm.s32 $0x1  }
0x2: {  	[smem:$0x3F99] =	sst lr;
	_ =	strace $0xD0000000  }
0x3: {  	_ = 	snop  }
0x4: {  	_ = 	snop  }
0x5: {  	_ = 	snop  }
0x6: {  	_ = 	snop  }
0x7: {  	_ = 	snop  }
__scs_overlays_trampoline_lowered:
0x8: {  	[smem:$0x3FA8] =	sst s0  }
0x9: {  	[smem:$0x3FA9] =	sst s1  }
0xa: {  	[smem:$0x3FAA] =	sst s2  }
0xb: {  	[smem:$0x3FAB] =	sst s3  }
0xc: {  	[smem:$0x3FAC] =	sst s4  }
0xd: {  	[smem:$0x3FAD] =	sst s5  }
0xe: {  	[smem:$0x3FAE] =	sst s6  }
0xf: {  	[smem:$0x3FAF] =	sst s7  }
0x10: {  	[smem:$0x3FB0] =	sst s8  }
0x11: {  	[smem:$0x3FB1] =	sst s9;
	s0 =	simm.s32 @!p0 $0x0  }
0x12: {  	s1 =	sld [smem:$0x3F97];
	s0 =	simm.s32 @p0 $0x1  }
0x13: {  	[smem:$0x3FB2] =	sst s0;
	s0 =	simm.s32 @!p1 $0x0  }
0x14: {  	s2 =	sld [smem:$0x3F96];
	s0 =	simm.s32 @p1 $0x1  }
0x15: {  	[smem:$0x3FB3] =	sst s0;
	s0 =	simm.s32 @!p2 $0x0  }
0x16: {  	s3 =	sld [smem:$0x3FDB];
	s0 =	simm.s32 @p2 $0x1  }
0x17: {  	s4 =	simm.s32 $0x1BF5;
	[smem:$0x3FB5] =	sst s0  }
0x18: {  	s0 =	sld [smem:$0x3F98];
	_ =	swait.ge [sflag:s4], $0x0  }
0x19: {  	s7 =	sld [smem:$0x3F99]  }
0x1a: {  	s8 =	sadd.s32 $0xFFFFE003, lr  }
0x1b: {  	s9 =	sadd.s32 $0xFFFFFEF7, lr;
	s5 =	simm.s32 $0xFFFFFFFF;
	p2 =	slt.u32 s8, $0xFFFFF086  }
0x1c: {  	p1 =	slt.u32 s9, $0xF7A;
	s5 =	simm.s32 @!p2 $0x0  }
0x1d: {  	s5 =	simm.s32 @p1 $0x1;
	p0 =	seq.s32 s7, s2  }
0x1e: {  	s7 =	smul.u32 @!p0 $0xF7A, s2;
	p2 =	seq.s32 @!p0 s5, $0x0  }
0x1f: {  	s9 =	smul.u32 $0xF7A, s1;
	s8 =	simm.s32 @!p0 $0x1BF5;
	p2 =	por !p2, p0  }
0x20: {  	[sflag:s8] =	ssyncset.s32 @!p0 $0xFFFFF086;
	s6 =	sadd.s32 @!p0 s3, s7;
	s7 =	simm.s32 @!p0 $0x108  }
0x21: {  	s3 =	sadd.s32 s3, s9;
	s6 =	sadd.s32 @!p0 $0x88, s6;
	s7 =	simm.s32 @p2 $0x1082  }
0x22: {  	[simem:s7], [sflag:s8] =	dma.local @!p0 [hbm:s6], $0xF7A  }
0x23: {  	s9 =	sor.u32 $0xD0000000, s2;
	s6 =	simm.s32 $0x108;
	_ =	swait.ge @!p0 [sflag:s8], $0x0  }
0x24: {  	s3 =	sadd.s32 $0x88, s3;
	s6 =	simm.s32 @!p1 $0x1082;
	[sflag:s4] =	ssyncset.s32 $0xFFFFF086  }
0x25: {  	[simem:s6], [sflag:s4] =	dma.local [hbm:s3], $0xF7A  }
0x26: {  	[smem:$0x3F99] =	sst s1;
	(tag) =	ssettag s2;
	_ =	strace s9  }
0x27: {  	s1 =	sld [smem:$0x3FA9]  }
0x28: {  	s2 =	sld [smem:$0x3FAA]  }
0x29: {  	s4 =	sld [smem:$0x3FAC]  }
0x2a: {  	p0 =	seq.s32 s5, $0x0;
	s5 =	sld [smem:$0x3FAD]  }
0x2b: {  	s6 =	sld [smem:$0x3FAE]  }
0x2c: {  	s7 =	sld [smem:$0x3FAF]  }
0x2d: {  	s3 =	simm.s32 $0x108;
	s8 =	sld [smem:$0x3FB0]  }
0x2e: {  	s3 =	simm.s32 @!p0 $0x1082;
	s9 =	sld [smem:$0x3FB1]  }
0x2f: {  	lr =	sadd.s32 s0, s3;
	s0 =	sld [smem:$0x3FA8]  }
0x30: {  	s3 =	sld [smem:$0x3FAB]  }
0x31: {  	[smem:$0x3FB4] =	sst s10  }
0x32: {  	s10 =	sld [smem:$0x3FB2];
	_ =	sdelay $0x3  }
0x33: {  	p0 =	seq.s32 s10, $0x1;
	s10 =	sld [smem:$0x3FB4];
	_ =	sdelay $0x3  }
0x34: {  	[smem:$0x3FB4] =	sst s10  }
0x35: {  	s10 =	sld [smem:$0x3FB3];
	_ =	sdelay $0x3  }
0x36: {  	p1 =	seq.s32 s10, $0x1;
	s10 =	sld [smem:$0x3FB4];
	_ =	sdelay $0x3  }
0x37: {  	[smem:$0x3FB4] =	sst s10  }
0x38: {  	s10 =	sld [smem:$0x3FB5]  }
0x39: {  	_ = 	snop;
	(pc) =	sbr.ind lr, $3  }
0x3a: {  	_ = 	snop  }
0x3b: {  	_ = 	snop  }
0x3c: {  	p2 =	seq.s32 s10, $0x1;
	s10 =	sld [smem:$0x3FB4]  }
0x3d: {  	_ =	shalt  }
0x3e: {  	_ =	shalt  }
0x3f: {  	_ =	shalt  }
0x40: {  	_ =	shalt  }
0x41: {  	_ =	shalt  }
0x42: {  	_ =	shalt  }
0x43: {  	_ =	shalt  }
0x44: {  	_ =	shalt  }
0x45: {  	_ =	shalt  }
0x46: {  	_ =	shalt  }
0x47: {  	_ =	shalt  }
0x48: {  	_ =	shalt  }
0x49: {  	_ =	shalt  }
0x4a: {  	_ =	shalt  }
0x4b: {  	_ =	shalt  }
0x4c: {  	_ =	shalt  }
0x4d: {  	_ =	shalt  }
0x4e: {  	_ =	shalt  }
0x4f: {  	_ =	shalt  }
0x50: {  	_ =	shalt  }
0x51: {  	_ =	shalt  }
0x52: {  	_ =	shalt  }
0x53: {  	_ =	shalt  }
0x54: {  	_ =	shalt  }
0x55: {  	_ =	shalt  }
0x56: {  	_ =	shalt  }
0x57: {  	_ =	shalt  }
0x58: {  	_ =	shalt  }
0x59: {  	_ =	shalt  }
0x5a: {  	_ =	shalt  }
0x5b: {  	_ =	shalt  }
0x5c: {  	_ =	shalt  }
0x5d: {  	_ =	shalt  }
0x5e: {  	_ =	shalt  }
0x5f: {  	_ =	shalt  }
0x60: {  	_ =	shalt  }
0x61: {  	_ =	shalt  }
0x62: {  	_ =	shalt  }
0x63: {  	_ =	shalt  }
0x64: {  	_ =	shalt  }
0x65: {  	_ =	shalt  }
0x66: {  	_ =	shalt  }
0x67: {  	_ =	shalt  }
0x68: {  	_ =	shalt  }
0x69: {  	_ =	shalt  }
0x6a: {  	_ =	shalt  }
0x6b: {  	_ =	shalt  }
0x6c: {  	_ =	shalt  }
0x6d: {  	_ =	shalt  }
0x6e: {  	_ =	shalt  }
0x6f: {  	_ =	shalt  }
0x70: {  	_ =	shalt  }
0x71: {  	_ =	shalt  }
0x72: {  	_ =	shalt  }
0x73: {  	_ =	shalt  }
0x74: {  	_ =	shalt  }
0x75: {  	_ =	shalt  }
0x76: {  	_ =	shalt  }
0x77: {  	_ =	shalt  }
0x78: {  	_ =	shalt  }
0x79: {  	_ =	shalt  }
0x7a: {  	_ =	shalt  }
0x7b: {  	_ =	shalt  }
0x7c: {  	_ =	shalt  }
0x7d: {  	_ =	shalt  }
0x7e: {  	_ =	shalt  }
0x7f: {  	_ =	shalt  }
0x80: {  	_ =	shalt  }
0x81: {  	_ =	shalt  }
0x82: {  	_ =	shalt  }
0x83: {  	_ =	shalt  }
0x84: {  	_ =	shalt  }
0x85: {  	_ =	shalt  }
0x86: {  	_ =	shalt  }
0x87: {  	_ =	shalt  }
.Lfunc_end0:
.L_simem_size_0:
called_computation_lowered:
.L_overlay_start_0:
0x88: {  	s2 =	sld [smem:$0x3FD9]  }
0x89: {  	s3 =	sld [smem:$0x3FFE];
	_ =	sdelay $0x1  }
0x8a: {  	s1 =	srdreg.scid  }
0x8b: {  	s0 =	sand.u32 $0x1, s1  }
0x8c: {  	s16 =	sshll.u32 s0, $0xA;
	s2 =	sadd.s32 s3, s2  }
0x8d: {  	s2 =	sadd.s32 s2, s16  }
0x8e: {  	[smem:$0x3FC0] =	sst s2  }
0x8f: {  	_ = 	snop  }
0x90: {  	(tm) =	ssettm $0x1  }
0x91: {  	s17 =	sld [smem:$0x3FFB];
	_ =	sdelay $0x3  }
0x92: {  	_ =	strace s17  }
0x93: {  	s2 =	sld [smem:$0x3FFC];
	_ =	sdelay $0x3  }
0x94: {  	_ =	strace s2  }
0x95: {  	s2 =	sld [smem:$0x3FFD];
	_ =	sdelay $0x3  }
0x96: {  	_ =	strace s2  }
0x97: {  	_ =	strace $0x8FFFFFFF  }
0x98: {  	s18 =	sld [smem:$0x3FDB];
	_ =	sdelay $0x1  }
0x99: {  	s19 =	simm.s32 $_scs_section_size  }
0x9a: {  	s4 =	simm.s32 $_size__tile_overlayer_lowered;
	s5 =	simm.s32 $_tile_overlayer_lowered  }
0x9b: {  	s22 =	simm.s32 $0x1BFF;
	s21 =	sshll.u32 s5, $0x1;
	s2 =	sadd.s32 s19, s18  }
0x9c: {  	s6 =	simm.s32 $0x0;
	s20 =	sshll.u32 s4, $0x1;
	s4 =	sadd.s32 s21, s2  }
0x9d: {  	[timem:s6], [sflag:s22] =	dma.local [hbm:s4], s20  }
0x9e: {  	_ =	swait.ge [sflag:s22], s20  }
0x9f: {  	s3 =	ssub.s32 $0x0, s20;
	[sflag:s22] =	ssyncset.done $0x0  }
0xa0: {  	[sflag:s22] =	ssyncadd.s32 s3;
	_ =	sdelay $0x1  }
0xa1: {  	s23 =	simm.s32 $0x1B8B  }
0xa2: {  	_ =	swait.ge [sflag:s23], $0x1  }
0xa3: {  	[sflag:s23] =	ssyncset.done $0x0  }
0xa4: {  	s25 =	simm.s32 $0x1B8E;
	s24 =	sld [smem:$0x3FFE];
	[sflag:s23] =	ssyncadd.s32 $0xFFFFFFFF  }
0xa5: {  	s26 =	simm.s32 $execute0_lowered;
	[smem:$0x3FD2] =	sst s25  }
0xa6: {  	s4 =	sshll.u32 s26, $0x1;
	_ =	strace $0x80000046;
	[dreg:$0x1] =	wrdreg $0xFFFFFFFF  }
0xa7: {  	s28 =	simm.s32 $_size_execute0_lowered;
	s2 =	sadd.s32 s2, s4;
	[dreg:$0x0] =	wrdreg $0x0  }
0xa8: {  	s4 =	sshll.u32 s28, $0x1;
	[dreg:$0x2] =	wrdreg s2  }
0xa9: {  	[dreg:$0x3] =	wrdreg s4  }
0xaa: {  	[dreg:$0x4] =	wrdreg $0xC0  }
0xab: {  	_ =	task [dreg:s6], $0x5FFFF  }
0xac: {  	[dreg:$0x1] =	wrdreg $0xFFFFFFFF  }
0xad: {  	[dreg:$0x0] =	wrdreg $0x60  }
0xae: {  	[dreg:$0x2] =	wrdreg s24  }
0xaf: {  	[dreg:$0x3] =	wrdreg $0x61800  }
0xb0: {  	[dreg:$0x4] =	wrdreg $0x9  }
0xb1: {  	_ =	task.clear_ibuf [dreg:s6], $0x5FFFF;
	_ =	strace $0x90000046  }
0xb2: {  	s29 =	simm.s32 $0x9;
	_ =	strace $0x80000048  }
0xb3: {  	_ =	swait.ge [sflag:s29], $0x1  }
0xb4: {  	[sflag:s29] =	ssyncadd.s32 $0xFFFFFFFF  }
0xb5: {  	_ =	strace $0x90000048  }
0xb6: {  	_ =	sfence  }
0xb7: {  	s30 =	sld [smem:$0x0];
	_ =	sdelay $0x2  }
0xb8: {  	s31 =	sshll.u32 s1, $0xD;
	s1 =	sshrl.u32 s1, $0x2  }
0xb9: {  	s3 =	sand.u32 $0x4000, s31;
	s1 =	sadd.s32 s1, s30  }
0xba: {  	s0 =	sor.u32 s3, s0;
	s1 =	sshll.u32 s1, $0x11  }
0xbb: {  	s0 =	sor.u32 s1, s0  }
0xbc: {  	s0 =	sadd.s32 $0x8F2B, s0  }
0xbd: {  	[sflag:s0] =	ssyncadd.remote.s32 $0x1  }
0xbe: {  	_ =	sfence.sel $0xFFFF  }
0xbf: {  	[dreg:$0x0] =	wrdreg $0xFFFFFFFF;
	(pc) =	sbr.abs _section_cstart, $3  }
0xc0: {  	[dreg:$0x1] =	wrdreg $0xFFFFFFFF  }
0xc1: {  	_ =	task.clear_ibuf [dreg:s6], $0x2FFFF;
	_ =	strace $0x9FFFFFFF  }
0xc2: {  	(tm) =	ssettm $0x7FFFFFFF  }
0xc3: {  	_ =	shalt  }
tec
execute0_lowered:
.L_overlay_start_1:
0x0: {  	(tag) =	ssettag $0x1  }
0x1: {  	s0 =	rddreg [dreg:$0x0]  }
0x2: {  	s2 =	rddreg [dreg:$0x1]  }
0x3: {  	s1 =	srdreg.scid;
	s10 =	stileid.u32;
	s3 =	simm.s32 $0x0  }
0x4: {  	s22 =	simm.s32 $0x4000;
	s23 =	simm.s32 $0x3;
	s5 =	smul.u32 $0x2800, s10  }
0x5: {  	s28 =	simm.s32 $0x80;
	s29 =	simm.s32 $0x2;
	s7 =	smul.u32 $0x50000, s10  }
0x6: {  	s30 =	simm.s32 $0x6100;
	s1 =	sand.u32 $0x1, s1;
	s26 =	smul.u32 $0x4E20, s10  }
0x7: {  	s6 =	sshll.u32 s10, $0x1;
	[smem:$0x7FF] =	sst s3;
	s4 =	smul.u32 $0x28000, s1  }
0x8: {  	s6 =	sor.u32 s1, s6;
	s24 =	ssub.s32 $0x2, s1;
	s1 =	smul.u32 $0x2710, s1  }
0x9: {  	_ =	strace $0x80000047;
	s6 =	smul.u32 $0x2710, s6;
	s8 =	sshrl.u32 s24, $0x1  }
0xa: {  	s7 =	sshrl.u32 s7, $0x2;
	s5 =	sadd.s32 s5, s4;
	s4 =	sadd.s32 $0x3200, s0  }
0xb: {  	s9 =	ssub.s32 s24, s8;
	s24 =	simm.s32 $0x6000;
	s0 =	sadd.s32 s5, s0  }
0xc: {  	s6 =	sshrl.u32 s6, $0x3;
	s5 =	sadd.s32 s7, s2;
	s31 =	smax.u32 s9, $0x1  }
0xd: {  	s6 =	sadd.s32 s4, s6;
	s0 =	sadd.s32 $0xD000, s0;
	[dreg:$0x5] =	wrdreg s31  }
0xe: {  	s11 =	sadd.s32 $0x2000, s5;
	s12 =	sadd.s32 $0x4000, s5;
	s13 =	sadd.s32 $0x6000, s5  }
0xf: {  	s14 =	sadd.s32 $0x8000, s5;
	s15 =	sadd.s32 $0xA000, s5;
	s16 =	sadd.s32 $0xC000, s5  }
0x10: {  	s17 =	sadd.s32 $0xE000, s5;
	s18 =	sadd.s32 $0x10000, s5;
	s19 =	sadd.s32 $0x12000, s5  }
0x11: {  	s25 =	sadd.s32 $0x4E0, s6;
	[dreg:$0x4] =	wrdreg s0;
	s0 =	sadd.s32 s1, s26  }
0x12: {  	s10 =	sadd.s32 $0x4D0, s6;
	s26 =	simm.s32 $0x1;
	s1 =	sadd.s32 $0x80, s0  }
0x13: {  	[dreg:$0x3] =	wrdreg s25;
	s20 =	sadd.s32 $0x100, s0;
	s1 =	sshrl.u32 s1, $0x3  }
0x14: {  	v0 =	vimm.f32 $1.000000000e+00;
	v1 =	vimm.f32 $0.0e+00;
	s25 =	simm.s32 $0x6080;
	s0 =	simm.s32 $0x0;
	s21 =	sadd.s32 s1, s4  }
.LBB2_1:
0x15: {  	s1 =	simm.s32 $0x0  }
.LBB2_2:
0x16: {  	p0 =	sne.s32 s1, $0xFE00  }
.Ltmp0:
0x17: {  	_ = 	snop;
	(pc) =	sbr.rel @p0 .LBB2_2-.Ltmp0, $3  }
0x18: {  	_ =	sdelay $0x1  }
0x19: {  	s7 =	sshra.s32 s1, $0x2  }
0x1a: {  	s1 =	sadd.s32 $0x200, s1;
	[tilespmem:s7+$0x0] =	vst v0  }
0x1b: {  	s1 =	simm.s32 $0x200;
	s7 =	simm.s32 $0x0  }
.LBB2_4:
0x1c: {  	p0 =	sne.s32 s1, $0x7E00;
	[tilespmem:s7+$0x4000] =	vst v1;
	s7 =	smov.u32 s1;
	s1 =	sadd.s32 $0x200, s1  }
.Ltmp1:
0x1d: {  	(pc) =	sbr.rel @p0 .LBB2_4-.Ltmp1, $2  }
0x1e: {  	_ =	sdelay $0x2  }
0x1f: {  	s7 =	sshra.s32 s7, $0x2  }
0x20: {  	[tilespmem:s7+$0x4000] =	vst v1  }
0x21: {  	[spmem:s5] =	stream.linear.scatter [tilespmem:s22], [sflag:$0x3], $0x2000, $0x38;
	[tilespmem:$0x8980] =	vst v63  }
0x22: {  	_ =	swait.ge [sflag:s23], $0x2000  }
0x23: {  	[sflag:s23] =	ssyncset.done $0x0  }
0x24: {  	[sflag:s23] =	ssyncadd.s32 $0xFFFFE000  }
0x25: {  	[spmem:s11] =	stream.linear.scatter [tilespmem:s22], [sflag:$0x3], $0x2000, $0x38;
	[tilespmem:$0x8980] =	vst v63  }
0x26: {  	_ =	swait.ge [sflag:s23], $0x2000  }
0x27: {  	[sflag:s23] =	ssyncset.done $0x0  }
0x28: {  	[sflag:s23] =	ssyncadd.s32 $0xFFFFE000  }
0x29: {  	[spmem:s12] =	stream.linear.scatter [tilespmem:s22], [sflag:$0x3], $0x2000, $0x38;
	[tilespmem:$0x8980] =	vst v63  }
0x2a: {  	_ =	swait.ge [sflag:s23], $0x2000  }
0x2b: {  	[sflag:s23] =	ssyncset.done $0x0  }
0x2c: {  	[sflag:s23] =	ssyncadd.s32 $0xFFFFE000  }
0x2d: {  	[spmem:s13] =	stream.linear.scatter [tilespmem:s22], [sflag:$0x3], $0x2000, $0x38;
	[tilespmem:$0x8980] =	vst v63  }
0x2e: {  	_ =	swait.ge [sflag:s23], $0x2000  }
0x2f: {  	[sflag:s23] =	ssyncset.done $0x0  }
0x30: {  	[sflag:s23] =	ssyncadd.s32 $0xFFFFE000  }
0x31: {  	[spmem:s14] =	stream.linear.scatter [tilespmem:s22], [sflag:$0x3], $0x2000, $0x38;
	[tilespmem:$0x8980] =	vst v63  }
0x32: {  	_ =	swait.ge [sflag:s23], $0x2000  }
0x33: {  	[sflag:s23] =	ssyncset.done $0x0  }
0x34: {  	[sflag:s23] =	ssyncadd.s32 $0xFFFFE000  }
0x35: {  	[spmem:s15] =	stream.linear.scatter [tilespmem:s22], [sflag:$0x3], $0x2000, $0x38;
	[tilespmem:$0x8980] =	vst v63  }
0x36: {  	_ =	swait.ge [sflag:s23], $0x2000  }
0x37: {  	[sflag:s23] =	ssyncset.done $0x0  }
0x38: {  	[sflag:s23] =	ssyncadd.s32 $0xFFFFE000  }
0x39: {  	[spmem:s16] =	stream.linear.scatter [tilespmem:s22], [sflag:$0x3], $0x2000, $0x38;
	[tilespmem:$0x8980] =	vst v63  }
0x3a: {  	_ =	swait.ge [sflag:s23], $0x2000  }
0x3b: {  	[sflag:s23] =	ssyncset.done $0x0  }
0x3c: {  	[sflag:s23] =	ssyncadd.s32 $0xFFFFE000  }
0x3d: {  	[spmem:s17] =	stream.linear.scatter [tilespmem:s22], [sflag:$0x3], $0x2000, $0x38;
	[tilespmem:$0x8980] =	vst v63  }
0x3e: {  	_ =	swait.ge [sflag:s23], $0x2000  }
0x3f: {  	[sflag:s23] =	ssyncset.done $0x0  }
0x40: {  	[sflag:s23] =	ssyncadd.s32 $0xFFFFE000  }
0x41: {  	[spmem:s18] =	stream.linear.scatter [tilespmem:s22], [sflag:$0x3], $0x2000, $0x38;
	[tilespmem:$0x8980] =	vst v63  }
0x42: {  	_ =	swait.ge [sflag:s23], $0x2000  }
0x43: {  	[sflag:s23] =	ssyncset.done $0x0  }
0x44: {  	[sflag:s23] =	ssyncadd.s32 $0xFFFFE000  }
0x45: {  	[spmem:s19] =	stream.linear.scatter [tilespmem:s22], [sflag:$0x3], $0x2000, $0x38;
	[tilespmem:$0x8980] =	vst v63  }
0x46: {  	_ =	swait.ge [sflag:s23], $0x2000  }
0x47: {  	[sflag:s23] =	ssyncset.done $0x0  }
0x48: {  	[sflag:s23] =	ssyncadd.s32 $0xFFFFE000  }
0x49: {  	s1 =	simm.s32 $0x0;
	[bflag:$0x0] =	sbarrier.arrive $0xFFFF  }
0x4a: {  	[tilespmem:s24], [sflag:$0x1] =	stream.linear.gather [hbm4b:s6+s1], $0x80, $0x38;
	[tilespmem:$0x8980] =	vst v63  }
0x4b: {  	s8 =	sadd.s32 $0x0, s21  }
0x4c: {  	[tilespmem:s25], [sflag:$0x2] =	stream.linear.gather [hbm4b:s8+s3], $0x80, $0x38;
	[tilespmem:$0x8980] =	vst v63  }
0x4d: {  	_ =	swait.ge [sflag:s26], $0x80  }
0x4e: {  	[sflag:s26] =	ssyncset.done $0x0  }
0x4f: {  	[sflag:s26] =	ssyncadd.s32 $0xFFFFFF80  }
0x50: {  	[spmem:s2] =	stream.indirect.scatter.add.f32 [tilespmem:s3], [sflag:$0x3], $0x10, s24, s28, $0xb8;
	[tilespmem:$0x8980] =	vst v63  }
0x51: {  	_ =	swait.ge [sflag:s23], $0x800  }
0x52: {  	s9 =	sshrl.u32 s20, $0x3;
	[sflag:s23] =	ssyncset.done $0x0  }
0x53: {  	s1 =	sadd.s32 s4, s9;
	[sflag:s23] =	ssyncadd.s32 $0xFFFFF800  }
0x54: {  	[tilespmem:s24], [sflag:$0x1] =	stream.linear.gather [hbm4b:s1+s3], $0x80, $0x38;
	[tilespmem:$0x8980] =	vst v63  }
0x55: {  	_ =	swait.ge [sflag:s29], $0x80  }
0x56: {  	[sflag:s29] =	ssyncset.done $0x0  }
0x57: {  	[sflag:s29] =	ssyncadd.s32 $0xFFFFFF80  }
0x58: {  	[spmem:s2] =	stream.indirect.scatter.add.f32 [tilespmem:s3], [sflag:$0x3], $0x10, s25, s28, $0xb8;
	[tilespmem:$0x8980] =	vst v63  }
0x59: {  	s31 =	simm.s32 $0x20;
	_ =	swait.ge [sflag:s23], $0x800  }
0x5a: {  	s7 =	simm.s32 $0x40;
	s1 =	sadd.s32 $0x100, s20;
	[sflag:s23] =	ssyncset.done $0x0  }
.LBB2_6:
0x5b: {  	s8 =	sadd.s32 s31, s21  }
0x5c: {  	[sflag:s23] =	ssyncadd.s32 $0xFFFFF800;
	s31 =	smov.u32 s7;
	s9 =	sadd.s32 $0x20, s7  }
0x5d: {  	[tilespmem:s25], [sflag:$0x2] =	stream.linear.gather [hbm4b:s8+s3], $0x80, $0x38;
	[tilespmem:$0x8980] =	vst v63  }
0x5e: {  	p0 =	sne.s32 s7, $0x4A0;
	_ =	swait.ge [sflag:s26], $0x80  }
0x5f: {  	[sflag:s26] =	ssyncset.done $0x0  }
0x60: {  	[sflag:s26] =	ssyncadd.s32 $0xFFFFFF80  }
0x61: {  	[spmem:s2] =	stream.indirect.scatter.add.f32 [tilespmem:s3], [sflag:$0x3], $0x10, s24, s28, $0xb8;
	[tilespmem:$0x8980] =	vst v63  }
0x62: {  	_ =	swait.ge [sflag:s23], $0x800  }
0x63: {  	s7 =	sshrl.u32 s1, $0x3;
	[sflag:s23] =	ssyncset.done $0x0  }
0x64: {  	s7 =	sadd.s32 s4, s7;
	[sflag:s23] =	ssyncadd.s32 $0xFFFFF800  }
0x65: {  	[tilespmem:s24], [sflag:$0x1] =	stream.linear.gather [hbm4b:s7+s3], $0x80, $0x38;
	[tilespmem:$0x8980] =	vst v63  }
0x66: {  	_ =	swait.ge [sflag:s29], $0x80  }
.Ltmp2:
0x67: {  	[sflag:s29] =	ssyncset.done $0x0;
	(pc) =	sbr.rel @p0 .LBB2_6-.Ltmp2, $4  }
0x68: {  	[sflag:s29] =	ssyncadd.s32 $0xFFFFFF80  }
0x69: {  	[spmem:s2] =	stream.indirect.scatter.add.f32 [tilespmem:s3], [sflag:$0x3], $0x10, s25, s28, $0xb8;
	[tilespmem:$0x8980] =	vst v63  }
0x6a: {  	_ =	swait.ge [sflag:s23], $0x800  }
0x6b: {  	s1 =	sadd.s32 $0x100, s1;
	s7 =	smov.u32 s9;
	[sflag:s23] =	ssyncset.done $0x0  }
0x6c: {  	s7 =	sadd.s32 s31, s21;
	[sflag:s23] =	ssyncadd.s32 $0xFFFFF800  }
0x6d: {  	[tilespmem:s25], [sflag:$0x2] =	stream.linear.gather [hbm4b:s7+s3], $0x80, $0x38;
	[tilespmem:$0x8980] =	vst v63  }
0x6e: {  	_ =	swait.ge [sflag:s26], $0x80  }
0x6f: {  	[sflag:s26] =	ssyncset.done $0x0  }
0x70: {  	[sflag:s26] =	ssyncadd.s32 $0xFFFFFF80  }
0x71: {  	[spmem:s2] =	stream.indirect.scatter.add.f32 [tilespmem:s3], [sflag:$0x3], $0x10, s24, s28, $0xb8;
	[tilespmem:$0x8980] =	vst v63  }
0x72: {  	_ =	swait.ge [sflag:s23], $0x800  }
0x73: {  	s1 =	sshrl.u32 s1, $0x3;
	[sflag:s23] =	ssyncset.done $0x0  }
0x74: {  	s1 =	sadd.s32 s4, s1;
	[sflag:s23] =	ssyncadd.s32 $0xFFFFF800  }
0x75: {  	[tilespmem:s24], [sflag:$0x1] =	stream.linear.gather [hbm4b:s1+s3], $0x80, $0x38;
	[tilespmem:$0x8980] =	vst v63  }
0x76: {  	_ =	swait.ge [sflag:s29], $0x80  }
0x77: {  	[sflag:s29] =	ssyncset.done $0x0  }
0x78: {  	[sflag:s29] =	ssyncadd.s32 $0xFFFFFF80  }
0x79: {  	[spmem:s2] =	stream.indirect.scatter.add.f32 [tilespmem:s3], [sflag:$0x3], $0x10, s25, s28, $0xb8;
	[tilespmem:$0x8980] =	vst v63  }
0x7a: {  	_ =	swait.ge [sflag:s23], $0x800  }
0x7b: {  	[sflag:s23] =	ssyncset.done $0x0  }
0x7c: {  	[sflag:s23] =	ssyncadd.s32 $0xFFFFF800  }
0x7d: {  	[tilespmem:s25], [sflag:$0x2] =	stream.linear.gather [hbm4b:s10+s3], $0x80, $0x38;
	[tilespmem:$0x8980] =	vst v63  }
0x7e: {  	_ =	swait.ge [sflag:s26], $0x80  }
0x7f: {  	[sflag:s26] =	ssyncset.done $0x0  }
0x80: {  	[sflag:s26] =	ssyncadd.s32 $0xFFFFFF80  }
0x81: {  	[spmem:s2] =	stream.indirect.scatter.add.f32 [tilespmem:s3], [sflag:$0x3], $0x10, s24, s28, $0xb8;
	[tilespmem:$0x8980] =	vst v63  }
0x82: {  	_ =	swait.ge [sflag:s23], $0x800  }
0x83: {  	[sflag:s23] =	ssyncset.done $0x0  }
0x84: {  	[sflag:s23] =	ssyncadd.s32 $0xFFFFF800  }
0x85: {  	_ =	swait.ge [sflag:s29], $0x80  }
0x86: {  	[sflag:s29] =	ssyncset.done $0x0  }
0x87: {  	[sflag:s29] =	ssyncadd.s32 $0xFFFFFF80  }
0x88: {  	[spmem:s2] =	stream.indirect.scatter.add.f32 [tilespmem:s3], [sflag:$0x3], $0x10, s25, s28, $0xb8;
	[tilespmem:$0x8980] =	vst v63  }
0x89: {  	_ =	swait.ge [sflag:s23], $0x800  }
0x8a: {  	[sflag:s23] =	ssyncset.done $0x0  }
0x8b: {  	s31 =	rddreg [dreg:$0x3];
	[sflag:s23] =	ssyncadd.s32 $0xFFFFF800  }
0x8c: {  	[tilespmem:s30], [sflag:$0x3] =	stream.linear.gather [hbm4b:s31+s3], $0x10, $0x38;
	[tilespmem:$0x8980] =	vst v63  }
0x8d: {  	_ =	swait.ge [sflag:s23], $0x10  }
0x8e: {  	[sflag:s23] =	ssyncset.done $0x0  }
0x8f: {  	s7 =	simm.s32 $0x10;
	[sflag:s23] =	ssyncadd.s32 $0xFFFFFFF0  }
0x90: {  	[spmem:s2] =	stream.indirect.scatter.add.f32 [tilespmem:s3], [sflag:$0x3], $0x10, s30, s7, $0xb8;
	[tilespmem:$0x8980] =	vst v63  }
0x91: {  	_ =	swait.ge [sflag:s23], $0x100  }
0x92: {  	[sflag:s23] =	ssyncset.done $0x0  }
0x93: {  	s8 =	stileid.u32;
	[sflag:s23] =	ssyncadd.s32 $0xFFFFFF00  }
0x94: {  	s1 =	sshll.u32 s8, $0x6;
	[bflag:$0x0] =	sbarrier.arrive $0xFFFF  }
0x95: {  	s9 =	sshrl.u32 s5, $0x3;
	s1 =	sor.u32 $0x1C03, s1;
	s8 =	rddreg [dreg:$0x4]  }
0x96: {  	[hbm:s8], [sflag:s1] =	dma.local [spmem:s9], $0x2800  }
0x97: {  	_ =	swait.ge [sflag:s23], $0x2800  }
0x98: {  	s0 =	sadd.s32 $0x1, s0;
	s31 =	rddreg [dreg:$0x5]  }
0x99: {  	p0 =	sne.s32 s0, s31  }
.Ltmp3:
0x9a: {  	_ = 	snop;
	(pc) =	sbr.rel @p0 .LBB2_1-.Ltmp3, $3  }
0x9b: {  	_ =	sdelay $0x1  }
0x9c: {  	[sflag:s23] =	ssyncset.done $0x0  }
0x9d: {  	[sflag:s23] =	ssyncadd.s32 $0xFFFFD800  }
0x9e: {  	_ =	sfence.sel $0x180000  }
0x9f: {  	[bflag:$0x0] =	sbarrier.arrive $0xFFFF  }
0xa0: {  	_ =	strace $0x90000047  }
0xa1: {  	s0 =	stileid.u32;
	[bflag:$0x2] =	sbarrier.arrive $0xFFFF  }
0xa2: {  	p0 =	sne.s32 s0, $0x0;
	s0 =	rddreg [dreg:$0x2]  }
0xa3: {  	s0 =	sadd.s32 @!p0 $0x100000, s0  }
0xa4: {  	[sflag:s0] =	ssyncadd.tile.s32 @!p0 $0x1;
	_ =	shalt  }
.Lfunc_end2:
_tile_overlayer_lowered:
.L_overlay_start_2:
0xa5: {  	(tag) =	ssettag $0x2  }
0xa6: {  	s0 =	rddreg [dreg:$0x0];
	s2 =	stileid.u32  }
0xa7: {  	s1 =	rddreg [dreg:$0x1];
	p0 =	sne.s32 s2, $0x0  }
0xa8: {  	s3 =	rddreg [dreg:$0x2];
	[bflag:$0x3] =	sbarrier.arrive $0xFFFF;
	s2 =	simm.s32 @!p0 $0x1C03  }
0xa9: {  	[timem:s3], [sflag:s2] =	dma.local @!p0 [hbm:s0], s1  }
0xaa: {  	s0 =	simm.s32 @!p0 $0x3  }
0xab: {  	_ =	swait.ge @!p0 [sflag:s0], s1  }
0xac: {  	s1 =	ssub.s32 @!p0 $0x0, s1;
	[sflag:s0] =	ssyncset.done @!p0 $0x0  }
0xad: {  	[sflag:s0] =	ssyncadd.s32 @!p0 s1  }
0xae: {  	[bflag:$0x3] =	sbarrier.arrive $0xFFFF  }
0xaf: {  	_ =	shalt  }

// kernel: kernel.13.cloned.1.call-start
scs
__scs_entry_jumppad:
0x0: {  	(pc) =	sbr.rel $0x88, $3  }
0x1: {  	(tag) =	ssettag $0x0;
	lr =	simm.s32 $0x1  }
0x2: {  	[smem:$0x3F99] =	sst lr;
	_ =	strace $0xD0000000  }
0x3: {  	_ = 	snop  }
0x4: {  	_ = 	snop  }
0x5: {  	_ = 	snop  }
0x6: {  	_ = 	snop  }
0x7: {  	_ = 	snop  }
__scs_overlays_trampoline_lowered:
0x8: {  	[smem:$0x3FA8] =	sst s0  }
0x9: {  	[smem:$0x3FA9] =	sst s1  }
0xa: {  	[smem:$0x3FAA] =	sst s2  }
0xb: {  	[smem:$0x3FAB] =	sst s3  }
0xc: {  	[smem:$0x3FAC] =	sst s4  }
0xd: {  	[smem:$0x3FAD] =	sst s5  }
0xe: {  	[smem:$0x3FAE] =	sst s6  }
0xf: {  	[smem:$0x3FAF] =	sst s7  }
0x10: {  	[smem:$0x3FB0] =	sst s8  }
0x11: {  	[smem:$0x3FB1] =	sst s9;
	s0 =	simm.s32 @!p0 $0x0  }
0x12: {  	s1 =	sld [smem:$0x3F97];
	s0 =	simm.s32 @p0 $0x1  }
0x13: {  	[smem:$0x3FB2] =	sst s0;
	s0 =	simm.s32 @!p1 $0x0  }
0x14: {  	s2 =	sld [smem:$0x3F96];
	s0 =	simm.s32 @p1 $0x1  }
0x15: {  	[smem:$0x3FB3] =	sst s0;
	s0 =	simm.s32 @!p2 $0x0  }
0x16: {  	s3 =	sld [smem:$0x3FDB];
	s0 =	simm.s32 @p2 $0x1  }
0x17: {  	s4 =	simm.s32 $0x1BF5;
	[smem:$0x3FB5] =	sst s0  }
0x18: {  	s0 =	sld [smem:$0x3F98];
	_ =	swait.ge [sflag:s4], $0x0  }
0x19: {  	s7 =	sld [smem:$0x3F99]  }
0x1a: {  	s8 =	sadd.s32 $0xFFFFE003, lr  }
0x1b: {  	s9 =	sadd.s32 $0xFFFFFEF7, lr;
	s5 =	simm.s32 $0xFFFFFFFF;
	p2 =	slt.u32 s8, $0xFFFFF086  }
0x1c: {  	p1 =	slt.u32 s9, $0xF7A;
	s5 =	simm.s32 @!p2 $0x0  }
0x1d: {  	s5 =	simm.s32 @p1 $0x1;
	p0 =	seq.s32 s7, s2  }
0x1e: {  	s7 =	smul.u32 @!p0 $0xF7A, s2;
	p2 =	seq.s32 @!p0 s5, $0x0  }
0x1f: {  	s9 =	smul.u32 $0xF7A, s1;
	s8 =	simm.s32 @!p0 $0x1BF5;
	p2 =	por !p2, p0  }
0x20: {  	[sflag:s8] =	ssyncset.s32 @!p0 $0xFFFFF086;
	s6 =	sadd.s32 @!p0 s3, s7;
	s7 =	simm.s32 @!p0 $0x108  }
0x21: {  	s3 =	sadd.s32 s3, s9;
	s6 =	sadd.s32 @!p0 $0x88, s6;
	s7 =	simm.s32 @p2 $0x1082  }
0x22: {  	[simem:s7], [sflag:s8] =	dma.local @!p0 [hbm:s6], $0xF7A  }
0x23: {  	s9 =	sor.u32 $0xD0000000, s2;
	s6 =	simm.s32 $0x108;
	_ =	swait.ge @!p0 [sflag:s8], $0x0  }
0x24: {  	s3 =	sadd.s32 $0x88, s3;
	s6 =	simm.s32 @!p1 $0x1082;
	[sflag:s4] =	ssyncset.s32 $0xFFFFF086  }
0x25: {  	[simem:s6], [sflag:s4] =	dma.local [hbm:s3], $0xF7A  }
0x26: {  	[smem:$0x3F99] =	sst s1;
	(tag) =	ssettag s2;
	_ =	strace s9  }
0x27: {  	s1 =	sld [smem:$0x3FA9]  }
0x28: {  	s2 =	sld [smem:$0x3FAA]  }
0x29: {  	s4 =	sld [smem:$0x3FAC]  }
0x2a: {  	p0 =	seq.s32 s5, $0x0;
	s5 =	sld [smem:$0x3FAD]  }
0x2b: {  	s6 =	sld [smem:$0x3FAE]  }
0x2c: {  	s7 =	sld [smem:$0x3FAF]  }
0x2d: {  	s3 =	simm.s32 $0x108;
	s8 =	sld [smem:$0x3FB0]  }
0x2e: {  	s3 =	simm.s32 @!p0 $0x1082;
	s9 =	sld [smem:$0x3FB1]  }
0x2f: {  	lr =	sadd.s32 s0, s3;
	s0 =	sld [smem:$0x3FA8]  }
0x30: {  	s3 =	sld [smem:$0x3FAB]  }
0x31: {  	[smem:$0x3FB4] =	sst s10  }
0x32: {  	s10 =	sld [smem:$0x3FB2];
	_ =	sdelay $0x3  }
0x33: {  	p0 =	seq.s32 s10, $0x1;
	s10 =	sld [smem:$0x3FB4];
	_ =	sdelay $0x3  }
0x34: {  	[smem:$0x3FB4] =	sst s10  }
0x35: {  	s10 =	sld [smem:$0x3FB3];
	_ =	sdelay $0x3  }
0x36: {  	p1 =	seq.s32 s10, $0x1;
	s10 =	sld [smem:$0x3FB4];
	_ =	sdelay $0x3  }
0x37: {  	[smem:$0x3FB4] =	sst s10  }
0x38: {  	s10 =	sld [smem:$0x3FB5]  }
0x39: {  	_ = 	snop;
	(pc) =	sbr.ind lr, $3  }
0x3a: {  	_ = 	snop  }
0x3b: {  	_ = 	snop  }
0x3c: {  	p2 =	seq.s32 s10, $0x1;
	s10 =	sld [smem:$0x3FB4]  }
0x3d: {  	_ =	shalt  }
0x3e: {  	_ =	shalt  }
0x3f: {  	_ =	shalt  }
0x40: {  	_ =	shalt  }
0x41: {  	_ =	shalt  }
0x42: {  	_ =	shalt  }
0x43: {  	_ =	shalt  }
0x44: {  	_ =	shalt  }
0x45: {  	_ =	shalt  }
0x46: {  	_ =	shalt  }
0x47: {  	_ =	shalt  }
0x48: {  	_ =	shalt  }
0x49: {  	_ =	shalt  }
0x4a: {  	_ =	shalt  }
0x4b: {  	_ =	shalt  }
0x4c: {  	_ =	shalt  }
0x4d: {  	_ =	shalt  }
0x4e: {  	_ =	shalt  }
0x4f: {  	_ =	shalt  }
0x50: {  	_ =	shalt  }
0x51: {  	_ =	shalt  }
0x52: {  	_ =	shalt  }
0x53: {  	_ =	shalt  }
0x54: {  	_ =	shalt  }
0x55: {  	_ =	shalt  }
0x56: {  	_ =	shalt  }
0x57: {  	_ =	shalt  }
0x58: {  	_ =	shalt  }
0x59: {  	_ =	shalt  }
0x5a: {  	_ =	shalt  }
0x5b: {  	_ =	shalt  }
0x5c: {  	_ =	shalt  }
0x5d: {  	_ =	shalt  }
0x5e: {  	_ =	shalt  }
0x5f: {  	_ =	shalt  }
0x60: {  	_ =	shalt  }
0x61: {  	_ =	shalt  }
0x62: {  	_ =	shalt  }
0x63: {  	_ =	shalt  }
0x64: {  	_ =	shalt  }
0x65: {  	_ =	shalt  }
0x66: {  	_ =	shalt  }
0x67: {  	_ =	shalt  }
0x68: {  	_ =	shalt  }
0x69: {  	_ =	shalt  }
0x6a: {  	_ =	shalt  }
0x6b: {  	_ =	shalt  }
0x6c: {  	_ =	shalt  }
0x6d: {  	_ =	shalt  }
0x6e: {  	_ =	shalt  }
0x6f: {  	_ =	shalt  }
0x70: {  	_ =	shalt  }
0x71: {  	_ =	shalt  }
0x72: {  	_ =	shalt  }
0x73: {  	_ =	shalt  }
0x74: {  	_ =	shalt  }
0x75: {  	_ =	shalt  }
0x76: {  	_ =	shalt  }
0x77: {  	_ =	shalt  }
0x78: {  	_ =	shalt  }
0x79: {  	_ =	shalt  }
0x7a: {  	_ =	shalt  }
0x7b: {  	_ =	shalt  }
0x7c: {  	_ =	shalt  }
0x7d: {  	_ =	shalt  }
0x7e: {  	_ =	shalt  }
0x7f: {  	_ =	shalt  }
0x80: {  	_ =	shalt  }
0x81: {  	_ =	shalt  }
0x82: {  	_ =	shalt  }
0x83: {  	_ =	shalt  }
0x84: {  	_ =	shalt  }
0x85: {  	_ =	shalt  }
0x86: {  	_ =	shalt  }
0x87: {  	_ =	shalt  }
.Lfunc_end0:
.L_simem_size_0:
called_computation.1_lowered:
.L_overlay_start_0:
0x88: {  	s2 =	sld [smem:$0x3FD9]  }
0x89: {  	s3 =	sld [smem:$0x3FFE];
	_ =	sdelay $0x1  }
0x8a: {  	s1 =	srdreg.scid  }
0x8b: {  	s0 =	sand.u32 $0x1, s1  }
0x8c: {  	s17 =	sshll.u32 s0, $0xA;
	s2 =	sadd.s32 s3, s2  }
0x8d: {  	s2 =	sadd.s32 s2, s17  }
0x8e: {  	[smem:$0x3FC0] =	sst s2  }
0x8f: {  	_ = 	snop  }
0x90: {  	s2 =	sld [smem:$0x3FD0];
	(tm) =	ssettm $0x1  }
0x91: {  	s18 =	sld [smem:$0x3FFB];
	_ =	sdelay $0x3  }
0x92: {  	_ =	strace s18  }
0x93: {  	s3 =	sld [smem:$0x3FFC];
	_ =	sdelay $0x3  }
0x94: {  	_ =	strace s3  }
0x95: {  	s3 =	sld [smem:$0x3FFD];
	_ =	sdelay $0x3  }
0x96: {  	_ =	strace s3  }
0x97: {  	_ =	strace $0x8FFFFFFF  }
0x98: {  	s19 =	sld [smem:$0x3FDB];
	_ =	sdelay $0x1  }
0x99: {  	s4 =	simm.s32 $_scs_section_size  }
0x9a: {  	s5 =	simm.s32 $_size__tile_overlayer_lowered;
	s6 =	simm.s32 $_tile_overlayer_lowered  }
0x9b: {  	s22 =	simm.s32 $0x1BFF;
	s21 =	sshll.u32 s6, $0x1;
	s3 =	sadd.s32 s4, s19  }
0x9c: {  	s7 =	simm.s32 $0x0;
	s20 =	sshll.u32 s5, $0x1;
	s5 =	sadd.s32 s21, s3  }
0x9d: {  	[timem:s7], [sflag:s22] =	dma.local [hbm:s5], s20  }
0x9e: {  	_ =	swait.ge [sflag:s22], s20  }
0x9f: {  	s4 =	ssub.s32 $0x0, s20;
	[sflag:s22] =	ssyncset.done $0x0  }
0xa0: {  	[sflag:s22] =	ssyncadd.s32 s4;
	_ =	sdelay $0x1  }
0xa1: {  	s23 =	simm.s32 $0x1B8B  }
0xa2: {  	_ =	swait.ge [sflag:s23], $0x1  }
0xa3: {  	[sflag:s23] =	ssyncset.done $0x0  }
0xa4: {  	s25 =	simm.s32 $0x1B8E;
	s24 =	sld [smem:$0x3FFE];
	[sflag:s23] =	ssyncadd.s32 $0xFFFFFFFF  }
0xa5: {  	s26 =	simm.s32 $execute0_lowered;
	[smem:$0x3FD2] =	sst s25  }
0xa6: {  	s5 =	sshll.u32 s26, $0x1;
	_ =	strace $0x80000049;
	[dreg:$0x1] =	wrdreg $0xFFFFFFFF  }
0xa7: {  	s28 =	simm.s32 $_size_execute0_lowered;
	s3 =	sadd.s32 s3, s5;
	[dreg:$0x0] =	wrdreg $0x0  }
0xa8: {  	s5 =	sshll.u32 s28, $0x1;
	[dreg:$0x2] =	wrdreg s3  }
0xa9: {  	[dreg:$0x3] =	wrdreg s5  }
0xaa: {  	[dreg:$0x4] =	wrdreg $0xC0  }
0xab: {  	_ =	task [dreg:s7], $0x5FFFF  }
0xac: {  	[dreg:$0x1] =	wrdreg $0xFFFFFFFF  }
0xad: {  	[dreg:$0x0] =	wrdreg $0x60  }
0xae: {  	[dreg:$0x2] =	wrdreg s24  }
0xaf: {  	[dreg:$0x3] =	wrdreg s2  }
0xb0: {  	[dreg:$0x4] =	wrdreg $0x74000  }
0xb1: {  	[dreg:$0x5] =	wrdreg $0x9  }
0xb2: {  	_ =	task.clear_ibuf [dreg:s7], $0x6FFFF;
	_ =	strace $0x90000049  }
0xb3: {  	s29 =	simm.s32 $0x9;
	_ =	strace $0x8000004B  }
0xb4: {  	_ =	swait.ge [sflag:s29], $0x1  }
0xb5: {  	[sflag:s29] =	ssyncadd.s32 $0xFFFFFFFF  }
0xb6: {  	_ =	strace $0x9000004B  }
0xb7: {  	_ =	sfence  }
0xb8: {  	s30 =	sld [smem:$0x0];
	_ =	sdelay $0x2  }
0xb9: {  	s31 =	sshll.u32 s1, $0xD;
	s1 =	sshrl.u32 s1, $0x2  }
0xba: {  	s3 =	sand.u32 $0x4000, s31;
	s1 =	sadd.s32 s1, s30  }
0xbb: {  	s0 =	sor.u32 s3, s0;
	s1 =	sshll.u32 s1, $0x11  }
0xbc: {  	s0 =	sor.u32 s1, s0  }
0xbd: {  	s0 =	sadd.s32 $0x8F2B, s0  }
0xbe: {  	[sflag:s0] =	ssyncadd.remote.s32 $0x1  }
0xbf: {  	_ =	sfence.sel $0xFFFF  }
0xc0: {  	[dreg:$0x0] =	wrdreg $0xFFFFFFFF;
	(pc) =	sbr.abs _section_cstart, $3  }
0xc1: {  	[dreg:$0x1] =	wrdreg $0xFFFFFFFF  }
0xc2: {  	_ =	task.clear_ibuf [dreg:s7], $0x2FFFF;
	_ =	strace $0x9FFFFFFF  }
0xc3: {  	(tm) =	ssettm $0x7FFFFFFF  }
tec
execute0_lowered:
.L_overlay_start_1:
0x0: {  	(tag) =	ssettag $0x1  }
0x1: {  	s0 =	rddreg [dreg:$0x0]  }
0x2: {  	s2 =	rddreg [dreg:$0x1]  }
0x3: {  	s1 =	rddreg [dreg:$0x2]  }
0x4: {  	s3 =	srdreg.scid;
	s12 =	stileid.u32  }
0x5: {  	s28 =	simm.s32 $0x3800;
	s29 =	simm.s32 $0x100;
	s7 =	smul.u32 $0x2800, s12  }
0x6: {  	s30 =	simm.s32 $0x300;
	s31 =	simm.s32 $0x1;
	s9 =	smul.u32 $0x50000, s12  }
0x7: {  	s5 =	sand.u32 $0x1, s3;
	s4 =	sshll.u32 s12, $0x1;
	s12 =	smul.u32 $0xC8, s12  }
0x8: {  	s3 =	simm.s32 $0x0;
	s10 =	sadd.s32 $0x5D000, s0;
	s6 =	smul.u32 $0x28000, s5  }
0x9: {  	[smem:$0x7FF] =	sst s3;
	s8 =	sor.u32 s5, s4;
	s13 =	smul.u32 $0x64, s5  }
0xa: {  	s4 =	sadd.s32 $0x69800, s0;
	s25 =	ssub.s32 $0x2, s5;
	s11 =	smul.u32 $0x640, s8  }
0xb: {  	_ =	strace $0x8000004A;
	s8 =	smul.u32 $0x3200, s8;
	s9 =	sshrl.u32 s9, $0x2  }
0xc: {  	s26 =	sshrl.u32 s25, $0x1;
	s6 =	sadd.s32 s7, s6;
	s5 =	sadd.s32 s9, s1  }
0xd: {  	s9 =	sadd.s32 s13, s12;
	s0 =	sadd.s32 s6, s0;
	s6 =	ssub.s32 s25, s26  }
0xe: {  	s14 =	sadd.s32 s2, s11;
	s15 =	sadd.s32 s10, s11;
	s16 =	sor.u32 $0x10, s11  }
0xf: {  	s8 =	sshrl.u32 s8, $0x3;
	s9 =	sshll.u32 s9, $0x4;
	[dreg:$0xa] =	wrdreg s14  }
0x10: {  	[dreg:$0xb] =	wrdreg s15;
	s11 =	sadd.s32 s2, s16;
	s17 =	sadd.s32 $0x620, s8  }
0x11: {  	s7 =	sadd.s32 s10, s16;
	s19 =	sadd.s32 $0x40, s9;
	s8 =	sadd.s32 $0x630, s8  }
0x12: {  	s22 =	sadd.s32 s9, s2;
	s24 =	sadd.s32 s9, s10;
	[dreg:$0xc] =	wrdreg s11  }
0x13: {  	s9 =	sor.u32 $0x20, s9;
	s0 =	sadd.s32 $0x91800, s0;
	[dreg:$0xd] =	wrdreg s7  }
0x14: {  	s18 =	sadd.s32 s2, s17;
	s11 =	sadd.s32 s10, s17;
	s12 =	sadd.s32 s19, s2  }
0x15: {  	s20 =	sadd.s32 s2, s8;
	s14 =	sadd.s32 s19, s10;
	[dreg:$0x12] =	wrdreg s0  }
0x16: {  	s23 =	sadd.s32 $0x30, s22;
	s25 =	sadd.s32 $0x30, s24;
	[dreg:$0xe] =	wrdreg s18  }
0x17: {  	s8 =	sadd.s32 s10, s8;
	s2 =	sadd.s32 s9, s2;
	[dreg:$0xf] =	wrdreg s11  }
0x18: {  	s26 =	sadd.s32 s9, s10;
	s17 =	smax.u32 s6, $0x1;
	[dreg:$0x10] =	wrdreg s20  }
0x19: {  	s19 =	simm.s32 $0x7;
	s22 =	simm.s32 $0x280;
	[dreg:$0x6] =	wrdreg s23  }
0x1a: {  	s24 =	simm.s32 $0x64;
	s0 =	simm.s32 $0x5;
	[dreg:$0x11] =	wrdreg s8  }
0x1b: {  	s6 =	simm.s32 $0x380;
	s9 =	simm.s32 $0x0;
	[dreg:$0x7] =	wrdreg s25  }
0x1c: {  	s21 =	sadd.s32 $0x10, s12;
	s7 =	sadd.s32 $0x10, s14;
	[dreg:$0x8] =	wrdreg s2  }
0x1d: {  	[dreg:$0x9] =	wrdreg s26;
	s18 =	simm.s32 $0x6C00;
	s20 =	simm.s32 $0x200  }
0x1e: {  	s23 =	simm.s32 $0x3;
	s25 =	simm.s32 $0x400;
	s26 =	simm.s32 $0x4  }
0x1f: {  	s2 =	simm.s32 $0x180;
	s8 =	simm.s32 $0x6;
	[dreg:$0x4] =	wrdreg s21  }
0x20: {  	v0 =	vimm.f32 $0.0e+00;
	[dreg:$0x5] =	wrdreg s7;
	s21 =	simm.s32 $0x80;
	s7 =	simm.s32 $0x2  }
.LBB2_1:
0x21: {  	s10 =	simm.s32 $0x0;
	s11 =	simm.s32 $0x200  }
.LBB2_2:
0x22: {  	p0 =	sne.s32 s11, $0x1E00;
	[tilespmem:s10+$0x6C70] =	vst v0  }
0x23: {  	[tilespmem:s10+$0x6C00] =	vst v0  }
0x24: {  	[tilespmem:s10+$0x6C10] =	vst v0  }
.Ltmp0:
0x25: {  	[tilespmem:s10+$0x6C20] =	vst v0;
	(pc) =	sbr.rel @p0 .LBB2_2-.Ltmp0, $4  }
0x26: {  	[tilespmem:s10+$0x6C30] =	vst v0  }
0x27: {  	[tilespmem:s10+$0x6C40] =	vst v0  }
0x28: {  	[tilespmem:s10+$0x6C50] =	vst v0  }
0x29: {  	[tilespmem:s10+$0x6C60] =	vst v0;
	s10 =	sshra.s32 s11, $0x2;
	s11 =	sadd.s32 $0x200, s11  }
0x2a: {  	[tilespmem:s10+$0x6C70] =	vst v0  }
0x2b: {  	[tilespmem:s10+$0x6C00] =	vst v0  }
0x2c: {  	[tilespmem:s10+$0x6C10] =	vst v0  }
0x2d: {  	[tilespmem:s10+$0x6C20] =	vst v0  }
0x2e: {  	[tilespmem:s10+$0x6C30] =	vst v0  }
0x2f: {  	[tilespmem:s10+$0x6C40] =	vst v0  }
0x30: {  	[tilespmem:s10+$0x6C50] =	vst v0  }
0x31: {  	[tilespmem:s10+$0x6C60] =	vst v0;
	s16 =	sadd.s32 $0x0, s5  }
0x32: {  	[spmem:s16] =	stream.linear.scatter [tilespmem:s18], [sflag:$0x7], $0x800, $0x38;
	[tilespmem:$0x1B400] =	vst v63  }
0x33: {  	s10 =	simm.s32 $0x2000;
	_ =	swait.ge [sflag:s19], $0x800  }
.LBB2_4:
0x34: {  	s11 =	sshra.s32 s10, $0x2;
	[sflag:s19] =	ssyncset.done $0x0;
	p0 =	sne.s32 s10, $0x4E000  }
.Ltmp1:
0x35: {  	s11 =	sadd.s32 s11, s5;
	[sflag:s19] =	ssyncadd.s32 $0xFFFFF800;
	(pc) =	sbr.rel @p0 .LBB2_4-.Ltmp1, $3  }
0x36: {  	[spmem:s11] =	stream.linear.scatter [tilespmem:s18], [sflag:$0x7], $0x800, $0x38;
	[tilespmem:$0x1B400] =	vst v63  }
0x37: {  	s10 =	sadd.s32 $0x2000, s10;
	_ =	sdelay $0x1  }
0x38: {  	_ =	swait.ge [sflag:s19], $0x800  }
0x39: {  	[sflag:s19] =	ssyncset.done $0x0  }
0x3a: {  	[sflag:s19] =	ssyncadd.s32 $0xFFFFF800  }
0x3b: {  	[bflag:$0x0] =	sbarrier.arrive $0xFFFF  }
0x3c: {  	s10 =	simm.s32 $0x0;
	s11 =	rddreg [dreg:$0xa]  }
0x3d: {  	[tilespmem:s10], [sflag:$0x3] =	stream.linear.gather [hbm4b:s11+s10], $0x80, $0x38;
	[tilespmem:$0x1B400] =	vst v63  }
0x3e: {  	s13 =	rddreg [dreg:$0xb]  }
0x3f: {  	[tilespmem:s20], [sflag:$0x3] =	stream.linear.gather [hbm4b:s13+s10], $0x80, $0x38;
	[tilespmem:$0x1B400] =	vst v63  }
0x40: {  	s15 =	rddreg [dreg:$0xc]  }
0x41: {  	[tilespmem:s21], [sflag:$0x4] =	stream.linear.gather [hbm4b:s15+s10], $0x80, $0x38;
	[tilespmem:$0x1B400] =	vst v63  }
0x42: {  	s16 =	rddreg [dreg:$0xd]  }
0x43: {  	[tilespmem:s22], [sflag:$0x4] =	stream.linear.gather [hbm4b:s16+s10], $0x80, $0x38;
	[tilespmem:$0x1B400] =	vst v63  }
0x44: {  	_ =	swait.ge [sflag:s23], $0x80  }
0x45: {  	[sflag:s23] =	ssyncset.done $0x0  }
0x46: {  	[sflag:s23] =	ssyncadd.s32 $0xFFFFFF80  }
0x47: {  	_ =	swait.ge [sflag:s23], $0x80  }
0x48: {  	[sflag:s23] =	ssyncset.done $0x0  }
0x49: {  	[sflag:s23] =	ssyncadd.s32 $0xFFFFFF80  }
0x4a: {  	[tilespmem:s25], [sflag:$0x1] =	stream.indirect.gather [hbm4b:s4+s24], $0x80, s10, s24, $0xb8;
	[tilespmem:$0x1B400] =	vst v63  }
0x4b: {  	_ =	swait.ge [sflag:s26], $0x80  }
0x4c: {  	[sflag:s26] =	ssyncset.done $0x0  }
0x4d: {  	[sflag:s26] =	ssyncadd.s32 $0xFFFFFF80  }
0x4e: {  	_ =	swait.ge [sflag:s26], $0x80  }
0x4f: {  	[sflag:s26] =	ssyncset.done $0x0  }
0x50: {  	s13 =	rddreg [dreg:$0x8];
	[sflag:s26] =	ssyncadd.s32 $0xFFFFFF80  }
0x51: {  	[tilespmem:s28], [sflag:$0x2] =	stream.indirect.gather [hbm4b:s4+s24], $0x80, s21, s24, $0xb8;
	[tilespmem:$0x1B400] =	vst v63  }
0x52: {  	s15 =	rddreg [dreg:$0x9];
	s10 =	sadd.s32 $0x0, s13  }
0x53: {  	[tilespmem:s29], [sflag:$0x5] =	stream.linear.gather [hbm4b:s10+s3], $0x80, $0x38;
	[tilespmem:$0x1B400] =	vst v63  }
0x54: {  	s16 =	sadd.s32 $0x0, s15  }
0x55: {  	[tilespmem:s30], [sflag:$0x5] =	stream.linear.gather [hbm4b:s16+s3], $0x80, $0x38;
	[tilespmem:$0x1B400] =	vst v63  }
0x56: {  	_ =	swait.ge [sflag:s31], $0x3200  }
0x57: {  	[sflag:s31] =	ssyncset.done $0x0  }
0x58: {  	[sflag:s31] =	ssyncadd.s32 $0xFFFFCE00  }
0x59: {  	_ =	swait.ge [sflag:s0], $0x80  }
0x5a: {  	[sflag:s0] =	ssyncset.done $0x0  }
0x5b: {  	[sflag:s0] =	ssyncadd.s32 $0xFFFFFF80  }
0x5c: {  	_ =	swait.ge [sflag:s0], $0x80  }
0x5d: {  	[sflag:s0] =	ssyncset.done $0x0  }
0x5e: {  	[sflag:s0] =	ssyncadd.s32 $0xFFFFFF80  }
0x5f: {  	[spmem:s1] =	stream.indirect.scatter.add.f32 [tilespmem:s25], [sflag:$0x7], $0x80, s20, s24, $0xb8;
	[tilespmem:$0x1B400] =	vst v63  }
0x60: {  	_ =	swait.ge [sflag:s19], $0x3200  }
0x61: {  	[sflag:s19] =	ssyncset.done $0x0  }
0x62: {  	s11 =	rddreg [dreg:$0x6];
	[sflag:s19] =	ssyncadd.s32 $0xFFFFCE00  }
0x63: {  	[tilespmem:s25], [sflag:$0x1] =	stream.indirect.gather [hbm4b:s4+s24], $0x80, s29, s24, $0xb8;
	[tilespmem:$0x1B400] =	vst v63  }
0x64: {  	s13 =	rddreg [dreg:$0x7];
	s10 =	sadd.s32 $0x0, s11  }
0x65: {  	[tilespmem:s2], [sflag:$0x6] =	stream.linear.gather [hbm4b:s10+s3], $0x80, $0x38;
	[tilespmem:$0x1B400] =	vst v63  }
0x66: {  	s15 =	sadd.s32 $0x0, s13  }
0x67: {  	[tilespmem:s6], [sflag:$0x6] =	stream.linear.gather [hbm4b:s15+s3], $0x80, $0x38;
	[tilespmem:$0x1B400] =	vst v63  }
0x68: {  	_ =	swait.ge [sflag:s7], $0x3200  }
0x69: {  	[sflag:s7] =	ssyncset.done $0x0  }
0x6a: {  	[sflag:s7] =	ssyncadd.s32 $0xFFFFCE00  }
0x6b: {  	_ =	swait.ge [sflag:s8], $0x80  }
0x6c: {  	[sflag:s8] =	ssyncset.done $0x0  }
0x6d: {  	[sflag:s8] =	ssyncadd.s32 $0xFFFFFF80  }
0x6e: {  	_ =	swait.ge [sflag:s8], $0x80  }
0x6f: {  	[sflag:s8] =	ssyncset.done $0x0  }
0x70: {  	[sflag:s8] =	ssyncadd.s32 $0xFFFFFF80  }
0x71: {  	[spmem:s1] =	stream.indirect.scatter.add.f32 [tilespmem:s28], [sflag:$0x7], $0x80, s22, s24, $0xb8;
	[tilespmem:$0x1B400] =	vst v63  }
0x72: {  	_ =	swait.ge [sflag:s19], $0x3200  }
0x73: {  	[sflag:s19] =	ssyncset.done $0x0  }
0x74: {  	[sflag:s19] =	ssyncadd.s32 $0xFFFFCE00  }
0x75: {  	[tilespmem:s28], [sflag:$0x2] =	stream.indirect.gather [hbm4b:s4+s24], $0x80, s2, s24, $0xb8;
	[tilespmem:$0x1B400] =	vst v63  }
0x76: {  	s16 =	sadd.s32 $0x0, s12  }
0x77: {  	[tilespmem:s3], [sflag:$0x3] =	stream.linear.gather [hbm4b:s16+s3], $0x80, $0x38;
	[tilespmem:$0x1B400] =	vst v63  }
0x78: {  	s11 =	sadd.s32 $0x0, s14  }
0x79: {  	[tilespmem:s20], [sflag:$0x3] =	stream.linear.gather [hbm4b:s11+s3], $0x80, $0x38;
	[tilespmem:$0x1B400] =	vst v63  }
0x7a: {  	_ =	swait.ge [sflag:s31], $0x3200  }
0x7b: {  	[sflag:s31] =	ssyncset.done $0x0  }
0x7c: {  	[sflag:s31] =	ssyncadd.s32 $0xFFFFCE00  }
0x7d: {  	_ =	swait.ge [sflag:s23], $0x80  }
0x7e: {  	[sflag:s23] =	ssyncset.done $0x0  }
0x7f: {  	[sflag:s23] =	ssyncadd.s32 $0xFFFFFF80  }
0x80: {  	_ =	swait.ge [sflag:s23], $0x80  }
0x81: {  	[sflag:s23] =	ssyncset.done $0x0  }
0x82: {  	[sflag:s23] =	ssyncadd.s32 $0xFFFFFF80  }
0x83: {  	[spmem:s1] =	stream.indirect.scatter.add.f32 [tilespmem:s25], [sflag:$0x7], $0x80, s30, s24, $0xb8;
	[tilespmem:$0x1B400] =	vst v63  }
0x84: {  	_ =	swait.ge [sflag:s19], $0x3200  }
0x85: {  	[sflag:s19] =	ssyncset.done $0x0  }
0x86: {  	s13 =	rddreg [dreg:$0x4];
	[sflag:s19] =	ssyncadd.s32 $0xFFFFCE00  }
0x87: {  	[tilespmem:s25], [sflag:$0x1] =	stream.indirect.gather [hbm4b:s4+s24], $0x80, s3, s24, $0xb8;
	[tilespmem:$0x1B400] =	vst v63  }
0x88: {  	s15 =	rddreg [dreg:$0x5];
	s10 =	sadd.s32 $0x0, s13  }
0x89: {  	[tilespmem:s21], [sflag:$0x4] =	stream.linear.gather [hbm4b:s10+s3], $0x80, $0x38;
	[tilespmem:$0x1B400] =	vst v63  }
0x8a: {  	s16 =	sadd.s32 $0x0, s15  }
0x8b: {  	[tilespmem:s22], [sflag:$0x4] =	stream.linear.gather [hbm4b:s16+s3], $0x80, $0x38;
	[tilespmem:$0x1B400] =	vst v63  }
0x8c: {  	_ =	swait.ge [sflag:s7], $0x3200  }
0x8d: {  	[sflag:s7] =	ssyncset.done $0x0  }
0x8e: {  	[sflag:s7] =	ssyncadd.s32 $0xFFFFCE00  }
0x8f: {  	_ =	swait.ge [sflag:s26], $0x80  }
0x90: {  	[sflag:s26] =	ssyncset.done $0x0  }
0x91: {  	[sflag:s26] =	ssyncadd.s32 $0xFFFFFF80  }
0x92: {  	_ =	swait.ge [sflag:s26], $0x80  }
0x93: {  	[sflag:s26] =	ssyncset.done $0x0  }
0x94: {  	[sflag:s26] =	ssyncadd.s32 $0xFFFFFF80  }
0x95: {  	[spmem:s1] =	stream.indirect.scatter.add.f32 [tilespmem:s28], [sflag:$0x7], $0x80, s6, s24, $0xb8;
	[tilespmem:$0x1B400] =	vst v63  }
0x96: {  	_ =	swait.ge [sflag:s19], $0x3200  }
0x97: {  	s11 =	simm.s32 $0x80;
	s15 =	rddreg [dreg:$0x8];
	[sflag:s19] =	ssyncset.done $0x0  }
0x98: {  	s10 =	simm.s32 $0x40;
	s16 =	rddreg [dreg:$0x9];
	[sflag:s19] =	ssyncadd.s32 $0xFFFFCE00  }
.LBB2_6:
0x99: {  	[tilespmem:s28], [sflag:$0x2] =	stream.indirect.gather [hbm4b:s4+s24], $0x80, s21, s24, $0xb8;
	[tilespmem:$0x1B400] =	vst v63  }
0x9a: {  	s15 =	sadd.s32 s10, s15  }
0x9b: {  	[tilespmem:s29], [sflag:$0x5] =	stream.linear.gather [hbm4b:s15+s3], $0x80, $0x38;
	[tilespmem:$0x1B400] =	vst v63  }
0x9c: {  	s16 =	sadd.s32 s10, s16  }
0x9d: {  	[tilespmem:s30], [sflag:$0x5] =	stream.linear.gather [hbm4b:s16+s3], $0x80, $0x38;
	[tilespmem:$0x1B400] =	vst v63  }
0x9e: {  	_ =	swait.ge [sflag:s31], $0x3200  }
0x9f: {  	[sflag:s31] =	ssyncset.done $0x0  }
0xa0: {  	[sflag:s31] =	ssyncadd.s32 $0xFFFFCE00  }
0xa1: {  	_ =	swait.ge [sflag:s0], $0x80  }
0xa2: {  	[sflag:s0] =	ssyncset.done $0x0  }
0xa3: {  	[sflag:s0] =	ssyncadd.s32 $0xFFFFFF80  }
0xa4: {  	_ =	swait.ge [sflag:s0], $0x80  }
0xa5: {  	[sflag:s0] =	ssyncset.done $0x0  }
0xa6: {  	[sflag:s0] =	ssyncadd.s32 $0xFFFFFF80  }
0xa7: {  	[spmem:s1] =	stream.indirect.scatter.add.f32 [tilespmem:s25], [sflag:$0x7], $0x80, s20, s24, $0xb8;
	[tilespmem:$0x1B400] =	vst v63  }
0xa8: {  	_ =	swait.ge [sflag:s19], $0x3200  }
0xa9: {  	[sflag:s19] =	ssyncset.done $0x0  }
0xaa: {  	s15 =	rddreg [dreg:$0x6];
	[sflag:s19] =	ssyncadd.s32 $0xFFFFCE00  }
0xab: {  	[tilespmem:s25], [sflag:$0x1] =	stream.indirect.gather [hbm4b:s4+s24], $0x80, s29, s24, $0xb8;
	[tilespmem:$0x1B400] =	vst v63  }
0xac: {  	s16 =	rddreg [dreg:$0x7];
	s15 =	sadd.s32 s10, s15  }
0xad: {  	[tilespmem:s2], [sflag:$0x6] =	stream.linear.gather [hbm4b:s15+s3], $0x80, $0x38;
	[tilespmem:$0x1B400] =	vst v63  }
0xae: {  	s16 =	sadd.s32 s10, s16  }
0xaf: {  	[tilespmem:s6], [sflag:$0x6] =	stream.linear.gather [hbm4b:s16+s3], $0x80, $0x38;
	[tilespmem:$0x1B400] =	vst v63  }
0xb0: {  	_ =	swait.ge [sflag:s7], $0x3200  }
0xb1: {  	[sflag:s7] =	ssyncset.done $0x0  }
0xb2: {  	[sflag:s7] =	ssyncadd.s32 $0xFFFFCE00  }
0xb3: {  	_ =	swait.ge [sflag:s8], $0x80  }
0xb4: {  	[sflag:s8] =	ssyncset.done $0x0  }
0xb5: {  	[sflag:s8] =	ssyncadd.s32 $0xFFFFFF80  }
0xb6: {  	_ =	swait.ge [sflag:s8], $0x80  }
0xb7: {  	[sflag:s8] =	ssyncset.done $0x0  }
0xb8: {  	[sflag:s8] =	ssyncadd.s32 $0xFFFFFF80  }
0xb9: {  	[spmem:s1] =	stream.indirect.scatter.add.f32 [tilespmem:s28], [sflag:$0x7], $0x80, s22, s24, $0xb8;
	[tilespmem:$0x1B400] =	vst v63  }
0xba: {  	_ =	swait.ge [sflag:s19], $0x3200  }
0xbb: {  	[sflag:s19] =	ssyncset.done $0x0  }
0xbc: {  	[sflag:s19] =	ssyncadd.s32 $0xFFFFCE00  }
0xbd: {  	[tilespmem:s28], [sflag:$0x2] =	stream.indirect.gather [hbm4b:s4+s24], $0x80, s2, s24, $0xb8;
	[tilespmem:$0x1B400] =	vst v63  }
0xbe: {  	s16 =	sadd.s32 s10, s12  }
0xbf: {  	[tilespmem:s3], [sflag:$0x3] =	stream.linear.gather [hbm4b:s16+s3], $0x80, $0x38;
	[tilespmem:$0x1B400] =	vst v63  }
0xc0: {  	s16 =	sadd.s32 s10, s14  }
0xc1: {  	[tilespmem:s20], [sflag:$0x3] =	stream.linear.gather [hbm4b:s16+s3], $0x80, $0x38;
	[tilespmem:$0x1B400] =	vst v63  }
0xc2: {  	_ =	swait.ge [sflag:s31], $0x3200  }
0xc3: {  	[sflag:s31] =	ssyncset.done $0x0  }
0xc4: {  	[sflag:s31] =	ssyncadd.s32 $0xFFFFCE00  }
0xc5: {  	_ =	swait.ge [sflag:s23], $0x80  }
0xc6: {  	[sflag:s23] =	ssyncset.done $0x0  }
0xc7: {  	[sflag:s23] =	ssyncadd.s32 $0xFFFFFF80  }
0xc8: {  	_ =	swait.ge [sflag:s23], $0x80  }
0xc9: {  	[sflag:s23] =	ssyncset.done $0x0  }
0xca: {  	[sflag:s23] =	ssyncadd.s32 $0xFFFFFF80  }
0xcb: {  	[spmem:s1] =	stream.indirect.scatter.add.f32 [tilespmem:s25], [sflag:$0x7], $0x80, s30, s24, $0xb8;
	[tilespmem:$0x1B400] =	vst v63  }
0xcc: {  	_ =	swait.ge [sflag:s19], $0x3200  }
0xcd: {  	[sflag:s19] =	ssyncset.done $0x0  }
0xce: {  	s15 =	rddreg [dreg:$0x4];
	[sflag:s19] =	ssyncadd.s32 $0xFFFFCE00  }
0xcf: {  	[tilespmem:s25], [sflag:$0x1] =	stream.indirect.gather [hbm4b:s4+s24], $0x80, s3, s24, $0xb8;
	[tilespmem:$0x1B400] =	vst v63  }
0xd0: {  	s16 =	rddreg [dreg:$0x5];
	s15 =	sadd.s32 s10, s15  }
0xd1: {  	[tilespmem:s21], [sflag:$0x4] =	stream.linear.gather [hbm4b:s15+s3], $0x80, $0x38;
	[tilespmem:$0x1B400] =	vst v63  }
0xd2: {  	s16 =	sadd.s32 s10, s16  }
0xd3: {  	[tilespmem:s22], [sflag:$0x4] =	stream.linear.gather [hbm4b:s16+s3], $0x80, $0x38;
	[tilespmem:$0x1B400] =	vst v63  }
0xd4: {  	_ =	swait.ge [sflag:s7], $0x3200  }
0xd5: {  	[sflag:s7] =	ssyncset.done $0x0  }
0xd6: {  	[sflag:s7] =	ssyncadd.s32 $0xFFFFCE00  }
0xd7: {  	_ =	swait.ge [sflag:s26], $0x80  }
0xd8: {  	[sflag:s26] =	ssyncset.done $0x0  }
0xd9: {  	[sflag:s26] =	ssyncadd.s32 $0xFFFFFF80  }
0xda: {  	_ =	swait.ge [sflag:s26], $0x80  }
0xdb: {  	p0 =	sne.s32 s11, $0x5C0;
	[sflag:s26] =	ssyncset.done $0x0  }
.Ltmp2:
0xdc: {  	[sflag:s26] =	ssyncadd.s32 $0xFFFFFF80;
	(pc) =	sbr.rel @p0 .LBB2_6-.Ltmp2, $4  }
0xdd: {  	[spmem:s1] =	stream.indirect.scatter.add.f32 [tilespmem:s28], [sflag:$0x7], $0x80, s6, s24, $0xb8;
	[tilespmem:$0x1B400] =	vst v63  }
0xde: {  	s13 =	smov.u32 s11;
	_ =	swait.ge [sflag:s19], $0x3200  }
0xdf: {  	s11 =	sadd.s32 $0x40, s11;
	s15 =	rddreg [dreg:$0x8];
	[sflag:s19] =	ssyncset.done $0x0  }
0xe0: {  	s10 =	smov.u32 s13;
	s16 =	rddreg [dreg:$0x9];
	[sflag:s19] =	ssyncadd.s32 $0xFFFFCE00  }
0xe1: {  	[tilespmem:s28], [sflag:$0x2] =	stream.indirect.gather [hbm4b:s4+s24], $0x80, s21, s24, $0xb8;
	[tilespmem:$0x1B400] =	vst v63  }
0xe2: {  	s11 =	sadd.s32 s10, s15  }
0xe3: {  	[tilespmem:s29], [sflag:$0x5] =	stream.linear.gather [hbm4b:s11+s3], $0x80, $0x38;
	[tilespmem:$0x1B400] =	vst v63  }
0xe4: {  	s15 =	sadd.s32 s10, s16  }
0xe5: {  	[tilespmem:s30], [sflag:$0x5] =	stream.linear.gather [hbm4b:s15+s3], $0x80, $0x38;
	[tilespmem:$0x1B400] =	vst v63  }
0xe6: {  	_ =	swait.ge [sflag:s31], $0x3200  }
0xe7: {  	[sflag:s31] =	ssyncset.done $0x0  }
0xe8: {  	[sflag:s31] =	ssyncadd.s32 $0xFFFFCE00  }
0xe9: {  	_ =	swait.ge [sflag:s0], $0x80  }
0xea: {  	[sflag:s0] =	ssyncset.done $0x0  }
0xeb: {  	[sflag:s0] =	ssyncadd.s32 $0xFFFFFF80  }
0xec: {  	_ =	swait.ge [sflag:s0], $0x80  }
0xed: {  	[sflag:s0] =	ssyncset.done $0x0  }
0xee: {  	[sflag:s0] =	ssyncadd.s32 $0xFFFFFF80  }
0xef: {  	[spmem:s1] =	stream.indirect.scatter.add.f32 [tilespmem:s25], [sflag:$0x7], $0x80, s20, s24, $0xb8;
	[tilespmem:$0x1B400] =	vst v63  }
0xf0: {  	_ =	swait.ge [sflag:s19], $0x3200  }
0xf1: {  	[sflag:s19] =	ssyncset.done $0x0  }
0xf2: {  	s16 =	rddreg [dreg:$0x6];
	[sflag:s19] =	ssyncadd.s32 $0xFFFFCE00  }
0xf3: {  	[tilespmem:s25], [sflag:$0x1] =	stream.indirect.gather [hbm4b:s4+s24], $0x80, s29, s24, $0xb8;
	[tilespmem:$0x1B400] =	vst v63  }
0xf4: {  	s13 =	rddreg [dreg:$0x7];
	s11 =	sadd.s32 s10, s16  }
0xf5: {  	[tilespmem:s2], [sflag:$0x6] =	stream.linear.gather [hbm4b:s11+s3], $0x80, $0x38;
	[tilespmem:$0x1B400] =	vst v63  }
0xf6: {  	s15 =	sadd.s32 s10, s13  }
0xf7: {  	[tilespmem:s6], [sflag:$0x6] =	stream.linear.gather [hbm4b:s15+s3], $0x80, $0x38;
	[tilespmem:$0x1B400] =	vst v63  }
0xf8: {  	_ =	swait.ge [sflag:s7], $0x3200  }
0xf9: {  	[sflag:s7] =	ssyncset.done $0x0  }
0xfa: {  	[sflag:s7] =	ssyncadd.s32 $0xFFFFCE00  }
0xfb: {  	_ =	swait.ge [sflag:s8], $0x80  }
0xfc: {  	[sflag:s8] =	ssyncset.done $0x0  }
0xfd: {  	[sflag:s8] =	ssyncadd.s32 $0xFFFFFF80  }
0xfe: {  	_ =	swait.ge [sflag:s8], $0x80  }
0xff: {  	[sflag:s8] =	ssyncset.done $0x0  }
0x100: {  	[sflag:s8] =	ssyncadd.s32 $0xFFFFFF80  }
0x101: {  	[spmem:s1] =	stream.indirect.scatter.add.f32 [tilespmem:s28], [sflag:$0x7], $0x80, s22, s24, $0xb8;
	[tilespmem:$0x1B400] =	vst v63  }
0x102: {  	_ =	swait.ge [sflag:s19], $0x3200  }
0x103: {  	[sflag:s19] =	ssyncset.done $0x0  }
0x104: {  	[sflag:s19] =	ssyncadd.s32 $0xFFFFCE00  }
0x105: {  	[tilespmem:s28], [sflag:$0x2] =	stream.indirect.gather [hbm4b:s4+s24], $0x80, s2, s24, $0xb8;
	[tilespmem:$0x1B400] =	vst v63  }
0x106: {  	s16 =	sadd.s32 s10, s12  }
0x107: {  	[tilespmem:s3], [sflag:$0x3] =	stream.linear.gather [hbm4b:s16+s3], $0x80, $0x38;
	[tilespmem:$0x1B400] =	vst v63  }
0x108: {  	s13 =	sadd.s32 s10, s14  }
0x109: {  	[tilespmem:s20], [sflag:$0x3] =	stream.linear.gather [hbm4b:s13+s3], $0x80, $0x38;
	[tilespmem:$0x1B400] =	vst v63  }
0x10a: {  	_ =	swait.ge [sflag:s31], $0x3200  }
0x10b: {  	[sflag:s31] =	ssyncset.done $0x0  }
0x10c: {  	[sflag:s31] =	ssyncadd.s32 $0xFFFFCE00  }
0x10d: {  	_ =	swait.ge [sflag:s23], $0x80  }
0x10e: {  	[sflag:s23] =	ssyncset.done $0x0  }
0x10f: {  	[sflag:s23] =	ssyncadd.s32 $0xFFFFFF80  }
0x110: {  	_ =	swait.ge [sflag:s23], $0x80  }
0x111: {  	[sflag:s23] =	ssyncset.done $0x0  }
0x112: {  	[sflag:s23] =	ssyncadd.s32 $0xFFFFFF80  }
0x113: {  	[spmem:s1] =	stream.indirect.scatter.add.f32 [tilespmem:s25], [sflag:$0x7], $0x80, s30, s24, $0xb8;
	[tilespmem:$0x1B400] =	vst v63  }
0x114: {  	_ =	swait.ge [sflag:s19], $0x3200  }
0x115: {  	[sflag:s19] =	ssyncset.done $0x0  }
0x116: {  	s15 =	rddreg [dreg:$0x4];
	[sflag:s19] =	ssyncadd.s32 $0xFFFFCE00  }
0x117: {  	[tilespmem:s25], [sflag:$0x1] =	stream.indirect.gather [hbm4b:s4+s24], $0x80, s3, s24, $0xb8;
	[tilespmem:$0x1B400] =	vst v63  }
0x118: {  	s16 =	rddreg [dreg:$0x5];
	s11 =	sadd.s32 s10, s15  }
0x119: {  	[tilespmem:s21], [sflag:$0x4] =	stream.linear.gather [hbm4b:s11+s3], $0x80, $0x38;
	[tilespmem:$0x1B400] =	vst v63  }
0x11a: {  	s11 =	sadd.s32 s10, s16  }
0x11b: {  	[tilespmem:s22], [sflag:$0x4] =	stream.linear.gather [hbm4b:s11+s3], $0x80, $0x38;
	[tilespmem:$0x1B400] =	vst v63  }
0x11c: {  	_ =	swait.ge [sflag:s7], $0x3200  }
0x11d: {  	[sflag:s7] =	ssyncset.done $0x0  }
0x11e: {  	[sflag:s7] =	ssyncadd.s32 $0xFFFFCE00  }
0x11f: {  	_ =	swait.ge [sflag:s26], $0x80  }
0x120: {  	[sflag:s26] =	ssyncset.done $0x0  }
0x121: {  	[sflag:s26] =	ssyncadd.s32 $0xFFFFFF80  }
0x122: {  	_ =	swait.ge [sflag:s26], $0x80  }
0x123: {  	[sflag:s26] =	ssyncset.done $0x0  }
0x124: {  	[sflag:s26] =	ssyncadd.s32 $0xFFFFFF80  }
0x125: {  	[spmem:s1] =	stream.indirect.scatter.add.f32 [tilespmem:s28], [sflag:$0x7], $0x80, s6, s24, $0xb8;
	[tilespmem:$0x1B400] =	vst v63  }
0x126: {  	_ =	swait.ge [sflag:s19], $0x3200  }
0x127: {  	[sflag:s19] =	ssyncset.done $0x0  }
0x128: {  	[sflag:s19] =	ssyncadd.s32 $0xFFFFCE00  }
0x129: {  	[tilespmem:s28], [sflag:$0x2] =	stream.indirect.gather [hbm4b:s4+s24], $0x80, s21, s24, $0xb8;
	[tilespmem:$0x1B400] =	vst v63  }
0x12a: {  	s13 =	rddreg [dreg:$0xe]  }
0x12b: {  	[tilespmem:s29], [sflag:$0x5] =	stream.linear.gather [hbm4b:s13+s3], $0x80, $0x38;
	[tilespmem:$0x1B400] =	vst v63  }
0x12c: {  	s15 =	rddreg [dreg:$0xf]  }
0x12d: {  	[tilespmem:s30], [sflag:$0x5] =	stream.linear.gather [hbm4b:s15+s3], $0x80, $0x38;
	[tilespmem:$0x1B400] =	vst v63  }
0x12e: {  	_ =	swait.ge [sflag:s31], $0x3200  }
0x12f: {  	[sflag:s31] =	ssyncset.done $0x0  }
0x130: {  	[sflag:s31] =	ssyncadd.s32 $0xFFFFCE00  }
0x131: {  	_ =	swait.ge [sflag:s0], $0x80  }
0x132: {  	[sflag:s0] =	ssyncset.done $0x0  }
0x133: {  	[sflag:s0] =	ssyncadd.s32 $0xFFFFFF80  }
0x134: {  	_ =	swait.ge [sflag:s0], $0x80  }
0x135: {  	[sflag:s0] =	ssyncset.done $0x0  }
0x136: {  	[sflag:s0] =	ssyncadd.s32 $0xFFFFFF80  }
0x137: {  	[spmem:s1] =	stream.indirect.scatter.add.f32 [tilespmem:s25], [sflag:$0x7], $0x80, s20, s24, $0xb8;
	[tilespmem:$0x1B400] =	vst v63  }
0x138: {  	_ =	swait.ge [sflag:s19], $0x3200  }
0x139: {  	[sflag:s19] =	ssyncset.done $0x0  }
0x13a: {  	[sflag:s19] =	ssyncadd.s32 $0xFFFFCE00  }
0x13b: {  	[tilespmem:s25], [sflag:$0x1] =	stream.indirect.gather [hbm4b:s4+s24], $0x80, s29, s24, $0xb8;
	[tilespmem:$0x1B400] =	vst v63  }
0x13c: {  	s16 =	rddreg [dreg:$0x10]  }
0x13d: {  	[tilespmem:s2], [sflag:$0x6] =	stream.linear.gather [hbm4b:s16+s3], $0x80, $0x38;
	[tilespmem:$0x1B400] =	vst v63  }
0x13e: {  	s11 =	rddreg [dreg:$0x11]  }
0x13f: {  	[tilespmem:s6], [sflag:$0x6] =	stream.linear.gather [hbm4b:s11+s3], $0x80, $0x38;
	[tilespmem:$0x1B400] =	vst v63  }
0x140: {  	_ =	swait.ge [sflag:s7], $0x3200  }
0x141: {  	[sflag:s7] =	ssyncset.done $0x0  }
0x142: {  	[sflag:s7] =	ssyncadd.s32 $0xFFFFCE00  }
0x143: {  	_ =	swait.ge [sflag:s8], $0x80  }
0x144: {  	[sflag:s8] =	ssyncset.done $0x0  }
0x145: {  	[sflag:s8] =	ssyncadd.s32 $0xFFFFFF80  }
0x146: {  	_ =	swait.ge [sflag:s8], $0x80  }
0x147: {  	[sflag:s8] =	ssyncset.done $0x0  }
0x148: {  	[sflag:s8] =	ssyncadd.s32 $0xFFFFFF80  }
0x149: {  	[spmem:s1] =	stream.indirect.scatter.add.f32 [tilespmem:s28], [sflag:$0x7], $0x80, s22, s24, $0xb8;
	[tilespmem:$0x1B400] =	vst v63  }
0x14a: {  	_ =	swait.ge [sflag:s19], $0x3200  }
0x14b: {  	[sflag:s19] =	ssyncset.done $0x0  }
0x14c: {  	[sflag:s19] =	ssyncadd.s32 $0xFFFFCE00  }
0x14d: {  	[tilespmem:s28], [sflag:$0x2] =	stream.indirect.gather [hbm4b:s4+s24], $0x80, s2, s24, $0xb8;
	[tilespmem:$0x1B400] =	vst v63  }
0x14e: {  	_ =	swait.ge [sflag:s31], $0x3200  }
0x14f: {  	[sflag:s31] =	ssyncset.done $0x0  }
0x150: {  	[sflag:s31] =	ssyncadd.s32 $0xFFFFCE00  }
0x151: {  	[spmem:s1] =	stream.indirect.scatter.add.f32 [tilespmem:s25], [sflag:$0x7], $0x80, s30, s24, $0xb8;
	[tilespmem:$0x1B400] =	vst v63  }
0x152: {  	_ =	swait.ge [sflag:s19], $0x3200  }
0x153: {  	[sflag:s19] =	ssyncset.done $0x0  }
0x154: {  	[sflag:s19] =	ssyncadd.s32 $0xFFFFCE00  }
0x155: {  	_ =	swait.ge [sflag:s7], $0x3200  }
0x156: {  	[sflag:s7] =	ssyncset.done $0x0  }
0x157: {  	[sflag:s7] =	ssyncadd.s32 $0xFFFFCE00  }
0x158: {  	[spmem:s1] =	stream.indirect.scatter.add.f32 [tilespmem:s28], [sflag:$0x7], $0x80, s6, s24, $0xb8;
	[tilespmem:$0x1B400] =	vst v63  }
0x159: {  	_ =	swait.ge [sflag:s19], $0x3200  }
0x15a: {  	s13 =	stileid.u32;
	[sflag:s19] =	ssyncset.done $0x0  }
0x15b: {  	s9 =	sadd.s32 $0x1, s9;
	s10 =	sshll.u32 s13, $0x6;
	[sflag:s19] =	ssyncadd.s32 $0xFFFFCE00  }
0x15c: {  	p0 =	sne.s32 s9, s17;
	s10 =	sor.u32 $0x1C07, s10;
	[bflag:$0x0] =	sbarrier.arrive $0xFFFF  }
.Ltmp3:
0x15d: {  	s15 =	sshrl.u32 s5, $0x3;
	s16 =	rddreg [dreg:$0x12];
	(pc) =	sbr.rel @p0 .LBB2_1-.Ltmp3, $4  }
0x15e: {  	[hbm:s16], [sflag:s10] =	dma.local [spmem:s15], $0x2800  }
0x15f: {  	_ =	swait.ge [sflag:s19], $0x2800  }
0x160: {  	[sflag:s19] =	ssyncset.done $0x0  }
0x161: {  	[sflag:s19] =	ssyncadd.s32 $0xFFFFD800  }
0x162: {  	_ =	sfence.sel $0x180000  }
0x163: {  	[bflag:$0x0] =	sbarrier.arrive $0xFFFF  }
0x164: {  	_ =	strace $0x9000004A  }
0x165: {  	s0 =	stileid.u32;
	[bflag:$0x2] =	sbarrier.arrive $0xFFFF  }
0x166: {  	p0 =	sne.s32 s0, $0x0;
	s0 =	rddreg [dreg:$0x3]  }
0x167: {  	s0 =	sadd.s32 @!p0 $0x100000, s0  }
0x168: {  	[sflag:s0] =	ssyncadd.tile.s32 @!p0 $0x1;
	_ =	shalt  }
.Lfunc_end2:
_tile_overlayer_lowered:
.L_overlay_start_2:
0x169: {  	(tag) =	ssettag $0x2  }
0x16a: {  	s0 =	rddreg [dreg:$0x0];
	s2 =	stileid.u32  }
0x16b: {  	s1 =	rddreg [dreg:$0x1];
	p0 =	sne.s32 s2, $0x0  }
0x16c: {  	s3 =	rddreg [dreg:$0x2];
	[bflag:$0x3] =	sbarrier.arrive $0xFFFF;
	s2 =	simm.s32 @!p0 $0x1C07  }
0x16d: {  	[timem:s3], [sflag:s2] =	dma.local @!p0 [hbm:s0], s1  }
0x16e: {  	s0 =	simm.s32 @!p0 $0x7  }
0x16f: {  	_ =	swait.ge @!p0 [sflag:s0], s1  }
0x170: {  	s1 =	ssub.s32 @!p0 $0x0, s1;
	[sflag:s0] =	ssyncset.done @!p0 $0x0  }
0x171: {  	[sflag:s0] =	ssyncadd.s32 @!p0 s1  }
0x172: {  	[bflag:$0x3] =	sbarrier.arrive $0xFFFF  }
0x173: {  	_ =	shalt  }

// kernel: kernel.16.cloned.1.call-start
scs
__scs_entry_jumppad:
0x0: {  	(pc) =	sbr.rel $0x88, $3  }
0x1: {  	(tag) =	ssettag $0x0;
	lr =	simm.s32 $0x1  }
0x2: {  	[smem:$0x3F99] =	sst lr;
	_ =	strace $0xD0000000  }
0x3: {  	_ = 	snop  }
0x4: {  	_ = 	snop  }
0x5: {  	_ = 	snop  }
0x6: {  	_ = 	snop  }
0x7: {  	_ = 	snop  }
__scs_overlays_trampoline_lowered:
0x8: {  	[smem:$0x3FA8] =	sst s0  }
0x9: {  	[smem:$0x3FA9] =	sst s1  }
0xa: {  	[smem:$0x3FAA] =	sst s2  }
0xb: {  	[smem:$0x3FAB] =	sst s3  }
0xc: {  	[smem:$0x3FAC] =	sst s4  }
0xd: {  	[smem:$0x3FAD] =	sst s5  }
0xe: {  	[smem:$0x3FAE] =	sst s6  }
0xf: {  	[smem:$0x3FAF] =	sst s7  }
0x10: {  	[smem:$0x3FB0] =	sst s8  }
0x11: {  	[smem:$0x3FB1] =	sst s9;
	s0 =	simm.s32 @!p0 $0x0  }
0x12: {  	s1 =	sld [smem:$0x3F97];
	s0 =	simm.s32 @p0 $0x1  }
0x13: {  	[smem:$0x3FB2] =	sst s0;
	s0 =	simm.s32 @!p1 $0x0  }
0x14: {  	s2 =	sld [smem:$0x3F96];
	s0 =	simm.s32 @p1 $0x1  }
0x15: {  	[smem:$0x3FB3] =	sst s0;
	s0 =	simm.s32 @!p2 $0x0  }
0x16: {  	s3 =	sld [smem:$0x3FDB];
	s0 =	simm.s32 @p2 $0x1  }
0x17: {  	s4 =	simm.s32 $0x1BF5;
	[smem:$0x3FB5] =	sst s0  }
0x18: {  	s0 =	sld [smem:$0x3F98];
	_ =	swait.ge [sflag:s4], $0x0  }
0x19: {  	s7 =	sld [smem:$0x3F99]  }
0x1a: {  	s8 =	sadd.s32 $0xFFFFE003, lr  }
0x1b: {  	s9 =	sadd.s32 $0xFFFFFEF7, lr;
	s5 =	simm.s32 $0xFFFFFFFF;
	p2 =	slt.u32 s8, $0xFFFFF086  }
0x1c: {  	p1 =	slt.u32 s9, $0xF7A;
	s5 =	simm.s32 @!p2 $0x0  }
0x1d: {  	s5 =	simm.s32 @p1 $0x1;
	p0 =	seq.s32 s7, s2  }
0x1e: {  	s7 =	smul.u32 @!p0 $0xF7A, s2;
	p2 =	seq.s32 @!p0 s5, $0x0  }
0x1f: {  	s9 =	smul.u32 $0xF7A, s1;
	s8 =	simm.s32 @!p0 $0x1BF5;
	p2 =	por !p2, p0  }
0x20: {  	[sflag:s8] =	ssyncset.s32 @!p0 $0xFFFFF086;
	s6 =	sadd.s32 @!p0 s3, s7;
	s7 =	simm.s32 @!p0 $0x108  }
0x21: {  	s3 =	sadd.s32 s3, s9;
	s6 =	sadd.s32 @!p0 $0x88, s6;
	s7 =	simm.s32 @p2 $0x1082  }
0x22: {  	[simem:s7], [sflag:s8] =	dma.local @!p0 [hbm:s6], $0xF7A  }
0x23: {  	s9 =	sor.u32 $0xD0000000, s2;
	s6 =	simm.s32 $0x108;
	_ =	swait.ge @!p0 [sflag:s8], $0x0  }
0x24: {  	s3 =	sadd.s32 $0x88, s3;
	s6 =	simm.s32 @!p1 $0x1082;
	[sflag:s4] =	ssyncset.s32 $0xFFFFF086  }
0x25: {  	[simem:s6], [sflag:s4] =	dma.local [hbm:s3], $0xF7A  }
0x26: {  	[smem:$0x3F99] =	sst s1;
	(tag) =	ssettag s2;
	_ =	strace s9  }
0x27: {  	s1 =	sld [smem:$0x3FA9]  }
0x28: {  	s2 =	sld [smem:$0x3FAA]  }
0x29: {  	s4 =	sld [smem:$0x3FAC]  }
0x2a: {  	p0 =	seq.s32 s5, $0x0;
	s5 =	sld [smem:$0x3FAD]  }
0x2b: {  	s6 =	sld [smem:$0x3FAE]  }
0x2c: {  	s7 =	sld [smem:$0x3FAF]  }
0x2d: {  	s3 =	simm.s32 $0x108;
	s8 =	sld [smem:$0x3FB0]  }
0x2e: {  	s3 =	simm.s32 @!p0 $0x1082;
	s9 =	sld [smem:$0x3FB1]  }
0x2f: {  	lr =	sadd.s32 s0, s3;
	s0 =	sld [smem:$0x3FA8]  }
0x30: {  	s3 =	sld [smem:$0x3FAB]  }
0x31: {  	[smem:$0x3FB4] =	sst s10  }
0x32: {  	s10 =	sld [smem:$0x3FB2];
	_ =	sdelay $0x3  }
0x33: {  	p0 =	seq.s32 s10, $0x1;
	s10 =	sld [smem:$0x3FB4];
	_ =	sdelay $0x3  }
0x34: {  	[smem:$0x3FB4] =	sst s10  }
0x35: {  	s10 =	sld [smem:$0x3FB3];
	_ =	sdelay $0x3  }
0x36: {  	p1 =	seq.s32 s10, $0x1;
	s10 =	sld [smem:$0x3FB4];
	_ =	sdelay $0x3  }
0x37: {  	[smem:$0x3FB4] =	sst s10  }
0x38: {  	s10 =	sld [smem:$0x3FB5]  }
0x39: {  	_ = 	snop;
	(pc) =	sbr.ind lr, $3  }
0x3a: {  	_ = 	snop  }
0x3b: {  	_ = 	snop  }
0x3c: {  	p2 =	seq.s32 s10, $0x1;
	s10 =	sld [smem:$0x3FB4]  }
0x3d: {  	_ =	shalt  }
0x3e: {  	_ =	shalt  }
0x3f: {  	_ =	shalt  }
0x40: {  	_ =	shalt  }
0x41: {  	_ =	shalt  }
0x42: {  	_ =	shalt  }
0x43: {  	_ =	shalt  }
0x44: {  	_ =	shalt  }
0x45: {  	_ =	shalt  }
0x46: {  	_ =	shalt  }
0x47: {  	_ =	shalt  }
0x48: {  	_ =	shalt  }
0x49: {  	_ =	shalt  }
0x4a: {  	_ =	shalt  }
0x4b: {  	_ =	shalt  }
0x4c: {  	_ =	shalt  }
0x4d: {  	_ =	shalt  }
0x4e: {  	_ =	shalt  }
0x4f: {  	_ =	shalt  }
0x50: {  	_ =	shalt  }
0x51: {  	_ =	shalt  }
0x52: {  	_ =	shalt  }
0x53: {  	_ =	shalt  }
0x54: {  	_ =	shalt  }
0x55: {  	_ =	shalt  }
0x56: {  	_ =	shalt  }
0x57: {  	_ =	shalt  }
0x58: {  	_ =	shalt  }
0x59: {  	_ =	shalt  }
0x5a: {  	_ =	shalt  }
0x5b: {  	_ =	shalt  }
0x5c: {  	_ =	shalt  }
0x5d: {  	_ =	shalt  }
0x5e: {  	_ =	shalt  }
0x5f: {  	_ =	shalt  }
0x60: {  	_ =	shalt  }
0x61: {  	_ =	shalt  }
0x62: {  	_ =	shalt  }
0x63: {  	_ =	shalt  }
0x64: {  	_ =	shalt  }
0x65: {  	_ =	shalt  }
0x66: {  	_ =	shalt  }
0x67: {  	_ =	shalt  }
0x68: {  	_ =	shalt  }
0x69: {  	_ =	shalt  }
0x6a: {  	_ =	shalt  }
0x6b: {  	_ =	shalt  }
0x6c: {  	_ =	shalt  }
0x6d: {  	_ =	shalt  }
0x6e: {  	_ =	shalt  }
0x6f: {  	_ =	shalt  }
0x70: {  	_ =	shalt  }
0x71: {  	_ =	shalt  }
0x72: {  	_ =	shalt  }
0x73: {  	_ =	shalt  }
0x74: {  	_ =	shalt  }
0x75: {  	_ =	shalt  }
0x76: {  	_ =	shalt  }
0x77: {  	_ =	shalt  }
0x78: {  	_ =	shalt  }
0x79: {  	_ =	shalt  }
0x7a: {  	_ =	shalt  }
0x7b: {  	_ =	shalt  }
0x7c: {  	_ =	shalt  }
0x7d: {  	_ =	shalt  }
0x7e: {  	_ =	shalt  }
0x7f: {  	_ =	shalt  }
0x80: {  	_ =	shalt  }
0x81: {  	_ =	shalt  }
0x82: {  	_ =	shalt  }
0x83: {  	_ =	shalt  }
0x84: {  	_ =	shalt  }
0x85: {  	_ =	shalt  }
0x86: {  	_ =	shalt  }
0x87: {  	_ =	shalt  }
.Lfunc_end0:
.L_simem_size_0:
called_computation.2_lowered:
.L_overlay_start_0:
0x88: {  	s2 =	sld [smem:$0x3FD9]  }
0x89: {  	s3 =	sld [smem:$0x3FFE];
	_ =	sdelay $0x1  }
0x8a: {  	s1 =	srdreg.scid  }
0x8b: {  	s0 =	sand.u32 $0x1, s1  }
0x8c: {  	s17 =	sshll.u32 s0, $0xA;
	s2 =	sadd.s32 s3, s2  }
0x8d: {  	s2 =	sadd.s32 s2, s17  }
0x8e: {  	[smem:$0x3FC0] =	sst s2  }
0x8f: {  	_ = 	snop  }
0x90: {  	s2 =	sld [smem:$0x3FD0];
	(tm) =	ssettm $0x1  }
0x91: {  	s18 =	sld [smem:$0x3FFB];
	_ =	sdelay $0x3  }
0x92: {  	_ =	strace s18  }
0x93: {  	s3 =	sld [smem:$0x3FFC];
	_ =	sdelay $0x3  }
0x94: {  	_ =	strace s3  }
0x95: {  	s3 =	sld [smem:$0x3FFD];
	_ =	sdelay $0x3  }
0x96: {  	_ =	strace s3  }
0x97: {  	_ =	strace $0x8FFFFFFF  }
0x98: {  	s19 =	sld [smem:$0x3FDB];
	_ =	sdelay $0x1  }
0x99: {  	s4 =	simm.s32 $_scs_section_size  }
0x9a: {  	s5 =	simm.s32 $_size__tile_overlayer_lowered;
	s6 =	simm.s32 $_tile_overlayer_lowered  }
0x9b: {  	s22 =	simm.s32 $0x1BFF;
	s21 =	sshll.u32 s6, $0x1;
	s3 =	sadd.s32 s4, s19  }
0x9c: {  	s7 =	simm.s32 $0x0;
	s20 =	sshll.u32 s5, $0x1;
	s5 =	sadd.s32 s21, s3  }
0x9d: {  	[timem:s7], [sflag:s22] =	dma.local [hbm:s5], s20  }
0x9e: {  	_ =	swait.ge [sflag:s22], s20  }
0x9f: {  	s4 =	ssub.s32 $0x0, s20;
	[sflag:s22] =	ssyncset.done $0x0  }
0xa0: {  	[sflag:s22] =	ssyncadd.s32 s4;
	_ =	sdelay $0x1  }
0xa1: {  	s23 =	simm.s32 $0x1B8B  }
0xa2: {  	_ =	swait.ge [sflag:s23], $0x1  }
0xa3: {  	[sflag:s23] =	ssyncset.done $0x0  }
0xa4: {  	s25 =	simm.s32 $0x1B8E;
	s24 =	sld [smem:$0x3FFE];
	[sflag:s23] =	ssyncadd.s32 $0xFFFFFFFF  }
0xa5: {  	s26 =	simm.s32 $execute0_lowered;
	[smem:$0x3FD2] =	sst s25  }
0xa6: {  	s5 =	sshll.u32 s26, $0x1;
	_ =	strace $0x8000004C;
	[dreg:$0x1] =	wrdreg $0xFFFFFFFF  }
0xa7: {  	s28 =	simm.s32 $_size_execute0_lowered;
	s3 =	sadd.s32 s3, s5;
	[dreg:$0x0] =	wrdreg $0x0  }
0xa8: {  	s5 =	sshll.u32 s28, $0x1;
	[dreg:$0x2] =	wrdreg s3  }
0xa9: {  	[dreg:$0x3] =	wrdreg s5  }
0xaa: {  	[dreg:$0x4] =	wrdreg $0xC0  }
0xab: {  	_ =	task [dreg:s7], $0x5FFFF  }
0xac: {  	[dreg:$0x1] =	wrdreg $0xFFFFFFFF  }
0xad: {  	[dreg:$0x0] =	wrdreg $0x60  }
0xae: {  	[dreg:$0x2] =	wrdreg s24  }
0xaf: {  	[dreg:$0x3] =	wrdreg s2  }
0xb0: {  	[dreg:$0x4] =	wrdreg $0x74000  }
0xb1: {  	[dreg:$0x5] =	wrdreg $0x9  }
0xb2: {  	_ =	task.clear_ibuf [dreg:s7], $0x6FFFF;
	_ =	strace $0x9000004C  }
0xb3: {  	s29 =	simm.s32 $0x9;
	_ =	strace $0x8000004E  }
0xb4: {  	_ =	swait.ge [sflag:s29], $0x1  }
0xb5: {  	[sflag:s29] =	ssyncadd.s32 $0xFFFFFFFF  }
0xb6: {  	_ =	strace $0x9000004E  }
0xb7: {  	_ =	sfence  }
0xb8: {  	s30 =	sld [smem:$0x0];
	_ =	sdelay $0x2  }
0xb9: {  	s31 =	sshll.u32 s1, $0xD;
	s1 =	sshrl.u32 s1, $0x2  }
0xba: {  	s3 =	sand.u32 $0x4000, s31;
	s1 =	sadd.s32 s1, s30  }
0xbb: {  	s0 =	sor.u32 s3, s0;
	s1 =	sshll.u32 s1, $0x11  }
0xbc: {  	s0 =	sor.u32 s1, s0  }
0xbd: {  	s0 =	sadd.s32 $0x8F2B, s0  }
0xbe: {  	[sflag:s0] =	ssyncadd.remote.s32 $0x1  }
0xbf: {  	_ =	sfence.sel $0xFFFF  }
0xc0: {  	[dreg:$0x0] =	wrdreg $0xFFFFFFFF;
	(pc) =	sbr.abs _section_cstart, $3  }
0xc1: {  	[dreg:$0x1] =	wrdreg $0xFFFFFFFF  }
0xc2: {  	_ =	task.clear_ibuf [dreg:s7], $0x2FFFF;
	_ =	strace $0x9FFFFFFF  }
0xc3: {  	(tm) =	ssettm $0x7FFFFFFF  }
tec
execute0_lowered:
.L_overlay_start_1:
0x0: {  	(tag) =	ssettag $0x1  }
0x1: {  	s0 =	rddreg [dreg:$0x0]  }
0x2: {  	s2 =	rddreg [dreg:$0x1]  }
0x3: {  	s1 =	rddreg [dreg:$0x2]  }
0x4: {  	s3 =	srdreg.scid;
	s12 =	stileid.u32  }
0x5: {  	s28 =	simm.s32 $0x3800;
	s29 =	simm.s32 $0x100;
	s7 =	smul.u32 $0x2800, s12  }
0x6: {  	s30 =	simm.s32 $0x300;
	s31 =	simm.s32 $0x1;
	s9 =	smul.u32 $0x50000, s12  }
0x7: {  	s5 =	sand.u32 $0x1, s3;
	s4 =	sshll.u32 s12, $0x1;
	s12 =	smul.u32 $0xC8, s12  }
0x8: {  	s3 =	simm.s32 $0x0;
	s10 =	sadd.s32 $0x5D000, s0;
	s6 =	smul.u32 $0x28000, s5  }
0x9: {  	[smem:$0x7FF] =	sst s3;
	s8 =	sor.u32 s5, s4;
	s13 =	smul.u32 $0x64, s5  }
0xa: {  	s4 =	sadd.s32 $0x69800, s0;
	s25 =	ssub.s32 $0x2, s5;
	s11 =	smul.u32 $0x640, s8  }
0xb: {  	_ =	strace $0x8000004D;
	s8 =	smul.u32 $0x3200, s8;
	s9 =	sshrl.u32 s9, $0x2  }
0xc: {  	s26 =	sshrl.u32 s25, $0x1;
	s6 =	sadd.s32 s7, s6;
	s5 =	sadd.s32 s9, s1  }
0xd: {  	s9 =	sadd.s32 s13, s12;
	s0 =	sadd.s32 s6, s0;
	s6 =	ssub.s32 s25, s26  }
0xe: {  	s14 =	sadd.s32 s2, s11;
	s15 =	sadd.s32 s10, s11;
	s16 =	sor.u32 $0x10, s11  }
0xf: {  	s8 =	sshrl.u32 s8, $0x3;
	s9 =	sshll.u32 s9, $0x4;
	[dreg:$0xa] =	wrdreg s14  }
0x10: {  	[dreg:$0xb] =	wrdreg s15;
	s11 =	sadd.s32 s2, s16;
	s17 =	sadd.s32 $0x620, s8  }
0x11: {  	s7 =	sadd.s32 s10, s16;
	s19 =	sadd.s32 $0x40, s9;
	s8 =	sadd.s32 $0x630, s8  }
0x12: {  	s22 =	sadd.s32 s9, s2;
	s24 =	sadd.s32 s9, s10;
	[dreg:$0xc] =	wrdreg s11  }
0x13: {  	s9 =	sor.u32 $0x20, s9;
	s0 =	sadd.s32 $0x91800, s0;
	[dreg:$0xd] =	wrdreg s7  }
0x14: {  	s18 =	sadd.s32 s2, s17;
	s11 =	sadd.s32 s10, s17;
	s12 =	sadd.s32 s19, s2  }
0x15: {  	s20 =	sadd.s32 s2, s8;
	s14 =	sadd.s32 s19, s10;
	[dreg:$0x12] =	wrdreg s0  }
0x16: {  	s23 =	sadd.s32 $0x30, s22;
	s25 =	sadd.s32 $0x30, s24;
	[dreg:$0xe] =	wrdreg s18  }
0x17: {  	s8 =	sadd.s32 s10, s8;
	s2 =	sadd.s32 s9, s2;
	[dreg:$0xf] =	wrdreg s11  }
0x18: {  	s26 =	sadd.s32 s9, s10;
	s17 =	smax.u32 s6, $0x1;
	[dreg:$0x10] =	wrdreg s20  }
0x19: {  	s19 =	simm.s32 $0x7;
	s22 =	simm.s32 $0x280;
	[dreg:$0x6] =	wrdreg s23  }
0x1a: {  	s24 =	simm.s32 $0x64;
	s0 =	simm.s32 $0x5;
	[dreg:$0x11] =	wrdreg s8  }
0x1b: {  	s6 =	simm.s32 $0x380;
	s9 =	simm.s32 $0x0;
	[dreg:$0x7] =	wrdreg s25  }
0x1c: {  	s21 =	sadd.s32 $0x10, s12;
	s7 =	sadd.s32 $0x10, s14;
	[dreg:$0x8] =	wrdreg s2  }
0x1d: {  	[dreg:$0x9] =	wrdreg s26;
	s18 =	simm.s32 $0x6C00;
	s20 =	simm.s32 $0x200  }
0x1e: {  	s23 =	simm.s32 $0x3;
	s25 =	simm.s32 $0x400;
	s26 =	simm.s32 $0x4  }
0x1f: {  	s2 =	simm.s32 $0x180;
	s8 =	simm.s32 $0x6;
	[dreg:$0x4] =	wrdreg s21  }
0x20: {  	v0 =	vimm.f32 $0.0e+00;
	[dreg:$0x5] =	wrdreg s7;
	s21 =	simm.s32 $0x80;
	s7 =	simm.s32 $0x2  }
.LBB2_1:
0x21: {  	s10 =	simm.s32 $0x0;
	s11 =	simm.s32 $0x200  }
.LBB2_2:
0x22: {  	p0 =	sne.s32 s11, $0x1E00;
	[tilespmem:s10+$0x6C70] =	vst v0  }
0x23: {  	[tilespmem:s10+$0x6C00] =	vst v0  }
0x24: {  	[tilespmem:s10+$0x6C10] =	vst v0  }
.Ltmp0:
0x25: {  	[tilespmem:s10+$0x6C20] =	vst v0;
	(pc) =	sbr.rel @p0 .LBB2_2-.Ltmp0, $4  }
0x26: {  	[tilespmem:s10+$0x6C30] =	vst v0  }
0x27: {  	[tilespmem:s10+$0x6C40] =	vst v0  }
0x28: {  	[tilespmem:s10+$0x6C50] =	vst v0  }
0x29: {  	[tilespmem:s10+$0x6C60] =	vst v0;
	s10 =	sshra.s32 s11, $0x2;
	s11 =	sadd.s32 $0x200, s11  }
0x2a: {  	[tilespmem:s10+$0x6C70] =	vst v0  }
0x2b: {  	[tilespmem:s10+$0x6C00] =	vst v0  }
0x2c: {  	[tilespmem:s10+$0x6C10] =	vst v0  }
0x2d: {  	[tilespmem:s10+$0x6C20] =	vst v0  }
0x2e: {  	[tilespmem:s10+$0x6C30] =	vst v0  }
0x2f: {  	[tilespmem:s10+$0x6C40] =	vst v0  }
0x30: {  	[tilespmem:s10+$0x6C50] =	vst v0  }
0x31: {  	[tilespmem:s10+$0x6C60] =	vst v0;
	s16 =	sadd.s32 $0x0, s5  }
0x32: {  	[spmem:s16] =	stream.linear.scatter [tilespmem:s18], [sflag:$0x7], $0x800, $0x38;
	[tilespmem:$0x1B400] =	vst v63  }
0x33: {  	s10 =	simm.s32 $0x2000;
	_ =	swait.ge [sflag:s19], $0x800  }
.LBB2_4:
0x34: {  	s11 =	sshra.s32 s10, $0x2;
	[sflag:s19] =	ssyncset.done $0x0;
	p0 =	sne.s32 s10, $0x4E000  }
.Ltmp1:
0x35: {  	s11 =	sadd.s32 s11, s5;
	[sflag:s19] =	ssyncadd.s32 $0xFFFFF800;
	(pc) =	sbr.rel @p0 .LBB2_4-.Ltmp1, $3  }
0x36: {  	[spmem:s11] =	stream.linear.scatter [tilespmem:s18], [sflag:$0x7], $0x800, $0x38;
	[tilespmem:$0x1B400] =	vst v63  }
0x37: {  	s10 =	sadd.s32 $0x2000, s10;
	_ =	sdelay $0x1  }
0x38: {  	_ =	swait.ge [sflag:s19], $0x800  }
0x39: {  	[sflag:s19] =	ssyncset.done $0x0  }
0x3a: {  	[sflag:s19] =	ssyncadd.s32 $0xFFFFF800  }
0x3b: {  	[bflag:$0x0] =	sbarrier.arrive $0xFFFF  }
0x3c: {  	s10 =	simm.s32 $0x0;
	s11 =	rddreg [dreg:$0xa]  }
0x3d: {  	[tilespmem:s10], [sflag:$0x3] =	stream.linear.gather [hbm4b:s11+s10], $0x80, $0x38;
	[tilespmem:$0x1B400] =	vst v63  }
0x3e: {  	s13 =	rddreg [dreg:$0xb]  }
0x3f: {  	[tilespmem:s20], [sflag:$0x3] =	stream.linear.gather [hbm4b:s13+s10], $0x80, $0x38;
	[tilespmem:$0x1B400] =	vst v63  }
0x40: {  	s15 =	rddreg [dreg:$0xc]  }
0x41: {  	[tilespmem:s21], [sflag:$0x4] =	stream.linear.gather [hbm4b:s15+s10], $0x80, $0x38;
	[tilespmem:$0x1B400] =	vst v63  }
0x42: {  	s16 =	rddreg [dreg:$0xd]  }
0x43: {  	[tilespmem:s22], [sflag:$0x4] =	stream.linear.gather [hbm4b:s16+s10], $0x80, $0x38;
	[tilespmem:$0x1B400] =	vst v63  }
0x44: {  	_ =	swait.ge [sflag:s23], $0x80  }
0x45: {  	[sflag:s23] =	ssyncset.done $0x0  }
0x46: {  	[sflag:s23] =	ssyncadd.s32 $0xFFFFFF80  }
0x47: {  	_ =	swait.ge [sflag:s23], $0x80  }
0x48: {  	[sflag:s23] =	ssyncset.done $0x0  }
0x49: {  	[sflag:s23] =	ssyncadd.s32 $0xFFFFFF80  }
0x4a: {  	[tilespmem:s25], [sflag:$0x1] =	stream.indirect.gather [hbm4b:s4+s24], $0x80, s10, s24, $0xb8;
	[tilespmem:$0x1B400] =	vst v63  }
0x4b: {  	_ =	swait.ge [sflag:s26], $0x80  }
0x4c: {  	[sflag:s26] =	ssyncset.done $0x0  }
0x4d: {  	[sflag:s26] =	ssyncadd.s32 $0xFFFFFF80  }
0x4e: {  	_ =	swait.ge [sflag:s26], $0x80  }
0x4f: {  	[sflag:s26] =	ssyncset.done $0x0  }
0x50: {  	s13 =	rddreg [dreg:$0x8];
	[sflag:s26] =	ssyncadd.s32 $0xFFFFFF80  }
0x51: {  	[tilespmem:s28], [sflag:$0x2] =	stream.indirect.gather [hbm4b:s4+s24], $0x80, s21, s24, $0xb8;
	[tilespmem:$0x1B400] =	vst v63  }
0x52: {  	s15 =	rddreg [dreg:$0x9];
	s10 =	sadd.s32 $0x0, s13  }
0x53: {  	[tilespmem:s29], [sflag:$0x5] =	stream.linear.gather [hbm4b:s10+s3], $0x80, $0x38;
	[tilespmem:$0x1B400] =	vst v63  }
0x54: {  	s16 =	sadd.s32 $0x0, s15  }
0x55: {  	[tilespmem:s30], [sflag:$0x5] =	stream.linear.gather [hbm4b:s16+s3], $0x80, $0x38;
	[tilespmem:$0x1B400] =	vst v63  }
0x56: {  	_ =	swait.ge [sflag:s31], $0x3200  }
0x57: {  	[sflag:s31] =	ssyncset.done $0x0  }
0x58: {  	[sflag:s31] =	ssyncadd.s32 $0xFFFFCE00  }
0x59: {  	_ =	swait.ge [sflag:s0], $0x80  }
0x5a: {  	[sflag:s0] =	ssyncset.done $0x0  }
0x5b: {  	[sflag:s0] =	ssyncadd.s32 $0xFFFFFF80  }
0x5c: {  	_ =	swait.ge [sflag:s0], $0x80  }
0x5d: {  	[sflag:s0] =	ssyncset.done $0x0  }
0x5e: {  	[sflag:s0] =	ssyncadd.s32 $0xFFFFFF80  }
0x5f: {  	[spmem:s1] =	stream.indirect.scatter.add.f32 [tilespmem:s25], [sflag:$0x7], $0x80, s20, s24, $0xb8;
	[tilespmem:$0x1B400] =	vst v63  }
0x60: {  	_ =	swait.ge [sflag:s19], $0x3200  }
0x61: {  	[sflag:s19] =	ssyncset.done $0x0  }
0x62: {  	s11 =	rddreg [dreg:$0x6];
	[sflag:s19] =	ssyncadd.s32 $0xFFFFCE00  }
0x63: {  	[tilespmem:s25], [sflag:$0x1] =	stream.indirect.gather [hbm4b:s4+s24], $0x80, s29, s24, $0xb8;
	[tilespmem:$0x1B400] =	vst v63  }
0x64: {  	s13 =	rddreg [dreg:$0x7];
	s10 =	sadd.s32 $0x0, s11  }
0x65: {  	[tilespmem:s2], [sflag:$0x6] =	stream.linear.gather [hbm4b:s10+s3], $0x80, $0x38;
	[tilespmem:$0x1B400] =	vst v63  }
0x66: {  	s15 =	sadd.s32 $0x0, s13  }
0x67: {  	[tilespmem:s6], [sflag:$0x6] =	stream.linear.gather [hbm4b:s15+s3], $0x80, $0x38;
	[tilespmem:$0x1B400] =	vst v63  }
0x68: {  	_ =	swait.ge [sflag:s7], $0x3200  }
0x69: {  	[sflag:s7] =	ssyncset.done $0x0  }
0x6a: {  	[sflag:s7] =	ssyncadd.s32 $0xFFFFCE00  }
0x6b: {  	_ =	swait.ge [sflag:s8], $0x80  }
0x6c: {  	[sflag:s8] =	ssyncset.done $0x0  }
0x6d: {  	[sflag:s8] =	ssyncadd.s32 $0xFFFFFF80  }
0x6e: {  	_ =	swait.ge [sflag:s8], $0x80  }
0x6f: {  	[sflag:s8] =	ssyncset.done $0x0  }
0x70: {  	[sflag:s8] =	ssyncadd.s32 $0xFFFFFF80  }
0x71: {  	[spmem:s1] =	stream.indirect.scatter.add.f32 [tilespmem:s28], [sflag:$0x7], $0x80, s22, s24, $0xb8;
	[tilespmem:$0x1B400] =	vst v63  }
0x72: {  	_ =	swait.ge [sflag:s19], $0x3200  }
0x73: {  	[sflag:s19] =	ssyncset.done $0x0  }
0x74: {  	[sflag:s19] =	ssyncadd.s32 $0xFFFFCE00  }
0x75: {  	[tilespmem:s28], [sflag:$0x2] =	stream.indirect.gather [hbm4b:s4+s24], $0x80, s2, s24, $0xb8;
	[tilespmem:$0x1B400] =	vst v63  }
0x76: {  	s16 =	sadd.s32 $0x0, s12  }
0x77: {  	[tilespmem:s3], [sflag:$0x3] =	stream.linear.gather [hbm4b:s16+s3], $0x80, $0x38;
	[tilespmem:$0x1B400] =	vst v63  }
0x78: {  	s11 =	sadd.s32 $0x0, s14  }
0x79: {  	[tilespmem:s20], [sflag:$0x3] =	stream.linear.gather [hbm4b:s11+s3], $0x80, $0x38;
	[tilespmem:$0x1B400] =	vst v63  }
0x7a: {  	_ =	swait.ge [sflag:s31], $0x3200  }
0x7b: {  	[sflag:s31] =	ssyncset.done $0x0  }
0x7c: {  	[sflag:s31] =	ssyncadd.s32 $0xFFFFCE00  }
0x7d: {  	_ =	swait.ge [sflag:s23], $0x80  }
0x7e: {  	[sflag:s23] =	ssyncset.done $0x0  }
0x7f: {  	[sflag:s23] =	ssyncadd.s32 $0xFFFFFF80  }
0x80: {  	_ =	swait.ge [sflag:s23], $0x80  }
0x81: {  	[sflag:s23] =	ssyncset.done $0x0  }
0x82: {  	[sflag:s23] =	ssyncadd.s32 $0xFFFFFF80  }
0x83: {  	[spmem:s1] =	stream.indirect.scatter.add.f32 [tilespmem:s25], [sflag:$0x7], $0x80, s30, s24, $0xb8;
	[tilespmem:$0x1B400] =	vst v63  }
0x84: {  	_ =	swait.ge [sflag:s19], $0x3200  }
0x85: {  	[sflag:s19] =	ssyncset.done $0x0  }
0x86: {  	s13 =	rddreg [dreg:$0x4];
	[sflag:s19] =	ssyncadd.s32 $0xFFFFCE00  }
0x87: {  	[tilespmem:s25], [sflag:$0x1] =	stream.indirect.gather [hbm4b:s4+s24], $0x80, s3, s24, $0xb8;
	[tilespmem:$0x1B400] =	vst v63  }
0x88: {  	s15 =	rddreg [dreg:$0x5];
	s10 =	sadd.s32 $0x0, s13  }
0x89: {  	[tilespmem:s21], [sflag:$0x4] =	stream.linear.gather [hbm4b:s10+s3], $0x80, $0x38;
	[tilespmem:$0x1B400] =	vst v63  }
0x8a: {  	s16 =	sadd.s32 $0x0, s15  }
0x8b: {  	[tilespmem:s22], [sflag:$0x4] =	stream.linear.gather [hbm4b:s16+s3], $0x80, $0x38;
	[tilespmem:$0x1B400] =	vst v63  }
0x8c: {  	_ =	swait.ge [sflag:s7], $0x3200  }
0x8d: {  	[sflag:s7] =	ssyncset.done $0x0  }
0x8e: {  	[sflag:s7] =	ssyncadd.s32 $0xFFFFCE00  }
0x8f: {  	_ =	swait.ge [sflag:s26], $0x80  }
0x90: {  	[sflag:s26] =	ssyncset.done $0x0  }
0x91: {  	[sflag:s26] =	ssyncadd.s32 $0xFFFFFF80  }
0x92: {  	_ =	swait.ge [sflag:s26], $0x80  }
0x93: {  	[sflag:s26] =	ssyncset.done $0x0  }
0x94: {  	[sflag:s26] =	ssyncadd.s32 $0xFFFFFF80  }
0x95: {  	[spmem:s1] =	stream.indirect.scatter.add.f32 [tilespmem:s28], [sflag:$0x7], $0x80, s6, s24, $0xb8;
	[tilespmem:$0x1B400] =	vst v63  }
0x96: {  	_ =	swait.ge [sflag:s19], $0x3200  }
0x97: {  	s11 =	simm.s32 $0x80;
	s15 =	rddreg [dreg:$0x8];
	[sflag:s19] =	ssyncset.done $0x0  }
0x98: {  	s10 =	simm.s32 $0x40;
	s16 =	rddreg [dreg:$0x9];
	[sflag:s19] =	ssyncadd.s32 $0xFFFFCE00  }
.LBB2_6:
0x99: {  	[tilespmem:s28], [sflag:$0x2] =	stream.indirect.gather [hbm4b:s4+s24], $0x80, s21, s24, $0xb8;
	[tilespmem:$0x1B400] =	vst v63  }
0x9a: {  	s15 =	sadd.s32 s10, s15  }
0x9b: {  	[tilespmem:s29], [sflag:$0x5] =	stream.linear.gather [hbm4b:s15+s3], $0x80, $0x38;
	[tilespmem:$0x1B400] =	vst v63  }
0x9c: {  	s16 =	sadd.s32 s10, s16  }
0x9d: {  	[tilespmem:s30], [sflag:$0x5] =	stream.linear.gather [hbm4b:s16+s3], $0x80, $0x38;
	[tilespmem:$0x1B400] =	vst v63  }
0x9e: {  	_ =	swait.ge [sflag:s31], $0x3200  }
0x9f: {  	[sflag:s31] =	ssyncset.done $0x0  }
0xa0: {  	[sflag:s31] =	ssyncadd.s32 $0xFFFFCE00  }
0xa1: {  	_ =	swait.ge [sflag:s0], $0x80  }
0xa2: {  	[sflag:s0] =	ssyncset.done $0x0  }
0xa3: {  	[sflag:s0] =	ssyncadd.s32 $0xFFFFFF80  }
0xa4: {  	_ =	swait.ge [sflag:s0], $0x80  }
0xa5: {  	[sflag:s0] =	ssyncset.done $0x0  }
0xa6: {  	[sflag:s0] =	ssyncadd.s32 $0xFFFFFF80  }
0xa7: {  	[spmem:s1] =	stream.indirect.scatter.add.f32 [tilespmem:s25], [sflag:$0x7], $0x80, s20, s24, $0xb8;
	[tilespmem:$0x1B400] =	vst v63  }
0xa8: {  	_ =	swait.ge [sflag:s19], $0x3200  }
0xa9: {  	[sflag:s19] =	ssyncset.done $0x0  }
0xaa: {  	s15 =	rddreg [dreg:$0x6];
	[sflag:s19] =	ssyncadd.s32 $0xFFFFCE00  }
0xab: {  	[tilespmem:s25], [sflag:$0x1] =	stream.indirect.gather [hbm4b:s4+s24], $0x80, s29, s24, $0xb8;
	[tilespmem:$0x1B400] =	vst v63  }
0xac: {  	s16 =	rddreg [dreg:$0x7];
	s15 =	sadd.s32 s10, s15  }
0xad: {  	[tilespmem:s2], [sflag:$0x6] =	stream.linear.gather [hbm4b:s15+s3], $0x80, $0x38;
	[tilespmem:$0x1B400] =	vst v63  }
0xae: {  	s16 =	sadd.s32 s10, s16  }
0xaf: {  	[tilespmem:s6], [sflag:$0x6] =	stream.linear.gather [hbm4b:s16+s3], $0x80, $0x38;
	[tilespmem:$0x1B400] =	vst v63  }
0xb0: {  	_ =	swait.ge [sflag:s7], $0x3200  }
0xb1: {  	[sflag:s7] =	ssyncset.done $0x0  }
0xb2: {  	[sflag:s7] =	ssyncadd.s32 $0xFFFFCE00  }
0xb3: {  	_ =	swait.ge [sflag:s8], $0x80  }
0xb4: {  	[sflag:s8] =	ssyncset.done $0x0  }
0xb5: {  	[sflag:s8] =	ssyncadd.s32 $0xFFFFFF80  }
0xb6: {  	_ =	swait.ge [sflag:s8], $0x80  }
0xb7: {  	[sflag:s8] =	ssyncset.done $0x0  }
0xb8: {  	[sflag:s8] =	ssyncadd.s32 $0xFFFFFF80  }
0xb9: {  	[spmem:s1] =	stream.indirect.scatter.add.f32 [tilespmem:s28], [sflag:$0x7], $0x80, s22, s24, $0xb8;
	[tilespmem:$0x1B400] =	vst v63  }
0xba: {  	_ =	swait.ge [sflag:s19], $0x3200  }
0xbb: {  	[sflag:s19] =	ssyncset.done $0x0  }
0xbc: {  	[sflag:s19] =	ssyncadd.s32 $0xFFFFCE00  }
0xbd: {  	[tilespmem:s28], [sflag:$0x2] =	stream.indirect.gather [hbm4b:s4+s24], $0x80, s2, s24, $0xb8;
	[tilespmem:$0x1B400] =	vst v63  }
0xbe: {  	s16 =	sadd.s32 s10, s12  }
0xbf: {  	[tilespmem:s3], [sflag:$0x3] =	stream.linear.gather [hbm4b:s16+s3], $0x80, $0x38;
	[tilespmem:$0x1B400] =	vst v63  }
0xc0: {  	s16 =	sadd.s32 s10, s14  }
0xc1: {  	[tilespmem:s20], [sflag:$0x3] =	stream.linear.gather [hbm4b:s16+s3], $0x80, $0x38;
	[tilespmem:$0x1B400] =	vst v63  }
0xc2: {  	_ =	swait.ge [sflag:s31], $0x3200  }
0xc3: {  	[sflag:s31] =	ssyncset.done $0x0  }
0xc4: {  	[sflag:s31] =	ssyncadd.s32 $0xFFFFCE00  }
0xc5: {  	_ =	swait.ge [sflag:s23], $0x80  }
0xc6: {  	[sflag:s23] =	ssyncset.done $0x0  }
0xc7: {  	[sflag:s23] =	ssyncadd.s32 $0xFFFFFF80  }
0xc8: {  	_ =	swait.ge [sflag:s23], $0x80  }
0xc9: {  	[sflag:s23] =	ssyncset.done $0x0  }
0xca: {  	[sflag:s23] =	ssyncadd.s32 $0xFFFFFF80  }
0xcb: {  	[spmem:s1] =	stream.indirect.scatter.add.f32 [tilespmem:s25], [sflag:$0x7], $0x80, s30, s24, $0xb8;
	[tilespmem:$0x1B400] =	vst v63  }
0xcc: {  	_ =	swait.ge [sflag:s19], $0x3200  }
0xcd: {  	[sflag:s19] =	ssyncset.done $0x0  }
0xce: {  	s15 =	rddreg [dreg:$0x4];
	[sflag:s19] =	ssyncadd.s32 $0xFFFFCE00  }
0xcf: {  	[tilespmem:s25], [sflag:$0x1] =	stream.indirect.gather [hbm4b:s4+s24], $0x80, s3, s24, $0xb8;
	[tilespmem:$0x1B400] =	vst v63  }
0xd0: {  	s16 =	rddreg [dreg:$0x5];
	s15 =	sadd.s32 s10, s15  }
0xd1: {  	[tilespmem:s21], [sflag:$0x4] =	stream.linear.gather [hbm4b:s15+s3], $0x80, $0x38;
	[tilespmem:$0x1B400] =	vst v63  }
0xd2: {  	s16 =	sadd.s32 s10, s16  }
0xd3: {  	[tilespmem:s22], [sflag:$0x4] =	stream.linear.gather [hbm4b:s16+s3], $0x80, $0x38;
	[tilespmem:$0x1B400] =	vst v63  }
0xd4: {  	_ =	swait.ge [sflag:s7], $0x3200  }
0xd5: {  	[sflag:s7] =	ssyncset.done $0x0  }
0xd6: {  	[sflag:s7] =	ssyncadd.s32 $0xFFFFCE00  }
0xd7: {  	_ =	swait.ge [sflag:s26], $0x80  }
0xd8: {  	[sflag:s26] =	ssyncset.done $0x0  }
0xd9: {  	[sflag:s26] =	ssyncadd.s32 $0xFFFFFF80  }
0xda: {  	_ =	swait.ge [sflag:s26], $0x80  }
0xdb: {  	p0 =	sne.s32 s11, $0x5C0;
	[sflag:s26] =	ssyncset.done $0x0  }
.Ltmp2:
0xdc: {  	[sflag:s26] =	ssyncadd.s32 $0xFFFFFF80;
	(pc) =	sbr.rel @p0 .LBB2_6-.Ltmp2, $4  }
0xdd: {  	[spmem:s1] =	stream.indirect.scatter.add.f32 [tilespmem:s28], [sflag:$0x7], $0x80, s6, s24, $0xb8;
	[tilespmem:$0x1B400] =	vst v63  }
0xde: {  	s13 =	smov.u32 s11;
	_ =	swait.ge [sflag:s19], $0x3200  }
0xdf: {  	s11 =	sadd.s32 $0x40, s11;
	s15 =	rddreg [dreg:$0x8];
	[sflag:s19] =	ssyncset.done $0x0  }
0xe0: {  	s10 =	smov.u32 s13;
	s16 =	rddreg [dreg:$0x9];
	[sflag:s19] =	ssyncadd.s32 $0xFFFFCE00  }
0xe1: {  	[tilespmem:s28], [sflag:$0x2] =	stream.indirect.gather [hbm4b:s4+s24], $0x80, s21, s24, $0xb8;
	[tilespmem:$0x1B400] =	vst v63  }
0xe2: {  	s11 =	sadd.s32 s10, s15  }
0xe3: {  	[tilespmem:s29], [sflag:$0x5] =	stream.linear.gather [hbm4b:s11+s3], $0x80, $0x38;
	[tilespmem:$0x1B400] =	vst v63  }
0xe4: {  	s15 =	sadd.s32 s10, s16  }
0xe5: {  	[tilespmem:s30], [sflag:$0x5] =	stream.linear.gather [hbm4b:s15+s3], $0x80, $0x38;
	[tilespmem:$0x1B400] =	vst v63  }
0xe6: {  	_ =	swait.ge [sflag:s31], $0x3200  }
0xe7: {  	[sflag:s31] =	ssyncset.done $0x0  }
0xe8: {  	[sflag:s31] =	ssyncadd.s32 $0xFFFFCE00  }
0xe9: {  	_ =	swait.ge [sflag:s0], $0x80  }
0xea: {  	[sflag:s0] =	ssyncset.done $0x0  }
0xeb: {  	[sflag:s0] =	ssyncadd.s32 $0xFFFFFF80  }
0xec: {  	_ =	swait.ge [sflag:s0], $0x80  }
0xed: {  	[sflag:s0] =	ssyncset.done $0x0  }
0xee: {  	[sflag:s0] =	ssyncadd.s32 $0xFFFFFF80  }
0xef: {  	[spmem:s1] =	stream.indirect.scatter.add.f32 [tilespmem:s25], [sflag:$0x7], $0x80, s20, s24, $0xb8;
	[tilespmem:$0x1B400] =	vst v63  }
0xf0: {  	_ =	swait.ge [sflag:s19], $0x3200  }
0xf1: {  	[sflag:s19] =	ssyncset.done $0x0  }
0xf2: {  	s16 =	rddreg [dreg:$0x6];
	[sflag:s19] =	ssyncadd.s32 $0xFFFFCE00  }
0xf3: {  	[tilespmem:s25], [sflag:$0x1] =	stream.indirect.gather [hbm4b:s4+s24], $0x80, s29, s24, $0xb8;
	[tilespmem:$0x1B400] =	vst v63  }
0xf4: {  	s13 =	rddreg [dreg:$0x7];
	s11 =	sadd.s32 s10, s16  }
0xf5: {  	[tilespmem:s2], [sflag:$0x6] =	stream.linear.gather [hbm4b:s11+s3], $0x80, $0x38;
	[tilespmem:$0x1B400] =	vst v63  }
0xf6: {  	s15 =	sadd.s32 s10, s13  }
0xf7: {  	[tilespmem:s6], [sflag:$0x6] =	stream.linear.gather [hbm4b:s15+s3], $0x80, $0x38;
	[tilespmem:$0x1B400] =	vst v63  }
0xf8: {  	_ =	swait.ge [sflag:s7], $0x3200  }
0xf9: {  	[sflag:s7] =	ssyncset.done $0x0  }
0xfa: {  	[sflag:s7] =	ssyncadd.s32 $0xFFFFCE00  }
0xfb: {  	_ =	swait.ge [sflag:s8], $0x80  }
0xfc: {  	[sflag:s8] =	ssyncset.done $0x0  }
0xfd: {  	[sflag:s8] =	ssyncadd.s32 $0xFFFFFF80  }
0xfe: {  	_ =	swait.ge [sflag:s8], $0x80  }
0xff: {  	[sflag:s8] =	ssyncset.done $0x0  }
0x100: {  	[sflag:s8] =	ssyncadd.s32 $0xFFFFFF80  }
0x101: {  	[spmem:s1] =	stream.indirect.scatter.add.f32 [tilespmem:s28], [sflag:$0x7], $0x80, s22, s24, $0xb8;
	[tilespmem:$0x1B400] =	vst v63  }
0x102: {  	_ =	swait.ge [sflag:s19], $0x3200  }
0x103: {  	[sflag:s19] =	ssyncset.done $0x0  }
0x104: {  	[sflag:s19] =	ssyncadd.s32 $0xFFFFCE00  }
0x105: {  	[tilespmem:s28], [sflag:$0x2] =	stream.indirect.gather [hbm4b:s4+s24], $0x80, s2, s24, $0xb8;
	[tilespmem:$0x1B400] =	vst v63  }
0x106: {  	s16 =	sadd.s32 s10, s12  }
0x107: {  	[tilespmem:s3], [sflag:$0x3] =	stream.linear.gather [hbm4b:s16+s3], $0x80, $0x38;
	[tilespmem:$0x1B400] =	vst v63  }
0x108: {  	s13 =	sadd.s32 s10, s14  }
0x109: {  	[tilespmem:s20], [sflag:$0x3] =	stream.linear.gather [hbm4b:s13+s3], $0x80, $0x38;
	[tilespmem:$0x1B400] =	vst v63  }
0x10a: {  	_ =	swait.ge [sflag:s31], $0x3200  }
0x10b: {  	[sflag:s31] =	ssyncset.done $0x0  }
0x10c: {  	[sflag:s31] =	ssyncadd.s32 $0xFFFFCE00  }
0x10d: {  	_ =	swait.ge [sflag:s23], $0x80  }
0x10e: {  	[sflag:s23] =	ssyncset.done $0x0  }
0x10f: {  	[sflag:s23] =	ssyncadd.s32 $0xFFFFFF80  }
0x110: {  	_ =	swait.ge [sflag:s23], $0x80  }
0x111: {  	[sflag:s23] =	ssyncset.done $0x0  }
0x112: {  	[sflag:s23] =	ssyncadd.s32 $0xFFFFFF80  }
0x113: {  	[spmem:s1] =	stream.indirect.scatter.add.f32 [tilespmem:s25], [sflag:$0x7], $0x80, s30, s24, $0xb8;
	[tilespmem:$0x1B400] =	vst v63  }
0x114: {  	_ =	swait.ge [sflag:s19], $0x3200  }
0x115: {  	[sflag:s19] =	ssyncset.done $0x0  }
0x116: {  	s15 =	rddreg [dreg:$0x4];
	[sflag:s19] =	ssyncadd.s32 $0xFFFFCE00  }
0x117: {  	[tilespmem:s25], [sflag:$0x1] =	stream.indirect.gather [hbm4b:s4+s24], $0x80, s3, s24, $0xb8;
	[tilespmem:$0x1B400] =	vst v63  }
0x118: {  	s16 =	rddreg [dreg:$0x5];
	s11 =	sadd.s32 s10, s15  }
0x119: {  	[tilespmem:s21], [sflag:$0x4] =	stream.linear.gather [hbm4b:s11+s3], $0x80, $0x38;
	[tilespmem:$0x1B400] =	vst v63  }
0x11a: {  	s11 =	sadd.s32 s10, s16  }
0x11b: {  	[tilespmem:s22], [sflag:$0x4] =	stream.linear.gather [hbm4b:s11+s3], $0x80, $0x38;
	[tilespmem:$0x1B400] =	vst v63  }
0x11c: {  	_ =	swait.ge [sflag:s7], $0x3200  }
0x11d: {  	[sflag:s7] =	ssyncset.done $0x0  }
0x11e: {  	[sflag:s7] =	ssyncadd.s32 $0xFFFFCE00  }
0x11f: {  	_ =	swait.ge [sflag:s26], $0x80  }
0x120: {  	[sflag:s26] =	ssyncset.done $0x0  }
0x121: {  	[sflag:s26] =	ssyncadd.s32 $0xFFFFFF80  }
0x122: {  	_ =	swait.ge [sflag:s26], $0x80  }
0x123: {  	[sflag:s26] =	ssyncset.done $0x0  }
0x124: {  	[sflag:s26] =	ssyncadd.s32 $0xFFFFFF80  }
0x125: {  	[spmem:s1] =	stream.indirect.scatter.add.f32 [tilespmem:s28], [sflag:$0x7], $0x80, s6, s24, $0xb8;
	[tilespmem:$0x1B400] =	vst v63  }
0x126: {  	_ =	swait.ge [sflag:s19], $0x3200  }
0x127: {  	[sflag:s19] =	ssyncset.done $0x0  }
0x128: {  	[sflag:s19] =	ssyncadd.s32 $0xFFFFCE00  }
0x129: {  	[tilespmem:s28], [sflag:$0x2] =	stream.indirect.gather [hbm4b:s4+s24], $0x80, s21, s24, $0xb8;
	[tilespmem:$0x1B400] =	vst v63  }
0x12a: {  	s13 =	rddreg [dreg:$0xe]  }
0x12b: {  	[tilespmem:s29], [sflag:$0x5] =	stream.linear.gather [hbm4b:s13+s3], $0x80, $0x38;
	[tilespmem:$0x1B400] =	vst v63  }
0x12c: {  	s15 =	rddreg [dreg:$0xf]  }
0x12d: {  	[tilespmem:s30], [sflag:$0x5] =	stream.linear.gather [hbm4b:s15+s3], $0x80, $0x38;
	[tilespmem:$0x1B400] =	vst v63  }
0x12e: {  	_ =	swait.ge [sflag:s31], $0x3200  }
0x12f: {  	[sflag:s31] =	ssyncset.done $0x0  }
0x130: {  	[sflag:s31] =	ssyncadd.s32 $0xFFFFCE00  }
0x131: {  	_ =	swait.ge [sflag:s0], $0x80  }
0x132: {  	[sflag:s0] =	ssyncset.done $0x0  }
0x133: {  	[sflag:s0] =	ssyncadd.s32 $0xFFFFFF80  }
0x134: {  	_ =	swait.ge [sflag:s0], $0x80  }
0x135: {  	[sflag:s0] =	ssyncset.done $0x0  }
0x136: {  	[sflag:s0] =	ssyncadd.s32 $0xFFFFFF80  }
0x137: {  	[spmem:s1] =	stream.indirect.scatter.add.f32 [tilespmem:s25], [sflag:$0x7], $0x80, s20, s24, $0xb8;
	[tilespmem:$0x1B400] =	vst v63  }
0x138: {  	_ =	swait.ge [sflag:s19], $0x3200  }
0x139: {  	[sflag:s19] =	ssyncset.done $0x0  }
0x13a: {  	[sflag:s19] =	ssyncadd.s32 $0xFFFFCE00  }
0x13b: {  	[tilespmem:s25], [sflag:$0x1] =	stream.indirect.gather [hbm4b:s4+s24], $0x80, s29, s24, $0xb8;
	[tilespmem:$0x1B400] =	vst v63  }
0x13c: {  	s16 =	rddreg [dreg:$0x10]  }
0x13d: {  	[tilespmem:s2], [sflag:$0x6] =	stream.linear.gather [hbm4b:s16+s3], $0x80, $0x38;
	[tilespmem:$0x1B400] =	vst v63  }
0x13e: {  	s11 =	rddreg [dreg:$0x11]  }
0x13f: {  	[tilespmem:s6], [sflag:$0x6] =	stream.linear.gather [hbm4b:s11+s3], $0x80, $0x38;
	[tilespmem:$0x1B400] =	vst v63  }
0x140: {  	_ =	swait.ge [sflag:s7], $0x3200  }
0x141: {  	[sflag:s7] =	ssyncset.done $0x0  }
0x142: {  	[sflag:s7] =	ssyncadd.s32 $0xFFFFCE00  }
0x143: {  	_ =	swait.ge [sflag:s8], $0x80  }
0x144: {  	[sflag:s8] =	ssyncset.done $0x0  }
0x145: {  	[sflag:s8] =	ssyncadd.s32 $0xFFFFFF80  }
0x146: {  	_ =	swait.ge [sflag:s8], $0x80  }
0x147: {  	[sflag:s8] =	ssyncset.done $0x0  }
0x148: {  	[sflag:s8] =	ssyncadd.s32 $0xFFFFFF80  }
0x149: {  	[spmem:s1] =	stream.indirect.scatter.add.f32 [tilespmem:s28], [sflag:$0x7], $0x80, s22, s24, $0xb8;
	[tilespmem:$0x1B400] =	vst v63  }
0x14a: {  	_ =	swait.ge [sflag:s19], $0x3200  }
0x14b: {  	[sflag:s19] =	ssyncset.done $0x0  }
0x14c: {  	[sflag:s19] =	ssyncadd.s32 $0xFFFFCE00  }
0x14d: {  	[tilespmem:s28], [sflag:$0x2] =	stream.indirect.gather [hbm4b:s4+s24], $0x80, s2, s24, $0xb8;
	[tilespmem:$0x1B400] =	vst v63  }
0x14e: {  	_ =	swait.ge [sflag:s31], $0x3200  }
0x14f: {  	[sflag:s31] =	ssyncset.done $0x0  }
0x150: {  	[sflag:s31] =	ssyncadd.s32 $0xFFFFCE00  }
0x151: {  	[spmem:s1] =	stream.indirect.scatter.add.f32 [tilespmem:s25], [sflag:$0x7], $0x80, s30, s24, $0xb8;
	[tilespmem:$0x1B400] =	vst v63  }
0x152: {  	_ =	swait.ge [sflag:s19], $0x3200  }
0x153: {  	[sflag:s19] =	ssyncset.done $0x0  }
0x154: {  	[sflag:s19] =	ssyncadd.s32 $0xFFFFCE00  }
0x155: {  	_ =	swait.ge [sflag:s7], $0x3200  }
0x156: {  	[sflag:s7] =	ssyncset.done $0x0  }
0x157: {  	[sflag:s7] =	ssyncadd.s32 $0xFFFFCE00  }
0x158: {  	[spmem:s1] =	stream.indirect.scatter.add.f32 [tilespmem:s28], [sflag:$0x7], $0x80, s6, s24, $0xb8;
	[tilespmem:$0x1B400] =	vst v63  }
0x159: {  	_ =	swait.ge [sflag:s19], $0x3200  }
0x15a: {  	s13 =	stileid.u32;
	[sflag:s19] =	ssyncset.done $0x0  }
0x15b: {  	s9 =	sadd.s32 $0x1, s9;
	s10 =	sshll.u32 s13, $0x6;
	[sflag:s19] =	ssyncadd.s32 $0xFFFFCE00  }
0x15c: {  	p0 =	sne.s32 s9, s17;
	s10 =	sor.u32 $0x1C07, s10;
	[bflag:$0x0] =	sbarrier.arrive $0xFFFF  }
.Ltmp3:
0x15d: {  	s15 =	sshrl.u32 s5, $0x3;
	s16 =	rddreg [dreg:$0x12];
	(pc) =	sbr.rel @p0 .LBB2_1-.Ltmp3, $4  }
0x15e: {  	[hbm:s16], [sflag:s10] =	dma.local [spmem:s15], $0x2800  }
0x15f: {  	_ =	swait.ge [sflag:s19], $0x2800  }
0x160: {  	[sflag:s19] =	ssyncset.done $0x0  }
0x161: {  	[sflag:s19] =	ssyncadd.s32 $0xFFFFD800  }
0x162: {  	_ =	sfence.sel $0x180000  }
0x163: {  	[bflag:$0x0] =	sbarrier.arrive $0xFFFF  }
0x164: {  	_ =	strace $0x9000004D  }
0x165: {  	s0 =	stileid.u32;
	[bflag:$0x2] =	sbarrier.arrive $0xFFFF  }
0x166: {  	p0 =	sne.s32 s0, $0x0;
	s0 =	rddreg [dreg:$0x3]  }
0x167: {  	s0 =	sadd.s32 @!p0 $0x100000, s0  }
0x168: {  	[sflag:s0] =	ssyncadd.tile.s32 @!p0 $0x1;
	_ =	shalt  }
.Lfunc_end2:
_tile_overlayer_lowered:
.L_overlay_start_2:
0x169: {  	(tag) =	ssettag $0x2  }
0x16a: {  	s0 =	rddreg [dreg:$0x0];
	s2 =	stileid.u32  }
0x16b: {  	s1 =	rddreg [dreg:$0x1];
	p0 =	sne.s32 s2, $0x0  }
0x16c: {  	s3 =	rddreg [dreg:$0x2];
	[bflag:$0x3] =	sbarrier.arrive $0xFFFF;
	s2 =	simm.s32 @!p0 $0x1C07  }
0x16d: {  	[timem:s3], [sflag:s2] =	dma.local @!p0 [hbm:s0], s1  }
0x16e: {  	s0 =	simm.s32 @!p0 $0x7  }
0x16f: {  	_ =	swait.ge @!p0 [sflag:s0], s1  }
0x170: {  	s1 =	ssub.s32 @!p0 $0x0, s1;
	[sflag:s0] =	ssyncset.done @!p0 $0x0  }
0x171: {  	[sflag:s0] =	ssyncadd.s32 @!p0 s1  }
0x172: {  	[bflag:$0x3] =	sbarrier.arrive $0xFFFF  }
0x173: {  	_ =	shalt  }

// kernel: kernel.19.cloned.1.call-start
scs
__scs_entry_jumppad:
0x0: {  	(pc) =	sbr.rel $0x88, $3  }
0x1: {  	(tag) =	ssettag $0x0;
	lr =	simm.s32 $0x1  }
0x2: {  	[smem:$0x3F99] =	sst lr;
	_ =	strace $0xD0000000  }
0x3: {  	_ = 	snop  }
0x4: {  	_ = 	snop  }
0x5: {  	_ = 	snop  }
0x6: {  	_ = 	snop  }
0x7: {  	_ = 	snop  }
__scs_overlays_trampoline_lowered:
0x8: {  	[smem:$0x3FA8] =	sst s0  }
0x9: {  	[smem:$0x3FA9] =	sst s1  }
0xa: {  	[smem:$0x3FAA] =	sst s2  }
0xb: {  	[smem:$0x3FAB] =	sst s3  }
0xc: {  	[smem:$0x3FAC] =	sst s4  }
0xd: {  	[smem:$0x3FAD] =	sst s5  }
0xe: {  	[smem:$0x3FAE] =	sst s6  }
0xf: {  	[smem:$0x3FAF] =	sst s7  }
0x10: {  	[smem:$0x3FB0] =	sst s8  }
0x11: {  	[smem:$0x3FB1] =	sst s9;
	s0 =	simm.s32 @!p0 $0x0  }
0x12: {  	s1 =	sld [smem:$0x3F97];
	s0 =	simm.s32 @p0 $0x1  }
0x13: {  	[smem:$0x3FB2] =	sst s0;
	s0 =	simm.s32 @!p1 $0x0  }
0x14: {  	s2 =	sld [smem:$0x3F96];
	s0 =	simm.s32 @p1 $0x1  }
0x15: {  	[smem:$0x3FB3] =	sst s0;
	s0 =	simm.s32 @!p2 $0x0  }
0x16: {  	s3 =	sld [smem:$0x3FDB];
	s0 =	simm.s32 @p2 $0x1  }
0x17: {  	s4 =	simm.s32 $0x1BF5;
	[smem:$0x3FB5] =	sst s0  }
0x18: {  	s0 =	sld [smem:$0x3F98];
	_ =	swait.ge [sflag:s4], $0x0  }
0x19: {  	s7 =	sld [smem:$0x3F99]  }
0x1a: {  	s8 =	sadd.s32 $0xFFFFE003, lr  }
0x1b: {  	s9 =	sadd.s32 $0xFFFFFEF7, lr;
	s5 =	simm.s32 $0xFFFFFFFF;
	p2 =	slt.u32 s8, $0xFFFFF086  }
0x1c: {  	p1 =	slt.u32 s9, $0xF7A;
	s5 =	simm.s32 @!p2 $0x0  }
0x1d: {  	s5 =	simm.s32 @p1 $0x1;
	p0 =	seq.s32 s7, s2  }
0x1e: {  	s7 =	smul.u32 @!p0 $0xF7A, s2;
	p2 =	seq.s32 @!p0 s5, $0x0  }
0x1f: {  	s9 =	smul.u32 $0xF7A, s1;
	s8 =	simm.s32 @!p0 $0x1BF5;
	p2 =	por !p2, p0  }
0x20: {  	[sflag:s8] =	ssyncset.s32 @!p0 $0xFFFFF086;
	s6 =	sadd.s32 @!p0 s3, s7;
	s7 =	simm.s32 @!p0 $0x108  }
0x21: {  	s3 =	sadd.s32 s3, s9;
	s6 =	sadd.s32 @!p0 $0x88, s6;
	s7 =	simm.s32 @p2 $0x1082  }
0x22: {  	[simem:s7], [sflag:s8] =	dma.local @!p0 [hbm:s6], $0xF7A  }
0x23: {  	s9 =	sor.u32 $0xD0000000, s2;
	s6 =	simm.s32 $0x108;
	_ =	swait.ge @!p0 [sflag:s8], $0x0  }
0x24: {  	s3 =	sadd.s32 $0x88, s3;
	s6 =	simm.s32 @!p1 $0x1082;
	[sflag:s4] =	ssyncset.s32 $0xFFFFF086  }
0x25: {  	[simem:s6], [sflag:s4] =	dma.local [hbm:s3], $0xF7A  }
0x26: {  	[smem:$0x3F99] =	sst s1;
	(tag) =	ssettag s2;
	_ =	strace s9  }
0x27: {  	s1 =	sld [smem:$0x3FA9]  }
0x28: {  	s2 =	sld [smem:$0x3FAA]  }
0x29: {  	s4 =	sld [smem:$0x3FAC]  }
0x2a: {  	p0 =	seq.s32 s5, $0x0;
	s5 =	sld [smem:$0x3FAD]  }
0x2b: {  	s6 =	sld [smem:$0x3FAE]  }
0x2c: {  	s7 =	sld [smem:$0x3FAF]  }
0x2d: {  	s3 =	simm.s32 $0x108;
	s8 =	sld [smem:$0x3FB0]  }
0x2e: {  	s3 =	simm.s32 @!p0 $0x1082;
	s9 =	sld [smem:$0x3FB1]  }
0x2f: {  	lr =	sadd.s32 s0, s3;
	s0 =	sld [smem:$0x3FA8]  }
0x30: {  	s3 =	sld [smem:$0x3FAB]  }
0x31: {  	[smem:$0x3FB4] =	sst s10  }
0x32: {  	s10 =	sld [smem:$0x3FB2];
	_ =	sdelay $0x3  }
0x33: {  	p0 =	seq.s32 s10, $0x1;
	s10 =	sld [smem:$0x3FB4];
	_ =	sdelay $0x3  }
0x34: {  	[smem:$0x3FB4] =	sst s10  }
0x35: {  	s10 =	sld [smem:$0x3FB3];
	_ =	sdelay $0x3  }
0x36: {  	p1 =	seq.s32 s10, $0x1;
	s10 =	sld [smem:$0x3FB4];
	_ =	sdelay $0x3  }
0x37: {  	[smem:$0x3FB4] =	sst s10  }
0x38: {  	s10 =	sld [smem:$0x3FB5]  }
0x39: {  	_ = 	snop;
	(pc) =	sbr.ind lr, $3  }
0x3a: {  	_ = 	snop  }
0x3b: {  	_ = 	snop  }
0x3c: {  	p2 =	seq.s32 s10, $0x1;
	s10 =	sld [smem:$0x3FB4]  }
0x3d: {  	_ =	shalt  }
0x3e: {  	_ =	shalt  }
0x3f: {  	_ =	shalt  }
0x40: {  	_ =	shalt  }
0x41: {  	_ =	shalt  }
0x42: {  	_ =	shalt  }
0x43: {  	_ =	shalt  }
0x44: {  	_ =	shalt  }
0x45: {  	_ =	shalt  }
0x46: {  	_ =	shalt  }
0x47: {  	_ =	shalt  }
0x48: {  	_ =	shalt  }
0x49: {  	_ =	shalt  }
0x4a: {  	_ =	shalt  }
0x4b: {  	_ =	shalt  }
0x4c: {  	_ =	shalt  }
0x4d: {  	_ =	shalt  }
0x4e: {  	_ =	shalt  }
0x4f: {  	_ =	shalt  }
0x50: {  	_ =	shalt  }
0x51: {  	_ =	shalt  }
0x52: {  	_ =	shalt  }
0x53: {  	_ =	shalt  }
0x54: {  	_ =	shalt  }
0x55: {  	_ =	shalt  }
0x56: {  	_ =	shalt  }
0x57: {  	_ =	shalt  }
0x58: {  	_ =	shalt  }
0x59: {  	_ =	shalt  }
0x5a: {  	_ =	shalt  }
0x5b: {  	_ =	shalt  }
0x5c: {  	_ =	shalt  }
0x5d: {  	_ =	shalt  }
0x5e: {  	_ =	shalt  }
0x5f: {  	_ =	shalt  }
0x60: {  	_ =	shalt  }
0x61: {  	_ =	shalt  }
0x62: {  	_ =	shalt  }
0x63: {  	_ =	shalt  }
0x64: {  	_ =	shalt  }
0x65: {  	_ =	shalt  }
0x66: {  	_ =	shalt  }
0x67: {  	_ =	shalt  }
0x68: {  	_ =	shalt  }
0x69: {  	_ =	shalt  }
0x6a: {  	_ =	shalt  }
0x6b: {  	_ =	shalt  }
0x6c: {  	_ =	shalt  }
0x6d: {  	_ =	shalt  }
0x6e: {  	_ =	shalt  }
0x6f: {  	_ =	shalt  }
0x70: {  	_ =	shalt  }
0x71: {  	_ =	shalt  }
0x72: {  	_ =	shalt  }
0x73: {  	_ =	shalt  }
0x74: {  	_ =	shalt  }
0x75: {  	_ =	shalt  }
0x76: {  	_ =	shalt  }
0x77: {  	_ =	shalt  }
0x78: {  	_ =	shalt  }
0x79: {  	_ =	shalt  }
0x7a: {  	_ =	shalt  }
0x7b: {  	_ =	shalt  }
0x7c: {  	_ =	shalt  }
0x7d: {  	_ =	shalt  }
0x7e: {  	_ =	shalt  }
0x7f: {  	_ =	shalt  }
0x80: {  	_ =	shalt  }
0x81: {  	_ =	shalt  }
0x82: {  	_ =	shalt  }
0x83: {  	_ =	shalt  }
0x84: {  	_ =	shalt  }
0x85: {  	_ =	shalt  }
0x86: {  	_ =	shalt  }
0x87: {  	_ =	shalt  }
.Lfunc_end0:
.L_simem_size_0:
called_computation.3_lowered:
.L_overlay_start_0:
0x88: {  	s2 =	sld [smem:$0x3FD9]  }
0x89: {  	s3 =	sld [smem:$0x3FFE];
	_ =	sdelay $0x1  }
0x8a: {  	s1 =	srdreg.scid  }
0x8b: {  	s0 =	sand.u32 $0x1, s1  }
0x8c: {  	s17 =	sshll.u32 s0, $0xA;
	s2 =	sadd.s32 s3, s2  }
0x8d: {  	s2 =	sadd.s32 s2, s17  }
0x8e: {  	[smem:$0x3FC0] =	sst s2  }
0x8f: {  	_ = 	snop  }
0x90: {  	s2 =	sld [smem:$0x3FD0];
	(tm) =	ssettm $0x1  }
0x91: {  	s18 =	sld [smem:$0x3FFB];
	_ =	sdelay $0x3  }
0x92: {  	_ =	strace s18  }
0x93: {  	s3 =	sld [smem:$0x3FFC];
	_ =	sdelay $0x3  }
0x94: {  	_ =	strace s3  }
0x95: {  	s3 =	sld [smem:$0x3FFD];
	_ =	sdelay $0x3  }
0x96: {  	_ =	strace s3  }
0x97: {  	_ =	strace $0x8FFFFFFF  }
0x98: {  	s19 =	sld [smem:$0x3FDB];
	_ =	sdelay $0x1  }
0x99: {  	s4 =	simm.s32 $_scs_section_size  }
0x9a: {  	s5 =	simm.s32 $_size__tile_overlayer_lowered;
	s6 =	simm.s32 $_tile_overlayer_lowered  }
0x9b: {  	s22 =	simm.s32 $0x1BFF;
	s21 =	sshll.u32 s6, $0x1;
	s3 =	sadd.s32 s4, s19  }
0x9c: {  	s7 =	simm.s32 $0x0;
	s20 =	sshll.u32 s5, $0x1;
	s5 =	sadd.s32 s21, s3  }
0x9d: {  	[timem:s7], [sflag:s22] =	dma.local [hbm:s5], s20  }
0x9e: {  	_ =	swait.ge [sflag:s22], s20  }
0x9f: {  	s4 =	ssub.s32 $0x0, s20;
	[sflag:s22] =	ssyncset.done $0x0  }
0xa0: {  	[sflag:s22] =	ssyncadd.s32 s4;
	_ =	sdelay $0x1  }
0xa1: {  	s23 =	simm.s32 $0x1B8B  }
0xa2: {  	_ =	swait.ge [sflag:s23], $0x1  }
0xa3: {  	[sflag:s23] =	ssyncset.done $0x0  }
0xa4: {  	s25 =	simm.s32 $0x1B8E;
	s24 =	sld [smem:$0x3FFE];
	[sflag:s23] =	ssyncadd.s32 $0xFFFFFFFF  }
0xa5: {  	s26 =	simm.s32 $execute0_lowered;
	[smem:$0x3FD2] =	sst s25  }
0xa6: {  	s5 =	sshll.u32 s26, $0x1;
	_ =	strace $0x8000004F;
	[dreg:$0x1] =	wrdreg $0xFFFFFFFF  }
0xa7: {  	s28 =	simm.s32 $_size_execute0_lowered;
	s3 =	sadd.s32 s3, s5;
	[dreg:$0x0] =	wrdreg $0x0  }
0xa8: {  	s5 =	sshll.u32 s28, $0x1;
	[dreg:$0x2] =	wrdreg s3  }
0xa9: {  	[dreg:$0x3] =	wrdreg s5  }
0xaa: {  	[dreg:$0x4] =	wrdreg $0xC0  }
0xab: {  	_ =	task [dreg:s7], $0x5FFFF  }
0xac: {  	[dreg:$0x1] =	wrdreg $0xFFFFFFFF  }
0xad: {  	[dreg:$0x0] =	wrdreg $0x60  }
0xae: {  	[dreg:$0x2] =	wrdreg s24  }
0xaf: {  	[dreg:$0x3] =	wrdreg s2  }
0xb0: {  	[dreg:$0x4] =	wrdreg $0x74000  }
0xb1: {  	[dreg:$0x5] =	wrdreg $0x9  }
0xb2: {  	_ =	task.clear_ibuf [dreg:s7], $0x6FFFF;
	_ =	strace $0x9000004F  }
0xb3: {  	s29 =	simm.s32 $0x9;
	_ =	strace $0x80000051  }
0xb4: {  	_ =	swait.ge [sflag:s29], $0x1  }
0xb5: {  	[sflag:s29] =	ssyncadd.s32 $0xFFFFFFFF  }
0xb6: {  	_ =	strace $0x90000051  }
0xb7: {  	_ =	sfence  }
0xb8: {  	s30 =	sld [smem:$0x0];
	_ =	sdelay $0x2  }
0xb9: {  	s31 =	sshll.u32 s1, $0xD;
	s1 =	sshrl.u32 s1, $0x2  }
0xba: {  	s3 =	sand.u32 $0x4000, s31;
	s1 =	sadd.s32 s1, s30  }
0xbb: {  	s0 =	sor.u32 s3, s0;
	s1 =	sshll.u32 s1, $0x11  }
0xbc: {  	s0 =	sor.u32 s1, s0  }
0xbd: {  	s0 =	sadd.s32 $0x8F2B, s0  }
0xbe: {  	[sflag:s0] =	ssyncadd.remote.s32 $0x1  }
0xbf: {  	_ =	sfence.sel $0xFFFF  }
0xc0: {  	[dreg:$0x0] =	wrdreg $0xFFFFFFFF;
	(pc) =	sbr.abs _section_cstart, $3  }
0xc1: {  	[dreg:$0x1] =	wrdreg $0xFFFFFFFF  }
0xc2: {  	_ =	task.clear_ibuf [dreg:s7], $0x2FFFF;
	_ =	strace $0x9FFFFFFF  }
0xc3: {  	(tm) =	ssettm $0x7FFFFFFF  }
tec
execute0_lowered:
.L_overlay_start_1:
0x0: {  	(tag) =	ssettag $0x1  }
0x1: {  	s0 =	rddreg [dreg:$0x0]  }
0x2: {  	s2 =	rddreg [dreg:$0x1]  }
0x3: {  	s1 =	rddreg [dreg:$0x2]  }
0x4: {  	s3 =	srdreg.scid;
	s12 =	stileid.u32  }
0x5: {  	s28 =	simm.s32 $0x3800;
	s29 =	simm.s32 $0x100;
	s7 =	smul.u32 $0x2800, s12  }
0x6: {  	s30 =	simm.s32 $0x300;
	s31 =	simm.s32 $0x1;
	s9 =	smul.u32 $0x50000, s12  }
0x7: {  	s5 =	sand.u32 $0x1, s3;
	s4 =	sshll.u32 s12, $0x1;
	s12 =	smul.u32 $0xC8, s12  }
0x8: {  	s3 =	simm.s32 $0x0;
	s10 =	sadd.s32 $0x5D000, s0;
	s6 =	smul.u32 $0x28000, s5  }
0x9: {  	[smem:$0x7FF] =	sst s3;
	s8 =	sor.u32 s5, s4;
	s13 =	smul.u32 $0x64, s5  }
0xa: {  	s4 =	sadd.s32 $0x69800, s0;
	s25 =	ssub.s32 $0x2, s5;
	s11 =	smul.u32 $0x640, s8  }
0xb: {  	_ =	strace $0x80000050;
	s8 =	smul.u32 $0x3200, s8;
	s9 =	sshrl.u32 s9, $0x2  }
0xc: {  	s26 =	sshrl.u32 s25, $0x1;
	s6 =	sadd.s32 s7, s6;
	s5 =	sadd.s32 s9, s1  }
0xd: {  	s9 =	sadd.s32 s13, s12;
	s0 =	sadd.s32 s6, s0;
	s6 =	ssub.s32 s25, s26  }
0xe: {  	s14 =	sadd.s32 s2, s11;
	s15 =	sadd.s32 s10, s11;
	s16 =	sor.u32 $0x10, s11  }
0xf: {  	s8 =	sshrl.u32 s8, $0x3;
	s9 =	sshll.u32 s9, $0x4;
	[dreg:$0xa] =	wrdreg s14  }
0x10: {  	[dreg:$0xb] =	wrdreg s15;
	s11 =	sadd.s32 s2, s16;
	s17 =	sadd.s32 $0x620, s8  }
0x11: {  	s7 =	sadd.s32 s10, s16;
	s19 =	sadd.s32 $0x40, s9;
	s8 =	sadd.s32 $0x630, s8  }
0x12: {  	s22 =	sadd.s32 s9, s2;
	s24 =	sadd.s32 s9, s10;
	[dreg:$0xc] =	wrdreg s11  }
0x13: {  	s9 =	sor.u32 $0x20, s9;
	s0 =	sadd.s32 $0x91800, s0;
	[dreg:$0xd] =	wrdreg s7  }
0x14: {  	s18 =	sadd.s32 s2, s17;
	s11 =	sadd.s32 s10, s17;
	s12 =	sadd.s32 s19, s2  }
0x15: {  	s20 =	sadd.s32 s2, s8;
	s14 =	sadd.s32 s19, s10;
	[dreg:$0x12] =	wrdreg s0  }
0x16: {  	s23 =	sadd.s32 $0x30, s22;
	s25 =	sadd.s32 $0x30, s24;
	[dreg:$0xe] =	wrdreg s18  }
0x17: {  	s8 =	sadd.s32 s10, s8;
	s2 =	sadd.s32 s9, s2;
	[dreg:$0xf] =	wrdreg s11  }
0x18: {  	s26 =	sadd.s32 s9, s10;
	s17 =	smax.u32 s6, $0x1;
	[dreg:$0x10] =	wrdreg s20  }
0x19: {  	s19 =	simm.s32 $0x7;
	s22 =	simm.s32 $0x280;
	[dreg:$0x6] =	wrdreg s23  }
0x1a: {  	s24 =	simm.s32 $0x64;
	s0 =	simm.s32 $0x5;
	[dreg:$0x11] =	wrdreg s8  }
0x1b: {  	s6 =	simm.s32 $0x380;
	s9 =	simm.s32 $0x0;
	[dreg:$0x7] =	wrdreg s25  }
0x1c: {  	s21 =	sadd.s32 $0x10, s12;
	s7 =	sadd.s32 $0x10, s14;
	[dreg:$0x8] =	wrdreg s2  }
0x1d: {  	[dreg:$0x9] =	wrdreg s26;
	s18 =	simm.s32 $0x6C00;
	s20 =	simm.s32 $0x200  }
0x1e: {  	s23 =	simm.s32 $0x3;
	s25 =	simm.s32 $0x400;
	s26 =	simm.s32 $0x4  }
0x1f: {  	s2 =	simm.s32 $0x180;
	s8 =	simm.s32 $0x6;
	[dreg:$0x4] =	wrdreg s21  }
0x20: {  	v0 =	vimm.f32 $0.0e+00;
	[dreg:$0x5] =	wrdreg s7;
	s21 =	simm.s32 $0x80;
	s7 =	simm.s32 $0x2  }
.LBB2_1:
0x21: {  	s10 =	simm.s32 $0x0;
	s11 =	simm.s32 $0x200  }
.LBB2_2:
0x22: {  	p0 =	sne.s32 s11, $0x1E00;
	[tilespmem:s10+$0x6C70] =	vst v0  }
0x23: {  	[tilespmem:s10+$0x6C00] =	vst v0  }
0x24: {  	[tilespmem:s10+$0x6C10] =	vst v0  }
.Ltmp0:
0x25: {  	[tilespmem:s10+$0x6C20] =	vst v0;
	(pc) =	sbr.rel @p0 .LBB2_2-.Ltmp0, $4  }
0x26: {  	[tilespmem:s10+$0x6C30] =	vst v0  }
0x27: {  	[tilespmem:s10+$0x6C40] =	vst v0  }
0x28: {  	[tilespmem:s10+$0x6C50] =	vst v0  }
0x29: {  	[tilespmem:s10+$0x6C60] =	vst v0;
	s10 =	sshra.s32 s11, $0x2;
	s11 =	sadd.s32 $0x200, s11  }
0x2a: {  	[tilespmem:s10+$0x6C70] =	vst v0  }
0x2b: {  	[tilespmem:s10+$0x6C00] =	vst v0  }
0x2c: {  	[tilespmem:s10+$0x6C10] =	vst v0  }
0x2d: {  	[tilespmem:s10+$0x6C20] =	vst v0  }
0x2e: {  	[tilespmem:s10+$0x6C30] =	vst v0  }
0x2f: {  	[tilespmem:s10+$0x6C40] =	vst v0  }
0x30: {  	[tilespmem:s10+$0x6C50] =	vst v0  }
0x31: {  	[tilespmem:s10+$0x6C60] =	vst v0;
	s16 =	sadd.s32 $0x0, s5  }
0x32: {  	[spmem:s16] =	stream.linear.scatter [tilespmem:s18], [sflag:$0x7], $0x800, $0x38;
	[tilespmem:$0x1B400] =	vst v63  }
0x33: {  	s10 =	simm.s32 $0x2000;
	_ =	swait.ge [sflag:s19], $0x800  }
.LBB2_4:
0x34: {  	s11 =	sshra.s32 s10, $0x2;
	[sflag:s19] =	ssyncset.done $0x0;
	p0 =	sne.s32 s10, $0x4E000  }
.Ltmp1:
0x35: {  	s11 =	sadd.s32 s11, s5;
	[sflag:s19] =	ssyncadd.s32 $0xFFFFF800;
	(pc) =	sbr.rel @p0 .LBB2_4-.Ltmp1, $3  }
0x36: {  	[spmem:s11] =	stream.linear.scatter [tilespmem:s18], [sflag:$0x7], $0x800, $0x38;
	[tilespmem:$0x1B400] =	vst v63  }
0x37: {  	s10 =	sadd.s32 $0x2000, s10;
	_ =	sdelay $0x1  }
0x38: {  	_ =	swait.ge [sflag:s19], $0x800  }
0x39: {  	[sflag:s19] =	ssyncset.done $0x0  }
0x3a: {  	[sflag:s19] =	ssyncadd.s32 $0xFFFFF800  }
0x3b: {  	[bflag:$0x0] =	sbarrier.arrive $0xFFFF  }
0x3c: {  	s10 =	simm.s32 $0x0;
	s11 =	rddreg [dreg:$0xa]  }
0x3d: {  	[tilespmem:s10], [sflag:$0x3] =	stream.linear.gather [hbm4b:s11+s10], $0x80, $0x38;
	[tilespmem:$0x1B400] =	vst v63  }
0x3e: {  	s13 =	rddreg [dreg:$0xb]  }
0x3f: {  	[tilespmem:s20], [sflag:$0x3] =	stream.linear.gather [hbm4b:s13+s10], $0x80, $0x38;
	[tilespmem:$0x1B400] =	vst v63  }
0x40: {  	s15 =	rddreg [dreg:$0xc]  }
0x41: {  	[tilespmem:s21], [sflag:$0x4] =	stream.linear.gather [hbm4b:s15+s10], $0x80, $0x38;
	[tilespmem:$0x1B400] =	vst v63  }
0x42: {  	s16 =	rddreg [dreg:$0xd]  }
0x43: {  	[tilespmem:s22], [sflag:$0x4] =	stream.linear.gather [hbm4b:s16+s10], $0x80, $0x38;
	[tilespmem:$0x1B400] =	vst v63  }
0x44: {  	_ =	swait.ge [sflag:s23], $0x80  }
0x45: {  	[sflag:s23] =	ssyncset.done $0x0  }
0x46: {  	[sflag:s23] =	ssyncadd.s32 $0xFFFFFF80  }
0x47: {  	_ =	swait.ge [sflag:s23], $0x80  }
0x48: {  	[sflag:s23] =	ssyncset.done $0x0  }
0x49: {  	[sflag:s23] =	ssyncadd.s32 $0xFFFFFF80  }
0x4a: {  	[tilespmem:s25], [sflag:$0x1] =	stream.indirect.gather [hbm4b:s4+s24], $0x80, s10, s24, $0xb8;
	[tilespmem:$0x1B400] =	vst v63  }
0x4b: {  	_ =	swait.ge [sflag:s26], $0x80  }
0x4c: {  	[sflag:s26] =	ssyncset.done $0x0  }
0x4d: {  	[sflag:s26] =	ssyncadd.s32 $0xFFFFFF80  }
0x4e: {  	_ =	swait.ge [sflag:s26], $0x80  }
0x4f: {  	[sflag:s26] =	ssyncset.done $0x0  }
0x50: {  	s13 =	rddreg [dreg:$0x8];
	[sflag:s26] =	ssyncadd.s32 $0xFFFFFF80  }
0x51: {  	[tilespmem:s28], [sflag:$0x2] =	stream.indirect.gather [hbm4b:s4+s24], $0x80, s21, s24, $0xb8;
	[tilespmem:$0x1B400] =	vst v63  }
0x52: {  	s15 =	rddreg [dreg:$0x9];
	s10 =	sadd.s32 $0x0, s13  }
0x53: {  	[tilespmem:s29], [sflag:$0x5] =	stream.linear.gather [hbm4b:s10+s3], $0x80, $0x38;
	[tilespmem:$0x1B400] =	vst v63  }
0x54: {  	s16 =	sadd.s32 $0x0, s15  }
0x55: {  	[tilespmem:s30], [sflag:$0x5] =	stream.linear.gather [hbm4b:s16+s3], $0x80, $0x38;
	[tilespmem:$0x1B400] =	vst v63  }
0x56: {  	_ =	swait.ge [sflag:s31], $0x3200  }
0x57: {  	[sflag:s31] =	ssyncset.done $0x0  }
0x58: {  	[sflag:s31] =	ssyncadd.s32 $0xFFFFCE00  }
0x59: {  	_ =	swait.ge [sflag:s0], $0x80  }
0x5a: {  	[sflag:s0] =	ssyncset.done $0x0  }
0x5b: {  	[sflag:s0] =	ssyncadd.s32 $0xFFFFFF80  }
0x5c: {  	_ =	swait.ge [sflag:s0], $0x80  }
0x5d: {  	[sflag:s0] =	ssyncset.done $0x0  }
0x5e: {  	[sflag:s0] =	ssyncadd.s32 $0xFFFFFF80  }
0x5f: {  	[spmem:s1] =	stream.indirect.scatter.add.f32 [tilespmem:s25], [sflag:$0x7], $0x80, s20, s24, $0xb8;
	[tilespmem:$0x1B400] =	vst v63  }
0x60: {  	_ =	swait.ge [sflag:s19], $0x3200  }
0x61: {  	[sflag:s19] =	ssyncset.done $0x0  }
0x62: {  	s11 =	rddreg [dreg:$0x6];
	[sflag:s19] =	ssyncadd.s32 $0xFFFFCE00  }
0x63: {  	[tilespmem:s25], [sflag:$0x1] =	stream.indirect.gather [hbm4b:s4+s24], $0x80, s29, s24, $0xb8;
	[tilespmem:$0x1B400] =	vst v63  }
0x64: {  	s13 =	rddreg [dreg:$0x7];
	s10 =	sadd.s32 $0x0, s11  }
0x65: {  	[tilespmem:s2], [sflag:$0x6] =	stream.linear.gather [hbm4b:s10+s3], $0x80, $0x38;
	[tilespmem:$0x1B400] =	vst v63  }
0x66: {  	s15 =	sadd.s32 $0x0, s13  }
0x67: {  	[tilespmem:s6], [sflag:$0x6] =	stream.linear.gather [hbm4b:s15+s3], $0x80, $0x38;
	[tilespmem:$0x1B400] =	vst v63  }
0x68: {  	_ =	swait.ge [sflag:s7], $0x3200  }
0x69: {  	[sflag:s7] =	ssyncset.done $0x0  }
0x6a: {  	[sflag:s7] =	ssyncadd.s32 $0xFFFFCE00  }
0x6b: {  	_ =	swait.ge [sflag:s8], $0x80  }
0x6c: {  	[sflag:s8] =	ssyncset.done $0x0  }
0x6d: {  	[sflag:s8] =	ssyncadd.s32 $0xFFFFFF80  }
0x6e: {  	_ =	swait.ge [sflag:s8], $0x80  }
0x6f: {  	[sflag:s8] =	ssyncset.done $0x0  }
0x70: {  	[sflag:s8] =	ssyncadd.s32 $0xFFFFFF80  }
0x71: {  	[spmem:s1] =	stream.indirect.scatter.add.f32 [tilespmem:s28], [sflag:$0x7], $0x80, s22, s24, $0xb8;
	[tilespmem:$0x1B400] =	vst v63  }
0x72: {  	_ =	swait.ge [sflag:s19], $0x3200  }
0x73: {  	[sflag:s19] =	ssyncset.done $0x0  }
0x74: {  	[sflag:s19] =	ssyncadd.s32 $0xFFFFCE00  }
0x75: {  	[tilespmem:s28], [sflag:$0x2] =	stream.indirect.gather [hbm4b:s4+s24], $0x80, s2, s24, $0xb8;
	[tilespmem:$0x1B400] =	vst v63  }
0x76: {  	s16 =	sadd.s32 $0x0, s12  }
0x77: {  	[tilespmem:s3], [sflag:$0x3] =	stream.linear.gather [hbm4b:s16+s3], $0x80, $0x38;
	[tilespmem:$0x1B400] =	vst v63  }
0x78: {  	s11 =	sadd.s32 $0x0, s14  }
0x79: {  	[tilespmem:s20], [sflag:$0x3] =	stream.linear.gather [hbm4b:s11+s3], $0x80, $0x38;
	[tilespmem:$0x1B400] =	vst v63  }
0x7a: {  	_ =	swait.ge [sflag:s31], $0x3200  }
0x7b: {  	[sflag:s31] =	ssyncset.done $0x0  }
0x7c: {  	[sflag:s31] =	ssyncadd.s32 $0xFFFFCE00  }
0x7d: {  	_ =	swait.ge [sflag:s23], $0x80  }
0x7e: {  	[sflag:s23] =	ssyncset.done $0x0  }
0x7f: {  	[sflag:s23] =	ssyncadd.s32 $0xFFFFFF80  }
0x80: {  	_ =	swait.ge [sflag:s23], $0x80  }
0x81: {  	[sflag:s23] =	ssyncset.done $0x0  }
0x82: {  	[sflag:s23] =	ssyncadd.s32 $0xFFFFFF80  }
0x83: {  	[spmem:s1] =	stream.indirect.scatter.add.f32 [tilespmem:s25], [sflag:$0x7], $0x80, s30, s24, $0xb8;
	[tilespmem:$0x1B400] =	vst v63  }
0x84: {  	_ =	swait.ge [sflag:s19], $0x3200  }
0x85: {  	[sflag:s19] =	ssyncset.done $0x0  }
0x86: {  	s13 =	rddreg [dreg:$0x4];
	[sflag:s19] =	ssyncadd.s32 $0xFFFFCE00  }
0x87: {  	[tilespmem:s25], [sflag:$0x1] =	stream.indirect.gather [hbm4b:s4+s24], $0x80, s3, s24, $0xb8;
	[tilespmem:$0x1B400] =	vst v63  }
0x88: {  	s15 =	rddreg [dreg:$0x5];
	s10 =	sadd.s32 $0x0, s13  }
0x89: {  	[tilespmem:s21], [sflag:$0x4] =	stream.linear.gather [hbm4b:s10+s3], $0x80, $0x38;
	[tilespmem:$0x1B400] =	vst v63  }
0x8a: {  	s16 =	sadd.s32 $0x0, s15  }
0x8b: {  	[tilespmem:s22], [sflag:$0x4] =	stream.linear.gather [hbm4b:s16+s3], $0x80, $0x38;
	[tilespmem:$0x1B400] =	vst v63  }
0x8c: {  	_ =	swait.ge [sflag:s7], $0x3200  }
0x8d: {  	[sflag:s7] =	ssyncset.done $0x0  }
0x8e: {  	[sflag:s7] =	ssyncadd.s32 $0xFFFFCE00  }
0x8f: {  	_ =	swait.ge [sflag:s26], $0x80  }
0x90: {  	[sflag:s26] =	ssyncset.done $0x0  }
0x91: {  	[sflag:s26] =	ssyncadd.s32 $0xFFFFFF80  }
0x92: {  	_ =	swait.ge [sflag:s26], $0x80  }
0x93: {  	[sflag:s26] =	ssyncset.done $0x0  }
0x94: {  	[sflag:s26] =	ssyncadd.s32 $0xFFFFFF80  }
0x95: {  	[spmem:s1] =	stream.indirect.scatter.add.f32 [tilespmem:s28], [sflag:$0x7], $0x80, s6, s24, $0xb8;
	[tilespmem:$0x1B400] =	vst v63  }
0x96: {  	_ =	swait.ge [sflag:s19], $0x3200  }
0x97: {  	s11 =	simm.s32 $0x80;
	s15 =	rddreg [dreg:$0x8];
	[sflag:s19] =	ssyncset.done $0x0  }
0x98: {  	s10 =	simm.s32 $0x40;
	s16 =	rddreg [dreg:$0x9];
	[sflag:s19] =	ssyncadd.s32 $0xFFFFCE00  }
.LBB2_6:
0x99: {  	[tilespmem:s28], [sflag:$0x2] =	stream.indirect.gather [hbm4b:s4+s24], $0x80, s21, s24, $0xb8;
	[tilespmem:$0x1B400] =	vst v63  }
0x9a: {  	s15 =	sadd.s32 s10, s15  }
0x9b: {  	[tilespmem:s29], [sflag:$0x5] =	stream.linear.gather [hbm4b:s15+s3], $0x80, $0x38;
	[tilespmem:$0x1B400] =	vst v63  }
0x9c: {  	s16 =	sadd.s32 s10, s16  }
0x9d: {  	[tilespmem:s30], [sflag:$0x5] =	stream.linear.gather [hbm4b:s16+s3], $0x80, $0x38;
	[tilespmem:$0x1B400] =	vst v63  }
0x9e: {  	_ =	swait.ge [sflag:s31], $0x3200  }
0x9f: {  	[sflag:s31] =	ssyncset.done $0x0  }
0xa0: {  	[sflag:s31] =	ssyncadd.s32 $0xFFFFCE00  }
0xa1: {  	_ =	swait.ge [sflag:s0], $0x80  }
0xa2: {  	[sflag:s0] =	ssyncset.done $0x0  }
0xa3: {  	[sflag:s0] =	ssyncadd.s32 $0xFFFFFF80  }
0xa4: {  	_ =	swait.ge [sflag:s0], $0x80  }
0xa5: {  	[sflag:s0] =	ssyncset.done $0x0  }
0xa6: {  	[sflag:s0] =	ssyncadd.s32 $0xFFFFFF80  }
0xa7: {  	[spmem:s1] =	stream.indirect.scatter.add.f32 [tilespmem:s25], [sflag:$0x7], $0x80, s20, s24, $0xb8;
	[tilespmem:$0x1B400] =	vst v63  }
0xa8: {  	_ =	swait.ge [sflag:s19], $0x3200  }
0xa9: {  	[sflag:s19] =	ssyncset.done $0x0  }
0xaa: {  	s15 =	rddreg [dreg:$0x6];
	[sflag:s19] =	ssyncadd.s32 $0xFFFFCE00  }
0xab: {  	[tilespmem:s25], [sflag:$0x1] =	stream.indirect.gather [hbm4b:s4+s24], $0x80, s29, s24, $0xb8;
	[tilespmem:$0x1B400] =	vst v63  }
0xac: {  	s16 =	rddreg [dreg:$0x7];
	s15 =	sadd.s32 s10, s15  }
0xad: {  	[tilespmem:s2], [sflag:$0x6] =	stream.linear.gather [hbm4b:s15+s3], $0x80, $0x38;
	[tilespmem:$0x1B400] =	vst v63  }
0xae: {  	s16 =	sadd.s32 s10, s16  }
0xaf: {  	[tilespmem:s6], [sflag:$0x6] =	stream.linear.gather [hbm4b:s16+s3], $0x80, $0x38;
	[tilespmem:$0x1B400] =	vst v63  }
0xb0: {  	_ =	swait.ge [sflag:s7], $0x3200  }
0xb1: {  	[sflag:s7] =	ssyncset.done $0x0  }
0xb2: {  	[sflag:s7] =	ssyncadd.s32 $0xFFFFCE00  }
0xb3: {  	_ =	swait.ge [sflag:s8], $0x80  }
0xb4: {  	[sflag:s8] =	ssyncset.done $0x0  }
0xb5: {  	[sflag:s8] =	ssyncadd.s32 $0xFFFFFF80  }
0xb6: {  	_ =	swait.ge [sflag:s8], $0x80  }
0xb7: {  	[sflag:s8] =	ssyncset.done $0x0  }
0xb8: {  	[sflag:s8] =	ssyncadd.s32 $0xFFFFFF80  }
0xb9: {  	[spmem:s1] =	stream.indirect.scatter.add.f32 [tilespmem:s28], [sflag:$0x7], $0x80, s22, s24, $0xb8;
	[tilespmem:$0x1B400] =	vst v63  }
0xba: {  	_ =	swait.ge [sflag:s19], $0x3200  }
0xbb: {  	[sflag:s19] =	ssyncset.done $0x0  }
0xbc: {  	[sflag:s19] =	ssyncadd.s32 $0xFFFFCE00  }
0xbd: {  	[tilespmem:s28], [sflag:$0x2] =	stream.indirect.gather [hbm4b:s4+s24], $0x80, s2, s24, $0xb8;
	[tilespmem:$0x1B400] =	vst v63  }
0xbe: {  	s16 =	sadd.s32 s10, s12  }
0xbf: {  	[tilespmem:s3], [sflag:$0x3] =	stream.linear.gather [hbm4b:s16+s3], $0x80, $0x38;
	[tilespmem:$0x1B400] =	vst v63  }
0xc0: {  	s16 =	sadd.s32 s10, s14  }
0xc1: {  	[tilespmem:s20], [sflag:$0x3] =	stream.linear.gather [hbm4b:s16+s3], $0x80, $0x38;
	[tilespmem:$0x1B400] =	vst v63  }
0xc2: {  	_ =	swait.ge [sflag:s31], $0x3200  }
0xc3: {  	[sflag:s31] =	ssyncset.done $0x0  }
0xc4: {  	[sflag:s31] =	ssyncadd.s32 $0xFFFFCE00  }
0xc5: {  	_ =	swait.ge [sflag:s23], $0x80  }
0xc6: {  	[sflag:s23] =	ssyncset.done $0x0  }
0xc7: {  	[sflag:s23] =	ssyncadd.s32 $0xFFFFFF80  }
0xc8: {  	_ =	swait.ge [sflag:s23], $0x80  }
0xc9: {  	[sflag:s23] =	ssyncset.done $0x0  }
0xca: {  	[sflag:s23] =	ssyncadd.s32 $0xFFFFFF80  }
0xcb: {  	[spmem:s1] =	stream.indirect.scatter.add.f32 [tilespmem:s25], [sflag:$0x7], $0x80, s30, s24, $0xb8;
	[tilespmem:$0x1B400] =	vst v63  }
0xcc: {  	_ =	swait.ge [sflag:s19], $0x3200  }
0xcd: {  	[sflag:s19] =	ssyncset.done $0x0  }
0xce: {  	s15 =	rddreg [dreg:$0x4];
	[sflag:s19] =	ssyncadd.s32 $0xFFFFCE00  }
0xcf: {  	[tilespmem:s25], [sflag:$0x1] =	stream.indirect.gather [hbm4b:s4+s24], $0x80, s3, s24, $0xb8;
	[tilespmem:$0x1B400] =	vst v63  }
0xd0: {  	s16 =	rddreg [dreg:$0x5];
	s15 =	sadd.s32 s10, s15  }
0xd1: {  	[tilespmem:s21], [sflag:$0x4] =	stream.linear.gather [hbm4b:s15+s3], $0x80, $0x38;
	[tilespmem:$0x1B400] =	vst v63  }
0xd2: {  	s16 =	sadd.s32 s10, s16  }
0xd3: {  	[tilespmem:s22], [sflag:$0x4] =	stream.linear.gather [hbm4b:s16+s3], $0x80, $0x38;
	[tilespmem:$0x1B400] =	vst v63  }
0xd4: {  	_ =	swait.ge [sflag:s7], $0x3200  }
0xd5: {  	[sflag:s7] =	ssyncset.done $0x0  }
0xd6: {  	[sflag:s7] =	ssyncadd.s32 $0xFFFFCE00  }
0xd7: {  	_ =	swait.ge [sflag:s26], $0x80  }
0xd8: {  	[sflag:s26] =	ssyncset.done $0x0  }
0xd9: {  	[sflag:s26] =	ssyncadd.s32 $0xFFFFFF80  }
0xda: {  	_ =	swait.ge [sflag:s26], $0x80  }
0xdb: {  	p0 =	sne.s32 s11, $0x5C0;
	[sflag:s26] =	ssyncset.done $0x0  }
.Ltmp2:
0xdc: {  	[sflag:s26] =	ssyncadd.s32 $0xFFFFFF80;
	(pc) =	sbr.rel @p0 .LBB2_6-.Ltmp2, $4  }
0xdd: {  	[spmem:s1] =	stream.indirect.scatter.add.f32 [tilespmem:s28], [sflag:$0x7], $0x80, s6, s24, $0xb8;
	[tilespmem:$0x1B400] =	vst v63  }
0xde: {  	s13 =	smov.u32 s11;
	_ =	swait.ge [sflag:s19], $0x3200  }
0xdf: {  	s11 =	sadd.s32 $0x40, s11;
	s15 =	rddreg [dreg:$0x8];
	[sflag:s19] =	ssyncset.done $0x0  }
0xe0: {  	s10 =	smov.u32 s13;
	s16 =	rddreg [dreg:$0x9];
	[sflag:s19] =	ssyncadd.s32 $0xFFFFCE00  }
0xe1: {  	[tilespmem:s28], [sflag:$0x2] =	stream.indirect.gather [hbm4b:s4+s24], $0x80, s21, s24, $0xb8;
	[tilespmem:$0x1B400] =	vst v63  }
0xe2: {  	s11 =	sadd.s32 s10, s15  }
0xe3: {  	[tilespmem:s29], [sflag:$0x5] =	stream.linear.gather [hbm4b:s11+s3], $0x80, $0x38;
	[tilespmem:$0x1B400] =	vst v63  }
0xe4: {  	s15 =	sadd.s32 s10, s16  }
0xe5: {  	[tilespmem:s30], [sflag:$0x5] =	stream.linear.gather [hbm4b:s15+s3], $0x80, $0x38;
	[tilespmem:$0x1B400] =	vst v63  }
0xe6: {  	_ =	swait.ge [sflag:s31], $0x3200  }
0xe7: {  	[sflag:s31] =	ssyncset.done $0x0  }
0xe8: {  	[sflag:s31] =	ssyncadd.s32 $0xFFFFCE00  }
0xe9: {  	_ =	swait.ge [sflag:s0], $0x80  }
0xea: {  	[sflag:s0] =	ssyncset.done $0x0  }
0xeb: {  	[sflag:s0] =	ssyncadd.s32 $0xFFFFFF80  }
0xec: {  	_ =	swait.ge [sflag:s0], $0x80  }
0xed: {  	[sflag:s0] =	ssyncset.done $0x0  }
0xee: {  	[sflag:s0] =	ssyncadd.s32 $0xFFFFFF80  }
0xef: {  	[spmem:s1] =	stream.indirect.scatter.add.f32 [tilespmem:s25], [sflag:$0x7], $0x80, s20, s24, $0xb8;
	[tilespmem:$0x1B400] =	vst v63  }
0xf0: {  	_ =	swait.ge [sflag:s19], $0x3200  }
0xf1: {  	[sflag:s19] =	ssyncset.done $0x0  }
0xf2: {  	s16 =	rddreg [dreg:$0x6];
	[sflag:s19] =	ssyncadd.s32 $0xFFFFCE00  }
0xf3: {  	[tilespmem:s25], [sflag:$0x1] =	stream.indirect.gather [hbm4b:s4+s24], $0x80, s29, s24, $0xb8;
	[tilespmem:$0x1B400] =	vst v63  }
0xf4: {  	s13 =	rddreg [dreg:$0x7];
	s11 =	sadd.s32 s10, s16  }
0xf5: {  	[tilespmem:s2], [sflag:$0x6] =	stream.linear.gather [hbm4b:s11+s3], $0x80, $0x38;
	[tilespmem:$0x1B400] =	vst v63  }
0xf6: {  	s15 =	sadd.s32 s10, s13  }
0xf7: {  	[tilespmem:s6], [sflag:$0x6] =	stream.linear.gather [hbm4b:s15+s3], $0x80, $0x38;
	[tilespmem:$0x1B400] =	vst v63  }
0xf8: {  	_ =	swait.ge [sflag:s7], $0x3200  }
0xf9: {  	[sflag:s7] =	ssyncset.done $0x0  }
0xfa: {  	[sflag:s7] =	ssyncadd.s32 $0xFFFFCE00  }
0xfb: {  	_ =	swait.ge [sflag:s8], $0x80  }
0xfc: {  	[sflag:s8] =	ssyncset.done $0x0  }
0xfd: {  	[sflag:s8] =	ssyncadd.s32 $0xFFFFFF80  }
0xfe: {  	_ =	swait.ge [sflag:s8], $0x80  }
0xff: {  	[sflag:s8] =	ssyncset.done $0x0  }
0x100: {  	[sflag:s8] =	ssyncadd.s32 $0xFFFFFF80  }
0x101: {  	[spmem:s1] =	stream.indirect.scatter.add.f32 [tilespmem:s28], [sflag:$0x7], $0x80, s22, s24, $0xb8;
	[tilespmem:$0x1B400] =	vst v63  }
0x102: {  	_ =	swait.ge [sflag:s19], $0x3200  }
0x103: {  	[sflag:s19] =	ssyncset.done $0x0  }
0x104: {  	[sflag:s19] =	ssyncadd.s32 $0xFFFFCE00  }
0x105: {  	[tilespmem:s28], [sflag:$0x2] =	stream.indirect.gather [hbm4b:s4+s24], $0x80, s2, s24, $0xb8;
	[tilespmem:$0x1B400] =	vst v63  }
0x106: {  	s16 =	sadd.s32 s10, s12  }
0x107: {  	[tilespmem:s3], [sflag:$0x3] =	stream.linear.gather [hbm4b:s16+s3], $0x80, $0x38;
	[tilespmem:$0x1B400] =	vst v63  }
0x108: {  	s13 =	sadd.s32 s10, s14  }
0x109: {  	[tilespmem:s20], [sflag:$0x3] =	stream.linear.gather [hbm4b:s13+s3], $0x80, $0x38;
	[tilespmem:$0x1B400] =	vst v63  }
0x10a: {  	_ =	swait.ge [sflag:s31], $0x3200  }
0x10b: {  	[sflag:s31] =	ssyncset.done $0x0  }
0x10c: {  	[sflag:s31] =	ssyncadd.s32 $0xFFFFCE00  }
0x10d: {  	_ =	swait.ge [sflag:s23], $0x80  }
0x10e: {  	[sflag:s23] =	ssyncset.done $0x0  }
0x10f: {  	[sflag:s23] =	ssyncadd.s32 $0xFFFFFF80  }
0x110: {  	_ =	swait.ge [sflag:s23], $0x80  }
0x111: {  	[sflag:s23] =	ssyncset.done $0x0  }
0x112: {  	[sflag:s23] =	ssyncadd.s32 $0xFFFFFF80  }
0x113: {  	[spmem:s1] =	stream.indirect.scatter.add.f32 [tilespmem:s25], [sflag:$0x7], $0x80, s30, s24, $0xb8;
	[tilespmem:$0x1B400] =	vst v63  }
0x114: {  	_ =	swait.ge [sflag:s19], $0x3200  }
0x115: {  	[sflag:s19] =	ssyncset.done $0x0  }
0x116: {  	s15 =	rddreg [dreg:$0x4];
	[sflag:s19] =	ssyncadd.s32 $0xFFFFCE00  }
0x117: {  	[tilespmem:s25], [sflag:$0x1] =	stream.indirect.gather [hbm4b:s4+s24], $0x80, s3, s24, $0xb8;
	[tilespmem:$0x1B400] =	vst v63  }
0x118: {  	s16 =	rddreg [dreg:$0x5];
	s11 =	sadd.s32 s10, s15  }
0x119: {  	[tilespmem:s21], [sflag:$0x4] =	stream.linear.gather [hbm4b:s11+s3], $0x80, $0x38;
	[tilespmem:$0x1B400] =	vst v63  }
0x11a: {  	s11 =	sadd.s32 s10, s16  }
0x11b: {  	[tilespmem:s22], [sflag:$0x4] =	stream.linear.gather [hbm4b:s11+s3], $0x80, $0x38;
	[tilespmem:$0x1B400] =	vst v63  }
0x11c: {  	_ =	swait.ge [sflag:s7], $0x3200  }
0x11d: {  	[sflag:s7] =	ssyncset.done $0x0  }
0x11e: {  	[sflag:s7] =	ssyncadd.s32 $0xFFFFCE00  }
0x11f: {  	_ =	swait.ge [sflag:s26], $0x80  }
0x120: {  	[sflag:s26] =	ssyncset.done $0x0  }
0x121: {  	[sflag:s26] =	ssyncadd.s32 $0xFFFFFF80  }
0x122: {  	_ =	swait.ge [sflag:s26], $0x80  }
0x123: {  	[sflag:s26] =	ssyncset.done $0x0  }
0x124: {  	[sflag:s26] =	ssyncadd.s32 $0xFFFFFF80  }
0x125: {  	[spmem:s1] =	stream.indirect.scatter.add.f32 [tilespmem:s28], [sflag:$0x7], $0x80, s6, s24, $0xb8;
	[tilespmem:$0x1B400] =	vst v63  }
0x126: {  	_ =	swait.ge [sflag:s19], $0x3200  }
0x127: {  	[sflag:s19] =	ssyncset.done $0x0  }
0x128: {  	[sflag:s19] =	ssyncadd.s32 $0xFFFFCE00  }
0x129: {  	[tilespmem:s28], [sflag:$0x2] =	stream.indirect.gather [hbm4b:s4+s24], $0x80, s21, s24, $0xb8;
	[tilespmem:$0x1B400] =	vst v63  }
0x12a: {  	s13 =	rddreg [dreg:$0xe]  }
0x12b: {  	[tilespmem:s29], [sflag:$0x5] =	stream.linear.gather [hbm4b:s13+s3], $0x80, $0x38;
	[tilespmem:$0x1B400] =	vst v63  }
0x12c: {  	s15 =	rddreg [dreg:$0xf]  }
0x12d: {  	[tilespmem:s30], [sflag:$0x5] =	stream.linear.gather [hbm4b:s15+s3], $0x80, $0x38;
	[tilespmem:$0x1B400] =	vst v63  }
0x12e: {  	_ =	swait.ge [sflag:s31], $0x3200  }
0x12f: {  	[sflag:s31] =	ssyncset.done $0x0  }
0x130: {  	[sflag:s31] =	ssyncadd.s32 $0xFFFFCE00  }
0x131: {  	_ =	swait.ge [sflag:s0], $0x80  }
0x132: {  	[sflag:s0] =	ssyncset.done $0x0  }
0x133: {  	[sflag:s0] =	ssyncadd.s32 $0xFFFFFF80  }
0x134: {  	_ =	swait.ge [sflag:s0], $0x80  }
0x135: {  	[sflag:s0] =	ssyncset.done $0x0  }
0x136: {  	[sflag:s0] =	ssyncadd.s32 $0xFFFFFF80  }
0x137: {  	[spmem:s1] =	stream.indirect.scatter.add.f32 [tilespmem:s25], [sflag:$0x7], $0x80, s20, s24, $0xb8;
	[tilespmem:$0x1B400] =	vst v63  }
0x138: {  	_ =	swait.ge [sflag:s19], $0x3200  }
0x139: {  	[sflag:s19] =	ssyncset.done $0x0  }
0x13a: {  	[sflag:s19] =	ssyncadd.s32 $0xFFFFCE00  }
0x13b: {  	[tilespmem:s25], [sflag:$0x1] =	stream.indirect.gather [hbm4b:s4+s24], $0x80, s29, s24, $0xb8;
	[tilespmem:$0x1B400] =	vst v63  }
0x13c: {  	s16 =	rddreg [dreg:$0x10]  }
0x13d: {  	[tilespmem:s2], [sflag:$0x6] =	stream.linear.gather [hbm4b:s16+s3], $0x80, $0x38;
	[tilespmem:$0x1B400] =	vst v63  }
0x13e: {  	s11 =	rddreg [dreg:$0x11]  }
0x13f: {  	[tilespmem:s6], [sflag:$0x6] =	stream.linear.gather [hbm4b:s11+s3], $0x80, $0x38;
	[tilespmem:$0x1B400] =	vst v63  }
0x140: {  	_ =	swait.ge [sflag:s7], $0x3200  }
0x141: {  	[sflag:s7] =	ssyncset.done $0x0  }
0x142: {  	[sflag:s7] =	ssyncadd.s32 $0xFFFFCE00  }
0x143: {  	_ =	swait.ge [sflag:s8], $0x80  }
0x144: {  	[sflag:s8] =	ssyncset.done $0x0  }
0x145: {  	[sflag:s8] =	ssyncadd.s32 $0xFFFFFF80  }
0x146: {  	_ =	swait.ge [sflag:s8], $0x80  }
0x147: {  	[sflag:s8] =	ssyncset.done $0x0  }
0x148: {  	[sflag:s8] =	ssyncadd.s32 $0xFFFFFF80  }
0x149: {  	[spmem:s1] =	stream.indirect.scatter.add.f32 [tilespmem:s28], [sflag:$0x7], $0x80, s22, s24, $0xb8;
	[tilespmem:$0x1B400] =	vst v63  }
0x14a: {  	_ =	swait.ge [sflag:s19], $0x3200  }
0x14b: {  	[sflag:s19] =	ssyncset.done $0x0  }
0x14c: {  	[sflag:s19] =	ssyncadd.s32 $0xFFFFCE00  }
0x14d: {  	[tilespmem:s28], [sflag:$0x2] =	stream.indirect.gather [hbm4b:s4+s24], $0x80, s2, s24, $0xb8;
	[tilespmem:$0x1B400] =	vst v63  }
0x14e: {  	_ =	swait.ge [sflag:s31], $0x3200  }
0x14f: {  	[sflag:s31] =	ssyncset.done $0x0  }
0x150: {  	[sflag:s31] =	ssyncadd.s32 $0xFFFFCE00  }
0x151: {  	[spmem:s1] =	stream.indirect.scatter.add.f32 [tilespmem:s25], [sflag:$0x7], $0x80, s30, s24, $0xb8;
	[tilespmem:$0x1B400] =	vst v63  }
0x152: {  	_ =	swait.ge [sflag:s19], $0x3200  }
0x153: {  	[sflag:s19] =	ssyncset.done $0x0  }
0x154: {  	[sflag:s19] =	ssyncadd.s32 $0xFFFFCE00  }
0x155: {  	_ =	swait.ge [sflag:s7], $0x3200  }
0x156: {  	[sflag:s7] =	ssyncset.done $0x0  }
0x157: {  	[sflag:s7] =	ssyncadd.s32 $0xFFFFCE00  }
0x158: {  	[spmem:s1] =	stream.indirect.scatter.add.f32 [tilespmem:s28], [sflag:$0x7], $0x80, s6, s24, $0xb8;
	[tilespmem:$0x1B400] =	vst v63  }
0x159: {  	_ =	swait.ge [sflag:s19], $0x3200  }
0x15a: {  	s13 =	stileid.u32;
	[sflag:s19] =	ssyncset.done $0x0  }
0x15b: {  	s9 =	sadd.s32 $0x1, s9;
	s10 =	sshll.u32 s13, $0x6;
	[sflag:s19] =	ssyncadd.s32 $0xFFFFCE00  }
0x15c: {  	p0 =	sne.s32 s9, s17;
	s10 =	sor.u32 $0x1C07, s10;
	[bflag:$0x0] =	sbarrier.arrive $0xFFFF  }
.Ltmp3:
0x15d: {  	s15 =	sshrl.u32 s5, $0x3;
	s16 =	rddreg [dreg:$0x12];
	(pc) =	sbr.rel @p0 .LBB2_1-.Ltmp3, $4  }
0x15e: {  	[hbm:s16], [sflag:s10] =	dma.local [spmem:s15], $0x2800  }
0x15f: {  	_ =	swait.ge [sflag:s19], $0x2800  }
0x160: {  	[sflag:s19] =	ssyncset.done $0x0  }
0x161: {  	[sflag:s19] =	ssyncadd.s32 $0xFFFFD800  }
0x162: {  	_ =	sfence.sel $0x180000  }
0x163: {  	[bflag:$0x0] =	sbarrier.arrive $0xFFFF  }
0x164: {  	_ =	strace $0x90000050  }
0x165: {  	s0 =	stileid.u32;
	[bflag:$0x2] =	sbarrier.arrive $0xFFFF  }
0x166: {  	p0 =	sne.s32 s0, $0x0;
	s0 =	rddreg [dreg:$0x3]  }
0x167: {  	s0 =	sadd.s32 @!p0 $0x100000, s0  }
0x168: {  	[sflag:s0] =	ssyncadd.tile.s32 @!p0 $0x1;
	_ =	shalt  }
.Lfunc_end2:
_tile_overlayer_lowered:
.L_overlay_start_2:
0x169: {  	(tag) =	ssettag $0x2  }
0x16a: {  	s0 =	rddreg [dreg:$0x0];
	s2 =	stileid.u32  }
0x16b: {  	s1 =	rddreg [dreg:$0x1];
	p0 =	sne.s32 s2, $0x0  }
0x16c: {  	s3 =	rddreg [dreg:$0x2];
	[bflag:$0x3] =	sbarrier.arrive $0xFFFF;
	s2 =	simm.s32 @!p0 $0x1C07  }
0x16d: {  	[timem:s3], [sflag:s2] =	dma.local @!p0 [hbm:s0], s1  }
0x16e: {  	s0 =	simm.s32 @!p0 $0x7  }
0x16f: {  	_ =	swait.ge @!p0 [sflag:s0], s1  }
0x170: {  	s1 =	ssub.s32 @!p0 $0x0, s1;
	[sflag:s0] =	ssyncset.done @!p0 $0x0  }
0x171: {  	[sflag:s0] =	ssyncadd.s32 @!p0 s1  }
0x172: {  	[bflag:$0x3] =	sbarrier.arrive $0xFFFF  }
0x173: {  	_ =	shalt  }

</sc_bundles>
